<compile_context>
chip_gen: v7x
topology: tpu7x:2x2x1
jax: 0.10.2.dev20260603
libtpu: 0.0.44.dev20260713+nightly
codegen_flags: <defaults>
</compile_context>

<pallas_src>
import functools

import jax
import jax.numpy as jnp
from jax import lax
from jax.experimental import pallas as pl
from jax.experimental.pallas import tpu as pltpu
from jax.experimental.pallas import tpu_sc as plsc

_VOCAB = 1000
_EMBED = 64
_B = 4096
_L = 200

_NC = 2
_NS = 16
_NW = _NC * _NS
_BW = _B // _NW
_G = _BW // 16


@functools.partial(
    pl.kernel,
    mesh=plsc.VectorSubcoreMesh(core_axis_name="c", subcore_axis_name="s"),
    out_type=jax.ShapeDtypeStruct((_L, _EMBED, _B), jnp.float32),
    scratch_types=[
        pltpu.VMEM((_L, _BW), jnp.int32),
        pltpu.VMEM((_VOCAB * _EMBED,), jnp.float32),
        pltpu.VMEM((2, _EMBED, _BW), jnp.float32),
        [pltpu.SemaphoreType.DMA] * 2,
    ],
    compiler_params=pltpu.CompilerParams(use_tc_tiling_on_sc=True,
                                         needs_layout_passes=False),
)
def _gather_kernel(idx_hbm, table_hbm, out_hbm, idx_v, table_v, stage_v,
                   ssems):
    wid = lax.axis_index("s") * _NC + lax.axis_index("c")
    b0 = wid * _BW

    pltpu.sync_copy(table_hbm, table_v)
    pltpu.sync_copy(idx_hbm.at[wid], idx_v)

    def fire_store(l, par):
        return pltpu.async_copy(stage_v.at[par],
                                out_hbm.at[l, :, pl.ds(b0, _BW)], ssems[par])

    sd = [pltpu.make_async_copy(stage_v.at[par],
                                out_hbm.at[0, :, pl.ds(b0, _BW)], ssems[par])
          for par in (0, 1)]

    jj = lax.iota(jnp.int32, 16)

    def build_block(l, par):
        @plsc.parallel_loop(0, _G, 1, unroll=4)
        def g_body(g):
            base = idx_v[l, pl.ds(g * 16, 16)] * _EMBED
            bvec = jj + g * 16

            @plsc.parallel_loop(0, _EMBED, 16)
            def e_body(e0):
                base_e0 = base + e0
                for k in range(16):
                    rot = (jj + k) & 15
                    v = plsc.load_gather(table_v, [base_e0 + rot])
                    plsc.store_scatter(stage_v.at[par],
                                       [rot + e0, bvec], v)

    for par in (0, 1):
        build_block(par, par)
        fire_store(par, par)

    def body(j, carry):
        for par in (0, 1):
            l = 2 + j * 2 + par
            sd[par].wait()
            build_block(l, par)
            fire_store(l, par)
        return carry

    lax.fori_loop(0, (_L - 2) // 2, body, 0)

    sd[0].wait()
    sd[1].wait()


def kernel(seqs, att_mask, word_embedding):
    del att_mask
    idx = seqs.T.reshape(_L, _NW, _BW).transpose(1, 0, 2)
    table = word_embedding.reshape(_VOCAB * _EMBED)
    out_t = _gather_kernel(idx, table)
    return out_t.transpose(2, 0, 1)

# --- scband reference (transcript-rebuilt; emitter-appended) ---
"""Pipeline reference for scband-base-encoder-5265629905431 (READ-ONLY COPY).

The authoritative reference and input builder live on the scoring server;
editing this copy changes nothing except your own understanding.
"""

import jax, jax.numpy as jnp
import numpy as np

VOCAB = 1000
EMBED = 64
B = 4096
L = 200

def setup_inputs(seed: int = 0) -> dict:
    key = jax.random.key(seed)
    k1, k2 = jax.random.split(key)
    seqs = jax.random.randint(k1, (B, L), 0, VOCAB, dtype=jnp.int32)
    att_mask = jnp.ones((B, L), dtype=jnp.int32)
    # learned parameter: nn.Embedding(len(token2id)=1000, 64), default init N(0,1)
    word_embedding = jax.random.normal(k2, (VOCAB, EMBED), dtype=jnp.float32)
    return {"seqs": seqs, "att_mask": att_mask, "word_embedding": word_embedding}

def reference(seqs, att_mask, word_embedding):
    # BaseEncoder.forward: inputs_embed = self.word_embedding(seqs); return inputs_embed
    # att_mask is accepted but unused by the forward pass.
    inputs_embed = jnp.take(word_embedding, seqs, axis=0)
    return inputs_embed

if __name__ == "__main__":
    import jax
    _d = setup_inputs()
    print(jax.jit(kernel)(*tuple(_d.values())))

</pallas_src>

<mosaic_0001>
#map = affine_map<(d0, d1) -> (0, 0, 0)>
#map1 = affine_map<(d0, d1) -> (0)>
module attributes {stable_mosaic.version = 14 : i64} {
  func.func @_gather_kernel(%arg0: i32, %arg1: i32, %arg2: memref<32x200x128xi32, #tpu.memory_space<hbm>>, %arg3: memref<64000xf32, #tpu.memory_space<hbm>>, %arg4: memref<200x64x4096xf32, #tpu.memory_space<hbm>>, %arg5: memref<200x128xi32, #tpu.memory_space<vmem>>, %arg6: memref<64000xf32, #tpu.memory_space<vmem>>, %arg7: memref<2x64x128xf32, #tpu.memory_space<vmem>>, %arg8: memref<!tpu.dma_semaphore, #tpu.memory_space<semaphore_mem>>, %arg9: memref<!tpu.dma_semaphore, #tpu.memory_space<semaphore_mem>>) attributes {dimension_semantics = [#tpu.dimension_semantics<core_parallel>, #tpu.dimension_semantics<subcore_parallel>], iteration_bounds = array<i64: 2, 16>, scalar_prefetch = 0 : i64, scratch_operands = 5 : i64, tpu.core_type = #tpu.core_type<sc_vector_subcore>, window_params = [{transform_indices = #map}, {transform_indices = #map1}, {transform_indices = #map}]} {
    %mul3A = arith.constant 2 : i32
    %mul3A_0 = arith.muli %arg1, %mul3A : i32
    %add3A = arith.addi %mul3A_0, %arg0 : i32
    %mul3A_1 = arith.constant 128 : i32
    %mul3A_2 = arith.muli %add3A, %mul3A_1 : i32
    "tpu.region"() ({
      %run_scoped3A = tpu.sem_alloc : memref<!tpu.dma_semaphore, #tpu.memory_space<semaphore_mem>>
      tpu.enqueue_dma source(%arg3 : memref<64000xf32, #tpu.memory_space<hbm>>) target(%arg6 : memref<64000xf32, #tpu.memory_space<vmem>>) target_semaphore(%run_scoped3A : memref<!tpu.dma_semaphore, #tpu.memory_space<semaphore_mem>>)
      tpu.wait_dma2 semaphore(%run_scoped3A : memref<!tpu.dma_semaphore, #tpu.memory_space<semaphore_mem>>) src(%arg3 : memref<64000xf32, #tpu.memory_space<hbm>>) dst(%arg6 : memref<64000xf32, #tpu.memory_space<vmem>>)
      tpu.yield
    }) : () -> ()
    "tpu.region"() ({
      %run_scoped3A = tpu.sem_alloc : memref<!tpu.dma_semaphore, #tpu.memory_space<semaphore_mem>>
      %dma_start3A_79 = arith.constant 0 : i32
      %dma_start3A_80 = arith.constant 0 : i32
      %dma_start3A_81 = tpu.memref_slice %arg2[%add3A, %dma_start3A_79, %dma_start3A_80] : memref<32x200x128xi32, #tpu.memory_space<hbm>> -> memref<1x200x128xi32, #tpu.memory_space<hbm>>
      %dma_start3A_82 = tpu.memref_squeeze %dma_start3A_81 : memref<1x200x128xi32, #tpu.memory_space<hbm>> -> memref<200x128xi32, #tpu.memory_space<hbm>>
      %dma_start3A_83 = arith.constant 0 : i32
      %dma_start3A_84 = arith.constant 0 : i32
      %dma_start3A_85 = tpu.memref_slice %arg2[%add3A, %dma_start3A_83, %dma_start3A_84] : memref<32x200x128xi32, #tpu.memory_space<hbm>> -> memref<1x200x128xi32, #tpu.memory_space<hbm>>
      %dma_start3A_86 = tpu.memref_squeeze %dma_start3A_85 : memref<1x200x128xi32, #tpu.memory_space<hbm>> -> memref<200x128xi32, #tpu.memory_space<hbm>>
      tpu.enqueue_dma source(%dma_start3A_86 : memref<200x128xi32, #tpu.memory_space<hbm>>) target(%arg5 : memref<200x128xi32, #tpu.memory_space<vmem>>) target_semaphore(%run_scoped3A : memref<!tpu.dma_semaphore, #tpu.memory_space<semaphore_mem>>)
      %dma_wait3A_87 = arith.constant 0 : i32
      %dma_wait3A_88 = arith.constant 0 : i32
      %dma_wait3A_89 = tpu.memref_slice %arg2[%add3A, %dma_wait3A_87, %dma_wait3A_88] : memref<32x200x128xi32, #tpu.memory_space<hbm>> -> memref<1x200x128xi32, #tpu.memory_space<hbm>>
      %dma_wait3A_90 = tpu.memref_squeeze %dma_wait3A_89 : memref<1x200x128xi32, #tpu.memory_space<hbm>> -> memref<200x128xi32, #tpu.memory_space<hbm>>
      %dma_wait3A_91 = arith.constant 0 : i32
      %dma_wait3A_92 = arith.constant 0 : i32
      %dma_wait3A_93 = tpu.memref_slice %arg2[%add3A, %dma_wait3A_91, %dma_wait3A_92] : memref<32x200x128xi32, #tpu.memory_space<hbm>> -> memref<1x200x128xi32, #tpu.memory_space<hbm>>
      %dma_wait3A_94 = tpu.memref_squeeze %dma_wait3A_93 : memref<1x200x128xi32, #tpu.memory_space<hbm>> -> memref<200x128xi32, #tpu.memory_space<hbm>>
      tpu.wait_dma2 semaphore(%run_scoped3A : memref<!tpu.dma_semaphore, #tpu.memory_space<semaphore_mem>>) src(%dma_wait3A_94 : memref<200x128xi32, #tpu.memory_space<hbm>>) dst(%arg5 : memref<200x128xi32, #tpu.memory_space<vmem>>)
      tpu.yield
    }) : () -> ()
    %iota3A = tpu.iota {dimensions = array<i32: 0>} : vector<16xi32>
    %parallel_loop3A = arith.constant 0 : i32
    %parallel_loop3A_3 = arith.constant 8 : i32
    %parallel_loop3A_4 = arith.constant 1 : i32
    scf.for %parallel_loop3A_79 = %parallel_loop3A to %parallel_loop3A_3 step %parallel_loop3A_4  : i32 {
      %parallel_loop3A_80 = arith.constant 16 : i32
      %parallel_loop3A_81 = arith.muli %parallel_loop3A_79, %parallel_loop3A_80 : i32
      %parallel_loop3A_82 = arith.constant 0 : i32
      %parallel_loop3A_83 = arith.index_cast %parallel_loop3A_82 : i32 to index
      %parallel_loop3A_84 = arith.index_cast %parallel_loop3A_81 : i32 to index
      %parallel_loop3A_85 = tpu.vector_load %arg5[%parallel_loop3A_83, %parallel_loop3A_84] {strides = array<i32>} : memref<200x128xi32, #tpu.memory_space<vmem>>, vector<16xi32>,
      %parallel_loop3A_86 = arith.constant 64 : i32
      %parallel_loop3A_87 = vector.broadcast %parallel_loop3A_86 : i32 to vector<16xi32>
      %parallel_loop3A_88 = arith.muli %parallel_loop3A_85, %parallel_loop3A_87 : vector<16xi32>
      %parallel_loop3A_89 = arith.constant 16 : i32
      %parallel_loop3A_90 = arith.muli %parallel_loop3A_79, %parallel_loop3A_89 : i32
      %parallel_loop3A_91 = vector.broadcast %parallel_loop3A_90 : i32 to vector<16xi32>
      %parallel_loop3A_92 = arith.addi %iota3A, %parallel_loop3A_91 : vector<16xi32>
      %parallel_loop3A_93 = arith.constant 0 : i32
      %parallel_loop3A_94 = arith.constant 64 : i32
      %parallel_loop3A_95 = arith.constant 16 : i32
      scf.for %parallel_loop3A_96 = %parallel_loop3A_93 to %parallel_loop3A_94 step %parallel_loop3A_95  : i32 {
        %parallel_loop3A_97 = vector.broadcast %parallel_loop3A_96 : i32 to vector<16xi32>
        %parallel_loop3A_98 = arith.addi %parallel_loop3A_88, %parallel_loop3A_97 : vector<16xi32>
        %parallel_loop3A_99 = arith.constant 0 : i32
        %parallel_loop3A_100 = vector.broadcast %parallel_loop3A_99 : i32 to vector<16xi32>
        %parallel_loop3A_101 = arith.addi %iota3A, %parallel_loop3A_100 : vector<16xi32>
        %parallel_loop3A_102 = arith.constant 15 : i32
        %parallel_loop3A_103 = vector.broadcast %parallel_loop3A_102 : i32 to vector<16xi32>
        %parallel_loop3A_104 = arith.andi %parallel_loop3A_101, %parallel_loop3A_103 : vector<16xi32>
        %parallel_loop3A_105 = arith.addi %parallel_loop3A_98, %parallel_loop3A_104 : vector<16xi32>
        %parallel_loop3A_106 = tpu.vector_load_idx %arg6[%parallel_loop3A_105] : memref<64000xf32, #tpu.memory_space<vmem>>[vector<16xi32>], vector<16xf32>,
        %parallel_loop3A_107 = vector.broadcast %parallel_loop3A_96 : i32 to vector<16xi32>
        %parallel_loop3A_108 = arith.addi %parallel_loop3A_104, %parallel_loop3A_107 : vector<16xi32>
        %parallel_loop3A_109 = arith.constant 0 : i32
        %parallel_loop3A_110 = arith.constant 0 : i32
        %parallel_loop3A_111 = arith.constant 0 : i32
        %parallel_loop3A_112 = tpu.memref_slice %arg7[%parallel_loop3A_109, %parallel_loop3A_110, %parallel_loop3A_111] : memref<2x64x128xf32, #tpu.memory_space<vmem>> -> memref<1x64x128xf32, #tpu.memory_space<vmem>>
        %parallel_loop3A_113 = tpu.memref_squeeze %parallel_loop3A_112 : memref<1x64x128xf32, #tpu.memory_space<vmem>> -> memref<64x128xf32, #tpu.memory_space<vmem>>
        tpu.vector_store_idx %parallel_loop3A_113[%parallel_loop3A_108, %parallel_loop3A_92], %parallel_loop3A_106 : memref<64x128xf32, #tpu.memory_space<vmem>>[vector<16xi32>, vector<16xi32>], vector<16xf32>,
        %parallel_loop3A_114 = arith.constant 1 : i32
        %parallel_loop3A_115 = vector.broadcast %parallel_loop3A_114 : i32 to vector<16xi32>
        %parallel_loop3A_116 = arith.addi %iota3A, %parallel_loop3A_115 : vector<16xi32>
        %parallel_loop3A_117 = arith.constant 15 : i32
        %parallel_loop3A_118 = vector.broadcast %parallel_loop3A_117 : i32 to vector<16xi32>
        %parallel_loop3A_119 = arith.andi %parallel_loop3A_116, %parallel_loop3A_118 : vector<16xi32>
        %parallel_loop3A_120 = arith.addi %parallel_loop3A_98, %parallel_loop3A_119 : vector<16xi32>
        %parallel_loop3A_121 = tpu.vector_load_idx %arg6[%parallel_loop3A_120] : memref<64000xf32, #tpu.memory_space<vmem>>[vector<16xi32>], vector<16xf32>,
        %parallel_loop3A_122 = vector.broadcast %parallel_loop3A_96 : i32 to vector<16xi32>
        %parallel_loop3A_123 = arith.addi %parallel_loop3A_119, %parallel_loop3A_122 : vector<16xi32>
        %parallel_loop3A_124 = arith.constant 0 : i32
        %parallel_loop3A_125 = arith.constant 0 : i32
        %parallel_loop3A_126 = arith.constant 0 : i32
        %parallel_loop3A_127 = tpu.memref_slice %arg7[%parallel_loop3A_124, %parallel_loop3A_125, %parallel_loop3A_126] : memref<2x64x128xf32, #tpu.memory_space<vmem>> -> memref<1x64x128xf32, #tpu.memory_space<vmem>>
        %parallel_loop3A_128 = tpu.memref_squeeze %parallel_loop3A_127 : memref<1x64x128xf32, #tpu.memory_space<vmem>> -> memref<64x128xf32, #tpu.memory_space<vmem>>
        tpu.vector_store_idx %parallel_loop3A_128[%parallel_loop3A_123, %parallel_loop3A_92], %parallel_loop3A_121 : memref<64x128xf32, #tpu.memory_space<vmem>>[vector<16xi32>, vector<16xi32>], vector<16xf32>,
        %parallel_loop3A_129 = arith.constant 2 : i32
        %parallel_loop3A_130 = vector.broadcast %parallel_loop3A_129 : i32 to vector<16xi32>
        %parallel_loop3A_131 = arith.addi %iota3A, %parallel_loop3A_130 : vector<16xi32>
        %parallel_loop3A_132 = arith.constant 15 : i32
        %parallel_loop3A_133 = vector.broadcast %parallel_loop3A_132 : i32 to vector<16xi32>
        %parallel_loop3A_134 = arith.andi %parallel_loop3A_131, %parallel_loop3A_133 : vector<16xi32>
        %parallel_loop3A_135 = arith.addi %parallel_loop3A_98, %parallel_loop3A_134 : vector<16xi32>
        %parallel_loop3A_136 = tpu.vector_load_idx %arg6[%parallel_loop3A_135] : memref<64000xf32, #tpu.memory_space<vmem>>[vector<16xi32>], vector<16xf32>,
        %parallel_loop3A_137 = vector.broadcast %parallel_loop3A_96 : i32 to vector<16xi32>
        %parallel_loop3A_138 = arith.addi %parallel_loop3A_134, %parallel_loop3A_137 : vector<16xi32>
        %parallel_loop3A_139 = arith.constant 0 : i32
        %parallel_loop3A_140 = arith.constant 0 : i32
        %parallel_loop3A_141 = arith.constant 0 : i32
        %parallel_loop3A_142 = tpu.memref_slice %arg7[%parallel_loop3A_139, %parallel_loop3A_140, %parallel_loop3A_141] : memref<2x64x128xf32, #tpu.memory_space<vmem>> -> memref<1x64x128xf32, #tpu.memory_space<vmem>>
        %parallel_loop3A_143 = tpu.memref_squeeze %parallel_loop3A_142 : memref<1x64x128xf32, #tpu.memory_space<vmem>> -> memref<64x128xf32, #tpu.memory_space<vmem>>
        tpu.vector_store_idx %parallel_loop3A_143[%parallel_loop3A_138, %parallel_loop3A_92], %parallel_loop3A_136 : memref<64x128xf32, #tpu.memory_space<vmem>>[vector<16xi32>, vector<16xi32>], vector<16xf32>,
        %parallel_loop3A_144 = arith.constant 3 : i32
        %parallel_loop3A_145 = vector.broadcast %parallel_loop3A_144 : i32 to vector<16xi32>
        %parallel_loop3A_146 = arith.addi %iota3A, %parallel_loop3A_145 : vector<16xi32>
        %parallel_loop3A_147 = arith.constant 15 : i32
        %parallel_loop3A_148 = vector.broadcast %parallel_loop3A_147 : i32 to vector<16xi32>
        %parallel_loop3A_149 = arith.andi %parallel_loop3A_146, %parallel_loop3A_148 : vector<16xi32>
        %parallel_loop3A_150 = arith.addi %parallel_loop3A_98, %parallel_loop3A_149 : vector<16xi32>
        %parallel_loop3A_151 = tpu.vector_load_idx %arg6[%parallel_loop3A_150] : memref<64000xf32, #tpu.memory_space<vmem>>[vector<16xi32>], vector<16xf32>,
        %parallel_loop3A_152 = vector.broadcast %parallel_loop3A_96 : i32 to vector<16xi32>
        %parallel_loop3A_153 = arith.addi %parallel_loop3A_149, %parallel_loop3A_152 : vector<16xi32>
        %parallel_loop3A_154 = arith.constant 0 : i32
        %parallel_loop3A_155 = arith.constant 0 : i32
        %parallel_loop3A_156 = arith.constant 0 : i32
        %parallel_loop3A_157 = tpu.memref_slice %arg7[%parallel_loop3A_154, %parallel_loop3A_155, %parallel_loop3A_156] : memref<2x64x128xf32, #tpu.memory_space<vmem>> -> memref<1x64x128xf32, #tpu.memory_space<vmem>>
        %parallel_loop3A_158 = tpu.memref_squeeze %parallel_loop3A_157 : memref<1x64x128xf32, #tpu.memory_space<vmem>> -> memref<64x128xf32, #tpu.memory_space<vmem>>
        tpu.vector_store_idx %parallel_loop3A_158[%parallel_loop3A_153, %parallel_loop3A_92], %parallel_loop3A_151 : memref<64x128xf32, #tpu.memory_space<vmem>>[vector<16xi32>, vector<16xi32>], vector<16xf32>,
        %parallel_loop3A_159 = arith.constant 4 : i32
        %parallel_loop3A_160 = vector.broadcast %parallel_loop3A_159 : i32 to vector<16xi32>
        %parallel_loop3A_161 = arith.addi %iota3A, %parallel_loop3A_160 : vector<16xi32>
        %parallel_loop3A_162 = arith.constant 15 : i32
        %parallel_loop3A_163 = vector.broadcast %parallel_loop3A_162 : i32 to vector<16xi32>
        %parallel_loop3A_164 = arith.andi %parallel_loop3A_161, %parallel_loop3A_163 : vector<16xi32>
        %parallel_loop3A_165 = arith.addi %parallel_loop3A_98, %parallel_loop3A_164 : vector<16xi32>
        %parallel_loop3A_166 = tpu.vector_load_idx %arg6[%parallel_loop3A_165] : memref<64000xf32, #tpu.memory_space<vmem>>[vector<16xi32>], vector<16xf32>,
        %parallel_loop3A_167 = vector.broadcast %parallel_loop3A_96 : i32 to vector<16xi32>
        %parallel_loop3A_168 = arith.addi %parallel_loop3A_164, %parallel_loop3A_167 : vector<16xi32>
        %parallel_loop3A_169 = arith.constant 0 : i32
        %parallel_loop3A_170 = arith.constant 0 : i32
        %parallel_loop3A_171 = arith.constant 0 : i32
        %parallel_loop3A_172 = tpu.memref_slice %arg7[%parallel_loop3A_169, %parallel_loop3A_170, %parallel_loop3A_171] : memref<2x64x128xf32, #tpu.memory_space<vmem>> -> memref<1x64x128xf32, #tpu.memory_space<vmem>>
        %parallel_loop3A_173 = tpu.memref_squeeze %parallel_loop3A_172 : memref<1x64x128xf32, #tpu.memory_space<vmem>> -> memref<64x128xf32, #tpu.memory_space<vmem>>
        tpu.vector_store_idx %parallel_loop3A_173[%parallel_loop3A_168, %parallel_loop3A_92], %parallel_loop3A_166 : memref<64x128xf32, #tpu.memory_space<vmem>>[vector<16xi32>, vector<16xi32>], vector<16xf32>,
        %parallel_loop3A_174 = arith.constant 5 : i32
        %parallel_loop3A_175 = vector.broadcast %parallel_loop3A_174 : i32 to vector<16xi32>
        %parallel_loop3A_176 = arith.addi %iota3A, %parallel_loop3A_175 : vector<16xi32>
        %parallel_loop3A_177 = arith.constant 15 : i32
        %parallel_loop3A_178 = vector.broadcast %parallel_loop3A_177 : i32 to vector<16xi32>
        %parallel_loop3A_179 = arith.andi %parallel_loop3A_176, %parallel_loop3A_178 : vector<16xi32>
        %parallel_loop3A_180 = arith.addi %parallel_loop3A_98, %parallel_loop3A_179 : vector<16xi32>
        %parallel_loop3A_181 = tpu.vector_load_idx %arg6[%parallel_loop3A_180] : memref<64000xf32, #tpu.memory_space<vmem>>[vector<16xi32>], vector<16xf32>,
        %parallel_loop3A_182 = vector.broadcast %parallel_loop3A_96 : i32 to vector<16xi32>
        %parallel_loop3A_183 = arith.addi %parallel_loop3A_179, %parallel_loop3A_182 : vector<16xi32>
        %parallel_loop3A_184 = arith.constant 0 : i32
        %parallel_loop3A_185 = arith.constant 0 : i32
        %parallel_loop3A_186 = arith.constant 0 : i32
        %parallel_loop3A_187 = tpu.memref_slice %arg7[%parallel_loop3A_184, %parallel_loop3A_185, %parallel_loop3A_186] : memref<2x64x128xf32, #tpu.memory_space<vmem>> -> memref<1x64x128xf32, #tpu.memory_space<vmem>>
        %parallel_loop3A_188 = tpu.memref_squeeze %parallel_loop3A_187 : memref<1x64x128xf32, #tpu.memory_space<vmem>> -> memref<64x128xf32, #tpu.memory_space<vmem>>
        tpu.vector_store_idx %parallel_loop3A_188[%parallel_loop3A_183, %parallel_loop3A_92], %parallel_loop3A_181 : memref<64x128xf32, #tpu.memory_space<vmem>>[vector<16xi32>, vector<16xi32>], vector<16xf32>,
        %parallel_loop3A_189 = arith.constant 6 : i32
        %parallel_loop3A_190 = vector.broadcast %parallel_loop3A_189 : i32 to vector<16xi32>
        %parallel_loop3A_191 = arith.addi %iota3A, %parallel_loop3A_190 : vector<16xi32>
        %parallel_loop3A_192 = arith.constant 15 : i32
        %parallel_loop3A_193 = vector.broadcast %parallel_loop3A_192 : i32 to vector<16xi32>
        %parallel_loop3A_194 = arith.andi %parallel_loop3A_191, %parallel_loop3A_193 : vector<16xi32>
        %parallel_loop3A_195 = arith.addi %parallel_loop3A_98, %parallel_loop3A_194 : vector<16xi32>
        %parallel_loop3A_196 = tpu.vector_load_idx %arg6[%parallel_loop3A_195] : memref<64000xf32, #tpu.memory_space<vmem>>[vector<16xi32>], vector<16xf32>,
        %parallel_loop3A_197 = vector.broadcast %parallel_loop3A_96 : i32 to vector<16xi32>
        %parallel_loop3A_198 = arith.addi %parallel_loop3A_194, %parallel_loop3A_197 : vector<16xi32>
        %parallel_loop3A_199 = arith.constant 0 : i32
        %parallel_loop3A_200 = arith.constant 0 : i32
        %parallel_loop3A_201 = arith.constant 0 : i32
        %parallel_loop3A_202 = tpu.memref_slice %arg7[%parallel_loop3A_199, %parallel_loop3A_200, %parallel_loop3A_201] : memref<2x64x128xf32, #tpu.memory_space<vmem>> -> memref<1x64x128xf32, #tpu.memory_space<vmem>>
        %parallel_loop3A_203 = tpu.memref_squeeze %parallel_loop3A_202 : memref<1x64x128xf32, #tpu.memory_space<vmem>> -> memref<64x128xf32, #tpu.memory_space<vmem>>
        tpu.vector_store_idx %parallel_loop3A_203[%parallel_loop3A_198, %parallel_loop3A_92], %parallel_loop3A_196 : memref<64x128xf32, #tpu.memory_space<vmem>>[vector<16xi32>, vector<16xi32>], vector<16xf32>,
        %parallel_loop3A_204 = arith.constant 7 : i32
        %parallel_loop3A_205 = vector.broadcast %parallel_loop3A_204 : i32 to vector<16xi32>
        %parallel_loop3A_206 = arith.addi %iota3A, %parallel_loop3A_205 : vector<16xi32>
        %parallel_loop3A_207 = arith.constant 15 : i32
        %parallel_loop3A_208 = vector.broadcast %parallel_loop3A_207 : i32 to vector<16xi32>
        %parallel_loop3A_209 = arith.andi %parallel_loop3A_206, %parallel_loop3A_208 : vector<16xi32>
        %parallel_loop3A_210 = arith.addi %parallel_loop3A_98, %parallel_loop3A_209 : vector<16xi32>
        %parallel_loop3A_211 = tpu.vector_load_idx %arg6[%parallel_loop3A_210] : memref<64000xf32, #tpu.memory_space<vmem>>[vector<16xi32>], vector<16xf32>,
        %parallel_loop3A_212 = vector.broadcast %parallel_loop3A_96 : i32 to vector<16xi32>
        %parallel_loop3A_213 = arith.addi %parallel_loop3A_209, %parallel_loop3A_212 : vector<16xi32>
        %parallel_loop3A_214 = arith.constant 0 : i32
        %parallel_loop3A_215 = arith.constant 0 : i32
        %parallel_loop3A_216 = arith.constant 0 : i32
        %parallel_loop3A_217 = tpu.memref_slice %arg7[%parallel_loop3A_214, %parallel_loop3A_215, %parallel_loop3A_216] : memref<2x64x128xf32, #tpu.memory_space<vmem>> -> memref<1x64x128xf32, #tpu.memory_space<vmem>>
        %parallel_loop3A_218 = tpu.memref_squeeze %parallel_loop3A_217 : memref<1x64x128xf32, #tpu.memory_space<vmem>> -> memref<64x128xf32, #tpu.memory_space<vmem>>
        tpu.vector_store_idx %parallel_loop3A_218[%parallel_loop3A_213, %parallel_loop3A_92], %parallel_loop3A_211 : memref<64x128xf32, #tpu.memory_space<vmem>>[vector<16xi32>, vector<16xi32>], vector<16xf32>,
        %parallel_loop3A_219 = arith.constant 8 : i32
        %parallel_loop3A_220 = vector.broadcast %parallel_loop3A_219 : i32 to vector<16xi32>
        %parallel_loop3A_221 = arith.addi %iota3A, %parallel_loop3A_220 : vector<16xi32>
        %parallel_loop3A_222 = arith.constant 15 : i32
        %parallel_loop3A_223 = vector.broadcast %parallel_loop3A_222 : i32 to vector<16xi32>
        %parallel_loop3A_224 = arith.andi %parallel_loop3A_221, %parallel_loop3A_223 : vector<16xi32>
        %parallel_loop3A_225 = arith.addi %parallel_loop3A_98, %parallel_loop3A_224 : vector<16xi32>
        %parallel_loop3A_226 = tpu.vector_load_idx %arg6[%parallel_loop3A_225] : memref<64000xf32, #tpu.memory_space<vmem>>[vector<16xi32>], vector<16xf32>,
        %parallel_loop3A_227 = vector.broadcast %parallel_loop3A_96 : i32 to vector<16xi32>
        %parallel_loop3A_228 = arith.addi %parallel_loop3A_224, %parallel_loop3A_227 : vector<16xi32>
        %parallel_loop3A_229 = arith.constant 0 : i32
        %parallel_loop3A_230 = arith.constant 0 : i32
        %parallel_loop3A_231 = arith.constant 0 : i32
        %parallel_loop3A_232 = tpu.memref_slice %arg7[%parallel_loop3A_229, %parallel_loop3A_230, %parallel_loop3A_231] : memref<2x64x128xf32, #tpu.memory_space<vmem>> -> memref<1x64x128xf32, #tpu.memory_space<vmem>>
        %parallel_loop3A_233 = tpu.memref_squeeze %parallel_loop3A_232 : memref<1x64x128xf32, #tpu.memory_space<vmem>> -> memref<64x128xf32, #tpu.memory_space<vmem>>
        tpu.vector_store_idx %parallel_loop3A_233[%parallel_loop3A_228, %parallel_loop3A_92], %parallel_loop3A_226 : memref<64x128xf32, #tpu.memory_space<vmem>>[vector<16xi32>, vector<16xi32>], vector<16xf32>,
        %parallel_loop3A_234 = arith.constant 9 : i32
        %parallel_loop3A_235 = vector.broadcast %parallel_loop3A_234 : i32 to vector<16xi32>
        %parallel_loop3A_236 = arith.addi %iota3A, %parallel_loop3A_235 : vector<16xi32>
        %parallel_loop3A_237 = arith.constant 15 : i32
        %parallel_loop3A_238 = vector.broadcast %parallel_loop3A_237 : i32 to vector<16xi32>
        %parallel_loop3A_239 = arith.andi %parallel_loop3A_236, %parallel_loop3A_238 : vector<16xi32>
        %parallel_loop3A_240 = arith.addi %parallel_loop3A_98, %parallel_loop3A_239 : vector<16xi32>
        %parallel_loop3A_241 = tpu.vector_load_idx %arg6[%parallel_loop3A_240] : memref<64000xf32, #tpu.memory_space<vmem>>[vector<16xi32>], vector<16xf32>,
        %parallel_loop3A_242 = vector.broadcast %parallel_loop3A_96 : i32 to vector<16xi32>
        %parallel_loop3A_243 = arith.addi %parallel_loop3A_239, %parallel_loop3A_242 : vector<16xi32>
        %parallel_loop3A_244 = arith.constant 0 : i32
        %parallel_loop3A_245 = arith.constant 0 : i32
        %parallel_loop3A_246 = arith.constant 0 : i32
        %parallel_loop3A_247 = tpu.memref_slice %arg7[%parallel_loop3A_244, %parallel_loop3A_245, %parallel_loop3A_246] : memref<2x64x128xf32, #tpu.memory_space<vmem>> -> memref<1x64x128xf32, #tpu.memory_space<vmem>>
        %parallel_loop3A_248 = tpu.memref_squeeze %parallel_loop3A_247 : memref<1x64x128xf32, #tpu.memory_space<vmem>> -> memref<64x128xf32, #tpu.memory_space<vmem>>
        tpu.vector_store_idx %parallel_loop3A_248[%parallel_loop3A_243, %parallel_loop3A_92], %parallel_loop3A_241 : memref<64x128xf32, #tpu.memory_space<vmem>>[vector<16xi32>, vector<16xi32>], vector<16xf32>,
        %parallel_loop3A_249 = arith.constant 10 : i32
        %parallel_loop3A_250 = vector.broadcast %parallel_loop3A_249 : i32 to vector<16xi32>
        %parallel_loop3A_251 = arith.addi %iota3A, %parallel_loop3A_250 : vector<16xi32>
        %parallel_loop3A_252 = arith.constant 15 : i32
        %parallel_loop3A_253 = vector.broadcast %parallel_loop3A_252 : i32 to vector<16xi32>
        %parallel_loop3A_254 = arith.andi %parallel_loop3A_251, %parallel_loop3A_253 : vector<16xi32>
        %parallel_loop3A_255 = arith.addi %parallel_loop3A_98, %parallel_loop3A_254 : vector<16xi32>
        %parallel_loop3A_256 = tpu.vector_load_idx %arg6[%parallel_loop3A_255] : memref<64000xf32, #tpu.memory_space<vmem>>[vector<16xi32>], vector<16xf32>,
        %parallel_loop3A_257 = vector.broadcast %parallel_loop3A_96 : i32 to vector<16xi32>
        %parallel_loop3A_258 = arith.addi %parallel_loop3A_254, %parallel_loop3A_257 : vector<16xi32>
        %parallel_loop3A_259 = arith.constant 0 : i32
        %parallel_loop3A_260 = arith.constant 0 : i32
        %parallel_loop3A_261 = arith.constant 0 : i32
        %parallel_loop3A_262 = tpu.memref_slice %arg7[%parallel_loop3A_259, %parallel_loop3A_260, %parallel_loop3A_261] : memref<2x64x128xf32, #tpu.memory_space<vmem>> -> memref<1x64x128xf32, #tpu.memory_space<vmem>>
        %parallel_loop3A_263 = tpu.memref_squeeze %parallel_loop3A_262 : memref<1x64x128xf32, #tpu.memory_space<vmem>> -> memref<64x128xf32, #tpu.memory_space<vmem>>
        tpu.vector_store_idx %parallel_loop3A_263[%parallel_loop3A_258, %parallel_loop3A_92], %parallel_loop3A_256 : memref<64x128xf32, #tpu.memory_space<vmem>>[vector<16xi32>, vector<16xi32>], vector<16xf32>,
        %parallel_loop3A_264 = arith.constant 11 : i32
        %parallel_loop3A_265 = vector.broadcast %parallel_loop3A_264 : i32 to vector<16xi32>
        %parallel_loop3A_266 = arith.addi %iota3A, %parallel_loop3A_265 : vector<16xi32>
        %parallel_loop3A_267 = arith.constant 15 : i32
        %parallel_loop3A_268 = vector.broadcast %parallel_loop3A_267 : i32 to vector<16xi32>
        %parallel_loop3A_269 = arith.andi %parallel_loop3A_266, %parallel_loop3A_268 : vector<16xi32>
        %parallel_loop3A_270 = arith.addi %parallel_loop3A_98, %parallel_loop3A_269 : vector<16xi32>
        %parallel_loop3A_271 = tpu.vector_load_idx %arg6[%parallel_loop3A_270] : memref<64000xf32, #tpu.memory_space<vmem>>[vector<16xi32>], vector<16xf32>,
        %parallel_loop3A_272 = vector.broadcast %parallel_loop3A_96 : i32 to vector<16xi32>
        %parallel_loop3A_273 = arith.addi %parallel_loop3A_269, %parallel_loop3A_272 : vector<16xi32>
        %parallel_loop3A_274 = arith.constant 0 : i32
        %parallel_loop3A_275 = arith.constant 0 : i32
        %parallel_loop3A_276 = arith.constant 0 : i32
        %parallel_loop3A_277 = tpu.memref_slice %arg7[%parallel_loop3A_274, %parallel_loop3A_275, %parallel_loop3A_276] : memref<2x64x128xf32, #tpu.memory_space<vmem>> -> memref<1x64x128xf32, #tpu.memory_space<vmem>>
        %parallel_loop3A_278 = tpu.memref_squeeze %parallel_loop3A_277 : memref<1x64x128xf32, #tpu.memory_space<vmem>> -> memref<64x128xf32, #tpu.memory_space<vmem>>
        tpu.vector_store_idx %parallel_loop3A_278[%parallel_loop3A_273, %parallel_loop3A_92], %parallel_loop3A_271 : memref<64x128xf32, #tpu.memory_space<vmem>>[vector<16xi32>, vector<16xi32>], vector<16xf32>,
        %parallel_loop3A_279 = arith.constant 12 : i32
        %parallel_loop3A_280 = vector.broadcast %parallel_loop3A_279 : i32 to vector<16xi32>
        %parallel_loop3A_281 = arith.addi %iota3A, %parallel_loop3A_280 : vector<16xi32>
        %parallel_loop3A_282 = arith.constant 15 : i32
        %parallel_loop3A_283 = vector.broadcast %parallel_loop3A_282 : i32 to vector<16xi32>
        %parallel_loop3A_284 = arith.andi %parallel_loop3A_281, %parallel_loop3A_283 : vector<16xi32>
        %parallel_loop3A_285 = arith.addi %parallel_loop3A_98, %parallel_loop3A_284 : vector<16xi32>
        %parallel_loop3A_286 = tpu.vector_load_idx %arg6[%parallel_loop3A_285] : memref<64000xf32, #tpu.memory_space<vmem>>[vector<16xi32>], vector<16xf32>,
        %parallel_loop3A_287 = vector.broadcast %parallel_loop3A_96 : i32 to vector<16xi32>
        %parallel_loop3A_288 = arith.addi %parallel_loop3A_284, %parallel_loop3A_287 : vector<16xi32>
        %parallel_loop3A_289 = arith.constant 0 : i32
        %parallel_loop3A_290 = arith.constant 0 : i32
        %parallel_loop3A_291 = arith.constant 0 : i32
        %parallel_loop3A_292 = tpu.memref_slice %arg7[%parallel_loop3A_289, %parallel_loop3A_290, %parallel_loop3A_291] : memref<2x64x128xf32, #tpu.memory_space<vmem>> -> memref<1x64x128xf32, #tpu.memory_space<vmem>>
        %parallel_loop3A_293 = tpu.memref_squeeze %parallel_loop3A_292 : memref<1x64x128xf32, #tpu.memory_space<vmem>> -> memref<64x128xf32, #tpu.memory_space<vmem>>
        tpu.vector_store_idx %parallel_loop3A_293[%parallel_loop3A_288, %parallel_loop3A_92], %parallel_loop3A_286 : memref<64x128xf32, #tpu.memory_space<vmem>>[vector<16xi32>, vector<16xi32>], vector<16xf32>,
        %parallel_loop3A_294 = arith.constant 13 : i32
        %parallel_loop3A_295 = vector.broadcast %parallel_loop3A_294 : i32 to vector<16xi32>
        %parallel_loop3A_296 = arith.addi %iota3A, %parallel_loop3A_295 : vector<16xi32>
        %parallel_loop3A_297 = arith.constant 15 : i32
        %parallel_loop3A_298 = vector.broadcast %parallel_loop3A_297 : i32 to vector<16xi32>
        %parallel_loop3A_299 = arith.andi %parallel_loop3A_296, %parallel_loop3A_298 : vector<16xi32>
        %parallel_loop3A_300 = arith.addi %parallel_loop3A_98, %parallel_loop3A_299 : vector<16xi32>
        %parallel_loop3A_301 = tpu.vector_load_idx %arg6[%parallel_loop3A_300] : memref<64000xf32, #tpu.memory_space<vmem>>[vector<16xi32>], vector<16xf32>,
        %parallel_loop3A_302 = vector.broadcast %parallel_loop3A_96 : i32 to vector<16xi32>
        %parallel_loop3A_303 = arith.addi %parallel_loop3A_299, %parallel_loop3A_302 : vector<16xi32>
        %parallel_loop3A_304 = arith.constant 0 : i32
        %parallel_loop3A_305 = arith.constant 0 : i32
        %parallel_loop3A_306 = arith.constant 0 : i32
        %parallel_loop3A_307 = tpu.memref_slice %arg7[%parallel_loop3A_304, %parallel_loop3A_305, %parallel_loop3A_306] : memref<2x64x128xf32, #tpu.memory_space<vmem>> -> memref<1x64x128xf32, #tpu.memory_space<vmem>>
        %parallel_loop3A_308 = tpu.memref_squeeze %parallel_loop3A_307 : memref<1x64x128xf32, #tpu.memory_space<vmem>> -> memref<64x128xf32, #tpu.memory_space<vmem>>
        tpu.vector_store_idx %parallel_loop3A_308[%parallel_loop3A_303, %parallel_loop3A_92], %parallel_loop3A_301 : memref<64x128xf32, #tpu.memory_space<vmem>>[vector<16xi32>, vector<16xi32>], vector<16xf32>,
        %parallel_loop3A_309 = arith.constant 14 : i32
        %parallel_loop3A_310 = vector.broadcast %parallel_loop3A_309 : i32 to vector<16xi32>
        %parallel_loop3A_311 = arith.addi %iota3A, %parallel_loop3A_310 : vector<16xi32>
        %parallel_loop3A_312 = arith.constant 15 : i32
        %parallel_loop3A_313 = vector.broadcast %parallel_loop3A_312 : i32 to vector<16xi32>
        %parallel_loop3A_314 = arith.andi %parallel_loop3A_311, %parallel_loop3A_313 : vector<16xi32>
        %parallel_loop3A_315 = arith.addi %parallel_loop3A_98, %parallel_loop3A_314 : vector<16xi32>
        %parallel_loop3A_316 = tpu.vector_load_idx %arg6[%parallel_loop3A_315] : memref<64000xf32, #tpu.memory_space<vmem>>[vector<16xi32>], vector<16xf32>,
        %parallel_loop3A_317 = vector.broadcast %parallel_loop3A_96 : i32 to vector<16xi32>
        %parallel_loop3A_318 = arith.addi %parallel_loop3A_314, %parallel_loop3A_317 : vector<16xi32>
        %parallel_loop3A_319 = arith.constant 0 : i32
        %parallel_loop3A_320 = arith.constant 0 : i32
        %parallel_loop3A_321 = arith.constant 0 : i32
        %parallel_loop3A_322 = tpu.memref_slice %arg7[%parallel_loop3A_319, %parallel_loop3A_320, %parallel_loop3A_321] : memref<2x64x128xf32, #tpu.memory_space<vmem>> -> memref<1x64x128xf32, #tpu.memory_space<vmem>>
        %parallel_loop3A_323 = tpu.memref_squeeze %parallel_loop3A_322 : memref<1x64x128xf32, #tpu.memory_space<vmem>> -> memref<64x128xf32, #tpu.memory_space<vmem>>
        tpu.vector_store_idx %parallel_loop3A_323[%parallel_loop3A_318, %parallel_loop3A_92], %parallel_loop3A_316 : memref<64x128xf32, #tpu.memory_space<vmem>>[vector<16xi32>, vector<16xi32>], vector<16xf32>,
        %parallel_loop3A_324 = arith.constant 15 : i32
        %parallel_loop3A_325 = vector.broadcast %parallel_loop3A_324 : i32 to vector<16xi32>
        %parallel_loop3A_326 = arith.addi %iota3A, %parallel_loop3A_325 : vector<16xi32>
        %parallel_loop3A_327 = arith.constant 15 : i32
        %parallel_loop3A_328 = vector.broadcast %parallel_loop3A_327 : i32 to vector<16xi32>
        %parallel_loop3A_329 = arith.andi %parallel_loop3A_326, %parallel_loop3A_328 : vector<16xi32>
        %parallel_loop3A_330 = arith.addi %parallel_loop3A_98, %parallel_loop3A_329 : vector<16xi32>
        %parallel_loop3A_331 = tpu.vector_load_idx %arg6[%parallel_loop3A_330] : memref<64000xf32, #tpu.memory_space<vmem>>[vector<16xi32>], vector<16xf32>,
        %parallel_loop3A_332 = vector.broadcast %parallel_loop3A_96 : i32 to vector<16xi32>
        %parallel_loop3A_333 = arith.addi %parallel_loop3A_329, %parallel_loop3A_332 : vector<16xi32>
        %parallel_loop3A_334 = arith.constant 0 : i32
        %parallel_loop3A_335 = arith.constant 0 : i32
        %parallel_loop3A_336 = arith.constant 0 : i32
        %parallel_loop3A_337 = tpu.memref_slice %arg7[%parallel_loop3A_334, %parallel_loop3A_335, %parallel_loop3A_336] : memref<2x64x128xf32, #tpu.memory_space<vmem>> -> memref<1x64x128xf32, #tpu.memory_space<vmem>>
        %parallel_loop3A_338 = tpu.memref_squeeze %parallel_loop3A_337 : memref<1x64x128xf32, #tpu.memory_space<vmem>> -> memref<64x128xf32, #tpu.memory_space<vmem>>
        tpu.vector_store_idx %parallel_loop3A_338[%parallel_loop3A_333, %parallel_loop3A_92], %parallel_loop3A_331 : memref<64x128xf32, #tpu.memory_space<vmem>>[vector<16xi32>, vector<16xi32>], vector<16xf32>,
      } {sc.loop_unroll_factor = 1 : i64, sc.parallel_access}
    } {sc.loop_unroll_factor = 4 : i64, sc.parallel_access}
    %dma_start3A = arith.constant 0 : i32
    %dma_start3A_5 = arith.constant 0 : i32
    %dma_start3A_6 = arith.constant 0 : i32
    %dma_start3A_7 = arith.constant 0 : i32
    %dma_start3A_8 = tpu.memref_slice %arg7[%dma_start3A, %dma_start3A_6, %dma_start3A_7] : memref<2x64x128xf32, #tpu.memory_space<vmem>> -> memref<1x64x128xf32, #tpu.memory_space<vmem>>
    %dma_start3A_9 = tpu.memref_squeeze %dma_start3A_8 : memref<1x64x128xf32, #tpu.memory_space<vmem>> -> memref<64x128xf32, #tpu.memory_space<vmem>>
    %dma_start3A_10 = arith.constant 0 : i32
    %dma_start3A_11 = tpu.memref_slice %arg4[%dma_start3A_5, %dma_start3A_10, %mul3A_2] : memref<200x64x4096xf32, #tpu.memory_space<hbm>> -> memref<1x64x128xf32, #tpu.memory_space<hbm>>
    %dma_start3A_12 = tpu.memref_squeeze %dma_start3A_11 : memref<1x64x128xf32, #tpu.memory_space<hbm>> -> memref<64x128xf32, #tpu.memory_space<hbm>>
    %dma_start3A_13 = arith.constant 0 : i32
    %dma_start3A_14 = tpu.memref_slice %arg4[%dma_start3A_5, %dma_start3A_13, %mul3A_2] : memref<200x64x4096xf32, #tpu.memory_space<hbm>> -> memref<1x64x128xf32, #tpu.memory_space<hbm>>
    %dma_start3A_15 = tpu.memref_squeeze %dma_start3A_14 : memref<1x64x128xf32, #tpu.memory_space<hbm>> -> memref<64x128xf32, #tpu.memory_space<hbm>>
    %dma_start3A_16 = arith.constant 0 : i32
    %dma_start3A_17 = arith.constant 0 : i32
    %dma_start3A_18 = tpu.memref_slice %arg7[%dma_start3A, %dma_start3A_16, %dma_start3A_17] : memref<2x64x128xf32, #tpu.memory_space<vmem>> -> memref<1x64x128xf32, #tpu.memory_space<vmem>>
    %dma_start3A_19 = tpu.memref_squeeze %dma_start3A_18 : memref<1x64x128xf32, #tpu.memory_space<vmem>> -> memref<64x128xf32, #tpu.memory_space<vmem>>
    tpu.enqueue_dma source(%dma_start3A_19 : memref<64x128xf32, #tpu.memory_space<vmem>>) target(%dma_start3A_15 : memref<64x128xf32, #tpu.memory_space<hbm>>) target_semaphore(%arg8 : memref<!tpu.dma_semaphore, #tpu.memory_space<semaphore_mem>>)
    %parallel_loop3A_20 = arith.constant 0 : i32
    %parallel_loop3A_21 = arith.constant 8 : i32
    %parallel_loop3A_22 = arith.constant 1 : i32
    scf.for %parallel_loop3A_79 = %parallel_loop3A_20 to %parallel_loop3A_21 step %parallel_loop3A_22  : i32 {
      %parallel_loop3A_80 = arith.constant 16 : i32
      %parallel_loop3A_81 = arith.muli %parallel_loop3A_79, %parallel_loop3A_80 : i32
      %parallel_loop3A_82 = arith.constant 1 : i32
      %parallel_loop3A_83 = arith.index_cast %parallel_loop3A_82 : i32 to index
      %parallel_loop3A_84 = arith.index_cast %parallel_loop3A_81 : i32 to index
      %parallel_loop3A_85 = tpu.vector_load %arg5[%parallel_loop3A_83, %parallel_loop3A_84] {strides = array<i32>} : memref<200x128xi32, #tpu.memory_space<vmem>>, vector<16xi32>,
      %parallel_loop3A_86 = arith.constant 64 : i32
      %parallel_loop3A_87 = vector.broadcast %parallel_loop3A_86 : i32 to vector<16xi32>
      %parallel_loop3A_88 = arith.muli %parallel_loop3A_85, %parallel_loop3A_87 : vector<16xi32>
      %parallel_loop3A_89 = arith.constant 16 : i32
      %parallel_loop3A_90 = arith.muli %parallel_loop3A_79, %parallel_loop3A_89 : i32
      %parallel_loop3A_91 = vector.broadcast %parallel_loop3A_90 : i32 to vector<16xi32>
      %parallel_loop3A_92 = arith.addi %iota3A, %parallel_loop3A_91 : vector<16xi32>
      %parallel_loop3A_93 = arith.constant 0 : i32
      %parallel_loop3A_94 = arith.constant 64 : i32
      %parallel_loop3A_95 = arith.constant 16 : i32
      scf.for %parallel_loop3A_96 = %parallel_loop3A_93 to %parallel_loop3A_94 step %parallel_loop3A_95  : i32 {
        %parallel_loop3A_97 = vector.broadcast %parallel_loop3A_96 : i32 to vector<16xi32>
        %parallel_loop3A_98 = arith.addi %parallel_loop3A_88, %parallel_loop3A_97 : vector<16xi32>
        %parallel_loop3A_99 = arith.constant 0 : i32
        %parallel_loop3A_100 = vector.broadcast %parallel_loop3A_99 : i32 to vector<16xi32>
        %parallel_loop3A_101 = arith.addi %iota3A, %parallel_loop3A_100 : vector<16xi32>
        %parallel_loop3A_102 = arith.constant 15 : i32
        %parallel_loop3A_103 = vector.broadcast %parallel_loop3A_102 : i32 to vector<16xi32>
        %parallel_loop3A_104 = arith.andi %parallel_loop3A_101, %parallel_loop3A_103 : vector<16xi32>
        %parallel_loop3A_105 = arith.addi %parallel_loop3A_98, %parallel_loop3A_104 : vector<16xi32>
        %parallel_loop3A_106 = tpu.vector_load_idx %arg6[%parallel_loop3A_105] : memref<64000xf32, #tpu.memory_space<vmem>>[vector<16xi32>], vector<16xf32>,
        %parallel_loop3A_107 = vector.broadcast %parallel_loop3A_96 : i32 to vector<16xi32>
        %parallel_loop3A_108 = arith.addi %parallel_loop3A_104, %parallel_loop3A_107 : vector<16xi32>
        %parallel_loop3A_109 = arith.constant 1 : i32
        %parallel_loop3A_110 = arith.constant 0 : i32
        %parallel_loop3A_111 = arith.constant 0 : i32
        %parallel_loop3A_112 = tpu.memref_slice %arg7[%parallel_loop3A_109, %parallel_loop3A_110, %parallel_loop3A_111] : memref<2x64x128xf32, #tpu.memory_space<vmem>> -> memref<1x64x128xf32, #tpu.memory_space<vmem>>
        %parallel_loop3A_113 = tpu.memref_squeeze %parallel_loop3A_112 : memref<1x64x128xf32, #tpu.memory_space<vmem>> -> memref<64x128xf32, #tpu.memory_space<vmem>>
        tpu.vector_store_idx %parallel_loop3A_113[%parallel_loop3A_108, %parallel_loop3A_92], %parallel_loop3A_106 : memref<64x128xf32, #tpu.memory_space<vmem>>[vector<16xi32>, vector<16xi32>], vector<16xf32>,
        %parallel_loop3A_114 = arith.constant 1 : i32
        %parallel_loop3A_115 = vector.broadcast %parallel_loop3A_114 : i32 to vector<16xi32>
        %parallel_loop3A_116 = arith.addi %iota3A, %parallel_loop3A_115 : vector<16xi32>
        %parallel_loop3A_117 = arith.constant 15 : i32
        %parallel_loop3A_118 = vector.broadcast %parallel_loop3A_117 : i32 to vector<16xi32>
        %parallel_loop3A_119 = arith.andi %parallel_loop3A_116, %parallel_loop3A_118 : vector<16xi32>
        %parallel_loop3A_120 = arith.addi %parallel_loop3A_98, %parallel_loop3A_119 : vector<16xi32>
        %parallel_loop3A_121 = tpu.vector_load_idx %arg6[%parallel_loop3A_120] : memref<64000xf32, #tpu.memory_space<vmem>>[vector<16xi32>], vector<16xf32>,
        %parallel_loop3A_122 = vector.broadcast %parallel_loop3A_96 : i32 to vector<16xi32>
        %parallel_loop3A_123 = arith.addi %parallel_loop3A_119, %parallel_loop3A_122 : vector<16xi32>
        %parallel_loop3A_124 = arith.constant 1 : i32
        %parallel_loop3A_125 = arith.constant 0 : i32
        %parallel_loop3A_126 = arith.constant 0 : i32
        %parallel_loop3A_127 = tpu.memref_slice %arg7[%parallel_loop3A_124, %parallel_loop3A_125, %parallel_loop3A_126] : memref<2x64x128xf32, #tpu.memory_space<vmem>> -> memref<1x64x128xf32, #tpu.memory_space<vmem>>
        %parallel_loop3A_128 = tpu.memref_squeeze %parallel_loop3A_127 : memref<1x64x128xf32, #tpu.memory_space<vmem>> -> memref<64x128xf32, #tpu.memory_space<vmem>>
        tpu.vector_store_idx %parallel_loop3A_128[%parallel_loop3A_123, %parallel_loop3A_92], %parallel_loop3A_121 : memref<64x128xf32, #tpu.memory_space<vmem>>[vector<16xi32>, vector<16xi32>], vector<16xf32>,
        %parallel_loop3A_129 = arith.constant 2 : i32
        %parallel_loop3A_130 = vector.broadcast %parallel_loop3A_129 : i32 to vector<16xi32>
        %parallel_loop3A_131 = arith.addi %iota3A, %parallel_loop3A_130 : vector<16xi32>
        %parallel_loop3A_132 = arith.constant 15 : i32
        %parallel_loop3A_133 = vector.broadcast %parallel_loop3A_132 : i32 to vector<16xi32>
        %parallel_loop3A_134 = arith.andi %parallel_loop3A_131, %parallel_loop3A_133 : vector<16xi32>
        %parallel_loop3A_135 = arith.addi %parallel_loop3A_98, %parallel_loop3A_134 : vector<16xi32>
        %parallel_loop3A_136 = tpu.vector_load_idx %arg6[%parallel_loop3A_135] : memref<64000xf32, #tpu.memory_space<vmem>>[vector<16xi32>], vector<16xf32>,
        %parallel_loop3A_137 = vector.broadcast %parallel_loop3A_96 : i32 to vector<16xi32>
        %parallel_loop3A_138 = arith.addi %parallel_loop3A_134, %parallel_loop3A_137 : vector<16xi32>
        %parallel_loop3A_139 = arith.constant 1 : i32
        %parallel_loop3A_140 = arith.constant 0 : i32
        %parallel_loop3A_141 = arith.constant 0 : i32
        %parallel_loop3A_142 = tpu.memref_slice %arg7[%parallel_loop3A_139, %parallel_loop3A_140, %parallel_loop3A_141] : memref<2x64x128xf32, #tpu.memory_space<vmem>> -> memref<1x64x128xf32, #tpu.memory_space<vmem>>
        %parallel_loop3A_143 = tpu.memref_squeeze %parallel_loop3A_142 : memref<1x64x128xf32, #tpu.memory_space<vmem>> -> memref<64x128xf32, #tpu.memory_space<vmem>>
        tpu.vector_store_idx %parallel_loop3A_143[%parallel_loop3A_138, %parallel_loop3A_92], %parallel_loop3A_136 : memref<64x128xf32, #tpu.memory_space<vmem>>[vector<16xi32>, vector<16xi32>], vector<16xf32>,
        %parallel_loop3A_144 = arith.constant 3 : i32
        %parallel_loop3A_145 = vector.broadcast %parallel_loop3A_144 : i32 to vector<16xi32>
        %parallel_loop3A_146 = arith.addi %iota3A, %parallel_loop3A_145 : vector<16xi32>
        %parallel_loop3A_147 = arith.constant 15 : i32
        %parallel_loop3A_148 = vector.broadcast %parallel_loop3A_147 : i32 to vector<16xi32>
        %parallel_loop3A_149 = arith.andi %parallel_loop3A_146, %parallel_loop3A_148 : vector<16xi32>
        %parallel_loop3A_150 = arith.addi %parallel_loop3A_98, %parallel_loop3A_149 : vector<16xi32>
        %parallel_loop3A_151 = tpu.vector_load_idx %arg6[%parallel_loop3A_150] : memref<64000xf32, #tpu.memory_space<vmem>>[vector<16xi32>], vector<16xf32>,
        %parallel_loop3A_152 = vector.broadcast %parallel_loop3A_96 : i32 to vector<16xi32>
        %parallel_loop3A_153 = arith.addi %parallel_loop3A_149, %parallel_loop3A_152 : vector<16xi32>
        %parallel_loop3A_154 = arith.constant 1 : i32
        %parallel_loop3A_155 = arith.constant 0 : i32
        %parallel_loop3A_156 = arith.constant 0 : i32
        %parallel_loop3A_157 = tpu.memref_slice %arg7[%parallel_loop3A_154, %parallel_loop3A_155, %parallel_loop3A_156] : memref<2x64x128xf32, #tpu.memory_space<vmem>> -> memref<1x64x128xf32, #tpu.memory_space<vmem>>
        %parallel_loop3A_158 = tpu.memref_squeeze %parallel_loop3A_157 : memref<1x64x128xf32, #tpu.memory_space<vmem>> -> memref<64x128xf32, #tpu.memory_space<vmem>>
        tpu.vector_store_idx %parallel_loop3A_158[%parallel_loop3A_153, %parallel_loop3A_92], %parallel_loop3A_151 : memref<64x128xf32, #tpu.memory_space<vmem>>[vector<16xi32>, vector<16xi32>], vector<16xf32>,
        %parallel_loop3A_159 = arith.constant 4 : i32
        %parallel_loop3A_160 = vector.broadcast %parallel_loop3A_159 : i32 to vector<16xi32>
        %parallel_loop3A_161 = arith.addi %iota3A, %parallel_loop3A_160 : vector<16xi32>
        %parallel_loop3A_162 = arith.constant 15 : i32
        %parallel_loop3A_163 = vector.broadcast %parallel_loop3A_162 : i32 to vector<16xi32>
        %parallel_loop3A_164 = arith.andi %parallel_loop3A_161, %parallel_loop3A_163 : vector<16xi32>
        %parallel_loop3A_165 = arith.addi %parallel_loop3A_98, %parallel_loop3A_164 : vector<16xi32>
        %parallel_loop3A_166 = tpu.vector_load_idx %arg6[%parallel_loop3A_165] : memref<64000xf32, #tpu.memory_space<vmem>>[vector<16xi32>], vector<16xf32>,
        %parallel_loop3A_167 = vector.broadcast %parallel_loop3A_96 : i32 to vector<16xi32>
        %parallel_loop3A_168 = arith.addi %parallel_loop3A_164, %parallel_loop3A_167 : vector<16xi32>
        %parallel_loop3A_169 = arith.constant 1 : i32
        %parallel_loop3A_170 = arith.constant 0 : i32
        %parallel_loop3A_171 = arith.constant 0 : i32
        %parallel_loop3A_172 = tpu.memref_slice %arg7[%parallel_loop3A_169, %parallel_loop3A_170, %parallel_loop3A_171] : memref<2x64x128xf32, #tpu.memory_space<vmem>> -> memref<1x64x128xf32, #tpu.memory_space<vmem>>
        %parallel_loop3A_173 = tpu.memref_squeeze %parallel_loop3A_172 : memref<1x64x128xf32, #tpu.memory_space<vmem>> -> memref<64x128xf32, #tpu.memory_space<vmem>>
        tpu.vector_store_idx %parallel_loop3A_173[%parallel_loop3A_168, %parallel_loop3A_92], %parallel_loop3A_166 : memref<64x128xf32, #tpu.memory_space<vmem>>[vector<16xi32>, vector<16xi32>], vector<16xf32>,
        %parallel_loop3A_174 = arith.constant 5 : i32
        %parallel_loop3A_175 = vector.broadcast %parallel_loop3A_174 : i32 to vector<16xi32>
        %parallel_loop3A_176 = arith.addi %iota3A, %parallel_loop3A_175 : vector<16xi32>
        %parallel_loop3A_177 = arith.constant 15 : i32
        %parallel_loop3A_178 = vector.broadcast %parallel_loop3A_177 : i32 to vector<16xi32>
        %parallel_loop3A_179 = arith.andi %parallel_loop3A_176, %parallel_loop3A_178 : vector<16xi32>
        %parallel_loop3A_180 = arith.addi %parallel_loop3A_98, %parallel_loop3A_179 : vector<16xi32>
        %parallel_loop3A_181 = tpu.vector_load_idx %arg6[%parallel_loop3A_180] : memref<64000xf32, #tpu.memory_space<vmem>>[vector<16xi32>], vector<16xf32>,
        %parallel_loop3A_182 = vector.broadcast %parallel_loop3A_96 : i32 to vector<16xi32>
        %parallel_loop3A_183 = arith.addi %parallel_loop3A_179, %parallel_loop3A_182 : vector<16xi32>
        %parallel_loop3A_184 = arith.constant 1 : i32
        %parallel_loop3A_185 = arith.constant 0 : i32
        %parallel_loop3A_186 = arith.constant 0 : i32
        %parallel_loop3A_187 = tpu.memref_slice %arg7[%parallel_loop3A_184, %parallel_loop3A_185, %parallel_loop3A_186] : memref<2x64x128xf32, #tpu.memory_space<vmem>> -> memref<1x64x128xf32, #tpu.memory_space<vmem>>
        %parallel_loop3A_188 = tpu.memref_squeeze %parallel_loop3A_187 : memref<1x64x128xf32, #tpu.memory_space<vmem>> -> memref<64x128xf32, #tpu.memory_space<vmem>>
        tpu.vector_store_idx %parallel_loop3A_188[%parallel_loop3A_183, %parallel_loop3A_92], %parallel_loop3A_181 : memref<64x128xf32, #tpu.memory_space<vmem>>[vector<16xi32>, vector<16xi32>], vector<16xf32>,
        %parallel_loop3A_189 = arith.constant 6 : i32
        %parallel_loop3A_190 = vector.broadcast %parallel_loop3A_189 : i32 to vector<16xi32>
        %parallel_loop3A_191 = arith.addi %iota3A, %parallel_loop3A_190 : vector<16xi32>
        %parallel_loop3A_192 = arith.constant 15 : i32
        %parallel_loop3A_193 = vector.broadcast %parallel_loop3A_192 : i32 to vector<16xi32>
        %parallel_loop3A_194 = arith.andi %parallel_loop3A_191, %parallel_loop3A_193 : vector<16xi32>
        %parallel_loop3A_195 = arith.addi %parallel_loop3A_98, %parallel_loop3A_194 : vector<16xi32>
        %parallel_loop3A_196 = tpu.vector_load_idx %arg6[%parallel_loop3A_195] : memref<64000xf32, #tpu.memory_space<vmem>>[vector<16xi32>], vector<16xf32>,
        %parallel_loop3A_197 = vector.broadcast %parallel_loop3A_96 : i32 to vector<16xi32>
        %parallel_loop3A_198 = arith.addi %parallel_loop3A_194, %parallel_loop3A_197 : vector<16xi32>
        %parallel_loop3A_199 = arith.constant 1 : i32
        %parallel_loop3A_200 = arith.constant 0 : i32
        %parallel_loop3A_201 = arith.constant 0 : i32
        %parallel_loop3A_202 = tpu.memref_slice %arg7[%parallel_loop3A_199, %parallel_loop3A_200, %parallel_loop3A_201] : memref<2x64x128xf32, #tpu.memory_space<vmem>> -> memref<1x64x128xf32, #tpu.memory_space<vmem>>
        %parallel_loop3A_203 = tpu.memref_squeeze %parallel_loop3A_202 : memref<1x64x128xf32, #tpu.memory_space<vmem>> -> memref<64x128xf32, #tpu.memory_space<vmem>>
        tpu.vector_store_idx %parallel_loop3A_203[%parallel_loop3A_198, %parallel_loop3A_92], %parallel_loop3A_196 : memref<64x128xf32, #tpu.memory_space<vmem>>[vector<16xi32>, vector<16xi32>], vector<16xf32>,
        %parallel_loop3A_204 = arith.constant 7 : i32
        %parallel_loop3A_205 = vector.broadcast %parallel_loop3A_204 : i32 to vector<16xi32>
        %parallel_loop3A_206 = arith.addi %iota3A, %parallel_loop3A_205 : vector<16xi32>
        %parallel_loop3A_207 = arith.constant 15 : i32
        %parallel_loop3A_208 = vector.broadcast %parallel_loop3A_207 : i32 to vector<16xi32>
        %parallel_loop3A_209 = arith.andi %parallel_loop3A_206, %parallel_loop3A_208 : vector<16xi32>
        %parallel_loop3A_210 = arith.addi %parallel_loop3A_98, %parallel_loop3A_209 : vector<16xi32>
        %parallel_loop3A_211 = tpu.vector_load_idx %arg6[%parallel_loop3A_210] : memref<64000xf32, #tpu.memory_space<vmem>>[vector<16xi32>], vector<16xf32>,
        %parallel_loop3A_212 = vector.broadcast %parallel_loop3A_96 : i32 to vector<16xi32>
        %parallel_loop3A_213 = arith.addi %parallel_loop3A_209, %parallel_loop3A_212 : vector<16xi32>
        %parallel_loop3A_214 = arith.constant 1 : i32
        %parallel_loop3A_215 = arith.constant 0 : i32
        %parallel_loop3A_216 = arith.constant 0 : i32
        %parallel_loop3A_217 = tpu.memref_slice %arg7[%parallel_loop3A_214, %parallel_loop3A_215, %parallel_loop3A_216] : memref<2x64x128xf32, #tpu.memory_space<vmem>> -> memref<1x64x128xf32, #tpu.memory_space<vmem>>
        %parallel_loop3A_218 = tpu.memref_squeeze %parallel_loop3A_217 : memref<1x64x128xf32, #tpu.memory_space<vmem>> -> memref<64x128xf32, #tpu.memory_space<vmem>>
        tpu.vector_store_idx %parallel_loop3A_218[%parallel_loop3A_213, %parallel_loop3A_92], %parallel_loop3A_211 : memref<64x128xf32, #tpu.memory_space<vmem>>[vector<16xi32>, vector<16xi32>], vector<16xf32>,
        %parallel_loop3A_219 = arith.constant 8 : i32
        %parallel_loop3A_220 = vector.broadcast %parallel_loop3A_219 : i32 to vector<16xi32>
        %parallel_loop3A_221 = arith.addi %iota3A, %parallel_loop3A_220 : vector<16xi32>
        %parallel_loop3A_222 = arith.constant 15 : i32
        %parallel_loop3A_223 = vector.broadcast %parallel_loop3A_222 : i32 to vector<16xi32>
        %parallel_loop3A_224 = arith.andi %parallel_loop3A_221, %parallel_loop3A_223 : vector<16xi32>
        %parallel_loop3A_225 = arith.addi %parallel_loop3A_98, %parallel_loop3A_224 : vector<16xi32>
        %parallel_loop3A_226 = tpu.vector_load_idx %arg6[%parallel_loop3A_225] : memref<64000xf32, #tpu.memory_space<vmem>>[vector<16xi32>], vector<16xf32>,
        %parallel_loop3A_227 = vector.broadcast %parallel_loop3A_96 : i32 to vector<16xi32>
        %parallel_loop3A_228 = arith.addi %parallel_loop3A_224, %parallel_loop3A_227 : vector<16xi32>
        %parallel_loop3A_229 = arith.constant 1 : i32
        %parallel_loop3A_230 = arith.constant 0 : i32
        %parallel_loop3A_231 = arith.constant 0 : i32
        %parallel_loop3A_232 = tpu.memref_slice %arg7[%parallel_loop3A_229, %parallel_loop3A_230, %parallel_loop3A_231] : memref<2x64x128xf32, #tpu.memory_space<vmem>> -> memref<1x64x128xf32, #tpu.memory_space<vmem>>
        %parallel_loop3A_233 = tpu.memref_squeeze %parallel_loop3A_232 : memref<1x64x128xf32, #tpu.memory_space<vmem>> -> memref<64x128xf32, #tpu.memory_space<vmem>>
        tpu.vector_store_idx %parallel_loop3A_233[%parallel_loop3A_228, %parallel_loop3A_92], %parallel_loop3A_226 : memref<64x128xf32, #tpu.memory_space<vmem>>[vector<16xi32>, vector<16xi32>], vector<16xf32>,
        %parallel_loop3A_234 = arith.constant 9 : i32
        %parallel_loop3A_235 = vector.broadcast %parallel_loop3A_234 : i32 to vector<16xi32>
        %parallel_loop3A_236 = arith.addi %iota3A, %parallel_loop3A_235 : vector<16xi32>
        %parallel_loop3A_237 = arith.constant 15 : i32
        %parallel_loop3A_238 = vector.broadcast %parallel_loop3A_237 : i32 to vector<16xi32>
        %parallel_loop3A_239 = arith.andi %parallel_loop3A_236, %parallel_loop3A_238 : vector<16xi32>
        %parallel_loop3A_240 = arith.addi %parallel_loop3A_98, %parallel_loop3A_239 : vector<16xi32>
        %parallel_loop3A_241 = tpu.vector_load_idx %arg6[%parallel_loop3A_240] : memref<64000xf32, #tpu.memory_space<vmem>>[vector<16xi32>], vector<16xf32>,
        %parallel_loop3A_242 = vector.broadcast %parallel_loop3A_96 : i32 to vector<16xi32>
        %parallel_loop3A_243 = arith.addi %parallel_loop3A_239, %parallel_loop3A_242 : vector<16xi32>
        %parallel_loop3A_244 = arith.constant 1 : i32
        %parallel_loop3A_245 = arith.constant 0 : i32
        %parallel_loop3A_246 = arith.constant 0 : i32
        %parallel_loop3A_247 = tpu.memref_slice %arg7[%parallel_loop3A_244, %parallel_loop3A_245, %parallel_loop3A_246] : memref<2x64x128xf32, #tpu.memory_space<vmem>> -> memref<1x64x128xf32, #tpu.memory_space<vmem>>
        %parallel_loop3A_248 = tpu.memref_squeeze %parallel_loop3A_247 : memref<1x64x128xf32, #tpu.memory_space<vmem>> -> memref<64x128xf32, #tpu.memory_space<vmem>>
        tpu.vector_store_idx %parallel_loop3A_248[%parallel_loop3A_243, %parallel_loop3A_92], %parallel_loop3A_241 : memref<64x128xf32, #tpu.memory_space<vmem>>[vector<16xi32>, vector<16xi32>], vector<16xf32>,
        %parallel_loop3A_249 = arith.constant 10 : i32
        %parallel_loop3A_250 = vector.broadcast %parallel_loop3A_249 : i32 to vector<16xi32>
        %parallel_loop3A_251 = arith.addi %iota3A, %parallel_loop3A_250 : vector<16xi32>
        %parallel_loop3A_252 = arith.constant 15 : i32
        %parallel_loop3A_253 = vector.broadcast %parallel_loop3A_252 : i32 to vector<16xi32>
        %parallel_loop3A_254 = arith.andi %parallel_loop3A_251, %parallel_loop3A_253 : vector<16xi32>
        %parallel_loop3A_255 = arith.addi %parallel_loop3A_98, %parallel_loop3A_254 : vector<16xi32>
        %parallel_loop3A_256 = tpu.vector_load_idx %arg6[%parallel_loop3A_255] : memref<64000xf32, #tpu.memory_space<vmem>>[vector<16xi32>], vector<16xf32>,
        %parallel_loop3A_257 = vector.broadcast %parallel_loop3A_96 : i32 to vector<16xi32>
        %parallel_loop3A_258 = arith.addi %parallel_loop3A_254, %parallel_loop3A_257 : vector<16xi32>
        %parallel_loop3A_259 = arith.constant 1 : i32
        %parallel_loop3A_260 = arith.constant 0 : i32
        %parallel_loop3A_261 = arith.constant 0 : i32
        %parallel_loop3A_262 = tpu.memref_slice %arg7[%parallel_loop3A_259, %parallel_loop3A_260, %parallel_loop3A_261] : memref<2x64x128xf32, #tpu.memory_space<vmem>> -> memref<1x64x128xf32, #tpu.memory_space<vmem>>
        %parallel_loop3A_263 = tpu.memref_squeeze %parallel_loop3A_262 : memref<1x64x128xf32, #tpu.memory_space<vmem>> -> memref<64x128xf32, #tpu.memory_space<vmem>>
        tpu.vector_store_idx %parallel_loop3A_263[%parallel_loop3A_258, %parallel_loop3A_92], %parallel_loop3A_256 : memref<64x128xf32, #tpu.memory_space<vmem>>[vector<16xi32>, vector<16xi32>], vector<16xf32>,
        %parallel_loop3A_264 = arith.constant 11 : i32
        %parallel_loop3A_265 = vector.broadcast %parallel_loop3A_264 : i32 to vector<16xi32>
        %parallel_loop3A_266 = arith.addi %iota3A, %parallel_loop3A_265 : vector<16xi32>
        %parallel_loop3A_267 = arith.constant 15 : i32
        %parallel_loop3A_268 = vector.broadcast %parallel_loop3A_267 : i32 to vector<16xi32>
        %parallel_loop3A_269 = arith.andi %parallel_loop3A_266, %parallel_loop3A_268 : vector<16xi32>
        %parallel_loop3A_270 = arith.addi %parallel_loop3A_98, %parallel_loop3A_269 : vector<16xi32>
        %parallel_loop3A_271 = tpu.vector_load_idx %arg6[%parallel_loop3A_270] : memref<64000xf32, #tpu.memory_space<vmem>>[vector<16xi32>], vector<16xf32>,
        %parallel_loop3A_272 = vector.broadcast %parallel_loop3A_96 : i32 to vector<16xi32>
        %parallel_loop3A_273 = arith.addi %parallel_loop3A_269, %parallel_loop3A_272 : vector<16xi32>
        %parallel_loop3A_274 = arith.constant 1 : i32
        %parallel_loop3A_275 = arith.constant 0 : i32
        %parallel_loop3A_276 = arith.constant 0 : i32
        %parallel_loop3A_277 = tpu.memref_slice %arg7[%parallel_loop3A_274, %parallel_loop3A_275, %parallel_loop3A_276] : memref<2x64x128xf32, #tpu.memory_space<vmem>> -> memref<1x64x128xf32, #tpu.memory_space<vmem>>
        %parallel_loop3A_278 = tpu.memref_squeeze %parallel_loop3A_277 : memref<1x64x128xf32, #tpu.memory_space<vmem>> -> memref<64x128xf32, #tpu.memory_space<vmem>>
        tpu.vector_store_idx %parallel_loop3A_278[%parallel_loop3A_273, %parallel_loop3A_92], %parallel_loop3A_271 : memref<64x128xf32, #tpu.memory_space<vmem>>[vector<16xi32>, vector<16xi32>], vector<16xf32>,
        %parallel_loop3A_279 = arith.constant 12 : i32
        %parallel_loop3A_280 = vector.broadcast %parallel_loop3A_279 : i32 to vector<16xi32>
        %parallel_loop3A_281 = arith.addi %iota3A, %parallel_loop3A_280 : vector<16xi32>
        %parallel_loop3A_282 = arith.constant 15 : i32
        %parallel_loop3A_283 = vector.broadcast %parallel_loop3A_282 : i32 to vector<16xi32>
        %parallel_loop3A_284 = arith.andi %parallel_loop3A_281, %parallel_loop3A_283 : vector<16xi32>
        %parallel_loop3A_285 = arith.addi %parallel_loop3A_98, %parallel_loop3A_284 : vector<16xi32>
        %parallel_loop3A_286 = tpu.vector_load_idx %arg6[%parallel_loop3A_285] : memref<64000xf32, #tpu.memory_space<vmem>>[vector<16xi32>], vector<16xf32>,
        %parallel_loop3A_287 = vector.broadcast %parallel_loop3A_96 : i32 to vector<16xi32>
        %parallel_loop3A_288 = arith.addi %parallel_loop3A_284, %parallel_loop3A_287 : vector<16xi32>
        %parallel_loop3A_289 = arith.constant 1 : i32
        %parallel_loop3A_290 = arith.constant 0 : i32
        %parallel_loop3A_291 = arith.constant 0 : i32
        %parallel_loop3A_292 = tpu.memref_slice %arg7[%parallel_loop3A_289, %parallel_loop3A_290, %parallel_loop3A_291] : memref<2x64x128xf32, #tpu.memory_space<vmem>> -> memref<1x64x128xf32, #tpu.memory_space<vmem>>
        %parallel_loop3A_293 = tpu.memref_squeeze %parallel_loop3A_292 : memref<1x64x128xf32, #tpu.memory_space<vmem>> -> memref<64x128xf32, #tpu.memory_space<vmem>>
        tpu.vector_store_idx %parallel_loop3A_293[%parallel_loop3A_288, %parallel_loop3A_92], %parallel_loop3A_286 : memref<64x128xf32, #tpu.memory_space<vmem>>[vector<16xi32>, vector<16xi32>], vector<16xf32>,
        %parallel_loop3A_294 = arith.constant 13 : i32
        %parallel_loop3A_295 = vector.broadcast %parallel_loop3A_294 : i32 to vector<16xi32>
        %parallel_loop3A_296 = arith.addi %iota3A, %parallel_loop3A_295 : vector<16xi32>
        %parallel_loop3A_297 = arith.constant 15 : i32
        %parallel_loop3A_298 = vector.broadcast %parallel_loop3A_297 : i32 to vector<16xi32>
        %parallel_loop3A_299 = arith.andi %parallel_loop3A_296, %parallel_loop3A_298 : vector<16xi32>
        %parallel_loop3A_300 = arith.addi %parallel_loop3A_98, %parallel_loop3A_299 : vector<16xi32>
        %parallel_loop3A_301 = tpu.vector_load_idx %arg6[%parallel_loop3A_300] : memref<64000xf32, #tpu.memory_space<vmem>>[vector<16xi32>], vector<16xf32>,
        %parallel_loop3A_302 = vector.broadcast %parallel_loop3A_96 : i32 to vector<16xi32>
        %parallel_loop3A_303 = arith.addi %parallel_loop3A_299, %parallel_loop3A_302 : vector<16xi32>
        %parallel_loop3A_304 = arith.constant 1 : i32
        %parallel_loop3A_305 = arith.constant 0 : i32
        %parallel_loop3A_306 = arith.constant 0 : i32
        %parallel_loop3A_307 = tpu.memref_slice %arg7[%parallel_loop3A_304, %parallel_loop3A_305, %parallel_loop3A_306] : memref<2x64x128xf32, #tpu.memory_space<vmem>> -> memref<1x64x128xf32, #tpu.memory_space<vmem>>
        %parallel_loop3A_308 = tpu.memref_squeeze %parallel_loop3A_307 : memref<1x64x128xf32, #tpu.memory_space<vmem>> -> memref<64x128xf32, #tpu.memory_space<vmem>>
        tpu.vector_store_idx %parallel_loop3A_308[%parallel_loop3A_303, %parallel_loop3A_92], %parallel_loop3A_301 : memref<64x128xf32, #tpu.memory_space<vmem>>[vector<16xi32>, vector<16xi32>], vector<16xf32>,
        %parallel_loop3A_309 = arith.constant 14 : i32
        %parallel_loop3A_310 = vector.broadcast %parallel_loop3A_309 : i32 to vector<16xi32>
        %parallel_loop3A_311 = arith.addi %iota3A, %parallel_loop3A_310 : vector<16xi32>
        %parallel_loop3A_312 = arith.constant 15 : i32
        %parallel_loop3A_313 = vector.broadcast %parallel_loop3A_312 : i32 to vector<16xi32>
        %parallel_loop3A_314 = arith.andi %parallel_loop3A_311, %parallel_loop3A_313 : vector<16xi32>
        %parallel_loop3A_315 = arith.addi %parallel_loop3A_98, %parallel_loop3A_314 : vector<16xi32>
        %parallel_loop3A_316 = tpu.vector_load_idx %arg6[%parallel_loop3A_315] : memref<64000xf32, #tpu.memory_space<vmem>>[vector<16xi32>], vector<16xf32>,
        %parallel_loop3A_317 = vector.broadcast %parallel_loop3A_96 : i32 to vector<16xi32>
        %parallel_loop3A_318 = arith.addi %parallel_loop3A_314, %parallel_loop3A_317 : vector<16xi32>
        %parallel_loop3A_319 = arith.constant 1 : i32
        %parallel_loop3A_320 = arith.constant 0 : i32
        %parallel_loop3A_321 = arith.constant 0 : i32
        %parallel_loop3A_322 = tpu.memref_slice %arg7[%parallel_loop3A_319, %parallel_loop3A_320, %parallel_loop3A_321] : memref<2x64x128xf32, #tpu.memory_space<vmem>> -> memref<1x64x128xf32, #tpu.memory_space<vmem>>
        %parallel_loop3A_323 = tpu.memref_squeeze %parallel_loop3A_322 : memref<1x64x128xf32, #tpu.memory_space<vmem>> -> memref<64x128xf32, #tpu.memory_space<vmem>>
        tpu.vector_store_idx %parallel_loop3A_323[%parallel_loop3A_318, %parallel_loop3A_92], %parallel_loop3A_316 : memref<64x128xf32, #tpu.memory_space<vmem>>[vector<16xi32>, vector<16xi32>], vector<16xf32>,
        %parallel_loop3A_324 = arith.constant 15 : i32
        %parallel_loop3A_325 = vector.broadcast %parallel_loop3A_324 : i32 to vector<16xi32>
        %parallel_loop3A_326 = arith.addi %iota3A, %parallel_loop3A_325 : vector<16xi32>
        %parallel_loop3A_327 = arith.constant 15 : i32
        %parallel_loop3A_328 = vector.broadcast %parallel_loop3A_327 : i32 to vector<16xi32>
        %parallel_loop3A_329 = arith.andi %parallel_loop3A_326, %parallel_loop3A_328 : vector<16xi32>
        %parallel_loop3A_330 = arith.addi %parallel_loop3A_98, %parallel_loop3A_329 : vector<16xi32>
        %parallel_loop3A_331 = tpu.vector_load_idx %arg6[%parallel_loop3A_330] : memref<64000xf32, #tpu.memory_space<vmem>>[vector<16xi32>], vector<16xf32>,
        %parallel_loop3A_332 = vector.broadcast %parallel_loop3A_96 : i32 to vector<16xi32>
        %parallel_loop3A_333 = arith.addi %parallel_loop3A_329, %parallel_loop3A_332 : vector<16xi32>
        %parallel_loop3A_334 = arith.constant 1 : i32
        %parallel_loop3A_335 = arith.constant 0 : i32
        %parallel_loop3A_336 = arith.constant 0 : i32
        %parallel_loop3A_337 = tpu.memref_slice %arg7[%parallel_loop3A_334, %parallel_loop3A_335, %parallel_loop3A_336] : memref<2x64x128xf32, #tpu.memory_space<vmem>> -> memref<1x64x128xf32, #tpu.memory_space<vmem>>
        %parallel_loop3A_338 = tpu.memref_squeeze %parallel_loop3A_337 : memref<1x64x128xf32, #tpu.memory_space<vmem>> -> memref<64x128xf32, #tpu.memory_space<vmem>>
        tpu.vector_store_idx %parallel_loop3A_338[%parallel_loop3A_333, %parallel_loop3A_92], %parallel_loop3A_331 : memref<64x128xf32, #tpu.memory_space<vmem>>[vector<16xi32>, vector<16xi32>], vector<16xf32>,
      } {sc.loop_unroll_factor = 1 : i64, sc.parallel_access}
    } {sc.loop_unroll_factor = 4 : i64, sc.parallel_access}
    %dma_start3A_23 = arith.constant 1 : i32
    %dma_start3A_24 = arith.constant 1 : i32
    %dma_start3A_25 = arith.constant 0 : i32
    %dma_start3A_26 = arith.constant 0 : i32
    %dma_start3A_27 = tpu.memref_slice %arg7[%dma_start3A_23, %dma_start3A_25, %dma_start3A_26] : memref<2x64x128xf32, #tpu.memory_space<vmem>> -> memref<1x64x128xf32, #tpu.memory_space<vmem>>
    %dma_start3A_28 = tpu.memref_squeeze %dma_start3A_27 : memref<1x64x128xf32, #tpu.memory_space<vmem>> -> memref<64x128xf32, #tpu.memory_space<vmem>>
    %dma_start3A_29 = arith.constant 0 : i32
    %dma_start3A_30 = tpu.memref_slice %arg4[%dma_start3A_24, %dma_start3A_29, %mul3A_2] : memref<200x64x4096xf32, #tpu.memory_space<hbm>> -> memref<1x64x128xf32, #tpu.memory_space<hbm>>
    %dma_start3A_31 = tpu.memref_squeeze %dma_start3A_30 : memref<1x64x128xf32, #tpu.memory_space<hbm>> -> memref<64x128xf32, #tpu.memory_space<hbm>>
    %dma_start3A_32 = arith.constant 0 : i32
    %dma_start3A_33 = tpu.memref_slice %arg4[%dma_start3A_24, %dma_start3A_32, %mul3A_2] : memref<200x64x4096xf32, #tpu.memory_space<hbm>> -> memref<1x64x128xf32, #tpu.memory_space<hbm>>
    %dma_start3A_34 = tpu.memref_squeeze %dma_start3A_33 : memref<1x64x128xf32, #tpu.memory_space<hbm>> -> memref<64x128xf32, #tpu.memory_space<hbm>>
    %dma_start3A_35 = arith.constant 0 : i32
    %dma_start3A_36 = arith.constant 0 : i32
    %dma_start3A_37 = tpu.memref_slice %arg7[%dma_start3A_23, %dma_start3A_35, %dma_start3A_36] : memref<2x64x128xf32, #tpu.memory_space<vmem>> -> memref<1x64x128xf32, #tpu.memory_space<vmem>>
    %dma_start3A_38 = tpu.memref_squeeze %dma_start3A_37 : memref<1x64x128xf32, #tpu.memory_space<vmem>> -> memref<64x128xf32, #tpu.memory_space<vmem>>
    tpu.enqueue_dma source(%dma_start3A_38 : memref<64x128xf32, #tpu.memory_space<vmem>>) target(%dma_start3A_34 : memref<64x128xf32, #tpu.memory_space<hbm>>) target_semaphore(%arg9 : memref<!tpu.dma_semaphore, #tpu.memory_space<semaphore_mem>>)
    %scan3A = arith.constant 0 : i32
    %scan3A_39 = arith.constant 0 : i32
    %scan3A_40 = arith.constant 0 : i32
    %scan3A_41 = arith.constant 1 : i32
    %scan3A_42 = arith.constant 0 : i32
    %scan3A_43 = arith.constant 0 : i32
    %scan3A_44 = arith.constant 99 : i32
    %scan3A_45 = arith.addi %scan3A_43, %scan3A_44 : i32
    %scan3A_46 = arith.constant 1 : i32
    scf.for %scan3A_79 = %scan3A_43 to %scan3A_45 step %scan3A_46  : i32 {
      %mul3A_80 = arith.constant 2 : i32
      %mul3A_81 = arith.muli %scan3A_79, %mul3A_80 : i32
      %add3A_82 = arith.constant 2 : i32
      %add3A_83 = arith.addi %add3A_82, %mul3A_81 : i32
      %add3A_84 = arith.constant 0 : i32
      %add3A_85 = arith.addi %add3A_83, %add3A_84 : i32
      %dma_wait3A_86 = arith.constant 0 : i32
      %dma_wait3A_87 = arith.constant 0 : i32
      %dma_wait3A_88 = tpu.memref_slice %arg7[%scan3A_39, %dma_wait3A_86, %dma_wait3A_87] : memref<2x64x128xf32, #tpu.memory_space<vmem>> -> memref<1x64x128xf32, #tpu.memory_space<vmem>>
      %dma_wait3A_89 = tpu.memref_squeeze %dma_wait3A_88 : memref<1x64x128xf32, #tpu.memory_space<vmem>> -> memref<64x128xf32, #tpu.memory_space<vmem>>
      %dma_wait3A_90 = arith.constant 0 : i32
      %dma_wait3A_91 = tpu.memref_slice %arg4[%scan3A_40, %dma_wait3A_90, %mul3A_2] : memref<200x64x4096xf32, #tpu.memory_space<hbm>> -> memref<1x64x128xf32, #tpu.memory_space<hbm>>
      %dma_wait3A_92 = tpu.memref_squeeze %dma_wait3A_91 : memref<1x64x128xf32, #tpu.memory_space<hbm>> -> memref<64x128xf32, #tpu.memory_space<hbm>>
      %dma_wait3A_93 = arith.constant 0 : i32
      %dma_wait3A_94 = tpu.memref_slice %arg4[%scan3A_40, %dma_wait3A_93, %mul3A_2] : memref<200x64x4096xf32, #tpu.memory_space<hbm>> -> memref<1x64x128xf32, #tpu.memory_space<hbm>>
      %dma_wait3A_95 = tpu.memref_squeeze %dma_wait3A_94 : memref<1x64x128xf32, #tpu.memory_space<hbm>> -> memref<64x128xf32, #tpu.memory_space<hbm>>
      %dma_wait3A_96 = arith.constant 0 : i32
      %dma_wait3A_97 = arith.constant 0 : i32
      %dma_wait3A_98 = tpu.memref_slice %arg7[%scan3A_39, %dma_wait3A_96, %dma_wait3A_97] : memref<2x64x128xf32, #tpu.memory_space<vmem>> -> memref<1x64x128xf32, #tpu.memory_space<vmem>>
      %dma_wait3A_99 = tpu.memref_squeeze %dma_wait3A_98 : memref<1x64x128xf32, #tpu.memory_space<vmem>> -> memref<64x128xf32, #tpu.memory_space<vmem>>
      tpu.wait_dma2 semaphore(%arg8 : memref<!tpu.dma_semaphore, #tpu.memory_space<semaphore_mem>>) src(%dma_wait3A_99 : memref<64x128xf32, #tpu.memory_space<vmem>>) dst(%dma_wait3A_95 : memref<64x128xf32, #tpu.memory_space<hbm>>)
      %parallel_loop3A_100 = arith.constant 0 : i32
      %parallel_loop3A_101 = arith.constant 8 : i32
      %parallel_loop3A_102 = arith.constant 1 : i32
      scf.for %parallel_loop3A_156 = %parallel_loop3A_100 to %parallel_loop3A_101 step %parallel_loop3A_102  : i32 {
        %parallel_loop3A_157 = arith.constant 16 : i32
        %parallel_loop3A_158 = arith.muli %parallel_loop3A_156, %parallel_loop3A_157 : i32
        %parallel_loop3A_159 = arith.index_cast %add3A_85 : i32 to index
        %parallel_loop3A_160 = arith.index_cast %parallel_loop3A_158 : i32 to index
        %parallel_loop3A_161 = tpu.vector_load %arg5[%parallel_loop3A_159, %parallel_loop3A_160] {strides = array<i32>} : memref<200x128xi32, #tpu.memory_space<vmem>>, vector<16xi32>,
        %parallel_loop3A_162 = arith.constant 64 : i32
        %parallel_loop3A_163 = vector.broadcast %parallel_loop3A_162 : i32 to vector<16xi32>
        %parallel_loop3A_164 = arith.muli %parallel_loop3A_161, %parallel_loop3A_163 : vector<16xi32>
        %parallel_loop3A_165 = arith.constant 16 : i32
        %parallel_loop3A_166 = arith.muli %parallel_loop3A_156, %parallel_loop3A_165 : i32
        %parallel_loop3A_167 = vector.broadcast %parallel_loop3A_166 : i32 to vector<16xi32>
        %parallel_loop3A_168 = arith.addi %iota3A, %parallel_loop3A_167 : vector<16xi32>
        %parallel_loop3A_169 = arith.constant 0 : i32
        %parallel_loop3A_170 = arith.constant 64 : i32
        %parallel_loop3A_171 = arith.constant 16 : i32
        scf.for %parallel_loop3A_172 = %parallel_loop3A_169 to %parallel_loop3A_170 step %parallel_loop3A_171  : i32 {
          %parallel_loop3A_173 = vector.broadcast %parallel_loop3A_172 : i32 to vector<16xi32>
          %parallel_loop3A_174 = arith.addi %parallel_loop3A_164, %parallel_loop3A_173 : vector<16xi32>
          %parallel_loop3A_175 = arith.constant 0 : i32
          %parallel_loop3A_176 = vector.broadcast %parallel_loop3A_175 : i32 to vector<16xi32>
          %parallel_loop3A_177 = arith.addi %iota3A, %parallel_loop3A_176 : vector<16xi32>
          %parallel_loop3A_178 = arith.constant 15 : i32
          %parallel_loop3A_179 = vector.broadcast %parallel_loop3A_178 : i32 to vector<16xi32>
          %parallel_loop3A_180 = arith.andi %parallel_loop3A_177, %parallel_loop3A_179 : vector<16xi32>
          %parallel_loop3A_181 = arith.addi %parallel_loop3A_174, %parallel_loop3A_180 : vector<16xi32>
          %parallel_loop3A_182 = tpu.vector_load_idx %arg6[%parallel_loop3A_181] : memref<64000xf32, #tpu.memory_space<vmem>>[vector<16xi32>], vector<16xf32>,
          %parallel_loop3A_183 = vector.broadcast %parallel_loop3A_172 : i32 to vector<16xi32>
          %parallel_loop3A_184 = arith.addi %parallel_loop3A_180, %parallel_loop3A_183 : vector<16xi32>
          %parallel_loop3A_185 = arith.constant 0 : i32
          %parallel_loop3A_186 = arith.constant 0 : i32
          %parallel_loop3A_187 = arith.constant 0 : i32
          %parallel_loop3A_188 = tpu.memref_slice %arg7[%parallel_loop3A_185, %parallel_loop3A_186, %parallel_loop3A_187] : memref<2x64x128xf32, #tpu.memory_space<vmem>> -> memref<1x64x128xf32, #tpu.memory_space<vmem>>
          %parallel_loop3A_189 = tpu.memref_squeeze %parallel_loop3A_188 : memref<1x64x128xf32, #tpu.memory_space<vmem>> -> memref<64x128xf32, #tpu.memory_space<vmem>>
          tpu.vector_store_idx %parallel_loop3A_189[%parallel_loop3A_184, %parallel_loop3A_168], %parallel_loop3A_182 : memref<64x128xf32, #tpu.memory_space<vmem>>[vector<16xi32>, vector<16xi32>], vector<16xf32>,
          %parallel_loop3A_190 = arith.constant 1 : i32
          %parallel_loop3A_191 = vector.broadcast %parallel_loop3A_190 : i32 to vector<16xi32>
          %parallel_loop3A_192 = arith.addi %iota3A, %parallel_loop3A_191 : vector<16xi32>
          %parallel_loop3A_193 = arith.constant 15 : i32
          %parallel_loop3A_194 = vector.broadcast %parallel_loop3A_193 : i32 to vector<16xi32>
          %parallel_loop3A_195 = arith.andi %parallel_loop3A_192, %parallel_loop3A_194 : vector<16xi32>
          %parallel_loop3A_196 = arith.addi %parallel_loop3A_174, %parallel_loop3A_195 : vector<16xi32>
          %parallel_loop3A_197 = tpu.vector_load_idx %arg6[%parallel_loop3A_196] : memref<64000xf32, #tpu.memory_space<vmem>>[vector<16xi32>], vector<16xf32>,
          %parallel_loop3A_198 = vector.broadcast %parallel_loop3A_172 : i32 to vector<16xi32>
          %parallel_loop3A_199 = arith.addi %parallel_loop3A_195, %parallel_loop3A_198 : vector<16xi32>
          %parallel_loop3A_200 = arith.constant 0 : i32
          %parallel_loop3A_201 = arith.constant 0 : i32
          %parallel_loop3A_202 = arith.constant 0 : i32
          %parallel_loop3A_203 = tpu.memref_slice %arg7[%parallel_loop3A_200, %parallel_loop3A_201, %parallel_loop3A_202] : memref<2x64x128xf32, #tpu.memory_space<vmem>> -> memref<1x64x128xf32, #tpu.memory_space<vmem>>
          %parallel_loop3A_204 = tpu.memref_squeeze %parallel_loop3A_203 : memref<1x64x128xf32, #tpu.memory_space<vmem>> -> memref<64x128xf32, #tpu.memory_space<vmem>>
          tpu.vector_store_idx %parallel_loop3A_204[%parallel_loop3A_199, %parallel_loop3A_168], %parallel_loop3A_197 : memref<64x128xf32, #tpu.memory_space<vmem>>[vector<16xi32>, vector<16xi32>], vector<16xf32>,
          %parallel_loop3A_205 = arith.constant 2 : i32
          %parallel_loop3A_206 = vector.broadcast %parallel_loop3A_205 : i32 to vector<16xi32>
          %parallel_loop3A_207 = arith.addi %iota3A, %parallel_loop3A_206 : vector<16xi32>
          %parallel_loop3A_208 = arith.constant 15 : i32
          %parallel_loop3A_209 = vector.broadcast %parallel_loop3A_208 : i32 to vector<16xi32>
          %parallel_loop3A_210 = arith.andi %parallel_loop3A_207, %parallel_loop3A_209 : vector<16xi32>
          %parallel_loop3A_211 = arith.addi %parallel_loop3A_174, %parallel_loop3A_210 : vector<16xi32>
          %parallel_loop3A_212 = tpu.vector_load_idx %arg6[%parallel_loop3A_211] : memref<64000xf32, #tpu.memory_space<vmem>>[vector<16xi32>], vector<16xf32>,
          %parallel_loop3A_213 = vector.broadcast %parallel_loop3A_172 : i32 to vector<16xi32>
          %parallel_loop3A_214 = arith.addi %parallel_loop3A_210, %parallel_loop3A_213 : vector<16xi32>
          %parallel_loop3A_215 = arith.constant 0 : i32
          %parallel_loop3A_216 = arith.constant 0 : i32
          %parallel_loop3A_217 = arith.constant 0 : i32
          %parallel_loop3A_218 = tpu.memref_slice %arg7[%parallel_loop3A_215, %parallel_loop3A_216, %parallel_loop3A_217] : memref<2x64x128xf32, #tpu.memory_space<vmem>> -> memref<1x64x128xf32, #tpu.memory_space<vmem>>
          %parallel_loop3A_219 = tpu.memref_squeeze %parallel_loop3A_218 : memref<1x64x128xf32, #tpu.memory_space<vmem>> -> memref<64x128xf32, #tpu.memory_space<vmem>>
          tpu.vector_store_idx %parallel_loop3A_219[%parallel_loop3A_214, %parallel_loop3A_168], %parallel_loop3A_212 : memref<64x128xf32, #tpu.memory_space<vmem>>[vector<16xi32>, vector<16xi32>], vector<16xf32>,
          %parallel_loop3A_220 = arith.constant 3 : i32
          %parallel_loop3A_221 = vector.broadcast %parallel_loop3A_220 : i32 to vector<16xi32>
          %parallel_loop3A_222 = arith.addi %iota3A, %parallel_loop3A_221 : vector<16xi32>
          %parallel_loop3A_223 = arith.constant 15 : i32
          %parallel_loop3A_224 = vector.broadcast %parallel_loop3A_223 : i32 to vector<16xi32>
          %parallel_loop3A_225 = arith.andi %parallel_loop3A_222, %parallel_loop3A_224 : vector<16xi32>
          %parallel_loop3A_226 = arith.addi %parallel_loop3A_174, %parallel_loop3A_225 : vector<16xi32>
          %parallel_loop3A_227 = tpu.vector_load_idx %arg6[%parallel_loop3A_226] : memref<64000xf32, #tpu.memory_space<vmem>>[vector<16xi32>], vector<16xf32>,
          %parallel_loop3A_228 = vector.broadcast %parallel_loop3A_172 : i32 to vector<16xi32>
          %parallel_loop3A_229 = arith.addi %parallel_loop3A_225, %parallel_loop3A_228 : vector<16xi32>
          %parallel_loop3A_230 = arith.constant 0 : i32
          %parallel_loop3A_231 = arith.constant 0 : i32
          %parallel_loop3A_232 = arith.constant 0 : i32
          %parallel_loop3A_233 = tpu.memref_slice %arg7[%parallel_loop3A_230, %parallel_loop3A_231, %parallel_loop3A_232] : memref<2x64x128xf32, #tpu.memory_space<vmem>> -> memref<1x64x128xf32, #tpu.memory_space<vmem>>
          %parallel_loop3A_234 = tpu.memref_squeeze %parallel_loop3A_233 : memref<1x64x128xf32, #tpu.memory_space<vmem>> -> memref<64x128xf32, #tpu.memory_space<vmem>>
          tpu.vector_store_idx %parallel_loop3A_234[%parallel_loop3A_229, %parallel_loop3A_168], %parallel_loop3A_227 : memref<64x128xf32, #tpu.memory_space<vmem>>[vector<16xi32>, vector<16xi32>], vector<16xf32>,
          %parallel_loop3A_235 = arith.constant 4 : i32
          %parallel_loop3A_236 = vector.broadcast %parallel_loop3A_235 : i32 to vector<16xi32>
          %parallel_loop3A_237 = arith.addi %iota3A, %parallel_loop3A_236 : vector<16xi32>
          %parallel_loop3A_238 = arith.constant 15 : i32
          %parallel_loop3A_239 = vector.broadcast %parallel_loop3A_238 : i32 to vector<16xi32>
          %parallel_loop3A_240 = arith.andi %parallel_loop3A_237, %parallel_loop3A_239 : vector<16xi32>
          %parallel_loop3A_241 = arith.addi %parallel_loop3A_174, %parallel_loop3A_240 : vector<16xi32>
          %parallel_loop3A_242 = tpu.vector_load_idx %arg6[%parallel_loop3A_241] : memref<64000xf32, #tpu.memory_space<vmem>>[vector<16xi32>], vector<16xf32>,
          %parallel_loop3A_243 = vector.broadcast %parallel_loop3A_172 : i32 to vector<16xi32>
          %parallel_loop3A_244 = arith.addi %parallel_loop3A_240, %parallel_loop3A_243 : vector<16xi32>
          %parallel_loop3A_245 = arith.constant 0 : i32
          %parallel_loop3A_246 = arith.constant 0 : i32
          %parallel_loop3A_247 = arith.constant 0 : i32
          %parallel_loop3A_248 = tpu.memref_slice %arg7[%parallel_loop3A_245, %parallel_loop3A_246, %parallel_loop3A_247] : memref<2x64x128xf32, #tpu.memory_space<vmem>> -> memref<1x64x128xf32, #tpu.memory_space<vmem>>
          %parallel_loop3A_249 = tpu.memref_squeeze %parallel_loop3A_248 : memref<1x64x128xf32, #tpu.memory_space<vmem>> -> memref<64x128xf32, #tpu.memory_space<vmem>>
          tpu.vector_store_idx %parallel_loop3A_249[%parallel_loop3A_244, %parallel_loop3A_168], %parallel_loop3A_242 : memref<64x128xf32, #tpu.memory_space<vmem>>[vector<16xi32>, vector<16xi32>], vector<16xf32>,
          %parallel_loop3A_250 = arith.constant 5 : i32
          %parallel_loop3A_251 = vector.broadcast %parallel_loop3A_250 : i32 to vector<16xi32>
          %parallel_loop3A_252 = arith.addi %iota3A, %parallel_loop3A_251 : vector<16xi32>
          %parallel_loop3A_253 = arith.constant 15 : i32
          %parallel_loop3A_254 = vector.broadcast %parallel_loop3A_253 : i32 to vector<16xi32>
          %parallel_loop3A_255 = arith.andi %parallel_loop3A_252, %parallel_loop3A_254 : vector<16xi32>
          %parallel_loop3A_256 = arith.addi %parallel_loop3A_174, %parallel_loop3A_255 : vector<16xi32>
          %parallel_loop3A_257 = tpu.vector_load_idx %arg6[%parallel_loop3A_256] : memref<64000xf32, #tpu.memory_space<vmem>>[vector<16xi32>], vector<16xf32>,
          %parallel_loop3A_258 = vector.broadcast %parallel_loop3A_172 : i32 to vector<16xi32>
          %parallel_loop3A_259 = arith.addi %parallel_loop3A_255, %parallel_loop3A_258 : vector<16xi32>
          %parallel_loop3A_260 = arith.constant 0 : i32
          %parallel_loop3A_261 = arith.constant 0 : i32
          %parallel_loop3A_262 = arith.constant 0 : i32
          %parallel_loop3A_263 = tpu.memref_slice %arg7[%parallel_loop3A_260, %parallel_loop3A_261, %parallel_loop3A_262] : memref<2x64x128xf32, #tpu.memory_space<vmem>> -> memref<1x64x128xf32, #tpu.memory_space<vmem>>
          %parallel_loop3A_264 = tpu.memref_squeeze %parallel_loop3A_263 : memref<1x64x128xf32, #tpu.memory_space<vmem>> -> memref<64x128xf32, #tpu.memory_space<vmem>>
          tpu.vector_store_idx %parallel_loop3A_264[%parallel_loop3A_259, %parallel_loop3A_168], %parallel_loop3A_257 : memref<64x128xf32, #tpu.memory_space<vmem>>[vector<16xi32>, vector<16xi32>], vector<16xf32>,
          %parallel_loop3A_265 = arith.constant 6 : i32
          %parallel_loop3A_266 = vector.broadcast %parallel_loop3A_265 : i32 to vector<16xi32>
          %parallel_loop3A_267 = arith.addi %iota3A, %parallel_loop3A_266 : vector<16xi32>
          %parallel_loop3A_268 = arith.constant 15 : i32
          %parallel_loop3A_269 = vector.broadcast %parallel_loop3A_268 : i32 to vector<16xi32>
          %parallel_loop3A_270 = arith.andi %parallel_loop3A_267, %parallel_loop3A_269 : vector<16xi32>
          %parallel_loop3A_271 = arith.addi %parallel_loop3A_174, %parallel_loop3A_270 : vector<16xi32>
          %parallel_loop3A_272 = tpu.vector_load_idx %arg6[%parallel_loop3A_271] : memref<64000xf32, #tpu.memory_space<vmem>>[vector<16xi32>], vector<16xf32>,
          %parallel_loop3A_273 = vector.broadcast %parallel_loop3A_172 : i32 to vector<16xi32>
          %parallel_loop3A_274 = arith.addi %parallel_loop3A_270, %parallel_loop3A_273 : vector<16xi32>
          %parallel_loop3A_275 = arith.constant 0 : i32
          %parallel_loop3A_276 = arith.constant 0 : i32
          %parallel_loop3A_277 = arith.constant 0 : i32
          %parallel_loop3A_278 = tpu.memref_slice %arg7[%parallel_loop3A_275, %parallel_loop3A_276, %parallel_loop3A_277] : memref<2x64x128xf32, #tpu.memory_space<vmem>> -> memref<1x64x128xf32, #tpu.memory_space<vmem>>
          %parallel_loop3A_279 = tpu.memref_squeeze %parallel_loop3A_278 : memref<1x64x128xf32, #tpu.memory_space<vmem>> -> memref<64x128xf32, #tpu.memory_space<vmem>>
          tpu.vector_store_idx %parallel_loop3A_279[%parallel_loop3A_274, %parallel_loop3A_168], %parallel_loop3A_272 : memref<64x128xf32, #tpu.memory_space<vmem>>[vector<16xi32>, vector<16xi32>], vector<16xf32>,
          %parallel_loop3A_280 = arith.constant 7 : i32
          %parallel_loop3A_281 = vector.broadcast %parallel_loop3A_280 : i32 to vector<16xi32>
          %parallel_loop3A_282 = arith.addi %iota3A, %parallel_loop3A_281 : vector<16xi32>
          %parallel_loop3A_283 = arith.constant 15 : i32
          %parallel_loop3A_284 = vector.broadcast %parallel_loop3A_283 : i32 to vector<16xi32>
          %parallel_loop3A_285 = arith.andi %parallel_loop3A_282, %parallel_loop3A_284 : vector<16xi32>
          %parallel_loop3A_286 = arith.addi %parallel_loop3A_174, %parallel_loop3A_285 : vector<16xi32>
          %parallel_loop3A_287 = tpu.vector_load_idx %arg6[%parallel_loop3A_286] : memref<64000xf32, #tpu.memory_space<vmem>>[vector<16xi32>], vector<16xf32>,
          %parallel_loop3A_288 = vector.broadcast %parallel_loop3A_172 : i32 to vector<16xi32>
          %parallel_loop3A_289 = arith.addi %parallel_loop3A_285, %parallel_loop3A_288 : vector<16xi32>
          %parallel_loop3A_290 = arith.constant 0 : i32
          %parallel_loop3A_291 = arith.constant 0 : i32
          %parallel_loop3A_292 = arith.constant 0 : i32
          %parallel_loop3A_293 = tpu.memref_slice %arg7[%parallel_loop3A_290, %parallel_loop3A_291, %parallel_loop3A_292] : memref<2x64x128xf32, #tpu.memory_space<vmem>> -> memref<1x64x128xf32, #tpu.memory_space<vmem>>
          %parallel_loop3A_294 = tpu.memref_squeeze %parallel_loop3A_293 : memref<1x64x128xf32, #tpu.memory_space<vmem>> -> memref<64x128xf32, #tpu.memory_space<vmem>>
          tpu.vector_store_idx %parallel_loop3A_294[%parallel_loop3A_289, %parallel_loop3A_168], %parallel_loop3A_287 : memref<64x128xf32, #tpu.memory_space<vmem>>[vector<16xi32>, vector<16xi32>], vector<16xf32>,
          %parallel_loop3A_295 = arith.constant 8 : i32
          %parallel_loop3A_296 = vector.broadcast %parallel_loop3A_295 : i32 to vector<16xi32>
          %parallel_loop3A_297 = arith.addi %iota3A, %parallel_loop3A_296 : vector<16xi32>
          %parallel_loop3A_298 = arith.constant 15 : i32
          %parallel_loop3A_299 = vector.broadcast %parallel_loop3A_298 : i32 to vector<16xi32>
          %parallel_loop3A_300 = arith.andi %parallel_loop3A_297, %parallel_loop3A_299 : vector<16xi32>
          %parallel_loop3A_301 = arith.addi %parallel_loop3A_174, %parallel_loop3A_300 : vector<16xi32>
          %parallel_loop3A_302 = tpu.vector_load_idx %arg6[%parallel_loop3A_301] : memref<64000xf32, #tpu.memory_space<vmem>>[vector<16xi32>], vector<16xf32>,
          %parallel_loop3A_303 = vector.broadcast %parallel_loop3A_172 : i32 to vector<16xi32>
          %parallel_loop3A_304 = arith.addi %parallel_loop3A_300, %parallel_loop3A_303 : vector<16xi32>
          %parallel_loop3A_305 = arith.constant 0 : i32
          %parallel_loop3A_306 = arith.constant 0 : i32
          %parallel_loop3A_307 = arith.constant 0 : i32
          %parallel_loop3A_308 = tpu.memref_slice %arg7[%parallel_loop3A_305, %parallel_loop3A_306, %parallel_loop3A_307] : memref<2x64x128xf32, #tpu.memory_space<vmem>> -> memref<1x64x128xf32, #tpu.memory_space<vmem>>
          %parallel_loop3A_309 = tpu.memref_squeeze %parallel_loop3A_308 : memref<1x64x128xf32, #tpu.memory_space<vmem>> -> memref<64x128xf32, #tpu.memory_space<vmem>>
          tpu.vector_store_idx %parallel_loop3A_309[%parallel_loop3A_304, %parallel_loop3A_168], %parallel_loop3A_302 : memref<64x128xf32, #tpu.memory_space<vmem>>[vector<16xi32>, vector<16xi32>], vector<16xf32>,
          %parallel_loop3A_310 = arith.constant 9 : i32
          %parallel_loop3A_311 = vector.broadcast %parallel_loop3A_310 : i32 to vector<16xi32>
          %parallel_loop3A_312 = arith.addi %iota3A, %parallel_loop3A_311 : vector<16xi32>
          %parallel_loop3A_313 = arith.constant 15 : i32
          %parallel_loop3A_314 = vector.broadcast %parallel_loop3A_313 : i32 to vector<16xi32>
          %parallel_loop3A_315 = arith.andi %parallel_loop3A_312, %parallel_loop3A_314 : vector<16xi32>
          %parallel_loop3A_316 = arith.addi %parallel_loop3A_174, %parallel_loop3A_315 : vector<16xi32>
          %parallel_loop3A_317 = tpu.vector_load_idx %arg6[%parallel_loop3A_316] : memref<64000xf32, #tpu.memory_space<vmem>>[vector<16xi32>], vector<16xf32>,
          %parallel_loop3A_318 = vector.broadcast %parallel_loop3A_172 : i32 to vector<16xi32>
          %parallel_loop3A_319 = arith.addi %parallel_loop3A_315, %parallel_loop3A_318 : vector<16xi32>
          %parallel_loop3A_320 = arith.constant 0 : i32
          %parallel_loop3A_321 = arith.constant 0 : i32
          %parallel_loop3A_322 = arith.constant 0 : i32
          %parallel_loop3A_323 = tpu.memref_slice %arg7[%parallel_loop3A_320, %parallel_loop3A_321, %parallel_loop3A_322] : memref<2x64x128xf32, #tpu.memory_space<vmem>> -> memref<1x64x128xf32, #tpu.memory_space<vmem>>
          %parallel_loop3A_324 = tpu.memref_squeeze %parallel_loop3A_323 : memref<1x64x128xf32, #tpu.memory_space<vmem>> -> memref<64x128xf32, #tpu.memory_space<vmem>>
          tpu.vector_store_idx %parallel_loop3A_324[%parallel_loop3A_319, %parallel_loop3A_168], %parallel_loop3A_317 : memref<64x128xf32, #tpu.memory_space<vmem>>[vector<16xi32>, vector<16xi32>], vector<16xf32>,
          %parallel_loop3A_325 = arith.constant 10 : i32
          %parallel_loop3A_326 = vector.broadcast %parallel_loop3A_325 : i32 to vector<16xi32>
          %parallel_loop3A_327 = arith.addi %iota3A, %parallel_loop3A_326 : vector<16xi32>
          %parallel_loop3A_328 = arith.constant 15 : i32
          %parallel_loop3A_329 = vector.broadcast %parallel_loop3A_328 : i32 to vector<16xi32>
          %parallel_loop3A_330 = arith.andi %parallel_loop3A_327, %parallel_loop3A_329 : vector<16xi32>
          %parallel_loop3A_331 = arith.addi %parallel_loop3A_174, %parallel_loop3A_330 : vector<16xi32>
          %parallel_loop3A_332 = tpu.vector_load_idx %arg6[%parallel_loop3A_331] : memref<64000xf32, #tpu.memory_space<vmem>>[vector<16xi32>], vector<16xf32>,
          %parallel_loop3A_333 = vector.broadcast %parallel_loop3A_172 : i32 to vector<16xi32>
          %parallel_loop3A_334 = arith.addi %parallel_loop3A_330, %parallel_loop3A_333 : vector<16xi32>
          %parallel_loop3A_335 = arith.constant 0 : i32
          %parallel_loop3A_336 = arith.constant 0 : i32
          %parallel_loop3A_337 = arith.constant 0 : i32
          %parallel_loop3A_338 = tpu.memref_slice %arg7[%parallel_loop3A_335, %parallel_loop3A_336, %parallel_loop3A_337] : memref<2x64x128xf32, #tpu.memory_space<vmem>> -> memref<1x64x128xf32, #tpu.memory_space<vmem>>
          %parallel_loop3A_339 = tpu.memref_squeeze %parallel_loop3A_338 : memref<1x64x128xf32, #tpu.memory_space<vmem>> -> memref<64x128xf32, #tpu.memory_space<vmem>>
          tpu.vector_store_idx %parallel_loop3A_339[%parallel_loop3A_334, %parallel_loop3A_168], %parallel_loop3A_332 : memref<64x128xf32, #tpu.memory_space<vmem>>[vector<16xi32>, vector<16xi32>], vector<16xf32>,
          %parallel_loop3A_340 = arith.constant 11 : i32
          %parallel_loop3A_341 = vector.broadcast %parallel_loop3A_340 : i32 to vector<16xi32>
          %parallel_loop3A_342 = arith.addi %iota3A, %parallel_loop3A_341 : vector<16xi32>
          %parallel_loop3A_343 = arith.constant 15 : i32
          %parallel_loop3A_344 = vector.broadcast %parallel_loop3A_343 : i32 to vector<16xi32>
          %parallel_loop3A_345 = arith.andi %parallel_loop3A_342, %parallel_loop3A_344 : vector<16xi32>
          %parallel_loop3A_346 = arith.addi %parallel_loop3A_174, %parallel_loop3A_345 : vector<16xi32>
          %parallel_loop3A_347 = tpu.vector_load_idx %arg6[%parallel_loop3A_346] : memref<64000xf32, #tpu.memory_space<vmem>>[vector<16xi32>], vector<16xf32>,
          %parallel_loop3A_348 = vector.broadcast %parallel_loop3A_172 : i32 to vector<16xi32>
          %parallel_loop3A_349 = arith.addi %parallel_loop3A_345, %parallel_loop3A_348 : vector<16xi32>
          %parallel_loop3A_350 = arith.constant 0 : i32
          %parallel_loop3A_351 = arith.constant 0 : i32
          %parallel_loop3A_352 = arith.constant 0 : i32
          %parallel_loop3A_353 = tpu.memref_slice %arg7[%parallel_loop3A_350, %parallel_loop3A_351, %parallel_loop3A_352] : memref<2x64x128xf32, #tpu.memory_space<vmem>> -> memref<1x64x128xf32, #tpu.memory_space<vmem>>
          %parallel_loop3A_354 = tpu.memref_squeeze %parallel_loop3A_353 : memref<1x64x128xf32, #tpu.memory_space<vmem>> -> memref<64x128xf32, #tpu.memory_space<vmem>>
          tpu.vector_store_idx %parallel_loop3A_354[%parallel_loop3A_349, %parallel_loop3A_168], %parallel_loop3A_347 : memref<64x128xf32, #tpu.memory_space<vmem>>[vector<16xi32>, vector<16xi32>], vector<16xf32>,
          %parallel_loop3A_355 = arith.constant 12 : i32
          %parallel_loop3A_356 = vector.broadcast %parallel_loop3A_355 : i32 to vector<16xi32>
          %parallel_loop3A_357 = arith.addi %iota3A, %parallel_loop3A_356 : vector<16xi32>
          %parallel_loop3A_358 = arith.constant 15 : i32
          %parallel_loop3A_359 = vector.broadcast %parallel_loop3A_358 : i32 to vector<16xi32>
          %parallel_loop3A_360 = arith.andi %parallel_loop3A_357, %parallel_loop3A_359 : vector<16xi32>
          %parallel_loop3A_361 = arith.addi %parallel_loop3A_174, %parallel_loop3A_360 : vector<16xi32>
          %parallel_loop3A_362 = tpu.vector_load_idx %arg6[%parallel_loop3A_361] : memref<64000xf32, #tpu.memory_space<vmem>>[vector<16xi32>], vector<16xf32>,
          %parallel_loop3A_363 = vector.broadcast %parallel_loop3A_172 : i32 to vector<16xi32>
          %parallel_loop3A_364 = arith.addi %parallel_loop3A_360, %parallel_loop3A_363 : vector<16xi32>
          %parallel_loop3A_365 = arith.constant 0 : i32
          %parallel_loop3A_366 = arith.constant 0 : i32
          %parallel_loop3A_367 = arith.constant 0 : i32
          %parallel_loop3A_368 = tpu.memref_slice %arg7[%parallel_loop3A_365, %parallel_loop3A_366, %parallel_loop3A_367] : memref<2x64x128xf32, #tpu.memory_space<vmem>> -> memref<1x64x128xf32, #tpu.memory_space<vmem>>
          %parallel_loop3A_369 = tpu.memref_squeeze %parallel_loop3A_368 : memref<1x64x128xf32, #tpu.memory_space<vmem>> -> memref<64x128xf32, #tpu.memory_space<vmem>>
          tpu.vector_store_idx %parallel_loop3A_369[%parallel_loop3A_364, %parallel_loop3A_168], %parallel_loop3A_362 : memref<64x128xf32, #tpu.memory_space<vmem>>[vector<16xi32>, vector<16xi32>], vector<16xf32>,
          %parallel_loop3A_370 = arith.constant 13 : i32
          %parallel_loop3A_371 = vector.broadcast %parallel_loop3A_370 : i32 to vector<16xi32>
          %parallel_loop3A_372 = arith.addi %iota3A, %parallel_loop3A_371 : vector<16xi32>
          %parallel_loop3A_373 = arith.constant 15 : i32
          %parallel_loop3A_374 = vector.broadcast %parallel_loop3A_373 : i32 to vector<16xi32>
          %parallel_loop3A_375 = arith.andi %parallel_loop3A_372, %parallel_loop3A_374 : vector<16xi32>
          %parallel_loop3A_376 = arith.addi %parallel_loop3A_174, %parallel_loop3A_375 : vector<16xi32>
          %parallel_loop3A_377 = tpu.vector_load_idx %arg6[%parallel_loop3A_376] : memref<64000xf32, #tpu.memory_space<vmem>>[vector<16xi32>], vector<16xf32>,
          %parallel_loop3A_378 = vector.broadcast %parallel_loop3A_172 : i32 to vector<16xi32>
          %parallel_loop3A_379 = arith.addi %parallel_loop3A_375, %parallel_loop3A_378 : vector<16xi32>
          %parallel_loop3A_380 = arith.constant 0 : i32
          %parallel_loop3A_381 = arith.constant 0 : i32
          %parallel_loop3A_382 = arith.constant 0 : i32
          %parallel_loop3A_383 = tpu.memref_slice %arg7[%parallel_loop3A_380, %parallel_loop3A_381, %parallel_loop3A_382] : memref<2x64x128xf32, #tpu.memory_space<vmem>> -> memref<1x64x128xf32, #tpu.memory_space<vmem>>
          %parallel_loop3A_384 = tpu.memref_squeeze %parallel_loop3A_383 : memref<1x64x128xf32, #tpu.memory_space<vmem>> -> memref<64x128xf32, #tpu.memory_space<vmem>>
          tpu.vector_store_idx %parallel_loop3A_384[%parallel_loop3A_379, %parallel_loop3A_168], %parallel_loop3A_377 : memref<64x128xf32, #tpu.memory_space<vmem>>[vector<16xi32>, vector<16xi32>], vector<16xf32>,
          %parallel_loop3A_385 = arith.constant 14 : i32
          %parallel_loop3A_386 = vector.broadcast %parallel_loop3A_385 : i32 to vector<16xi32>
          %parallel_loop3A_387 = arith.addi %iota3A, %parallel_loop3A_386 : vector<16xi32>
          %parallel_loop3A_388 = arith.constant 15 : i32
          %parallel_loop3A_389 = vector.broadcast %parallel_loop3A_388 : i32 to vector<16xi32>
          %parallel_loop3A_390 = arith.andi %parallel_loop3A_387, %parallel_loop3A_389 : vector<16xi32>
          %parallel_loop3A_391 = arith.addi %parallel_loop3A_174, %parallel_loop3A_390 : vector<16xi32>
          %parallel_loop3A_392 = tpu.vector_load_idx %arg6[%parallel_loop3A_391] : memref<64000xf32, #tpu.memory_space<vmem>>[vector<16xi32>], vector<16xf32>,
          %parallel_loop3A_393 = vector.broadcast %parallel_loop3A_172 : i32 to vector<16xi32>
          %parallel_loop3A_394 = arith.addi %parallel_loop3A_390, %parallel_loop3A_393 : vector<16xi32>
          %parallel_loop3A_395 = arith.constant 0 : i32
          %parallel_loop3A_396 = arith.constant 0 : i32
          %parallel_loop3A_397 = arith.constant 0 : i32
          %parallel_loop3A_398 = tpu.memref_slice %arg7[%parallel_loop3A_395, %parallel_loop3A_396, %parallel_loop3A_397] : memref<2x64x128xf32, #tpu.memory_space<vmem>> -> memref<1x64x128xf32, #tpu.memory_space<vmem>>
          %parallel_loop3A_399 = tpu.memref_squeeze %parallel_loop3A_398 : memref<1x64x128xf32, #tpu.memory_space<vmem>> -> memref<64x128xf32, #tpu.memory_space<vmem>>
          tpu.vector_store_idx %parallel_loop3A_399[%parallel_loop3A_394, %parallel_loop3A_168], %parallel_loop3A_392 : memref<64x128xf32, #tpu.memory_space<vmem>>[vector<16xi32>, vector<16xi32>], vector<16xf32>,
          %parallel_loop3A_400 = arith.constant 15 : i32
          %parallel_loop3A_401 = vector.broadcast %parallel_loop3A_400 : i32 to vector<16xi32>
          %parallel_loop3A_402 = arith.addi %iota3A, %parallel_loop3A_401 : vector<16xi32>
          %parallel_loop3A_403 = arith.constant 15 : i32
          %parallel_loop3A_404 = vector.broadcast %parallel_loop3A_403 : i32 to vector<16xi32>
          %parallel_loop3A_405 = arith.andi %parallel_loop3A_402, %parallel_loop3A_404 : vector<16xi32>
          %parallel_loop3A_406 = arith.addi %parallel_loop3A_174, %parallel_loop3A_405 : vector<16xi32>
          %parallel_loop3A_407 = tpu.vector_load_idx %arg6[%parallel_loop3A_406] : memref<64000xf32, #tpu.memory_space<vmem>>[vector<16xi32>], vector<16xf32>,
          %parallel_loop3A_408 = vector.broadcast %parallel_loop3A_172 : i32 to vector<16xi32>
          %parallel_loop3A_409 = arith.addi %parallel_loop3A_405, %parallel_loop3A_408 : vector<16xi32>
          %parallel_loop3A_410 = arith.constant 0 : i32
          %parallel_loop3A_411 = arith.constant 0 : i32
          %parallel_loop3A_412 = arith.constant 0 : i32
          %parallel_loop3A_413 = tpu.memref_slice %arg7[%parallel_loop3A_410, %parallel_loop3A_411, %parallel_loop3A_412] : memref<2x64x128xf32, #tpu.memory_space<vmem>> -> memref<1x64x128xf32, #tpu.memory_space<vmem>>
          %parallel_loop3A_414 = tpu.memref_squeeze %parallel_loop3A_413 : memref<1x64x128xf32, #tpu.memory_space<vmem>> -> memref<64x128xf32, #tpu.memory_space<vmem>>
          tpu.vector_store_idx %parallel_loop3A_414[%parallel_loop3A_409, %parallel_loop3A_168], %parallel_loop3A_407 : memref<64x128xf32, #tpu.memory_space<vmem>>[vector<16xi32>, vector<16xi32>], vector<16xf32>,
        } {sc.loop_unroll_factor = 1 : i64, sc.parallel_access}
      } {sc.loop_unroll_factor = 4 : i64, sc.parallel_access}
      %dma_start3A_103 = arith.constant 0 : i32
      %dma_start3A_104 = arith.constant 0 : i32
      %dma_start3A_105 = arith.constant 0 : i32
      %dma_start3A_106 = tpu.memref_slice %arg7[%dma_start3A_103, %dma_start3A_104, %dma_start3A_105] : memref<2x64x128xf32, #tpu.memory_space<vmem>> -> memref<1x64x128xf32, #tpu.memory_space<vmem>>
      %dma_start3A_107 = tpu.memref_squeeze %dma_start3A_106 : memref<1x64x128xf32, #tpu.memory_space<vmem>> -> memref<64x128xf32, #tpu.memory_space<vmem>>
      %dma_start3A_108 = arith.constant 0 : i32
      %dma_start3A_109 = tpu.memref_slice %arg4[%add3A_85, %dma_start3A_108, %mul3A_2] : memref<200x64x4096xf32, #tpu.memory_space<hbm>> -> memref<1x64x128xf32, #tpu.memory_space<hbm>>
      %dma_start3A_110 = tpu.memref_squeeze %dma_start3A_109 : memref<1x64x128xf32, #tpu.memory_space<hbm>> -> memref<64x128xf32, #tpu.memory_space<hbm>>
      %dma_start3A_111 = arith.constant 0 : i32
      %dma_start3A_112 = tpu.memref_slice %arg4[%add3A_85, %dma_start3A_111, %mul3A_2] : memref<200x64x4096xf32, #tpu.memory_space<hbm>> -> memref<1x64x128xf32, #tpu.memory_space<hbm>>
      %dma_start3A_113 = tpu.memref_squeeze %dma_start3A_112 : memref<1x64x128xf32, #tpu.memory_space<hbm>> -> memref<64x128xf32, #tpu.memory_space<hbm>>
      %dma_start3A_114 = arith.constant 0 : i32
      %dma_start3A_115 = arith.constant 0 : i32
      %dma_start3A_116 = tpu.memref_slice %arg7[%dma_start3A_103, %dma_start3A_114, %dma_start3A_115] : memref<2x64x128xf32, #tpu.memory_space<vmem>> -> memref<1x64x128xf32, #tpu.memory_space<vmem>>
      %dma_start3A_117 = tpu.memref_squeeze %dma_start3A_116 : memref<1x64x128xf32, #tpu.memory_space<vmem>> -> memref<64x128xf32, #tpu.memory_space<vmem>>
      tpu.enqueue_dma source(%dma_start3A_117 : memref<64x128xf32, #tpu.memory_space<vmem>>) target(%dma_start3A_113 : memref<64x128xf32, #tpu.memory_space<hbm>>) target_semaphore(%arg8 : memref<!tpu.dma_semaphore, #tpu.memory_space<semaphore_mem>>)
      %mul3A_118 = arith.constant 2 : i32
      %mul3A_119 = arith.muli %scan3A_79, %mul3A_118 : i32
      %add3A_120 = arith.constant 2 : i32
      %add3A_121 = arith.addi %add3A_120, %mul3A_119 : i32
      %add3A_122 = arith.constant 1 : i32
      %add3A_123 = arith.addi %add3A_121, %add3A_122 : i32
      %dma_wait3A_124 = arith.constant 0 : i32
      %dma_wait3A_125 = arith.constant 0 : i32
      %dma_wait3A_126 = tpu.memref_slice %arg7[%scan3A_41, %dma_wait3A_124, %dma_wait3A_125] : memref<2x64x128xf32, #tpu.memory_space<vmem>> -> memref<1x64x128xf32, #tpu.memory_space<vmem>>
      %dma_wait3A_127 = tpu.memref_squeeze %dma_wait3A_126 : memref<1x64x128xf32, #tpu.memory_space<vmem>> -> memref<64x128xf32, #tpu.memory_space<vmem>>
      %dma_wait3A_128 = arith.constant 0 : i32
      %dma_wait3A_129 = tpu.memref_slice %arg4[%scan3A_42, %dma_wait3A_128, %mul3A_2] : memref<200x64x4096xf32, #tpu.memory_space<hbm>> -> memref<1x64x128xf32, #tpu.memory_space<hbm>>
      %dma_wait3A_130 = tpu.memref_squeeze %dma_wait3A_129 : memref<1x64x128xf32, #tpu.memory_space<hbm>> -> memref<64x128xf32, #tpu.memory_space<hbm>>
      %dma_wait3A_131 = arith.constant 0 : i32
      %dma_wait3A_132 = tpu.memref_slice %arg4[%scan3A_42, %dma_wait3A_131, %mul3A_2] : memref<200x64x4096xf32, #tpu.memory_space<hbm>> -> memref<1x64x128xf32, #tpu.memory_space<hbm>>
      %dma_wait3A_133 = tpu.memref_squeeze %dma_wait3A_132 : memref<1x64x128xf32, #tpu.memory_space<hbm>> -> memref<64x128xf32, #tpu.memory_space<hbm>>
      %dma_wait3A_134 = arith.constant 0 : i32
      %dma_wait3A_135 = arith.constant 0 : i32
      %dma_wait3A_136 = tpu.memref_slice %arg7[%scan3A_41, %dma_wait3A_134, %dma_wait3A_135] : memref<2x64x128xf32, #tpu.memory_space<vmem>> -> memref<1x64x128xf32, #tpu.memory_space<vmem>>
      %dma_wait3A_137 = tpu.memref_squeeze %dma_wait3A_136 : memref<1x64x128xf32, #tpu.memory_space<vmem>> -> memref<64x128xf32, #tpu.memory_space<vmem>>
      tpu.wait_dma2 semaphore(%arg9 : memref<!tpu.dma_semaphore, #tpu.memory_space<semaphore_mem>>) src(%dma_wait3A_137 : memref<64x128xf32, #tpu.memory_space<vmem>>) dst(%dma_wait3A_133 : memref<64x128xf32, #tpu.memory_space<hbm>>)
      %parallel_loop3A_138 = arith.constant 0 : i32
      %parallel_loop3A_139 = arith.constant 8 : i32
      %parallel_loop3A_140 = arith.constant 1 : i32
      scf.for %parallel_loop3A_156 = %parallel_loop3A_138 to %parallel_loop3A_139 step %parallel_loop3A_140  : i32 {
        %parallel_loop3A_157 = arith.constant 16 : i32
        %parallel_loop3A_158 = arith.muli %parallel_loop3A_156, %parallel_loop3A_157 : i32
        %parallel_loop3A_159 = arith.index_cast %add3A_123 : i32 to index
        %parallel_loop3A_160 = arith.index_cast %parallel_loop3A_158 : i32 to index
        %parallel_loop3A_161 = tpu.vector_load %arg5[%parallel_loop3A_159, %parallel_loop3A_160] {strides = array<i32>} : memref<200x128xi32, #tpu.memory_space<vmem>>, vector<16xi32>,
        %parallel_loop3A_162 = arith.constant 64 : i32
        %parallel_loop3A_163 = vector.broadcast %parallel_loop3A_162 : i32 to vector<16xi32>
        %parallel_loop3A_164 = arith.muli %parallel_loop3A_161, %parallel_loop3A_163 : vector<16xi32>
        %parallel_loop3A_165 = arith.constant 16 : i32
        %parallel_loop3A_166 = arith.muli %parallel_loop3A_156, %parallel_loop3A_165 : i32
        %parallel_loop3A_167 = vector.broadcast %parallel_loop3A_166 : i32 to vector<16xi32>
        %parallel_loop3A_168 = arith.addi %iota3A, %parallel_loop3A_167 : vector<16xi32>
        %parallel_loop3A_169 = arith.constant 0 : i32
        %parallel_loop3A_170 = arith.constant 64 : i32
        %parallel_loop3A_171 = arith.constant 16 : i32
        scf.for %parallel_loop3A_172 = %parallel_loop3A_169 to %parallel_loop3A_170 step %parallel_loop3A_171  : i32 {
          %parallel_loop3A_173 = vector.broadcast %parallel_loop3A_172 : i32 to vector<16xi32>
          %parallel_loop3A_174 = arith.addi %parallel_loop3A_164, %parallel_loop3A_173 : vector<16xi32>
          %parallel_loop3A_175 = arith.constant 0 : i32
          %parallel_loop3A_176 = vector.broadcast %parallel_loop3A_175 : i32 to vector<16xi32>
          %parallel_loop3A_177 = arith.addi %iota3A, %parallel_loop3A_176 : vector<16xi32>
          %parallel_loop3A_178 = arith.constant 15 : i32
          %parallel_loop3A_179 = vector.broadcast %parallel_loop3A_178 : i32 to vector<16xi32>
          %parallel_loop3A_180 = arith.andi %parallel_loop3A_177, %parallel_loop3A_179 : vector<16xi32>
          %parallel_loop3A_181 = arith.addi %parallel_loop3A_174, %parallel_loop3A_180 : vector<16xi32>
          %parallel_loop3A_182 = tpu.vector_load_idx %arg6[%parallel_loop3A_181] : memref<64000xf32, #tpu.memory_space<vmem>>[vector<16xi32>], vector<16xf32>,
          %parallel_loop3A_183 = vector.broadcast %parallel_loop3A_172 : i32 to vector<16xi32>
          %parallel_loop3A_184 = arith.addi %parallel_loop3A_180, %parallel_loop3A_183 : vector<16xi32>
          %parallel_loop3A_185 = arith.constant 1 : i32
          %parallel_loop3A_186 = arith.constant 0 : i32
          %parallel_loop3A_187 = arith.constant 0 : i32
          %parallel_loop3A_188 = tpu.memref_slice %arg7[%parallel_loop3A_185, %parallel_loop3A_186, %parallel_loop3A_187] : memref<2x64x128xf32, #tpu.memory_space<vmem>> -> memref<1x64x128xf32, #tpu.memory_space<vmem>>
          %parallel_loop3A_189 = tpu.memref_squeeze %parallel_loop3A_188 : memref<1x64x128xf32, #tpu.memory_space<vmem>> -> memref<64x128xf32, #tpu.memory_space<vmem>>
          tpu.vector_store_idx %parallel_loop3A_189[%parallel_loop3A_184, %parallel_loop3A_168], %parallel_loop3A_182 : memref<64x128xf32, #tpu.memory_space<vmem>>[vector<16xi32>, vector<16xi32>], vector<16xf32>,
          %parallel_loop3A_190 = arith.constant 1 : i32
          %parallel_loop3A_191 = vector.broadcast %parallel_loop3A_190 : i32 to vector<16xi32>
          %parallel_loop3A_192 = arith.addi %iota3A, %parallel_loop3A_191 : vector<16xi32>
          %parallel_loop3A_193 = arith.constant 15 : i32
          %parallel_loop3A_194 = vector.broadcast %parallel_loop3A_193 : i32 to vector<16xi32>
          %parallel_loop3A_195 = arith.andi %parallel_loop3A_192, %parallel_loop3A_194 : vector<16xi32>
          %parallel_loop3A_196 = arith.addi %parallel_loop3A_174, %parallel_loop3A_195 : vector<16xi32>
          %parallel_loop3A_197 = tpu.vector_load_idx %arg6[%parallel_loop3A_196] : memref<64000xf32, #tpu.memory_space<vmem>>[vector<16xi32>], vector<16xf32>,
          %parallel_loop3A_198 = vector.broadcast %parallel_loop3A_172 : i32 to vector<16xi32>
          %parallel_loop3A_199 = arith.addi %parallel_loop3A_195, %parallel_loop3A_198 : vector<16xi32>
          %parallel_loop3A_200 = arith.constant 1 : i32
          %parallel_loop3A_201 = arith.constant 0 : i32
          %parallel_loop3A_202 = arith.constant 0 : i32
          %parallel_loop3A_203 = tpu.memref_slice %arg7[%parallel_loop3A_200, %parallel_loop3A_201, %parallel_loop3A_202] : memref<2x64x128xf32, #tpu.memory_space<vmem>> -> memref<1x64x128xf32, #tpu.memory_space<vmem>>
          %parallel_loop3A_204 = tpu.memref_squeeze %parallel_loop3A_203 : memref<1x64x128xf32, #tpu.memory_space<vmem>> -> memref<64x128xf32, #tpu.memory_space<vmem>>
          tpu.vector_store_idx %parallel_loop3A_204[%parallel_loop3A_199, %parallel_loop3A_168], %parallel_loop3A_197 : memref<64x128xf32, #tpu.memory_space<vmem>>[vector<16xi32>, vector<16xi32>], vector<16xf32>,
          %parallel_loop3A_205 = arith.constant 2 : i32
          %parallel_loop3A_206 = vector.broadcast %parallel_loop3A_205 : i32 to vector<16xi32>
          %parallel_loop3A_207 = arith.addi %iota3A, %parallel_loop3A_206 : vector<16xi32>
          %parallel_loop3A_208 = arith.constant 15 : i32
          %parallel_loop3A_209 = vector.broadcast %parallel_loop3A_208 : i32 to vector<16xi32>
          %parallel_loop3A_210 = arith.andi %parallel_loop3A_207, %parallel_loop3A_209 : vector<16xi32>
          %parallel_loop3A_211 = arith.addi %parallel_loop3A_174, %parallel_loop3A_210 : vector<16xi32>
          %parallel_loop3A_212 = tpu.vector_load_idx %arg6[%parallel_loop3A_211] : memref<64000xf32, #tpu.memory_space<vmem>>[vector<16xi32>], vector<16xf32>,
          %parallel_loop3A_213 = vector.broadcast %parallel_loop3A_172 : i32 to vector<16xi32>
          %parallel_loop3A_214 = arith.addi %parallel_loop3A_210, %parallel_loop3A_213 : vector<16xi32>
          %parallel_loop3A_215 = arith.constant 1 : i32
          %parallel_loop3A_216 = arith.constant 0 : i32
          %parallel_loop3A_217 = arith.constant 0 : i32
          %parallel_loop3A_218 = tpu.memref_slice %arg7[%parallel_loop3A_215, %parallel_loop3A_216, %parallel_loop3A_217] : memref<2x64x128xf32, #tpu.memory_space<vmem>> -> memref<1x64x128xf32, #tpu.memory_space<vmem>>
          %parallel_loop3A_219 = tpu.memref_squeeze %parallel_loop3A_218 : memref<1x64x128xf32, #tpu.memory_space<vmem>> -> memref<64x128xf32, #tpu.memory_space<vmem>>
          tpu.vector_store_idx %parallel_loop3A_219[%parallel_loop3A_214, %parallel_loop3A_168], %parallel_loop3A_212 : memref<64x128xf32, #tpu.memory_space<vmem>>[vector<16xi32>, vector<16xi32>], vector<16xf32>,
          %parallel_loop3A_220 = arith.constant 3 : i32
          %parallel_loop3A_221 = vector.broadcast %parallel_loop3A_220 : i32 to vector<16xi32>
          %parallel_loop3A_222 = arith.addi %iota3A, %parallel_loop3A_221 : vector<16xi32>
          %parallel_loop3A_223 = arith.constant 15 : i32
          %parallel_loop3A_224 = vector.broadcast %parallel_loop3A_223 : i32 to vector<16xi32>
          %parallel_loop3A_225 = arith.andi %parallel_loop3A_222, %parallel_loop3A_224 : vector<16xi32>
          %parallel_loop3A_226 = arith.addi %parallel_loop3A_174, %parallel_loop3A_225 : vector<16xi32>
          %parallel_loop3A_227 = tpu.vector_load_idx %arg6[%parallel_loop3A_226] : memref<64000xf32, #tpu.memory_space<vmem>>[vector<16xi32>], vector<16xf32>,
          %parallel_loop3A_228 = vector.broadcast %parallel_loop3A_172 : i32 to vector<16xi32>
          %parallel_loop3A_229 = arith.addi %parallel_loop3A_225, %parallel_loop3A_228 : vector<16xi32>
          %parallel_loop3A_230 = arith.constant 1 : i32
          %parallel_loop3A_231 = arith.constant 0 : i32
          %parallel_loop3A_232 = arith.constant 0 : i32
          %parallel_loop3A_233 = tpu.memref_slice %arg7[%parallel_loop3A_230, %parallel_loop3A_231, %parallel_loop3A_232] : memref<2x64x128xf32, #tpu.memory_space<vmem>> -> memref<1x64x128xf32, #tpu.memory_space<vmem>>
          %parallel_loop3A_234 = tpu.memref_squeeze %parallel_loop3A_233 : memref<1x64x128xf32, #tpu.memory_space<vmem>> -> memref<64x128xf32, #tpu.memory_space<vmem>>
          tpu.vector_store_idx %parallel_loop3A_234[%parallel_loop3A_229, %parallel_loop3A_168], %parallel_loop3A_227 : memref<64x128xf32, #tpu.memory_space<vmem>>[vector<16xi32>, vector<16xi32>], vector<16xf32>,
          %parallel_loop3A_235 = arith.constant 4 : i32
          %parallel_loop3A_236 = vector.broadcast %parallel_loop3A_235 : i32 to vector<16xi32>
          %parallel_loop3A_237 = arith.addi %iota3A, %parallel_loop3A_236 : vector<16xi32>
          %parallel_loop3A_238 = arith.constant 15 : i32
          %parallel_loop3A_239 = vector.broadcast %parallel_loop3A_238 : i32 to vector<16xi32>
          %parallel_loop3A_240 = arith.andi %parallel_loop3A_237, %parallel_loop3A_239 : vector<16xi32>
          %parallel_loop3A_241 = arith.addi %parallel_loop3A_174, %parallel_loop3A_240 : vector<16xi32>
          %parallel_loop3A_242 = tpu.vector_load_idx %arg6[%parallel_loop3A_241] : memref<64000xf32, #tpu.memory_space<vmem>>[vector<16xi32>], vector<16xf32>,
          %parallel_loop3A_243 = vector.broadcast %parallel_loop3A_172 : i32 to vector<16xi32>
          %parallel_loop3A_244 = arith.addi %parallel_loop3A_240, %parallel_loop3A_243 : vector<16xi32>
          %parallel_loop3A_245 = arith.constant 1 : i32
          %parallel_loop3A_246 = arith.constant 0 : i32
          %parallel_loop3A_247 = arith.constant 0 : i32
          %parallel_loop3A_248 = tpu.memref_slice %arg7[%parallel_loop3A_245, %parallel_loop3A_246, %parallel_loop3A_247] : memref<2x64x128xf32, #tpu.memory_space<vmem>> -> memref<1x64x128xf32, #tpu.memory_space<vmem>>
          %parallel_loop3A_249 = tpu.memref_squeeze %parallel_loop3A_248 : memref<1x64x128xf32, #tpu.memory_space<vmem>> -> memref<64x128xf32, #tpu.memory_space<vmem>>
          tpu.vector_store_idx %parallel_loop3A_249[%parallel_loop3A_244, %parallel_loop3A_168], %parallel_loop3A_242 : memref<64x128xf32, #tpu.memory_space<vmem>>[vector<16xi32>, vector<16xi32>], vector<16xf32>,
          %parallel_loop3A_250 = arith.constant 5 : i32
          %parallel_loop3A_251 = vector.broadcast %parallel_loop3A_250 : i32 to vector<16xi32>
          %parallel_loop3A_252 = arith.addi %iota3A, %parallel_loop3A_251 : vector<16xi32>
          %parallel_loop3A_253 = arith.constant 15 : i32
          %parallel_loop3A_254 = vector.broadcast %parallel_loop3A_253 : i32 to vector<16xi32>
          %parallel_loop3A_255 = arith.andi %parallel_loop3A_252, %parallel_loop3A_254 : vector<16xi32>
          %parallel_loop3A_256 = arith.addi %parallel_loop3A_174, %parallel_loop3A_255 : vector<16xi32>
          %parallel_loop3A_257 = tpu.vector_load_idx %arg6[%parallel_loop3A_256] : memref<64000xf32, #tpu.memory_space<vmem>>[vector<16xi32>], vector<16xf32>,
          %parallel_loop3A_258 = vector.broadcast %parallel_loop3A_172 : i32 to vector<16xi32>
          %parallel_loop3A_259 = arith.addi %parallel_loop3A_255, %parallel_loop3A_258 : vector<16xi32>
          %parallel_loop3A_260 = arith.constant 1 : i32
          %parallel_loop3A_261 = arith.constant 0 : i32
          %parallel_loop3A_262 = arith.constant 0 : i32
          %parallel_loop3A_263 = tpu.memref_slice %arg7[%parallel_loop3A_260, %parallel_loop3A_261, %parallel_loop3A_262] : memref<2x64x128xf32, #tpu.memory_space<vmem>> -> memref<1x64x128xf32, #tpu.memory_space<vmem>>
          %parallel_loop3A_264 = tpu.memref_squeeze %parallel_loop3A_263 : memref<1x64x128xf32, #tpu.memory_space<vmem>> -> memref<64x128xf32, #tpu.memory_space<vmem>>
          tpu.vector_store_idx %parallel_loop3A_264[%parallel_loop3A_259, %parallel_loop3A_168], %parallel_loop3A_257 : memref<64x128xf32, #tpu.memory_space<vmem>>[vector<16xi32>, vector<16xi32>], vector<16xf32>,
          %parallel_loop3A_265 = arith.constant 6 : i32
          %parallel_loop3A_266 = vector.broadcast %parallel_loop3A_265 : i32 to vector<16xi32>
          %parallel_loop3A_267 = arith.addi %iota3A, %parallel_loop3A_266 : vector<16xi32>
          %parallel_loop3A_268 = arith.constant 15 : i32
          %parallel_loop3A_269 = vector.broadcast %parallel_loop3A_268 : i32 to vector<16xi32>
          %parallel_loop3A_270 = arith.andi %parallel_loop3A_267, %parallel_loop3A_269 : vector<16xi32>
          %parallel_loop3A_271 = arith.addi %parallel_loop3A_174, %parallel_loop3A_270 : vector<16xi32>
          %parallel_loop3A_272 = tpu.vector_load_idx %arg6[%parallel_loop3A_271] : memref<64000xf32, #tpu.memory_space<vmem>>[vector<16xi32>], vector<16xf32>,
          %parallel_loop3A_273 = vector.broadcast %parallel_loop3A_172 : i32 to vector<16xi32>
          %parallel_loop3A_274 = arith.addi %parallel_loop3A_270, %parallel_loop3A_273 : vector<16xi32>
          %parallel_loop3A_275 = arith.constant 1 : i32
          %parallel_loop3A_276 = arith.constant 0 : i32
          %parallel_loop3A_277 = arith.constant 0 : i32
          %parallel_loop3A_278 = tpu.memref_slice %arg7[%parallel_loop3A_275, %parallel_loop3A_276, %parallel_loop3A_277] : memref<2x64x128xf32, #tpu.memory_space<vmem>> -> memref<1x64x128xf32, #tpu.memory_space<vmem>>
          %parallel_loop3A_279 = tpu.memref_squeeze %parallel_loop3A_278 : memref<1x64x128xf32, #tpu.memory_space<vmem>> -> memref<64x128xf32, #tpu.memory_space<vmem>>
          tpu.vector_store_idx %parallel_loop3A_279[%parallel_loop3A_274, %parallel_loop3A_168], %parallel_loop3A_272 : memref<64x128xf32, #tpu.memory_space<vmem>>[vector<16xi32>, vector<16xi32>], vector<16xf32>,
          %parallel_loop3A_280 = arith.constant 7 : i32
          %parallel_loop3A_281 = vector.broadcast %parallel_loop3A_280 : i32 to vector<16xi32>
          %parallel_loop3A_282 = arith.addi %iota3A, %parallel_loop3A_281 : vector<16xi32>
          %parallel_loop3A_283 = arith.constant 15 : i32
          %parallel_loop3A_284 = vector.broadcast %parallel_loop3A_283 : i32 to vector<16xi32>
          %parallel_loop3A_285 = arith.andi %parallel_loop3A_282, %parallel_loop3A_284 : vector<16xi32>
          %parallel_loop3A_286 = arith.addi %parallel_loop3A_174, %parallel_loop3A_285 : vector<16xi32>
          %parallel_loop3A_287 = tpu.vector_load_idx %arg6[%parallel_loop3A_286] : memref<64000xf32, #tpu.memory_space<vmem>>[vector<16xi32>], vector<16xf32>,
          %parallel_loop3A_288 = vector.broadcast %parallel_loop3A_172 : i32 to vector<16xi32>
          %parallel_loop3A_289 = arith.addi %parallel_loop3A_285, %parallel_loop3A_288 : vector<16xi32>
          %parallel_loop3A_290 = arith.constant 1 : i32
          %parallel_loop3A_291 = arith.constant 0 : i32
          %parallel_loop3A_292 = arith.constant 0 : i32
          %parallel_loop3A_293 = tpu.memref_slice %arg7[%parallel_loop3A_290, %parallel_loop3A_291, %parallel_loop3A_292] : memref<2x64x128xf32, #tpu.memory_space<vmem>> -> memref<1x64x128xf32, #tpu.memory_space<vmem>>
          %parallel_loop3A_294 = tpu.memref_squeeze %parallel_loop3A_293 : memref<1x64x128xf32, #tpu.memory_space<vmem>> -> memref<64x128xf32, #tpu.memory_space<vmem>>
          tpu.vector_store_idx %parallel_loop3A_294[%parallel_loop3A_289, %parallel_loop3A_168], %parallel_loop3A_287 : memref<64x128xf32, #tpu.memory_space<vmem>>[vector<16xi32>, vector<16xi32>], vector<16xf32>,
          %parallel_loop3A_295 = arith.constant 8 : i32
          %parallel_loop3A_296 = vector.broadcast %parallel_loop3A_295 : i32 to vector<16xi32>
          %parallel_loop3A_297 = arith.addi %iota3A, %parallel_loop3A_296 : vector<16xi32>
          %parallel_loop3A_298 = arith.constant 15 : i32
          %parallel_loop3A_299 = vector.broadcast %parallel_loop3A_298 : i32 to vector<16xi32>
          %parallel_loop3A_300 = arith.andi %parallel_loop3A_297, %parallel_loop3A_299 : vector<16xi32>
          %parallel_loop3A_301 = arith.addi %parallel_loop3A_174, %parallel_loop3A_300 : vector<16xi32>
          %parallel_loop3A_302 = tpu.vector_load_idx %arg6[%parallel_loop3A_301] : memref<64000xf32, #tpu.memory_space<vmem>>[vector<16xi32>], vector<16xf32>,
          %parallel_loop3A_303 = vector.broadcast %parallel_loop3A_172 : i32 to vector<16xi32>
          %parallel_loop3A_304 = arith.addi %parallel_loop3A_300, %parallel_loop3A_303 : vector<16xi32>
          %parallel_loop3A_305 = arith.constant 1 : i32
          %parallel_loop3A_306 = arith.constant 0 : i32
          %parallel_loop3A_307 = arith.constant 0 : i32
          %parallel_loop3A_308 = tpu.memref_slice %arg7[%parallel_loop3A_305, %parallel_loop3A_306, %parallel_loop3A_307] : memref<2x64x128xf32, #tpu.memory_space<vmem>> -> memref<1x64x128xf32, #tpu.memory_space<vmem>>
          %parallel_loop3A_309 = tpu.memref_squeeze %parallel_loop3A_308 : memref<1x64x128xf32, #tpu.memory_space<vmem>> -> memref<64x128xf32, #tpu.memory_space<vmem>>
          tpu.vector_store_idx %parallel_loop3A_309[%parallel_loop3A_304, %parallel_loop3A_168], %parallel_loop3A_302 : memref<64x128xf32, #tpu.memory_space<vmem>>[vector<16xi32>, vector<16xi32>], vector<16xf32>,
          %parallel_loop3A_310 = arith.constant 9 : i32
          %parallel_loop3A_311 = vector.broadcast %parallel_loop3A_310 : i32 to vector<16xi32>
          %parallel_loop3A_312 = arith.addi %iota3A, %parallel_loop3A_311 : vector<16xi32>
          %parallel_loop3A_313 = arith.constant 15 : i32
          %parallel_loop3A_314 = vector.broadcast %parallel_loop3A_313 : i32 to vector<16xi32>
          %parallel_loop3A_315 = arith.andi %parallel_loop3A_312, %parallel_loop3A_314 : vector<16xi32>
          %parallel_loop3A_316 = arith.addi %parallel_loop3A_174, %parallel_loop3A_315 : vector<16xi32>
          %parallel_loop3A_317 = tpu.vector_load_idx %arg6[%parallel_loop3A_316] : memref<64000xf32, #tpu.memory_space<vmem>>[vector<16xi32>], vector<16xf32>,
          %parallel_loop3A_318 = vector.broadcast %parallel_loop3A_172 : i32 to vector<16xi32>
          %parallel_loop3A_319 = arith.addi %parallel_loop3A_315, %parallel_loop3A_318 : vector<16xi32>
          %parallel_loop3A_320 = arith.constant 1 : i32
          %parallel_loop3A_321 = arith.constant 0 : i32
          %parallel_loop3A_322 = arith.constant 0 : i32
          %parallel_loop3A_323 = tpu.memref_slice %arg7[%parallel_loop3A_320, %parallel_loop3A_321, %parallel_loop3A_322] : memref<2x64x128xf32, #tpu.memory_space<vmem>> -> memref<1x64x128xf32, #tpu.memory_space<vmem>>
          %parallel_loop3A_324 = tpu.memref_squeeze %parallel_loop3A_323 : memref<1x64x128xf32, #tpu.memory_space<vmem>> -> memref<64x128xf32, #tpu.memory_space<vmem>>
          tpu.vector_store_idx %parallel_loop3A_324[%parallel_loop3A_319, %parallel_loop3A_168], %parallel_loop3A_317 : memref<64x128xf32, #tpu.memory_space<vmem>>[vector<16xi32>, vector<16xi32>], vector<16xf32>,
          %parallel_loop3A_325 = arith.constant 10 : i32
          %parallel_loop3A_326 = vector.broadcast %parallel_loop3A_325 : i32 to vector<16xi32>
          %parallel_loop3A_327 = arith.addi %iota3A, %parallel_loop3A_326 : vector<16xi32>
          %parallel_loop3A_328 = arith.constant 15 : i32
          %parallel_loop3A_329 = vector.broadcast %parallel_loop3A_328 : i32 to vector<16xi32>
          %parallel_loop3A_330 = arith.andi %parallel_loop3A_327, %parallel_loop3A_329 : vector<16xi32>
          %parallel_loop3A_331 = arith.addi %parallel_loop3A_174, %parallel_loop3A_330 : vector<16xi32>
          %parallel_loop3A_332 = tpu.vector_load_idx %arg6[%parallel_loop3A_331] : memref<64000xf32, #tpu.memory_space<vmem>>[vector<16xi32>], vector<16xf32>,
          %parallel_loop3A_333 = vector.broadcast %parallel_loop3A_172 : i32 to vector<16xi32>
          %parallel_loop3A_334 = arith.addi %parallel_loop3A_330, %parallel_loop3A_333 : vector<16xi32>
          %parallel_loop3A_335 = arith.constant 1 : i32
          %parallel_loop3A_336 = arith.constant 0 : i32
          %parallel_loop3A_337 = arith.constant 0 : i32
          %parallel_loop3A_338 = tpu.memref_slice %arg7[%parallel_loop3A_335, %parallel_loop3A_336, %parallel_loop3A_337] : memref<2x64x128xf32, #tpu.memory_space<vmem>> -> memref<1x64x128xf32, #tpu.memory_space<vmem>>
          %parallel_loop3A_339 = tpu.memref_squeeze %parallel_loop3A_338 : memref<1x64x128xf32, #tpu.memory_space<vmem>> -> memref<64x128xf32, #tpu.memory_space<vmem>>
          tpu.vector_store_idx %parallel_loop3A_339[%parallel_loop3A_334, %parallel_loop3A_168], %parallel_loop3A_332 : memref<64x128xf32, #tpu.memory_space<vmem>>[vector<16xi32>, vector<16xi32>], vector<16xf32>,
          %parallel_loop3A_340 = arith.constant 11 : i32
          %parallel_loop3A_341 = vector.broadcast %parallel_loop3A_340 : i32 to vector<16xi32>
          %parallel_loop3A_342 = arith.addi %iota3A, %parallel_loop3A_341 : vector<16xi32>
          %parallel_loop3A_343 = arith.constant 15 : i32
          %parallel_loop3A_344 = vector.broadcast %parallel_loop3A_343 : i32 to vector<16xi32>
          %parallel_loop3A_345 = arith.andi %parallel_loop3A_342, %parallel_loop3A_344 : vector<16xi32>
          %parallel_loop3A_346 = arith.addi %parallel_loop3A_174, %parallel_loop3A_345 : vector<16xi32>
          %parallel_loop3A_347 = tpu.vector_load_idx %arg6[%parallel_loop3A_346] : memref<64000xf32, #tpu.memory_space<vmem>>[vector<16xi32>], vector<16xf32>,
          %parallel_loop3A_348 = vector.broadcast %parallel_loop3A_172 : i32 to vector<16xi32>
          %parallel_loop3A_349 = arith.addi %parallel_loop3A_345, %parallel_loop3A_348 : vector<16xi32>
          %parallel_loop3A_350 = arith.constant 1 : i32
          %parallel_loop3A_351 = arith.constant 0 : i32
          %parallel_loop3A_352 = arith.constant 0 : i32
          %parallel_loop3A_353 = tpu.memref_slice %arg7[%parallel_loop3A_350, %parallel_loop3A_351, %parallel_loop3A_352] : memref<2x64x128xf32, #tpu.memory_space<vmem>> -> memref<1x64x128xf32, #tpu.memory_space<vmem>>
          %parallel_loop3A_354 = tpu.memref_squeeze %parallel_loop3A_353 : memref<1x64x128xf32, #tpu.memory_space<vmem>> -> memref<64x128xf32, #tpu.memory_space<vmem>>
          tpu.vector_store_idx %parallel_loop3A_354[%parallel_loop3A_349, %parallel_loop3A_168], %parallel_loop3A_347 : memref<64x128xf32, #tpu.memory_space<vmem>>[vector<16xi32>, vector<16xi32>], vector<16xf32>,
          %parallel_loop3A_355 = arith.constant 12 : i32
          %parallel_loop3A_356 = vector.broadcast %parallel_loop3A_355 : i32 to vector<16xi32>
          %parallel_loop3A_357 = arith.addi %iota3A, %parallel_loop3A_356 : vector<16xi32>
          %parallel_loop3A_358 = arith.constant 15 : i32
          %parallel_loop3A_359 = vector.broadcast %parallel_loop3A_358 : i32 to vector<16xi32>
          %parallel_loop3A_360 = arith.andi %parallel_loop3A_357, %parallel_loop3A_359 : vector<16xi32>
          %parallel_loop3A_361 = arith.addi %parallel_loop3A_174, %parallel_loop3A_360 : vector<16xi32>
          %parallel_loop3A_362 = tpu.vector_load_idx %arg6[%parallel_loop3A_361] : memref<64000xf32, #tpu.memory_space<vmem>>[vector<16xi32>], vector<16xf32>,
          %parallel_loop3A_363 = vector.broadcast %parallel_loop3A_172 : i32 to vector<16xi32>
          %parallel_loop3A_364 = arith.addi %parallel_loop3A_360, %parallel_loop3A_363 : vector<16xi32>
          %parallel_loop3A_365 = arith.constant 1 : i32
          %parallel_loop3A_366 = arith.constant 0 : i32
          %parallel_loop3A_367 = arith.constant 0 : i32
          %parallel_loop3A_368 = tpu.memref_slice %arg7[%parallel_loop3A_365, %parallel_loop3A_366, %parallel_loop3A_367] : memref<2x64x128xf32, #tpu.memory_space<vmem>> -> memref<1x64x128xf32, #tpu.memory_space<vmem>>
          %parallel_loop3A_369 = tpu.memref_squeeze %parallel_loop3A_368 : memref<1x64x128xf32, #tpu.memory_space<vmem>> -> memref<64x128xf32, #tpu.memory_space<vmem>>
          tpu.vector_store_idx %parallel_loop3A_369[%parallel_loop3A_364, %parallel_loop3A_168], %parallel_loop3A_362 : memref<64x128xf32, #tpu.memory_space<vmem>>[vector<16xi32>, vector<16xi32>], vector<16xf32>,
          %parallel_loop3A_370 = arith.constant 13 : i32
          %parallel_loop3A_371 = vector.broadcast %parallel_loop3A_370 : i32 to vector<16xi32>
          %parallel_loop3A_372 = arith.addi %iota3A, %parallel_loop3A_371 : vector<16xi32>
          %parallel_loop3A_373 = arith.constant 15 : i32
          %parallel_loop3A_374 = vector.broadcast %parallel_loop3A_373 : i32 to vector<16xi32>
          %parallel_loop3A_375 = arith.andi %parallel_loop3A_372, %parallel_loop3A_374 : vector<16xi32>
          %parallel_loop3A_376 = arith.addi %parallel_loop3A_174, %parallel_loop3A_375 : vector<16xi32>
          %parallel_loop3A_377 = tpu.vector_load_idx %arg6[%parallel_loop3A_376] : memref<64000xf32, #tpu.memory_space<vmem>>[vector<16xi32>], vector<16xf32>,
          %parallel_loop3A_378 = vector.broadcast %parallel_loop3A_172 : i32 to vector<16xi32>
          %parallel_loop3A_379 = arith.addi %parallel_loop3A_375, %parallel_loop3A_378 : vector<16xi32>
          %parallel_loop3A_380 = arith.constant 1 : i32
          %parallel_loop3A_381 = arith.constant 0 : i32
          %parallel_loop3A_382 = arith.constant 0 : i32
          %parallel_loop3A_383 = tpu.memref_slice %arg7[%parallel_loop3A_380, %parallel_loop3A_381, %parallel_loop3A_382] : memref<2x64x128xf32, #tpu.memory_space<vmem>> -> memref<1x64x128xf32, #tpu.memory_space<vmem>>
          %parallel_loop3A_384 = tpu.memref_squeeze %parallel_loop3A_383 : memref<1x64x128xf32, #tpu.memory_space<vmem>> -> memref<64x128xf32, #tpu.memory_space<vmem>>
          tpu.vector_store_idx %parallel_loop3A_384[%parallel_loop3A_379, %parallel_loop3A_168], %parallel_loop3A_377 : memref<64x128xf32, #tpu.memory_space<vmem>>[vector<16xi32>, vector<16xi32>], vector<16xf32>,
          %parallel_loop3A_385 = arith.constant 14 : i32
          %parallel_loop3A_386 = vector.broadcast %parallel_loop3A_385 : i32 to vector<16xi32>
          %parallel_loop3A_387 = arith.addi %iota3A, %parallel_loop3A_386 : vector<16xi32>
          %parallel_loop3A_388 = arith.constant 15 : i32
          %parallel_loop3A_389 = vector.broadcast %parallel_loop3A_388 : i32 to vector<16xi32>
          %parallel_loop3A_390 = arith.andi %parallel_loop3A_387, %parallel_loop3A_389 : vector<16xi32>
          %parallel_loop3A_391 = arith.addi %parallel_loop3A_174, %parallel_loop3A_390 : vector<16xi32>
          %parallel_loop3A_392 = tpu.vector_load_idx %arg6[%parallel_loop3A_391] : memref<64000xf32, #tpu.memory_space<vmem>>[vector<16xi32>], vector<16xf32>,
          %parallel_loop3A_393 = vector.broadcast %parallel_loop3A_172 : i32 to vector<16xi32>
          %parallel_loop3A_394 = arith.addi %parallel_loop3A_390, %parallel_loop3A_393 : vector<16xi32>
          %parallel_loop3A_395 = arith.constant 1 : i32
          %parallel_loop3A_396 = arith.constant 0 : i32
          %parallel_loop3A_397 = arith.constant 0 : i32
          %parallel_loop3A_398 = tpu.memref_slice %arg7[%parallel_loop3A_395, %parallel_loop3A_396, %parallel_loop3A_397] : memref<2x64x128xf32, #tpu.memory_space<vmem>> -> memref<1x64x128xf32, #tpu.memory_space<vmem>>
          %parallel_loop3A_399 = tpu.memref_squeeze %parallel_loop3A_398 : memref<1x64x128xf32, #tpu.memory_space<vmem>> -> memref<64x128xf32, #tpu.memory_space<vmem>>
          tpu.vector_store_idx %parallel_loop3A_399[%parallel_loop3A_394, %parallel_loop3A_168], %parallel_loop3A_392 : memref<64x128xf32, #tpu.memory_space<vmem>>[vector<16xi32>, vector<16xi32>], vector<16xf32>,
          %parallel_loop3A_400 = arith.constant 15 : i32
          %parallel_loop3A_401 = vector.broadcast %parallel_loop3A_400 : i32 to vector<16xi32>
          %parallel_loop3A_402 = arith.addi %iota3A, %parallel_loop3A_401 : vector<16xi32>
          %parallel_loop3A_403 = arith.constant 15 : i32
          %parallel_loop3A_404 = vector.broadcast %parallel_loop3A_403 : i32 to vector<16xi32>
          %parallel_loop3A_405 = arith.andi %parallel_loop3A_402, %parallel_loop3A_404 : vector<16xi32>
          %parallel_loop3A_406 = arith.addi %parallel_loop3A_174, %parallel_loop3A_405 : vector<16xi32>
          %parallel_loop3A_407 = tpu.vector_load_idx %arg6[%parallel_loop3A_406] : memref<64000xf32, #tpu.memory_space<vmem>>[vector<16xi32>], vector<16xf32>,
          %parallel_loop3A_408 = vector.broadcast %parallel_loop3A_172 : i32 to vector<16xi32>
          %parallel_loop3A_409 = arith.addi %parallel_loop3A_405, %parallel_loop3A_408 : vector<16xi32>
          %parallel_loop3A_410 = arith.constant 1 : i32
          %parallel_loop3A_411 = arith.constant 0 : i32
          %parallel_loop3A_412 = arith.constant 0 : i32
          %parallel_loop3A_413 = tpu.memref_slice %arg7[%parallel_loop3A_410, %parallel_loop3A_411, %parallel_loop3A_412] : memref<2x64x128xf32, #tpu.memory_space<vmem>> -> memref<1x64x128xf32, #tpu.memory_space<vmem>>
          %parallel_loop3A_414 = tpu.memref_squeeze %parallel_loop3A_413 : memref<1x64x128xf32, #tpu.memory_space<vmem>> -> memref<64x128xf32, #tpu.memory_space<vmem>>
          tpu.vector_store_idx %parallel_loop3A_414[%parallel_loop3A_409, %parallel_loop3A_168], %parallel_loop3A_407 : memref<64x128xf32, #tpu.memory_space<vmem>>[vector<16xi32>, vector<16xi32>], vector<16xf32>,
        } {sc.loop_unroll_factor = 1 : i64, sc.parallel_access}
      } {sc.loop_unroll_factor = 4 : i64, sc.parallel_access}
      %dma_start3A_141 = arith.constant 1 : i32
      %dma_start3A_142 = arith.constant 0 : i32
      %dma_start3A_143 = arith.constant 0 : i32
      %dma_start3A_144 = tpu.memref_slice %arg7[%dma_start3A_141, %dma_start3A_142, %dma_start3A_143] : memref<2x64x128xf32, #tpu.memory_space<vmem>> -> memref<1x64x128xf32, #tpu.memory_space<vmem>>
      %dma_start3A_145 = tpu.memref_squeeze %dma_start3A_144 : memref<1x64x128xf32, #tpu.memory_space<vmem>> -> memref<64x128xf32, #tpu.memory_space<vmem>>
      %dma_start3A_146 = arith.constant 0 : i32
      %dma_start3A_147 = tpu.memref_slice %arg4[%add3A_123, %dma_start3A_146, %mul3A_2] : memref<200x64x4096xf32, #tpu.memory_space<hbm>> -> memref<1x64x128xf32, #tpu.memory_space<hbm>>
      %dma_start3A_148 = tpu.memref_squeeze %dma_start3A_147 : memref<1x64x128xf32, #tpu.memory_space<hbm>> -> memref<64x128xf32, #tpu.memory_space<hbm>>
      %dma_start3A_149 = arith.constant 0 : i32
      %dma_start3A_150 = tpu.memref_slice %arg4[%add3A_123, %dma_start3A_149, %mul3A_2] : memref<200x64x4096xf32, #tpu.memory_space<hbm>> -> memref<1x64x128xf32, #tpu.memory_space<hbm>>
      %dma_start3A_151 = tpu.memref_squeeze %dma_start3A_150 : memref<1x64x128xf32, #tpu.memory_space<hbm>> -> memref<64x128xf32, #tpu.memory_space<hbm>>
      %dma_start3A_152 = arith.constant 0 : i32
      %dma_start3A_153 = arith.constant 0 : i32
      %dma_start3A_154 = tpu.memref_slice %arg7[%dma_start3A_141, %dma_start3A_152, %dma_start3A_153] : memref<2x64x128xf32, #tpu.memory_space<vmem>> -> memref<1x64x128xf32, #tpu.memory_space<vmem>>
      %dma_start3A_155 = tpu.memref_squeeze %dma_start3A_154 : memref<1x64x128xf32, #tpu.memory_space<vmem>> -> memref<64x128xf32, #tpu.memory_space<vmem>>
      tpu.enqueue_dma source(%dma_start3A_155 : memref<64x128xf32, #tpu.memory_space<vmem>>) target(%dma_start3A_151 : memref<64x128xf32, #tpu.memory_space<hbm>>) target_semaphore(%arg9 : memref<!tpu.dma_semaphore, #tpu.memory_space<semaphore_mem>>)
    }
    %scan3A_47 = arith.constant 99 : i32
    %dma_wait3A = arith.constant 0 : i32
    %dma_wait3A_48 = arith.constant 0 : i32
    %dma_wait3A_49 = arith.constant 0 : i32
    %dma_wait3A_50 = arith.constant 0 : i32
    %dma_wait3A_51 = tpu.memref_slice %arg7[%dma_wait3A, %dma_wait3A_49, %dma_wait3A_50] : memref<2x64x128xf32, #tpu.memory_space<vmem>> -> memref<1x64x128xf32, #tpu.memory_space<vmem>>
    %dma_wait3A_52 = tpu.memref_squeeze %dma_wait3A_51 : memref<1x64x128xf32, #tpu.memory_space<vmem>> -> memref<64x128xf32, #tpu.memory_space<vmem>>
    %dma_wait3A_53 = arith.constant 0 : i32
    %dma_wait3A_54 = tpu.memref_slice %arg4[%dma_wait3A_48, %dma_wait3A_53, %mul3A_2] : memref<200x64x4096xf32, #tpu.memory_space<hbm>> -> memref<1x64x128xf32, #tpu.memory_space<hbm>>
    %dma_wait3A_55 = tpu.memref_squeeze %dma_wait3A_54 : memref<1x64x128xf32, #tpu.memory_space<hbm>> -> memref<64x128xf32, #tpu.memory_space<hbm>>
    %dma_wait3A_56 = arith.constant 0 : i32
    %dma_wait3A_57 = tpu.memref_slice %arg4[%dma_wait3A_48, %dma_wait3A_56, %mul3A_2] : memref<200x64x4096xf32, #tpu.memory_space<hbm>> -> memref<1x64x128xf32, #tpu.memory_space<hbm>>
    %dma_wait3A_58 = tpu.memref_squeeze %dma_wait3A_57 : memref<1x64x128xf32, #tpu.memory_space<hbm>> -> memref<64x128xf32, #tpu.memory_space<hbm>>
    %dma_wait3A_59 = arith.constant 0 : i32
    %dma_wait3A_60 = arith.constant 0 : i32
    %dma_wait3A_61 = tpu.memref_slice %arg7[%dma_wait3A, %dma_wait3A_59, %dma_wait3A_60] : memref<2x64x128xf32, #tpu.memory_space<vmem>> -> memref<1x64x128xf32, #tpu.memory_space<vmem>>
    %dma_wait3A_62 = tpu.memref_squeeze %dma_wait3A_61 : memref<1x64x128xf32, #tpu.memory_space<vmem>> -> memref<64x128xf32, #tpu.memory_space<vmem>>
    tpu.wait_dma2 semaphore(%arg8 : memref<!tpu.dma_semaphore, #tpu.memory_space<semaphore_mem>>) src(%dma_wait3A_62 : memref<64x128xf32, #tpu.memory_space<vmem>>) dst(%dma_wait3A_58 : memref<64x128xf32, #tpu.memory_space<hbm>>)
    %dma_wait3A_63 = arith.constant 1 : i32
    %dma_wait3A_64 = arith.constant 0 : i32
    %dma_wait3A_65 = arith.constant 0 : i32
    %dma_wait3A_66 = arith.constant 0 : i32
    %dma_wait3A_67 = tpu.memref_slice %arg7[%dma_wait3A_63, %dma_wait3A_65, %dma_wait3A_66] : memref<2x64x128xf32, #tpu.memory_space<vmem>> -> memref<1x64x128xf32, #tpu.memory_space<vmem>>
    %dma_wait3A_68 = tpu.memref_squeeze %dma_wait3A_67 : memref<1x64x128xf32, #tpu.memory_space<vmem>> -> memref<64x128xf32, #tpu.memory_space<vmem>>
    %dma_wait3A_69 = arith.constant 0 : i32
    %dma_wait3A_70 = tpu.memref_slice %arg4[%dma_wait3A_64, %dma_wait3A_69, %mul3A_2] : memref<200x64x4096xf32, #tpu.memory_space<hbm>> -> memref<1x64x128xf32, #tpu.memory_space<hbm>>
    %dma_wait3A_71 = tpu.memref_squeeze %dma_wait3A_70 : memref<1x64x128xf32, #tpu.memory_space<hbm>> -> memref<64x128xf32, #tpu.memory_space<hbm>>
    %dma_wait3A_72 = arith.constant 0 : i32
    %dma_wait3A_73 = tpu.memref_slice %arg4[%dma_wait3A_64, %dma_wait3A_72, %mul3A_2] : memref<200x64x4096xf32, #tpu.memory_space<hbm>> -> memref<1x64x128xf32, #tpu.memory_space<hbm>>
    %dma_wait3A_74 = tpu.memref_squeeze %dma_wait3A_73 : memref<1x64x128xf32, #tpu.memory_space<hbm>> -> memref<64x128xf32, #tpu.memory_space<hbm>>
    %dma_wait3A_75 = arith.constant 0 : i32
    %dma_wait3A_76 = arith.constant 0 : i32
    %dma_wait3A_77 = tpu.memref_slice %arg7[%dma_wait3A_63, %dma_wait3A_75, %dma_wait3A_76] : memref<2x64x128xf32, #tpu.memory_space<vmem>> -> memref<1x64x128xf32, #tpu.memory_space<vmem>>
    %dma_wait3A_78 = tpu.memref_squeeze %dma_wait3A_77 : memref<1x64x128xf32, #tpu.memory_space<vmem>> -> memref<64x128xf32, #tpu.memory_space<vmem>>
    tpu.wait_dma2 semaphore(%arg9 : memref<!tpu.dma_semaphore, #tpu.memory_space<semaphore_mem>>) src(%dma_wait3A_78 : memref<64x128xf32, #tpu.memory_space<vmem>>) dst(%dma_wait3A_74 : memref<64x128xf32, #tpu.memory_space<hbm>>)
    return
  }
}

</mosaic_0001>

<sc_bundles>
// kernel: kernel.3.cloned.1.call-start
scs
__scs_entry_jumppad:
0x0: {  	(pc) =	sbr.rel $0x88, $3  }
0x1: {  	(tag) =	ssettag $0x0;
	lr =	simm.s32 $0x1  }
0x2: {  	[smem:$0x3F9F] =	sst lr;
	_ =	strace $0xD0000000  }
0x3: {  	_ = 	snop  }
0x4: {  	_ = 	snop  }
0x5: {  	_ = 	snop  }
0x6: {  	_ = 	snop  }
0x7: {  	_ = 	snop  }
__scs_overlays_trampoline_lowered:
0x8: {  	[smem:$0x3FAE] =	sst s0  }
0x9: {  	[smem:$0x3FAF] =	sst s1  }
0xa: {  	[smem:$0x3FB0] =	sst s2  }
0xb: {  	[smem:$0x3FB1] =	sst s3  }
0xc: {  	[smem:$0x3FB2] =	sst s4  }
0xd: {  	[smem:$0x3FB3] =	sst s5  }
0xe: {  	[smem:$0x3FB4] =	sst s6  }
0xf: {  	[smem:$0x3FB5] =	sst s7  }
0x10: {  	[smem:$0x3FB6] =	sst s8  }
0x11: {  	[smem:$0x3FB7] =	sst s9;
	s0 =	simm.s32 @!p0 $0x0  }
0x12: {  	s1 =	sld [smem:$0x3F9D];
	s0 =	simm.s32 @p0 $0x1  }
0x13: {  	[smem:$0x3FB8] =	sst s0;
	s0 =	simm.s32 @!p1 $0x0  }
0x14: {  	s2 =	sld [smem:$0x3F9C];
	s0 =	simm.s32 @p1 $0x1  }
0x15: {  	[smem:$0x3FB9] =	sst s0;
	s0 =	simm.s32 @!p2 $0x0  }
0x16: {  	s3 =	sld [smem:$0x3FDB];
	s0 =	simm.s32 @p2 $0x1  }
0x17: {  	s4 =	simm.s32 $0x1BF5;
	[smem:$0x3FBB] =	sst s0  }
0x18: {  	s0 =	sld [smem:$0x3F9E];
	_ =	swait.ge [sflag:s4], $0x0  }
0x19: {  	s7 =	sld [smem:$0x3F9F]  }
0x1a: {  	s8 =	sadd.s32 $0xFFFFE003, lr  }
0x1b: {  	s9 =	sadd.s32 $0xFFFFFEF7, lr;
	s5 =	simm.s32 $0xFFFFFFFF;
	p2 =	slt.u32 s8, $0xFFFFF086  }
0x1c: {  	p1 =	slt.u32 s9, $0xF7A;
	s5 =	simm.s32 @!p2 $0x0  }
0x1d: {  	s5 =	simm.s32 @p1 $0x1;
	p0 =	seq.s32 s7, s2  }
0x1e: {  	s7 =	smul.u32 @!p0 $0xF7A, s2;
	p2 =	seq.s32 @!p0 s5, $0x0  }
0x1f: {  	s9 =	smul.u32 $0xF7A, s1;
	s8 =	simm.s32 @!p0 $0x1BF5;
	p2 =	por !p2, p0  }
0x20: {  	[sflag:s8] =	ssyncset.s32 @!p0 $0xFFFFF086;
	s6 =	sadd.s32 @!p0 s3, s7;
	s7 =	simm.s32 @!p0 $0x108  }
0x21: {  	s3 =	sadd.s32 s3, s9;
	s6 =	sadd.s32 @!p0 $0x88, s6;
	s7 =	simm.s32 @p2 $0x1082  }
0x22: {  	[simem:s7], [sflag:s8] =	dma.local @!p0 [hbm:s6], $0xF7A  }
0x23: {  	s9 =	sor.u32 $0xD0000000, s2;
	s6 =	simm.s32 $0x108;
	_ =	swait.ge @!p0 [sflag:s8], $0x0  }
0x24: {  	s3 =	sadd.s32 $0x88, s3;
	s6 =	simm.s32 @!p1 $0x1082;
	[sflag:s4] =	ssyncset.s32 $0xFFFFF086  }
0x25: {  	[simem:s6], [sflag:s4] =	dma.local [hbm:s3], $0xF7A  }
0x26: {  	[smem:$0x3F9F] =	sst s1;
	(tag) =	ssettag s2;
	_ =	strace s9  }
0x27: {  	s1 =	sld [smem:$0x3FAF]  }
0x28: {  	s2 =	sld [smem:$0x3FB0]  }
0x29: {  	s4 =	sld [smem:$0x3FB2]  }
0x2a: {  	p0 =	seq.s32 s5, $0x0;
	s5 =	sld [smem:$0x3FB3]  }
0x2b: {  	s6 =	sld [smem:$0x3FB4]  }
0x2c: {  	s7 =	sld [smem:$0x3FB5]  }
0x2d: {  	s3 =	simm.s32 $0x108;
	s8 =	sld [smem:$0x3FB6]  }
0x2e: {  	s3 =	simm.s32 @!p0 $0x1082;
	s9 =	sld [smem:$0x3FB7]  }
0x2f: {  	lr =	sadd.s32 s0, s3;
	s0 =	sld [smem:$0x3FAE]  }
0x30: {  	s3 =	sld [smem:$0x3FB1]  }
0x31: {  	[smem:$0x3FBA] =	sst s10  }
0x32: {  	s10 =	sld [smem:$0x3FB8];
	_ =	sdelay $0x3  }
0x33: {  	p0 =	seq.s32 s10, $0x1;
	s10 =	sld [smem:$0x3FBA];
	_ =	sdelay $0x3  }
0x34: {  	[smem:$0x3FBA] =	sst s10  }
0x35: {  	s10 =	sld [smem:$0x3FB9];
	_ =	sdelay $0x3  }
0x36: {  	p1 =	seq.s32 s10, $0x1;
	s10 =	sld [smem:$0x3FBA];
	_ =	sdelay $0x3  }
0x37: {  	[smem:$0x3FBA] =	sst s10  }
0x38: {  	s10 =	sld [smem:$0x3FBB]  }
0x39: {  	_ = 	snop;
	(pc) =	sbr.ind lr, $3  }
0x3a: {  	_ = 	snop  }
0x3b: {  	_ = 	snop  }
0x3c: {  	p2 =	seq.s32 s10, $0x1;
	s10 =	sld [smem:$0x3FBA]  }
0x3d: {  	_ =	shalt  }
0x3e: {  	_ =	shalt  }
0x3f: {  	_ =	shalt  }
0x40: {  	_ =	shalt  }
0x41: {  	_ =	shalt  }
0x42: {  	_ =	shalt  }
0x43: {  	_ =	shalt  }
0x44: {  	_ =	shalt  }
0x45: {  	_ =	shalt  }
0x46: {  	_ =	shalt  }
0x47: {  	_ =	shalt  }
0x48: {  	_ =	shalt  }
0x49: {  	_ =	shalt  }
0x4a: {  	_ =	shalt  }
0x4b: {  	_ =	shalt  }
0x4c: {  	_ =	shalt  }
0x4d: {  	_ =	shalt  }
0x4e: {  	_ =	shalt  }
0x4f: {  	_ =	shalt  }
0x50: {  	_ =	shalt  }
0x51: {  	_ =	shalt  }
0x52: {  	_ =	shalt  }
0x53: {  	_ =	shalt  }
0x54: {  	_ =	shalt  }
0x55: {  	_ =	shalt  }
0x56: {  	_ =	shalt  }
0x57: {  	_ =	shalt  }
0x58: {  	_ =	shalt  }
0x59: {  	_ =	shalt  }
0x5a: {  	_ =	shalt  }
0x5b: {  	_ =	shalt  }
0x5c: {  	_ =	shalt  }
0x5d: {  	_ =	shalt  }
0x5e: {  	_ =	shalt  }
0x5f: {  	_ =	shalt  }
0x60: {  	_ =	shalt  }
0x61: {  	_ =	shalt  }
0x62: {  	_ =	shalt  }
0x63: {  	_ =	shalt  }
0x64: {  	_ =	shalt  }
0x65: {  	_ =	shalt  }
0x66: {  	_ =	shalt  }
0x67: {  	_ =	shalt  }
0x68: {  	_ =	shalt  }
0x69: {  	_ =	shalt  }
0x6a: {  	_ =	shalt  }
0x6b: {  	_ =	shalt  }
0x6c: {  	_ =	shalt  }
0x6d: {  	_ =	shalt  }
0x6e: {  	_ =	shalt  }
0x6f: {  	_ =	shalt  }
0x70: {  	_ =	shalt  }
0x71: {  	_ =	shalt  }
0x72: {  	_ =	shalt  }
0x73: {  	_ =	shalt  }
0x74: {  	_ =	shalt  }
0x75: {  	_ =	shalt  }
0x76: {  	_ =	shalt  }
0x77: {  	_ =	shalt  }
0x78: {  	_ =	shalt  }
0x79: {  	_ =	shalt  }
0x7a: {  	_ =	shalt  }
0x7b: {  	_ =	shalt  }
0x7c: {  	_ =	shalt  }
0x7d: {  	_ =	shalt  }
0x7e: {  	_ =	shalt  }
0x7f: {  	_ =	shalt  }
0x80: {  	_ =	shalt  }
0x81: {  	_ =	shalt  }
0x82: {  	_ =	shalt  }
0x83: {  	_ =	shalt  }
0x84: {  	_ =	shalt  }
0x85: {  	_ =	shalt  }
0x86: {  	_ =	shalt  }
0x87: {  	_ =	shalt  }
.Lfunc_end0:
.L_simem_size_0:
called_computation_lowered:
.L_overlay_start_0:
0x88: {  	s2 =	sld [smem:$0x3FD9]  }
0x89: {  	s3 =	sld [smem:$0x3FFE];
	_ =	sdelay $0x1  }
0x8a: {  	s1 =	srdreg.scid  }
0x8b: {  	s0 =	sand.u32 $0x1, s1  }
0x8c: {  	s17 =	sshll.u32 s0, $0xA;
	s2 =	sadd.s32 s3, s2  }
0x8d: {  	s2 =	sadd.s32 s2, s17  }
0x8e: {  	[smem:$0x3FC6] =	sst s2  }
0x8f: {  	_ = 	snop  }
0x90: {  	s2 =	sld [smem:$0x3FD0];
	(tm) =	ssettm $0x1  }
0x91: {  	s18 =	sld [smem:$0x3FFB];
	_ =	sdelay $0x3  }
0x92: {  	_ =	strace s18  }
0x93: {  	s3 =	sld [smem:$0x3FFC];
	_ =	sdelay $0x3  }
0x94: {  	_ =	strace s3  }
0x95: {  	s3 =	sld [smem:$0x3FFD];
	_ =	sdelay $0x3  }
0x96: {  	_ =	strace s3  }
0x97: {  	_ =	strace $0x8FFFFFFF  }
0x98: {  	s19 =	sld [smem:$0x3FDB];
	_ =	sdelay $0x1  }
0x99: {  	s4 =	simm.s32 $_scs_section_size  }
0x9a: {  	s5 =	simm.s32 $_size__tile_overlayer_lowered;
	s6 =	simm.s32 $_tile_overlayer_lowered  }
0x9b: {  	s22 =	simm.s32 $0x1BFF;
	s21 =	sshll.u32 s6, $0x1;
	s3 =	sadd.s32 s4, s19  }
0x9c: {  	s7 =	simm.s32 $0x0;
	s20 =	sshll.u32 s5, $0x1;
	s5 =	sadd.s32 s21, s3  }
0x9d: {  	[timem:s7], [sflag:s22] =	dma.local [hbm:s5], s20  }
0x9e: {  	_ =	swait.ge [sflag:s22], s20  }
0x9f: {  	s4 =	ssub.s32 $0x0, s20;
	[sflag:s22] =	ssyncset.done $0x0  }
0xa0: {  	[sflag:s22] =	ssyncadd.s32 s4;
	_ =	sdelay $0x1  }
0xa1: {  	s23 =	simm.s32 $0x1B8B  }
0xa2: {  	_ =	swait.ge [sflag:s23], $0x1  }
0xa3: {  	[sflag:s23] =	ssyncset.done $0x0  }
0xa4: {  	s25 =	simm.s32 $0x1B8E;
	s24 =	sld [smem:$0x3FFE];
	[sflag:s23] =	ssyncadd.s32 $0xFFFFFFFF  }
0xa5: {  	s26 =	simm.s32 $execute0_lowered;
	[smem:$0x3FD2] =	sst s25  }
0xa6: {  	s5 =	sshll.u32 s26, $0x1;
	_ =	strace $0x80000046;
	[dreg:$0x1] =	wrdreg $0xFFFFFFFF  }
0xa7: {  	s28 =	simm.s32 $_size_execute0_lowered;
	s3 =	sadd.s32 s3, s5;
	[dreg:$0x0] =	wrdreg $0x0  }
0xa8: {  	s5 =	sshll.u32 s28, $0x1;
	[dreg:$0x2] =	wrdreg s3  }
0xa9: {  	[dreg:$0x3] =	wrdreg s5  }
0xaa: {  	[dreg:$0x4] =	wrdreg $0xC0  }
0xab: {  	_ =	task [dreg:s7], $0x5FFFF  }
0xac: {  	[dreg:$0x1] =	wrdreg $0xFFFFFFFF  }
0xad: {  	[dreg:$0x0] =	wrdreg $0x60  }
0xae: {  	[dreg:$0x2] =	wrdreg s24  }
0xaf: {  	[dreg:$0x3] =	wrdreg s2  }
0xb0: {  	[dreg:$0x4] =	wrdreg $0x9  }
0xb1: {  	_ =	task.clear_ibuf [dreg:s7], $0x5FFFF;
	_ =	strace $0x90000046  }
0xb2: {  	s29 =	simm.s32 $0x9;
	_ =	strace $0x80000048  }
0xb3: {  	_ =	swait.ge [sflag:s29], $0x1  }
0xb4: {  	[sflag:s29] =	ssyncadd.s32 $0xFFFFFFFF  }
0xb5: {  	_ =	strace $0x90000048  }
0xb6: {  	_ =	sfence  }
0xb7: {  	s30 =	sld [smem:$0x0];
	_ =	sdelay $0x2  }
0xb8: {  	s31 =	sshll.u32 s1, $0xD;
	s1 =	sshrl.u32 s1, $0x2  }
0xb9: {  	s3 =	sand.u32 $0x4000, s31;
	s1 =	sadd.s32 s1, s30  }
0xba: {  	s0 =	sor.u32 s3, s0;
	s1 =	sshll.u32 s1, $0x11  }
0xbb: {  	s0 =	sor.u32 s1, s0  }
0xbc: {  	s0 =	sadd.s32 $0x8F2B, s0  }
0xbd: {  	[sflag:s0] =	ssyncadd.remote.s32 $0x1  }
0xbe: {  	_ =	sfence.sel $0xFFFF  }
0xbf: {  	[dreg:$0x0] =	wrdreg $0xFFFFFFFF;
	(pc) =	sbr.abs _section_cstart, $3  }
0xc0: {  	[dreg:$0x1] =	wrdreg $0xFFFFFFFF  }
0xc1: {  	_ =	task.clear_ibuf [dreg:s7], $0x2FFFF;
	_ =	strace $0x9FFFFFFF  }
0xc2: {  	(tm) =	ssettm $0x7FFFFFFF  }
0xc3: {  	_ =	shalt  }
tec
execute0_lowered:
.L_overlay_start_1:
0x0: {  	(tag) =	ssettag $0x1  }
0x1: {  	v0 =	vimm.s32 $0x700;
	vm10 =	vcmask $0x300  }
0x2: {  	vm9 =	vcmask $0x704;
	vm7 =	vcmask $0xB08;
	vm6 =	vcmask $0xF0C  }
0x3: {  	vm5 =	vcmask $0x1310;
	vm3 =	vcmask $0x1714;
	vm1 =	vcmask $0x1B18  }
0x4: {  	vm2 =	vcmask $0x1F1C;
	vm0 =	vcmask $0x2320;
	v2 =	vimm.s32 $0x680  }
0x5: {  	v3 =	vimm.s32 $0x600;
	vm4 =	vcmask $0x2724;
	vm8 =	vcmask $0x2B28  }
0x6: {  	vm11 =	vcmask $0x2F2C;
	vm12 =	vcmask $0x3330;
	vm13 =	vcmask $0x3734  }
0x7: {  	vm14 =	vcmask $0x3B38;
	v4 =	vimm.s32 $0x580;
	v5 =	vimm.s32 $0x500  }
0x8: {  	v6 =	vimm.s32 $0x480;
	v7 =	vimm.s32 $0x400;
	v8 =	vimm.s32 $0x380  }
0x9: {  	v9 =	vimm.s32 $0x300;
	v10 =	vimm.s32 $0x280;
	v11 =	vimm.s32 $0x200  }
0xa: {  	v12 =	vimm.s32 $0x180;
	v13 =	vimm.s32 $0x100;
	v14 =	vimm.s32 $0x80  }
0xb: {  	v15 =	vimm.s32 $0x0;
	v16 =	vimm.s32 $0xFEDCBA9;
	v18 =	vimm.s32 $0x87654321  }
0xc: {  	v19 =	vimm.s32 $0x98765432;
	v20 =	vimm.s32 $0x210FEDCB;
	v21 =	vimm.s32 $0xA9876543  }
0xd: {  	v31 =	vimm.s32 $0xCBA98765;
	v33 =	vimm.s32 $0x6543210F;
	v34 =	vimm.s32 $0xEDCBA987  }
0xe: {  	v35 =	vimm.s32 $0xFEDCBA98;
	v36 =	vimm.s32 $0x76543210;
	v0 =	vsel vm10, $0x780, v0  }
0xf: {  	v2 =	vsel vm10, $0x700, v2;
	v3 =	vsel vm10, $0x680, v3;
	v4 =	vsel vm10, $0x600, v4  }
0x10: {  	v5 =	vsel vm10, $0x580, v5;
	v6 =	vsel vm10, $0x500, v6;
	v7 =	vsel vm10, $0x480, v7  }
0x11: {  	v8 =	vsel vm10, $0x400, v8;
	v9 =	vsel vm10, $0x380, v9;
	v10 =	vsel vm10, $0x300, v10  }
0x12: {  	v11 =	vsel vm10, $0x280, v11;
	v12 =	vsel vm10, $0x200, v12;
	v13 =	vsel vm10, $0x180, v13  }
0x13: {  	v14 =	vsel vm10, $0x100, v14;
	v15 =	vsel vm10, $0x80, v15;
	v17 =	vunpack.c.l.s4.s8 v16  }
0x14: {  	v19 =	vunpack.c.l.s4.s8 v19;
	v20 =	vunpack.c.l.s4.s8 v20;
	v33 =	vunpack.c.l.s4.s8 v33  }
0x15: {  	v34 =	vunpack.c.l.s4.s8 v34;
	v35 =	vunpack.c.l.s4.s8 v35;
	v0 =	vsel vm9, $0x0, v0  }
0x16: {  	v2 =	vsel vm9, $0x780, v2;
	v3 =	vsel vm9, $0x700, v3;
	v4 =	vsel vm9, $0x680, v4  }
0x17: {  	v5 =	vsel vm9, $0x600, v5;
	v6 =	vsel vm9, $0x580, v6;
	v7 =	vsel vm9, $0x500, v7  }
0x18: {  	v8 =	vsel vm9, $0x480, v8;
	v9 =	vsel vm9, $0x400, v9;
	v10 =	vsel vm9, $0x380, v10  }
0x19: {  	v11 =	vsel vm9, $0x300, v11;
	v12 =	vsel vm9, $0x280, v12;
	v13 =	vsel vm9, $0x200, v13  }
0x1a: {  	v14 =	vsel vm9, $0x180, v14;
	v15 =	vsel vm9, $0x100, v15;
	v0 =	vsel vm7, $0x80, v0  }
0x1b: {  	v2 =	vsel vm7, $0x0, v2;
	v3 =	vsel vm7, $0x780, v3;
	v4 =	vsel vm7, $0x700, v4  }
0x1c: {  	v5 =	vsel vm7, $0x680, v5;
	v6 =	vsel vm7, $0x600, v6;
	v7 =	vsel vm7, $0x580, v7  }
0x1d: {  	v8 =	vsel vm7, $0x500, v8;
	v9 =	vsel vm7, $0x480, v9;
	v10 =	vsel vm7, $0x400, v10  }
0x1e: {  	v11 =	vsel vm7, $0x380, v11;
	v12 =	vsel vm7, $0x300, v12;
	v13 =	vsel vm7, $0x280, v13  }
0x1f: {  	v14 =	vsel vm7, $0x200, v14;
	v15 =	vsel vm7, $0x180, v15;
	v23 =	vunpack.c.0.s8.s32 v17  }
0x20: {  	v17 =	vunpack.c.l.s4.s8 v18;
	v18 =	vimm.s32 $0x10FEDCBA;
	v26 =	vunpack.c.0.s8.s32 v19  }
0x21: {  	v27 =	vunpack.c.0.s8.s32 v20;
	v33 =	vunpack.c.0.s8.s32 v33;
	v34 =	vunpack.c.0.s8.s32 v34  }
0x22: {  	v35 =	vunpack.c.0.s8.s32 v35;
	v0 =	vsel vm6, $0x100, v0;
	v2 =	vsel vm6, $0x80, v2  }
0x23: {  	v3 =	vsel vm6, $0x0, v3;
	v4 =	vsel vm6, $0x780, v4;
	v5 =	vsel vm6, $0x700, v5  }
0x24: {  	v6 =	vsel vm6, $0x680, v6;
	v7 =	vsel vm6, $0x600, v7;
	v8 =	vsel vm6, $0x580, v8  }
0x25: {  	v9 =	vsel vm6, $0x500, v9;
	v10 =	vsel vm6, $0x480, v10;
	v11 =	vsel vm6, $0x400, v11  }
0x26: {  	v12 =	vsel vm6, $0x380, v12;
	v13 =	vsel vm6, $0x300, v13;
	v14 =	vsel vm6, $0x280, v14  }
0x27: {  	v15 =	vsel vm6, $0x200, v15;
	v18 =	vunpack.c.l.s4.s8 v18;
	v0 =	vsel vm5, $0x180, v0  }
0x28: {  	v2 =	vsel vm5, $0x100, v2;
	v3 =	vsel vm5, $0x80, v3;
	v4 =	vsel vm5, $0x0, v4  }
0x29: {  	v5 =	vsel vm5, $0x780, v5;
	v6 =	vsel vm5, $0x700, v6;
	v7 =	vsel vm5, $0x680, v7  }
0x2a: {  	v8 =	vsel vm5, $0x600, v8;
	v9 =	vsel vm5, $0x580, v9;
	v10 =	vsel vm5, $0x500, v10  }
0x2b: {  	v11 =	vsel vm5, $0x480, v11;
	v12 =	vsel vm5, $0x400, v12;
	v13 =	vsel vm5, $0x380, v13  }
0x2c: {  	v14 =	vsel vm5, $0x300, v14;
	v15 =	vsel vm5, $0x280, v15;
	v24 =	vunpack.c.0.s8.s32 v17  }
0x2d: {  	v17 =	vunpack.c.l.s4.s8 v21;
	v39 =	vcombine.low v34, v33;
	v35 =	vand.u32 $0xF, v35  }
0x2e: {  	v1 =	vsel vm3, $0x200, v0;
	v0 =	vlaneseq.u32;
	v2 =	vsel vm3, $0x180, v2  }
0x2f: {  	v3 =	vsel vm3, $0x100, v3;
	v4 =	vsel vm3, $0x80, v4;
	v5 =	vsel vm3, $0x0, v5  }
0x30: {  	v6 =	vsel vm3, $0x780, v6;
	v7 =	vsel vm3, $0x700, v7;
	v8 =	vsel vm3, $0x680, v8  }
0x31: {  	v9 =	vsel vm3, $0x600, v9;
	v10 =	vsel vm3, $0x580, v10;
	v11 =	vsel vm3, $0x500, v11  }
0x32: {  	v12 =	vsel vm3, $0x480, v12;
	v13 =	vsel vm3, $0x400, v13;
	v14 =	vsel vm3, $0x380, v14  }
0x33: {  	v15 =	vsel vm3, $0x300, v15;
	v25 =	vunpack.c.0.s8.s32 v18;
	v18 =	vimm.s32 $0x3210FEDC  }
0x34: {  	v1 =	vsel vm1, $0x280, v1;
	v2 =	vsel vm1, $0x200, v2;
	v3 =	vsel vm1, $0x180, v3  }
0x35: {  	v4 =	vsel vm1, $0x100, v4;
	v5 =	vsel vm1, $0x80, v5;
	v6 =	vsel vm1, $0x0, v6  }
0x36: {  	v7 =	vsel vm1, $0x780, v7;
	v8 =	vsel vm1, $0x700, v8;
	v9 =	vsel vm1, $0x680, v9  }
0x37: {  	v10 =	vsel vm1, $0x600, v10;
	v11 =	vsel vm1, $0x580, v11;
	v12 =	vsel vm1, $0x500, v12  }
0x38: {  	v13 =	vsel vm1, $0x480, v13;
	v14 =	vsel vm1, $0x400, v14;
	v15 =	vsel vm1, $0x380, v15  }
0x39: {  	v16 =	vmul.u32 $0x80, v0;
	v28 =	vunpack.c.0.s8.s32 v17;
	v17 =	vunpack.c.l.s4.s8 v18  }
0x3a: {  	v18 =	vimm.s32 $0xBA987654;
	v19 =	vcombine.low v24, v23;
	v63 =	vcombine.low v23, v24  }
0x3b: {  	v24 =	vand.u32 $0xF, v39;
	v1 =	vsel vm2, $0x300, v1;
	v2 =	vsel vm2, $0x280, v2  }
0x3c: {  	v3 =	vsel vm2, $0x200, v3;
	v4 =	vsel vm2, $0x180, v4;
	v5 =	vsel vm2, $0x100, v5  }
0x3d: {  	v6 =	vsel vm2, $0x80, v6;
	v7 =	vsel vm2, $0x0, v7;
	v8 =	vsel vm2, $0x780, v8  }
0x3e: {  	v9 =	vsel vm2, $0x700, v9;
	v10 =	vsel vm2, $0x680, v10;
	v11 =	vsel vm2, $0x600, v11  }
0x3f: {  	v12 =	vsel vm2, $0x580, v12;
	v13 =	vsel vm2, $0x500, v13;
	v14 =	vsel vm2, $0x480, v14  }
0x40: {  	v15 =	vsel vm2, $0x400, v15;
	v20 =	vcombine.low v26, v25;
	v18 =	vunpack.c.l.s4.s8 v18  }
0x41: {  	v26 =	vcombine.low v25, v26;
	v1 =	vsel vm0, $0x380, v1;
	v2 =	vsel vm0, $0x300, v2  }
0x42: {  	v3 =	vsel vm0, $0x280, v3;
	v4 =	vsel vm0, $0x200, v4;
	v5 =	vsel vm0, $0x180, v5  }
0x43: {  	v6 =	vsel vm0, $0x100, v6;
	v7 =	vsel vm0, $0x80, v7;
	v8 =	vsel vm0, $0x0, v8  }
0x44: {  	v9 =	vsel vm0, $0x780, v9;
	v10 =	vsel vm0, $0x700, v10;
	v11 =	vsel vm0, $0x680, v11  }
0x45: {  	v12 =	vsel vm0, $0x600, v12;
	v13 =	vsel vm0, $0x580, v13;
	v14 =	vsel vm0, $0x500, v14  }
0x46: {  	v15 =	vsel vm0, $0x480, v15;
	v21 =	vcombine.low v28, v27;
	v29 =	vunpack.c.0.s8.s32 v17  }
0x47: {  	v17 =	vimm.s32 $0x43210FED;
	v27 =	vcombine.low v27, v28;
	v25 =	vand.u32 $0xF, v63  }
0x48: {  	v1 =	vsel vm4, $0x400, v1;
	v2 =	vsel vm4, $0x380, v2;
	v3 =	vsel vm4, $0x300, v3  }
0x49: {  	v4 =	vsel vm4, $0x280, v4;
	v5 =	vsel vm4, $0x200, v5;
	v6 =	vsel vm4, $0x180, v6  }
0x4a: {  	v7 =	vsel vm4, $0x100, v7;
	v8 =	vsel vm4, $0x80, v8;
	v9 =	vsel vm4, $0x0, v9  }
0x4b: {  	v10 =	vsel vm4, $0x780, v10;
	v11 =	vsel vm4, $0x700, v11;
	v12 =	vsel vm4, $0x680, v12  }
0x4c: {  	v13 =	vsel vm4, $0x600, v13;
	v14 =	vsel vm4, $0x580, v14;
	v15 =	vsel vm4, $0x500, v15  }
0x4d: {  	v30 =	vunpack.c.0.s8.s32 v18;
	v22 =	vunpack.c.l.s4.s8 v17;
	v17 =	vand.u32 $0xF, v19  }
0x4e: {  	v18 =	vand.u32 $0xF, v20;
	v20 =	vunpack.c.l.s4.s8 v31;
	v26 =	vand.u32 $0xF, v26  }
0x4f: {  	v1 =	vsel vm8, $0x480, v1;
	v2 =	vsel vm8, $0x400, v2;
	v3 =	vsel vm8, $0x380, v3  }
0x50: {  	v4 =	vsel vm8, $0x300, v4;
	v5 =	vsel vm8, $0x280, v5;
	v6 =	vsel vm8, $0x200, v6  }
0x51: {  	v7 =	vsel vm8, $0x180, v7;
	v8 =	vsel vm8, $0x100, v8;
	v9 =	vsel vm8, $0x80, v9  }
0x52: {  	v10 =	vsel vm8, $0x0, v10;
	v11 =	vsel vm8, $0x780, v11;
	v12 =	vsel vm8, $0x700, v12  }
0x53: {  	v13 =	vsel vm8, $0x680, v13;
	v14 =	vsel vm8, $0x600, v14;
	v15 =	vsel vm8, $0x580, v15  }
0x54: {  	v19 =	vand.u32 $0xF, v21;
	v27 =	vand.u32 $0xF, v27;
	v1 =	vsel vm11, $0x500, v1  }
0x55: {  	v2 =	vsel vm11, $0x480, v2;
	v3 =	vsel vm11, $0x400, v3;
	v4 =	vsel vm11, $0x380, v4  }
0x56: {  	v5 =	vsel vm11, $0x300, v5;
	v6 =	vsel vm11, $0x280, v6;
	v7 =	vsel vm11, $0x200, v7  }
0x57: {  	v8 =	vsel vm11, $0x180, v8;
	v9 =	vsel vm11, $0x100, v9;
	v10 =	vsel vm11, $0x80, v10  }
0x58: {  	v11 =	vsel vm11, $0x0, v11;
	v12 =	vsel vm11, $0x780, v12;
	v13 =	vsel vm11, $0x700, v13  }
0x59: {  	v14 =	vsel vm11, $0x680, v14;
	v15 =	vsel vm11, $0x600, v15;
	v21 =	vcombine.low v30, v29  }
0x5a: {  	v31 =	vunpack.c.0.s8.s32 v22;
	v32 =	vunpack.c.0.s8.s32 v20;
	v20 =	vimm.s32 $0x543210FE  }
0x5b: {  	v22 =	vimm.s32 $0xDCBA9876;
	v28 =	vcombine.low v29, v30;
	v1 =	vsel vm12, $0x580, v1  }
0x5c: {  	v2 =	vsel vm12, $0x500, v2;
	v3 =	vsel vm12, $0x480, v3;
	v4 =	vsel vm12, $0x400, v4  }
0x5d: {  	v5 =	vsel vm12, $0x380, v5;
	v6 =	vsel vm12, $0x300, v6;
	v7 =	vsel vm12, $0x280, v7  }
0x5e: {  	v8 =	vsel vm12, $0x200, v8;
	v9 =	vsel vm12, $0x180, v9;
	v10 =	vsel vm12, $0x100, v10  }
0x5f: {  	v11 =	vsel vm12, $0x80, v11;
	v12 =	vsel vm12, $0x0, v12;
	v13 =	vsel vm12, $0x780, v13  }
0x60: {  	v14 =	vsel vm12, $0x700, v14;
	v15 =	vsel vm12, $0x680, v15;
	v20 =	vunpack.c.l.s4.s8 v20  }
0x61: {  	v22 =	vunpack.c.l.s4.s8 v22;
	v1 =	vsel vm13, $0x600, v1;
	v2 =	vsel vm13, $0x580, v2  }
0x62: {  	v3 =	vsel vm13, $0x500, v3;
	v4 =	vsel vm13, $0x480, v4;
	v5 =	vsel vm13, $0x400, v5  }
0x63: {  	v6 =	vsel vm13, $0x380, v6;
	v7 =	vsel vm13, $0x300, v7;
	v8 =	vsel vm13, $0x280, v8  }
0x64: {  	v9 =	vsel vm13, $0x200, v9;
	v10 =	vsel vm13, $0x180, v10;
	v11 =	vsel vm13, $0x100, v11  }
0x65: {  	v12 =	vsel vm13, $0x80, v12;
	v13 =	vsel vm13, $0x0, v13;
	v14 =	vsel vm13, $0x780, v14  }
0x66: {  	s1 =	srdreg.scid;
	s4 =	rddreg [dreg:$0x0];
	v15 =	vsel vm13, $0x700, v15;
	v29 =	vcombine.low v31, v32;
	v28 =	vand.u32 $0xF, v28  }
0x67: {  	s0 =	stileid.u32;
	s2 =	rddreg [dreg:$0x1];
	s3 =	simm.s32 $0x0;
	v1 =	vsel vm14, $0x680, v1;
	v2 =	vsel vm14, $0x600, v2;
	v3 =	vsel vm14, $0x580, v3  }
0x68: {  	s11 =	simm.s32 $0x3;
	s12 =	simm.s32 $0x15E00;
	s13 =	simm.s32 $0x400;
	v4 =	vsel vm14, $0x500, v4;
	v5 =	vsel vm14, $0x480, v5;
	v6 =	vsel vm14, $0x400, v6  }
0x69: {  	s14 =	simm.s32 $0x8000;
	s15 =	simm.s32 $0x17E00;
	s16 =	simm.s32 $0x1;
	v7 =	vsel vm14, $0x380, v7;
	v8 =	vsel vm14, $0x300, v8;
	v9 =	vsel vm14, $0x280, v9  }
0x6a: {  	s17 =	simm.s32 $0x2;
	s5 =	sand.u32 $0x1, s1;
	s31 =	sshll.u32 s0, $0x1;
	v10 =	vsel vm14, $0x200, v10;
	v11 =	vsel vm14, $0x180, v11;
	v12 =	vsel vm14, $0x100, v12  }
0x6b: {  	s18 =	simm.s32 $0x0;
	s1 =	rddreg [dreg:$0x2];
	s7 =	sor.u32 s5, s31;
	v13 =	vsel vm14, $0x80, v13;
	v14 =	vsel vm14, $0x0, v14;
	v15 =	vsel vm14, $0x780, v15  }
0x6c: {  	[smem:$0x7FF] =	sst s3;
	s5 =	ssub.s32 $0x2, s5;
	s6 =	smul.u32 $0xC80, s7;
	v37 =	vunpack.c.0.s8.s32 v20;
	v38 =	vunpack.c.0.s8.s32 v22;
	v22 =	vunpack.c.l.s4.s8 v36  }
0x6d: {  	_ =	strace $0x80000047;
	s8 =	sshrl.u32 s5, $0x1;
	s9 =	sshll.u32 s7, $0x7;
	v20 =	vand.u32 $0xF, v21;
	v21 =	vcombine.low v32, v31;
	v31 =	vcombine.low v33, v34  }
0x6e: {  	s7 =	sshll.u32 s7, $0xA;
	s10 =	ssub.s32 s5, s8;
	s6 =	sadd.s32 s6, s4;
	v22 =	vunpack.c.0.s8.s32 v22;
	v62 =	vcombine.low v38, v37;
	v30 =	vcombine.low v37, v38  }
0x6f: {  	s4 =	sadd.s32 $0x600, s4;
	s5 =	sadd.s32 $0x2600, s6;
	s6 =	sadd.s32 s2, s9;
	v29 =	vand.u32 $0xF, v29;
	v21 =	vand.u32 $0xF, v21;
	v31 =	vand.u32 $0xF, v31  }
0x70: {  	s9 =	smax.u32 s10, $0x1;
	s10 =	simm.s32 $0x6400;
	s8 =	sadd.s32 $0x8000, s6;
	v22 =	vcombine.low v35, v22;
	v23 =	vand.u32 $0xF, v62;
	v30 =	vand.u32 $0xF, v30  }
.LBB2_1:
0x71: {  	[tilespmem:s10], [sflag:$0x3] =	stream.linear.gather [hbm4b:s4+s3], $0xFA00, $0x38;
	[tilespmem:$0x19E00] =	vst v63  }
0x72: {  	_ =	swait.ge [sflag:s11], $0xFA00  }
0x73: {  	[sflag:s11] =	ssyncset.done $0x0  }
0x74: {  	[sflag:s11] =	ssyncadd.s32 $0xFFFF0600  }
0x75: {  	[tilespmem:s3], [sflag:$0x3] =	stream.linear.gather [hbm4b:s5+s3], $0x6400, $0x38;
	[tilespmem:$0x19E00] =	vst v63  }
0x76: {  	_ =	swait.ge [sflag:s11], $0x6400  }
0x77: {  	[sflag:s11] =	ssyncset.done $0x0  }
0x78: {  	p1 =	por $0x1, $0x1;
	s19 =	simm.s32 $0x0;
	[sflag:s11] =	ssyncadd.s32 $0xFFFF9C00  }
.LBB2_2:
0x79: {  	v32 =	vld [tilespmem:s19+$0x0];
	_ =	sdelay $0x4  }
0x7a: {  	s20 =	simm.s32 $0x0;
	v32 =	vshll.u32 v32, $0x6  }
0x7b: {  	v37 =	vadd.s32 s20, v32  }
0x7c: {  	v34 =	vor.u32 v0, v37;
	_ =	sdelay $0x1  }
0x7d: {  	v33 =	vmov s20  }
0x7e: {  	v35 =	vshll.u32 v33, $0x7  }
0x7f: {  	v33 =	vor.u32 s19, v0;
	v36 =	vor.u32 v16, v35  }
0x80: {  	v36 =	vor.u32 v33, v36;
	v34 =	vld.idx.msk [tilespmem:v34+s10+$0x0], $0xffff  }
0x81: {  	v38 =	vor.u32 v17, v37;
	_ =	sdelay $0x3  }
0x82: {  	v54 =	vor.u32 v15, v35;
	[tilespmem:v36+s12+$0x0] =	vst.idx.msk $0xffff, v34  }
0x83: {  	v34 =	vor.u32 v33, v54;
	v36 =	vld.idx.msk [tilespmem:v38+s10+$0x0], $0xffff  }
0x84: {  	v55 =	vor.u32 v18, v37;
	_ =	sdelay $0x3  }
0x85: {  	v56 =	vor.u32 v14, v35;
	[tilespmem:v34+s12+$0x0] =	vst.idx.msk $0xffff, v36  }
0x86: {  	v34 =	vor.u32 v33, v56;
	v36 =	vld.idx.msk [tilespmem:v55+s10+$0x0], $0xffff  }
0x87: {  	v57 =	vor.u32 v19, v37;
	_ =	sdelay $0x3  }
0x88: {  	v58 =	vor.u32 v13, v35;
	[tilespmem:v34+s12+$0x0] =	vst.idx.msk $0xffff, v36  }
0x89: {  	v34 =	vor.u32 v33, v58;
	v36 =	vld.idx.msk [tilespmem:v57+s10+$0x0], $0xffff  }
0x8a: {  	s31 =	simm.s32 $0x10;
	v59 =	vor.u32 v20, v37  }
0x8b: {  	v41 =	vadd.s32 s31, v32  }
0x8c: {  	v40 =	vor.u32 v0, v41;
	_ =	sdelay $0x1  }
0x8d: {  	v39 =	vmov s31;
	v60 =	vor.u32 v12, v35;
	[tilespmem:v34+s12+$0x0] =	vst.idx.msk $0xffff, v36  }
0x8e: {  	v39 =	vshll.u32 v39, $0x7;
	v34 =	vor.u32 v33, v60;
	v36 =	vld.idx.msk [tilespmem:v59+s10+$0x0], $0xffff  }
0x8f: {  	v61 =	vor.u32 v16, v39;
	v42 =	vor.u32 v21, v37  }
0x90: {  	v40 =	vld.idx.msk [tilespmem:v40+s10+$0x0], $0xffff;
	v38 =	vor.u32 v33, v61  }
0x91: {  	v43 =	vor.u32 v17, v41;
	_ =	sdelay $0x1  }
0x92: {  	v62 =	vor.u32 v11, v35;
	[tilespmem:v34+s12+$0x0] =	vst.idx.msk $0xffff, v36  }
0x93: {  	v34 =	vor.u32 v33, v62;
	v36 =	vld.idx.msk [tilespmem:v42+s10+$0x0], $0xffff  }
0x94: {  	v63 =	vor.u32 v15, v39;
	v45 =	vor.u32 v23, v37;
	[tilespmem:v38+s12+$0x0] =	vst.idx.msk $0xffff, v40  }
0x95: {  	v38 =	vor.u32 v33, v63;
	v40 =	vld.idx.msk [tilespmem:v43+s10+$0x0], $0xffff  }
0x96: {  	v46 =	vor.u32 v18, v41;
	_ =	sdelay $0x1  }
0x97: {  	v47 =	vor.u32 v10, v35;
	[tilespmem:v34+s12+$0x0] =	vst.idx.msk $0xffff, v36  }
0x98: {  	v34 =	vor.u32 v33, v47;
	v36 =	vld.idx.msk [tilespmem:v45+s10+$0x0], $0xffff  }
0x99: {  	v48 =	vor.u32 v14, v39;
	v49 =	vor.u32 v24, v37;
	[tilespmem:v38+s12+$0x0] =	vst.idx.msk $0xffff, v40  }
0x9a: {  	v38 =	vor.u32 v33, v48;
	v40 =	vld.idx.msk [tilespmem:v46+s10+$0x0], $0xffff  }
0x9b: {  	v50 =	vor.u32 v19, v41;
	_ =	sdelay $0x1  }
0x9c: {  	v51 =	vor.u32 v9, v35;
	[tilespmem:v34+s12+$0x0] =	vst.idx.msk $0xffff, v36  }
0x9d: {  	v34 =	vor.u32 v33, v51;
	v36 =	vld.idx.msk [tilespmem:v49+s10+$0x0], $0xffff  }
0x9e: {  	v52 =	vor.u32 v13, v39;
	v53 =	vor.u32 v22, v37;
	[tilespmem:v38+s12+$0x0] =	vst.idx.msk $0xffff, v40  }
0x9f: {  	v38 =	vor.u32 v33, v52;
	v40 =	vld.idx.msk [tilespmem:v50+s10+$0x0], $0xffff  }
0xa0: {  	s20 =	simm.s32 $0x20;
	v54 =	vor.u32 v20, v41  }
0xa1: {  	v45 =	vadd.s32 s20, v32  }
0xa2: {  	v55 =	vor.u32 v8, v35;
	v44 =	vor.u32 v0, v45;
	[tilespmem:v34+s12+$0x0] =	vst.idx.msk $0xffff, v36  }
0xa3: {  	v34 =	vor.u32 v33, v55;
	v36 =	vld.idx.msk [tilespmem:v53+s10+$0x0], $0xffff  }
0xa4: {  	v56 =	vmov s20;
	v57 =	vor.u32 v12, v39;
	v46 =	vor.u32 v25, v37;
	[tilespmem:v38+s12+$0x0] =	vst.idx.msk $0xffff, v40  }
0xa5: {  	v43 =	vshll.u32 v56, $0x7;
	v59 =	vor.u32 v33, v57;
	v58 =	vld.idx.msk [tilespmem:v54+s10+$0x0], $0xffff  }
0xa6: {  	v60 =	vor.u32 v16, v43;
	v47 =	vor.u32 v21, v41  }
0xa7: {  	v40 =	vor.u32 v33, v60;
	v44 =	vld.idx.msk [tilespmem:v44+s10+$0x0], $0xffff  }
0xa8: {  	v61 =	vor.u32 v7, v35;
	v48 =	vor.u32 v17, v45;
	[tilespmem:v34+s12+$0x0] =	vst.idx.msk $0xffff, v36  }
0xa9: {  	v34 =	vor.u32 v33, v61;
	v36 =	vld.idx.msk [tilespmem:v46+s10+$0x0], $0xffff  }
0xaa: {  	v63 =	vor.u32 v26, v37;
	v62 =	vor.u32 v11, v39;
	[tilespmem:v59+s12+$0x0] =	vst.idx.msk $0xffff, v58  }
0xab: {  	v38 =	vor.u32 v33, v62;
	v42 =	vld.idx.msk [tilespmem:v47+s10+$0x0], $0xffff  }
0xac: {  	v52 =	vor.u32 v23, v41;
	v51 =	vor.u32 v15, v43;
	[tilespmem:v40+s12+$0x0] =	vst.idx.msk $0xffff, v44  }
0xad: {  	v40 =	vor.u32 v33, v51;
	v44 =	vld.idx.msk [tilespmem:v48+s10+$0x0], $0xffff  }
0xae: {  	v54 =	vor.u32 v6, v35;
	v53 =	vor.u32 v18, v45;
	[tilespmem:v34+s12+$0x0] =	vst.idx.msk $0xffff, v36  }
0xaf: {  	v34 =	vor.u32 v33, v54;
	v36 =	vld.idx.msk [tilespmem:v63+s10+$0x0], $0xffff  }
0xb0: {  	v56 =	vor.u32 v27, v37;
	[tilespmem:v38+s12+$0x0] =	vst.idx.msk $0xffff, v42;
	v55 =	vor.u32 v10, v39  }
0xb1: {  	v57 =	vld.idx.msk [tilespmem:v52+s10+$0x0], $0xffff;
	v38 =	vor.u32 v33, v55  }
0xb2: {  	v60 =	vor.u32 v24, v41;
	v58 =	vor.u32 v14, v43;
	[tilespmem:v40+s12+$0x0] =	vst.idx.msk $0xffff, v44  }
0xb3: {  	v49 =	vor.u32 v33, v58;
	v59 =	vld.idx.msk [tilespmem:v53+s10+$0x0], $0xffff  }
0xb4: {  	v50 =	vor.u32 v19, v45;
	v61 =	vor.u32 v5, v35;
	[tilespmem:v34+s12+$0x0] =	vst.idx.msk $0xffff, v36  }
0xb5: {  	v44 =	vor.u32 v33, v61;
	v42 =	vld.idx.msk [tilespmem:v56+s10+$0x0], $0xffff  }
0xb6: {  	v62 =	vor.u32 v9, v39;
	[tilespmem:v38+s12+$0x0] =	vst.idx.msk $0xffff, v57;
	v38 =	vor.u32 v28, v37  }
0xb7: {  	v47 =	vor.u32 v33, v62;
	v40 =	vld.idx.msk [tilespmem:v60+s10+$0x0], $0xffff  }
0xb8: {  	v48 =	vor.u32 v22, v41;
	[tilespmem:v49+s12+$0x0] =	vst.idx.msk $0xffff, v59;
	v63 =	vor.u32 v13, v43  }
0xb9: {  	p0 =	por p1, p1;
	v34 =	vld.idx.msk [tilespmem:v50+s10+$0x0], $0xffff;
	v36 =	vor.u32 v33, v63  }
.LBB2_3:
0xba: {  	s20 =	sadd.s32 $0x10, s20;
	v46 =	vor.u32 v20, v45;
	[tilespmem:v44+s12+$0x0] =	vst.idx.msk $0xffff, v42  }
0xbb: {  	v44 =	vor.u32 v4, v35;
	v42 =	vadd.s32 s20, v32;
	p1 =	slt.u32 s20, $0x30;
	v38 =	vld.idx.msk [tilespmem:v38+s10+$0x0], $0xffff  }
0xbc: {  	v49 =	vor.u32 v0, v42;
	[tilespmem:v47+s12+$0x0] =	vst.idx.msk $0xffff, v40;
	v40 =	vor.u32 v33, v44  }
0xbd: {  	v47 =	vor.u32 v8, v39;
	v44 =	vld.idx.msk [tilespmem:v48+s10+$0x0], $0xffff;
	v48 =	vor.u32 v29, v37  }
0xbe: {  	[tilespmem:v36+s12+$0x0] =	vst.idx.msk $0xffff, v34;
	v34 =	vor.u32 v33, v47  }
0xbf: {  	v50 =	vor.u32 v25, v41;
	v36 =	vmov s20;
	v47 =	vor.u32 v12, v43;
	v46 =	vld.idx.msk [tilespmem:v46+s10+$0x0], $0xffff  }
0xc0: {  	v36 =	vshll.u32 v36, $0x7;
	v47 =	vor.u32 v33, v47  }
0xc1: {  	v52 =	vor.u32 v21, v45;
	v51 =	vor.u32 v16, v36;
	v49 =	vld.idx.msk [tilespmem:v49+s10+$0x0], $0xffff;
	[tilespmem:v40+s12+$0x0] =	vst.idx.msk $0xffff, v38  }
0xc2: {  	v38 =	vor.u32 v33, v51;
	v40 =	vld.idx.msk [tilespmem:v48+s10+$0x0], $0xffff;
	v48 =	vor.u32 v3, v35  }
0xc3: {  	v51 =	vor.u32 v17, v42;
	[tilespmem:v34+s12+$0x0] =	vst.idx.msk $0xffff, v44;
	v34 =	vor.u32 v33, v48  }
0xc4: {  	v48 =	vor.u32 v7, v39;
	v44 =	vld.idx.msk [tilespmem:v50+s10+$0x0], $0xffff;
	v50 =	vor.u32 v30, v37  }
0xc5: {  	[tilespmem:v47+s12+$0x0] =	vst.idx.msk $0xffff, v46;
	v46 =	vor.u32 v33, v48  }
0xc6: {  	v48 =	vor.u32 v11, v43;
	v47 =	vld.idx.msk [tilespmem:v52+s10+$0x0], $0xffff;
	v52 =	vor.u32 v26, v41  }
0xc7: {  	[tilespmem:v38+s12+$0x0] =	vst.idx.msk $0xffff, v49;
	v38 =	vor.u32 v33, v48  }
0xc8: {  	v49 =	vor.u32 v15, v36;
	v48 =	vld.idx.msk [tilespmem:v51+s10+$0x0], $0xffff;
	v51 =	vor.u32 v23, v45;
	[tilespmem:v34+s12+$0x0] =	vst.idx.msk $0xffff, v40  }
0xc9: {  	v34 =	vor.u32 v33, v49;
	v49 =	vor.u32 v2, v35;
	v40 =	vld.idx.msk [tilespmem:v50+s10+$0x0], $0xffff  }
0xca: {  	v50 =	vor.u32 v18, v42;
	[tilespmem:v46+s12+$0x0] =	vst.idx.msk $0xffff, v44;
	v44 =	vor.u32 v33, v49  }
0xcb: {  	v49 =	vor.u32 v6, v39;
	v46 =	vld.idx.msk [tilespmem:v52+s10+$0x0], $0xffff;
	v52 =	vor.u32 v31, v37;
	v37 =	vmovc v41;
	v41 =	vmov v45  }
0xcc: {  	v45 =	vmov v42;
	[tilespmem:v38+s12+$0x0] =	vst.idx.msk $0xffff, v47;
	v38 =	vor.u32 v33, v49  }
0xcd: {  	v42 =	vor.u32 v10, v43;
	v49 =	vor.u32 v27, v37;
	v47 =	vld.idx.msk [tilespmem:v51+s10+$0x0], $0xffff  }
0xce: {  	[tilespmem:v34+s12+$0x0] =	vst.idx.msk $0xffff, v48;
	v34 =	vor.u32 v33, v42  }
0xcf: {  	v42 =	vor.u32 v14, v36;
	v48 =	vld.idx.msk [tilespmem:v50+s10+$0x0], $0xffff;
	v50 =	vor.u32 v24, v41;
	[tilespmem:v44+s12+$0x0] =	vst.idx.msk $0xffff, v40  }
0xd0: {  	v51 =	vor.u32 v33, v42;
	v40 =	vor.u32 v1, v35;
	v35 =	vmovc v39;
	v39 =	vmov v43;
	v52 =	vld.idx.msk [tilespmem:v52+s10+$0x0], $0xffff  }
0xd1: {  	v53 =	vor.u32 v19, v45;
	v43 =	vmov v36;
	[tilespmem:v38+s12+$0x0] =	vst.idx.msk $0xffff, v46;
	v46 =	vor.u32 v33, v40  }
0xd2: {  	v36 =	vor.u32 v5, v35;
	v42 =	vld.idx.msk [tilespmem:v49+s10+$0x0], $0xffff  }
.Ltmp0:
0xd3: {  	v44 =	vor.u32 v33, v36;
	[tilespmem:v34+s12+$0x0] =	vst.idx.msk $0xffff, v47;
	(pc) =	sbr.rel @p1 .LBB2_3-.Ltmp0, $4  }
0xd4: {  	v38 =	vor.u32 v28, v37;
	v34 =	vor.u32 v9, v39;
	v40 =	vld.idx.msk [tilespmem:v50+s10+$0x0], $0xffff  }
0xd5: {  	v47 =	vor.u32 v33, v34;
	[tilespmem:v51+s12+$0x0] =	vst.idx.msk $0xffff, v48  }
0xd6: {  	v36 =	vor.u32 v13, v43;
	v48 =	vor.u32 v22, v41;
	v34 =	vld.idx.msk [tilespmem:v53+s10+$0x0], $0xffff;
	[tilespmem:v46+s12+$0x0] =	vst.idx.msk $0xffff, v52  }
0xd7: {  	v36 =	vor.u32 v33, v36  }
0xd8: {  	s20 =	sor.u32 $0x10, s19  }
0xd9: {  	v32 =	vor.u32 v20, v45;
	v46 =	vld [tilespmem:s20+$0x0];
	_ =	sdelay $0x3  }
0xda: {  	v55 =	vor.u32 v12, v43;
	[tilespmem:v36+s12+$0x0] =	vst.idx.msk $0xffff, v34  }
0xdb: {  	s21 =	simm.s32 $0x0;
	v34 =	vor.u32 v33, v55;
	v32 =	vld.idx.msk [tilespmem:v32+s10+$0x0], $0xffff;
	v46 =	vshll.u32 v46, $0x6  }
0xdc: {  	v49 =	vor.u32 v21, v45;
	v36 =	vadd.s32 s21, v46  }
0xdd: {  	v50 =	vor.u32 v0, v36;
	_ =	sdelay $0x1  }
0xde: {  	v51 =	vmov s21  }
0xdf: {  	v56 =	vor.u32 v11, v43;
	[tilespmem:v34+s12+$0x0] =	vst.idx.msk $0xffff, v32;
	v34 =	vshll.u32 v51, $0x7  }
0xe0: {  	v52 =	vor.u32 v33, v56;
	v32 =	vor.u32 s20, v0;
	v49 =	vld.idx.msk [tilespmem:v49+s10+$0x0], $0xffff;
	v53 =	vor.u32 v16, v34  }
0xe1: {  	v57 =	vor.u32 v23, v45;
	v53 =	vor.u32 v32, v53;
	v50 =	vld.idx.msk [tilespmem:v50+s10+$0x0], $0xffff  }
0xe2: {  	v54 =	vor.u32 v17, v36;
	_ =	sdelay $0x2  }
0xe3: {  	v58 =	vor.u32 v10, v43;
	[tilespmem:v52+s12+$0x0] =	vst.idx.msk $0xffff, v49  }
0xe4: {  	v60 =	vor.u32 v15, v34;
	v49 =	vor.u32 v33, v58;
	v51 =	vld.idx.msk [tilespmem:v57+s10+$0x0], $0xffff;
	[tilespmem:v53+s12+$0x0] =	vst.idx.msk $0xffff, v50  }
0xe5: {  	v59 =	vor.u32 v24, v45;
	v50 =	vor.u32 v32, v60;
	v53 =	vld.idx.msk [tilespmem:v54+s10+$0x0], $0xffff  }
0xe6: {  	v61 =	vor.u32 v18, v36;
	_ =	sdelay $0x2  }
0xe7: {  	v62 =	vor.u32 v9, v43;
	[tilespmem:v49+s12+$0x0] =	vst.idx.msk $0xffff, v51  }
0xe8: {  	v56 =	vor.u32 v14, v34;
	v49 =	vor.u32 v33, v62;
	v51 =	vld.idx.msk [tilespmem:v59+s10+$0x0], $0xffff;
	[tilespmem:v50+s12+$0x0] =	vst.idx.msk $0xffff, v53  }
0xe9: {  	v63 =	vor.u32 v22, v45;
	[tilespmem:v44+s12+$0x0] =	vst.idx.msk $0xffff, v42;
	v50 =	vor.u32 v32, v56;
	v53 =	vld.idx.msk [tilespmem:v61+s10+$0x0], $0xffff  }
0xea: {  	s31 =	simm.s32 $0x10;
	[tilespmem:v47+s12+$0x0] =	vst.idx.msk $0xffff, v40;
	v42 =	vor.u32 v19, v36;
	v57 =	vor.u32 v4, v35  }
0xeb: {  	v38 =	vld.idx.msk [tilespmem:v38+s10+$0x0], $0xffff;
	v40 =	vadd.s32 s31, v46;
	v58 =	vor.u32 v8, v39;
	v44 =	vor.u32 v33, v57  }
0xec: {  	v47 =	vld.idx.msk [tilespmem:v48+s10+$0x0], $0xffff;
	v48 =	vor.u32 v0, v40;
	v59 =	vor.u32 v33, v58  }
0xed: {  	v60 =	vor.u32 v8, v43;
	v61 =	vor.u32 v25, v41;
	[tilespmem:v49+s12+$0x0] =	vst.idx.msk $0xffff, v51  }
0xee: {  	v62 =	vor.u32 v33, v60;
	v56 =	vor.u32 v13, v34;
	v51 =	vld.idx.msk [tilespmem:v63+s10+$0x0], $0xffff;
	[tilespmem:v50+s12+$0x0] =	vst.idx.msk $0xffff, v53  }
0xef: {  	v57 =	vor.u32 v32, v56;
	v63 =	vor.u32 v25, v45;
	v42 =	vld.idx.msk [tilespmem:v42+s10+$0x0], $0xffff  }
0xf0: {  	v55 =	vor.u32 v20, v36;
	v60 =	vmov s31;
	[tilespmem:v44+s12+$0x0] =	vst.idx.msk $0xffff, v38  }
0xf1: {  	v58 =	vor.u32 v7, v39;
	v44 =	vor.u32 v26, v41;
	v38 =	vshll.u32 v60, $0x7;
	[tilespmem:v59+s12+$0x0] =	vst.idx.msk $0xffff, v47  }
0xf2: {  	v56 =	vor.u32 v16, v38;
	v47 =	vor.u32 v33, v58;
	v53 =	vor.u32 v29, v37;
	v49 =	vld.idx.msk [tilespmem:v61+s10+$0x0], $0xffff  }
0xf3: {  	v48 =	vld.idx.msk [tilespmem:v48+s10+$0x0], $0xffff;
	v56 =	vor.u32 v32, v56;
	v59 =	vor.u32 v7, v43;
	[tilespmem:v62+s12+$0x0] =	vst.idx.msk $0xffff, v51  }
0xf4: {  	v51 =	vor.u32 v33, v59;
	v62 =	vor.u32 v12, v34;
	v52 =	vld.idx.msk [tilespmem:v63+s10+$0x0], $0xffff;
	[tilespmem:v57+s12+$0x0] =	vst.idx.msk $0xffff, v42  }
0xf5: {  	v63 =	vor.u32 v26, v45;
	v42 =	vor.u32 v32, v62;
	v55 =	vld.idx.msk [tilespmem:v55+s10+$0x0], $0xffff  }
0xf6: {  	v60 =	vor.u32 v6, v39;
	v61 =	vor.u32 v3, v35;
	v57 =	vor.u32 v21, v36  }
0xf7: {  	v54 =	vor.u32 v33, v61;
	v61 =	vor.u32 v17, v40;
	v53 =	vld.idx.msk [tilespmem:v53+s10+$0x0], $0xffff;
	[tilespmem:v47+s12+$0x0] =	vst.idx.msk $0xffff, v49  }
0xf8: {  	v58 =	vor.u32 v27, v41;
	[tilespmem:v56+s12+$0x0] =	vst.idx.msk $0xffff, v48;
	v47 =	vor.u32 v33, v60;
	v44 =	vld.idx.msk [tilespmem:v44+s10+$0x0], $0xffff  }
0xf9: {  	v59 =	vor.u32 v15, v38;
	v62 =	vor.u32 v6, v43;
	[tilespmem:v51+s12+$0x0] =	vst.idx.msk $0xffff, v52  }
0xfa: {  	v51 =	vor.u32 v33, v62;
	v50 =	vld.idx.msk [tilespmem:v63+s10+$0x0], $0xffff;
	v63 =	vor.u32 v11, v34;
	[tilespmem:v42+s12+$0x0] =	vst.idx.msk $0xffff, v55  }
0xfb: {  	v60 =	vor.u32 v5, v39;
	v42 =	vor.u32 v27, v45;
	v48 =	vor.u32 v32, v63;
	v57 =	vld.idx.msk [tilespmem:v57+s10+$0x0], $0xffff  }
0xfc: {  	v49 =	vld.idx.msk [tilespmem:v61+s10+$0x0], $0xffff;
	[tilespmem:v54+s12+$0x0] =	vst.idx.msk $0xffff, v53;
	v53 =	vor.u32 v23, v36;
	v54 =	vor.u32 v32, v59  }
0xfd: {  	v61 =	vor.u32 v2, v35;
	[tilespmem:v47+s12+$0x0] =	vst.idx.msk $0xffff, v44;
	v47 =	vor.u32 v18, v40  }
0xfe: {  	v52 =	vor.u32 v30, v37;
	v62 =	vor.u32 v5, v43;
	v44 =	vor.u32 v33, v60;
	v56 =	vld.idx.msk [tilespmem:v58+s10+$0x0], $0xffff  }
0xff: {  	v59 =	vor.u32 v10, v34;
	v63 =	vor.u32 v28, v41;
	[tilespmem:v51+s12+$0x0] =	vst.idx.msk $0xffff, v50  }
0x100: {  	v60 =	vor.u32 v14, v38;
	v51 =	vor.u32 v33, v62;
	v42 =	vld.idx.msk [tilespmem:v42+s10+$0x0], $0xffff;
	[tilespmem:v48+s12+$0x0] =	vst.idx.msk $0xffff, v57  }
0x101: {  	v58 =	vor.u32 v28, v45;
	[tilespmem:v54+s12+$0x0] =	vst.idx.msk $0xffff, v49;
	v48 =	vor.u32 v32, v59;
	v53 =	vld.idx.msk [tilespmem:v53+s10+$0x0], $0xffff  }
0x102: {  	v54 =	vor.u32 v33, v61;
	v61 =	vor.u32 v24, v36;
	v49 =	vor.u32 v32, v60;
	v47 =	vld.idx.msk [tilespmem:v47+s10+$0x0], $0xffff  }
0x103: {  	v62 =	vor.u32 v4, v39;
	[tilespmem:v44+s12+$0x0] =	vst.idx.msk $0xffff, v56;
	v56 =	vor.u32 v19, v40  }
0x104: {  	v60 =	vor.u32 v9, v34;
	v44 =	vor.u32 v33, v62;
	v50 =	vld.idx.msk [tilespmem:v63+s10+$0x0], $0xffff  }
0x105: {  	v52 =	vld.idx.msk [tilespmem:v52+s10+$0x0], $0xffff;
	v62 =	vor.u32 v13, v38;
	v63 =	vor.u32 v4, v43;
	[tilespmem:v51+s12+$0x0] =	vst.idx.msk $0xffff, v42  }
0x106: {  	v42 =	vor.u32 v29, v41;
	v51 =	vor.u32 v33, v63;
	v57 =	vld.idx.msk [tilespmem:v58+s10+$0x0], $0xffff;
	[tilespmem:v48+s12+$0x0] =	vst.idx.msk $0xffff, v53  }
0x107: {  	[tilespmem:v49+s12+$0x0] =	vst.idx.msk $0xffff, v47;
	v58 =	vor.u32 v29, v45;
	v53 =	vld.idx.msk [tilespmem:v61+s10+$0x0], $0xffff;
	v61 =	vor.u32 v32, v60  }
0x108: {  	v49 =	vld.idx.msk [tilespmem:v56+s10+$0x0], $0xffff;
	v63 =	vor.u32 v22, v36;
	v48 =	vor.u32 v32, v62  }
0x109: {  	s20 =	simm.s32 $0x20;
	v59 =	vor.u32 v3, v39;
	[tilespmem:v44+s12+$0x0] =	vst.idx.msk $0xffff, v50;
	v50 =	vor.u32 v20, v40  }
0x10a: {  	v55 =	vor.u32 v33, v59;
	[tilespmem:v54+s12+$0x0] =	vst.idx.msk $0xffff, v52;
	v56 =	vor.u32 v30, v41;
	v44 =	vadd.s32 s20, v46  }
0x10b: {  	v60 =	vor.u32 v3, v43;
	v54 =	vld.idx.msk [tilespmem:v42+s10+$0x0], $0xffff;
	[tilespmem:v51+s12+$0x0] =	vst.idx.msk $0xffff, v57;
	v51 =	vor.u32 v0, v44  }
0x10c: {  	v57 =	vld.idx.msk [tilespmem:v58+s10+$0x0], $0xffff;
	v58 =	vor.u32 v33, v60;
	[tilespmem:v61+s12+$0x0] =	vst.idx.msk $0xffff, v53;
	v61 =	vor.u32 v8, v34  }
0x10d: {  	v62 =	vmov s20;
	[tilespmem:v48+s12+$0x0] =	vst.idx.msk $0xffff, v49;
	v47 =	vld.idx.msk [tilespmem:v63+s10+$0x0], $0xffff;
	v48 =	vor.u32 v32, v61;
	v63 =	vor.u32 v12, v38  }
0x10e: {  	v52 =	vor.u32 v30, v45;
	v42 =	vshll.u32 v62, $0x7;
	v50 =	vld.idx.msk [tilespmem:v50+s10+$0x0], $0xffff;
	v49 =	vor.u32 v32, v63  }
0x10f: {  	v62 =	vor.u32 v21, v40;
	v59 =	vor.u32 v16, v42;
	v61 =	vor.u32 v25, v36  }
0x110: {  	v60 =	vor.u32 v2, v39;
	v53 =	vor.u32 v32, v59;
	[tilespmem:v55+s12+$0x0] =	vst.idx.msk $0xffff, v54;
	v51 =	vld.idx.msk [tilespmem:v51+s10+$0x0], $0xffff  }
0x111: {  	v41 =	vor.u32 v31, v41;
	v54 =	vor.u32 v33, v60;
	[tilespmem:v58+s12+$0x0] =	vst.idx.msk $0xffff, v57  }
0x112: {  	v63 =	vor.u32 v2, v43;
	v56 =	vld.idx.msk [tilespmem:v56+s10+$0x0], $0xffff;
	v58 =	vor.u32 v31, v37;
	[tilespmem:v48+s12+$0x0] =	vst.idx.msk $0xffff, v47  }
0x113: {  	v59 =	vor.u32 v7, v34;
	v47 =	vor.u32 v33, v63;
	[tilespmem:v49+s12+$0x0] =	vst.idx.msk $0xffff, v50;
	v49 =	vld.idx.msk [tilespmem:v52+s10+$0x0], $0xffff  }
0x114: {  	v60 =	vor.u32 v11, v38;
	v48 =	vor.u32 v17, v44;
	v52 =	vld.idx.msk [tilespmem:v61+s10+$0x0], $0xffff;
	v50 =	vor.u32 v32, v59  }
0x115: {  	v45 =	vor.u32 v31, v45;
	[tilespmem:v53+s12+$0x0] =	vst.idx.msk $0xffff, v51;
	v61 =	vld.idx.msk [tilespmem:v62+s10+$0x0], $0xffff;
	v51 =	vor.u32 v32, v60  }
0x116: {  	v57 =	vor.u32 v23, v40;
	v63 =	vor.u32 v26, v36  }
0x117: {  	v59 =	vor.u32 v18, v44;
	v62 =	vor.u32 v15, v42;
	[tilespmem:v54+s12+$0x0] =	vst.idx.msk $0xffff, v56;
	v37 =	vld.idx.msk [tilespmem:v58+s10+$0x0], $0xffff  }
0x118: {  	v56 =	vor.u32 v1, v35;
	v60 =	vor.u32 v1, v43;
	v41 =	vld.idx.msk [tilespmem:v41+s10+$0x0], $0xffff;
	[tilespmem:v47+s12+$0x0] =	vst.idx.msk $0xffff, v49  }
0x119: {  	v55 =	vor.u32 v32, v62;
	v58 =	vor.u32 v1, v39;
	v48 =	vld.idx.msk [tilespmem:v48+s10+$0x0], $0xffff;
	[tilespmem:v50+s12+$0x0] =	vst.idx.msk $0xffff, v52  }
0x11a: {  	v39 =	vor.u32 v33, v58;
	v43 =	vld.idx.msk [tilespmem:v45+s10+$0x0], $0xffff;
	[tilespmem:v51+s12+$0x0] =	vst.idx.msk $0xffff, v61;
	v61 =	vor.u32 v6, v34  }
0x11b: {  	v35 =	vor.u32 v33, v56;
	v50 =	vld.idx.msk [tilespmem:v63+s10+$0x0], $0xffff;
	v45 =	vor.u32 v32, v61  }
0x11c: {  	v62 =	vor.u32 v10, v38;
	v33 =	vor.u32 v33, v60;
	v63 =	vor.u32 v27, v36  }
0x11d: {  	v51 =	vor.u32 v32, v62;
	v47 =	vld.idx.msk [tilespmem:v57+s10+$0x0], $0xffff  }
0x11e: {  	v56 =	vor.u32 v14, v42;
	v58 =	vor.u32 v24, v40;
	[tilespmem:v55+s12+$0x0] =	vst.idx.msk $0xffff, v48  }
0x11f: {  	[tilespmem:v39+s12+$0x0] =	vst.idx.msk $0xffff, v41;
	v57 =	vld.idx.msk [tilespmem:v59+s10+$0x0], $0xffff;
	v59 =	vor.u32 v32, v56  }
0x120: {  	v60 =	vor.u32 v19, v44;
	v61 =	vor.u32 v5, v34;
	[tilespmem:v45+s12+$0x0] =	vst.idx.msk $0xffff, v50  }
0x121: {  	[tilespmem:v33+s12+$0x0] =	vst.idx.msk $0xffff, v43;
	v45 =	vor.u32 v32, v61;
	v43 =	vld.idx.msk [tilespmem:v63+s10+$0x0], $0xffff  }
0x122: {  	v62 =	vor.u32 v9, v38;
	v39 =	vor.u32 v28, v36;
	[tilespmem:v51+s12+$0x0] =	vst.idx.msk $0xffff, v47  }
0x123: {  	v47 =	vor.u32 v32, v62;
	v41 =	vld.idx.msk [tilespmem:v58+s10+$0x0], $0xffff  }
0x124: {  	v48 =	vor.u32 v22, v40;
	v63 =	vor.u32 v13, v42;
	[tilespmem:v59+s12+$0x0] =	vst.idx.msk $0xffff, v57  }
0x125: {  	[tilespmem:v35+s12+$0x0] =	vst.idx.msk $0xffff, v37;
	v35 =	vor.u32 v32, v63;
	v33 =	vld.idx.msk [tilespmem:v60+s10+$0x0], $0xffff  }
.LBB2_5:
0x126: {  	s20 =	sadd.s32 $0x10, s20;
	v37 =	vor.u32 v20, v44;
	[tilespmem:v45+s12+$0x0] =	vst.idx.msk $0xffff, v43  }
0x127: {  	v45 =	vor.u32 v4, v34;
	v43 =	vadd.s32 s20, v46;
	p1 =	slt.u32 s20, $0x30;
	v39 =	vld.idx.msk [tilespmem:v39+s10+$0x0], $0xffff  }
0x128: {  	v49 =	vor.u32 v0, v43;
	[tilespmem:v47+s12+$0x0] =	vst.idx.msk $0xffff, v41;
	v41 =	vor.u32 v32, v45  }
0x129: {  	v47 =	vor.u32 v8, v38;
	v45 =	vld.idx.msk [tilespmem:v48+s10+$0x0], $0xffff;
	v48 =	vor.u32 v29, v36  }
0x12a: {  	[tilespmem:v35+s12+$0x0] =	vst.idx.msk $0xffff, v33;
	v33 =	vor.u32 v32, v47  }
0x12b: {  	v50 =	vor.u32 v25, v40;
	v35 =	vmov s20;
	v47 =	vor.u32 v12, v42;
	v37 =	vld.idx.msk [tilespmem:v37+s10+$0x0], $0xffff  }
0x12c: {  	v35 =	vshll.u32 v35, $0x7;
	v47 =	vor.u32 v32, v47  }
0x12d: {  	v52 =	vor.u32 v21, v44;
	v51 =	vor.u32 v16, v35;
	v49 =	vld.idx.msk [tilespmem:v49+s10+$0x0], $0xffff;
	[tilespmem:v41+s12+$0x0] =	vst.idx.msk $0xffff, v39  }
0x12e: {  	v39 =	vor.u32 v32, v51;
	v41 =	vld.idx.msk [tilespmem:v48+s10+$0x0], $0xffff;
	v48 =	vor.u32 v3, v34  }
0x12f: {  	v51 =	vor.u32 v17, v43;
	[tilespmem:v33+s12+$0x0] =	vst.idx.msk $0xffff, v45;
	v33 =	vor.u32 v32, v48  }
0x130: {  	v48 =	vor.u32 v7, v38;
	v45 =	vld.idx.msk [tilespmem:v50+s10+$0x0], $0xffff;
	v50 =	vor.u32 v30, v36  }
0x131: {  	[tilespmem:v47+s12+$0x0] =	vst.idx.msk $0xffff, v37;
	v37 =	vor.u32 v32, v48  }
0x132: {  	v48 =	vor.u32 v11, v42;
	v47 =	vld.idx.msk [tilespmem:v52+s10+$0x0], $0xffff;
	v52 =	vor.u32 v26, v40  }
0x133: {  	[tilespmem:v39+s12+$0x0] =	vst.idx.msk $0xffff, v49;
	v39 =	vor.u32 v32, v48  }
0x134: {  	v49 =	vor.u32 v15, v35;
	v48 =	vld.idx.msk [tilespmem:v51+s10+$0x0], $0xffff;
	v51 =	vor.u32 v23, v44;
	[tilespmem:v33+s12+$0x0] =	vst.idx.msk $0xffff, v41  }
0x135: {  	v33 =	vor.u32 v32, v49;
	v49 =	vor.u32 v2, v34;
	v41 =	vld.idx.msk [tilespmem:v50+s10+$0x0], $0xffff  }
0x136: {  	v50 =	vor.u32 v18, v43;
	[tilespmem:v37+s12+$0x0] =	vst.idx.msk $0xffff, v45;
	v37 =	vor.u32 v32, v49  }
0x137: {  	v49 =	vor.u32 v6, v38;
	v45 =	vld.idx.msk [tilespmem:v52+s10+$0x0], $0xffff;
	v52 =	vor.u32 v31, v36;
	v36 =	vmovc v40;
	v40 =	vmov v44  }
0x138: {  	v44 =	vmov v43;
	[tilespmem:v39+s12+$0x0] =	vst.idx.msk $0xffff, v47;
	v39 =	vor.u32 v32, v49  }
0x139: {  	v43 =	vor.u32 v10, v42;
	v49 =	vor.u32 v27, v36;
	v47 =	vld.idx.msk [tilespmem:v51+s10+$0x0], $0xffff  }
0x13a: {  	[tilespmem:v33+s12+$0x0] =	vst.idx.msk $0xffff, v48;
	v33 =	vor.u32 v32, v43  }
0x13b: {  	v43 =	vor.u32 v14, v35;
	v48 =	vld.idx.msk [tilespmem:v50+s10+$0x0], $0xffff;
	v50 =	vor.u32 v24, v40;
	[tilespmem:v37+s12+$0x0] =	vst.idx.msk $0xffff, v41  }
0x13c: {  	v37 =	vor.u32 v32, v43;
	v41 =	vor.u32 v1, v34;
	v34 =	vmovc v38;
	v38 =	vmov v42;
	v51 =	vld.idx.msk [tilespmem:v52+s10+$0x0], $0xffff  }
0x13d: {  	v42 =	vmov v35;
	v52 =	vor.u32 v19, v44;
	v53 =	vor.u32 v32, v41;
	[tilespmem:v39+s12+$0x0] =	vst.idx.msk $0xffff, v45  }
0x13e: {  	v35 =	vor.u32 v5, v34;
	v43 =	vld.idx.msk [tilespmem:v49+s10+$0x0], $0xffff  }
.Ltmp1:
0x13f: {  	v45 =	vor.u32 v32, v35;
	[tilespmem:v33+s12+$0x0] =	vst.idx.msk $0xffff, v47;
	(pc) =	sbr.rel @p1 .LBB2_5-.Ltmp1, $4  }
0x140: {  	v39 =	vor.u32 v28, v36;
	v33 =	vor.u32 v9, v38;
	v41 =	vld.idx.msk [tilespmem:v50+s10+$0x0], $0xffff  }
0x141: {  	v47 =	vor.u32 v32, v33;
	[tilespmem:v37+s12+$0x0] =	vst.idx.msk $0xffff, v48  }
0x142: {  	v35 =	vor.u32 v13, v42;
	v48 =	vor.u32 v22, v40;
	v33 =	vld.idx.msk [tilespmem:v52+s10+$0x0], $0xffff;
	[tilespmem:v53+s12+$0x0] =	vst.idx.msk $0xffff, v51  }
0x143: {  	v35 =	vor.u32 v32, v35  }
0x144: {  	s20 =	sor.u32 $0x20, s19  }
0x145: {  	v37 =	vor.u32 v20, v44;
	v46 =	vld [tilespmem:s20+$0x0];
	_ =	sdelay $0x3  }
0x146: {  	v55 =	vor.u32 v12, v42;
	[tilespmem:v35+s12+$0x0] =	vst.idx.msk $0xffff, v33  }
0x147: {  	s21 =	simm.s32 $0x0;
	v33 =	vor.u32 v32, v55;
	v35 =	vld.idx.msk [tilespmem:v37+s10+$0x0], $0xffff;
	v46 =	vshll.u32 v46, $0x6  }
0x148: {  	v49 =	vor.u32 v21, v44;
	v37 =	vadd.s32 s21, v46  }
0x149: {  	v50 =	vor.u32 v0, v37;
	_ =	sdelay $0x1  }
0x14a: {  	v51 =	vmov s21  }
0x14b: {  	v56 =	vor.u32 v11, v42;
	[tilespmem:v33+s12+$0x0] =	vst.idx.msk $0xffff, v35;
	v35 =	vshll.u32 v51, $0x7  }
0x14c: {  	v52 =	vor.u32 v32, v56;
	v33 =	vor.u32 s20, v0;
	v49 =	vld.idx.msk [tilespmem:v49+s10+$0x0], $0xffff;
	v53 =	vor.u32 v16, v35  }
0x14d: {  	v57 =	vor.u32 v23, v44;
	v53 =	vor.u32 v33, v53;
	v50 =	vld.idx.msk [tilespmem:v50+s10+$0x0], $0xffff  }
0x14e: {  	v54 =	vor.u32 v17, v37;
	_ =	sdelay $0x2  }
0x14f: {  	v58 =	vor.u32 v10, v42;
	[tilespmem:v52+s12+$0x0] =	vst.idx.msk $0xffff, v49  }
0x150: {  	v60 =	vor.u32 v15, v35;
	v49 =	vor.u32 v32, v58;
	v51 =	vld.idx.msk [tilespmem:v57+s10+$0x0], $0xffff;
	[tilespmem:v53+s12+$0x0] =	vst.idx.msk $0xffff, v50  }
0x151: {  	v59 =	vor.u32 v24, v44;
	v50 =	vor.u32 v33, v60;
	v53 =	vld.idx.msk [tilespmem:v54+s10+$0x0], $0xffff  }
0x152: {  	v61 =	vor.u32 v18, v37;
	_ =	sdelay $0x2  }
0x153: {  	v62 =	vor.u32 v9, v42;
	[tilespmem:v49+s12+$0x0] =	vst.idx.msk $0xffff, v51  }
0x154: {  	v56 =	vor.u32 v14, v35;
	v49 =	vor.u32 v32, v62;
	v51 =	vld.idx.msk [tilespmem:v59+s10+$0x0], $0xffff;
	[tilespmem:v50+s12+$0x0] =	vst.idx.msk $0xffff, v53  }
0x155: {  	v63 =	vor.u32 v22, v44;
	[tilespmem:v45+s12+$0x0] =	vst.idx.msk $0xffff, v43;
	v50 =	vor.u32 v33, v56;
	v53 =	vld.idx.msk [tilespmem:v61+s10+$0x0], $0xffff  }
0x156: {  	s31 =	simm.s32 $0x10;
	[tilespmem:v47+s12+$0x0] =	vst.idx.msk $0xffff, v41;
	v43 =	vor.u32 v19, v37;
	v57 =	vor.u32 v4, v34  }
0x157: {  	v39 =	vld.idx.msk [tilespmem:v39+s10+$0x0], $0xffff;
	v41 =	vadd.s32 s31, v46;
	v58 =	vor.u32 v8, v38;
	v45 =	vor.u32 v32, v57  }
0x158: {  	v47 =	vld.idx.msk [tilespmem:v48+s10+$0x0], $0xffff;
	v48 =	vor.u32 v0, v41;
	v59 =	vor.u32 v32, v58  }
0x159: {  	v60 =	vor.u32 v8, v42;
	v61 =	vor.u32 v25, v40;
	[tilespmem:v49+s12+$0x0] =	vst.idx.msk $0xffff, v51  }
0x15a: {  	v62 =	vor.u32 v32, v60;
	v56 =	vor.u32 v13, v35;
	v51 =	vld.idx.msk [tilespmem:v63+s10+$0x0], $0xffff;
	[tilespmem:v50+s12+$0x0] =	vst.idx.msk $0xffff, v53  }
0x15b: {  	v57 =	vor.u32 v33, v56;
	v63 =	vor.u32 v25, v44;
	v43 =	vld.idx.msk [tilespmem:v43+s10+$0x0], $0xffff  }
0x15c: {  	v55 =	vor.u32 v20, v37;
	v60 =	vmov s31;
	[tilespmem:v45+s12+$0x0] =	vst.idx.msk $0xffff, v39  }
0x15d: {  	v58 =	vor.u32 v7, v38;
	v45 =	vor.u32 v26, v40;
	v39 =	vshll.u32 v60, $0x7;
	[tilespmem:v59+s12+$0x0] =	vst.idx.msk $0xffff, v47  }
0x15e: {  	v56 =	vor.u32 v16, v39;
	v47 =	vor.u32 v32, v58;
	v53 =	vor.u32 v29, v36;
	v49 =	vld.idx.msk [tilespmem:v61+s10+$0x0], $0xffff  }
0x15f: {  	v48 =	vld.idx.msk [tilespmem:v48+s10+$0x0], $0xffff;
	v56 =	vor.u32 v33, v56;
	v59 =	vor.u32 v7, v42;
	[tilespmem:v62+s12+$0x0] =	vst.idx.msk $0xffff, v51  }
0x160: {  	v51 =	vor.u32 v32, v59;
	v62 =	vor.u32 v12, v35;
	v52 =	vld.idx.msk [tilespmem:v63+s10+$0x0], $0xffff;
	[tilespmem:v57+s12+$0x0] =	vst.idx.msk $0xffff, v43  }
0x161: {  	v63 =	vor.u32 v26, v44;
	v43 =	vor.u32 v33, v62;
	v55 =	vld.idx.msk [tilespmem:v55+s10+$0x0], $0xffff  }
0x162: {  	v60 =	vor.u32 v6, v38;
	v61 =	vor.u32 v3, v34;
	v57 =	vor.u32 v21, v37  }
0x163: {  	v54 =	vor.u32 v32, v61;
	v61 =	vor.u32 v17, v41;
	v53 =	vld.idx.msk [tilespmem:v53+s10+$0x0], $0xffff;
	[tilespmem:v47+s12+$0x0] =	vst.idx.msk $0xffff, v49  }
0x164: {  	v58 =	vor.u32 v27, v40;
	[tilespmem:v56+s12+$0x0] =	vst.idx.msk $0xffff, v48;
	v47 =	vor.u32 v32, v60;
	v45 =	vld.idx.msk [tilespmem:v45+s10+$0x0], $0xffff  }
0x165: {  	v59 =	vor.u32 v15, v39;
	v62 =	vor.u32 v6, v42;
	[tilespmem:v51+s12+$0x0] =	vst.idx.msk $0xffff, v52  }
0x166: {  	v51 =	vor.u32 v32, v62;
	v50 =	vld.idx.msk [tilespmem:v63+s10+$0x0], $0xffff;
	v63 =	vor.u32 v11, v35;
	[tilespmem:v43+s12+$0x0] =	vst.idx.msk $0xffff, v55  }
0x167: {  	v60 =	vor.u32 v5, v38;
	v43 =	vor.u32 v27, v44;
	v48 =	vor.u32 v33, v63;
	v57 =	vld.idx.msk [tilespmem:v57+s10+$0x0], $0xffff  }
0x168: {  	v49 =	vld.idx.msk [tilespmem:v61+s10+$0x0], $0xffff;
	[tilespmem:v54+s12+$0x0] =	vst.idx.msk $0xffff, v53;
	v53 =	vor.u32 v23, v37;
	v54 =	vor.u32 v33, v59  }
0x169: {  	v61 =	vor.u32 v2, v34;
	[tilespmem:v47+s12+$0x0] =	vst.idx.msk $0xffff, v45;
	v47 =	vor.u32 v18, v41  }
0x16a: {  	v52 =	vor.u32 v30, v36;
	v62 =	vor.u32 v5, v42;
	v45 =	vor.u32 v32, v60;
	v56 =	vld.idx.msk [tilespmem:v58+s10+$0x0], $0xffff  }
0x16b: {  	v59 =	vor.u32 v10, v35;
	v63 =	vor.u32 v28, v40;
	[tilespmem:v51+s12+$0x0] =	vst.idx.msk $0xffff, v50  }
0x16c: {  	v60 =	vor.u32 v14, v39;
	v51 =	vor.u32 v32, v62;
	v43 =	vld.idx.msk [tilespmem:v43+s10+$0x0], $0xffff;
	[tilespmem:v48+s12+$0x0] =	vst.idx.msk $0xffff, v57  }
0x16d: {  	v58 =	vor.u32 v28, v44;
	[tilespmem:v54+s12+$0x0] =	vst.idx.msk $0xffff, v49;
	v48 =	vor.u32 v33, v59;
	v53 =	vld.idx.msk [tilespmem:v53+s10+$0x0], $0xffff  }
0x16e: {  	v54 =	vor.u32 v32, v61;
	v61 =	vor.u32 v24, v37;
	v49 =	vor.u32 v33, v60;
	v47 =	vld.idx.msk [tilespmem:v47+s10+$0x0], $0xffff  }
0x16f: {  	v62 =	vor.u32 v4, v38;
	[tilespmem:v45+s12+$0x0] =	vst.idx.msk $0xffff, v56;
	v56 =	vor.u32 v19, v41  }
0x170: {  	v60 =	vor.u32 v9, v35;
	v45 =	vor.u32 v32, v62;
	v50 =	vld.idx.msk [tilespmem:v63+s10+$0x0], $0xffff  }
0x171: {  	v52 =	vld.idx.msk [tilespmem:v52+s10+$0x0], $0xffff;
	v62 =	vor.u32 v13, v39;
	v63 =	vor.u32 v4, v42;
	[tilespmem:v51+s12+$0x0] =	vst.idx.msk $0xffff, v43  }
0x172: {  	v43 =	vor.u32 v29, v40;
	v51 =	vor.u32 v32, v63;
	v57 =	vld.idx.msk [tilespmem:v58+s10+$0x0], $0xffff;
	[tilespmem:v48+s12+$0x0] =	vst.idx.msk $0xffff, v53  }
0x173: {  	[tilespmem:v49+s12+$0x0] =	vst.idx.msk $0xffff, v47;
	v58 =	vor.u32 v29, v44;
	v53 =	vld.idx.msk [tilespmem:v61+s10+$0x0], $0xffff;
	v61 =	vor.u32 v33, v60  }
0x174: {  	v49 =	vld.idx.msk [tilespmem:v56+s10+$0x0], $0xffff;
	v63 =	vor.u32 v22, v37;
	v48 =	vor.u32 v33, v62  }
0x175: {  	s20 =	simm.s32 $0x20;
	v59 =	vor.u32 v3, v38;
	[tilespmem:v45+s12+$0x0] =	vst.idx.msk $0xffff, v50;
	v50 =	vor.u32 v20, v41  }
0x176: {  	v55 =	vor.u32 v32, v59;
	[tilespmem:v54+s12+$0x0] =	vst.idx.msk $0xffff, v52;
	v56 =	vor.u32 v30, v40;
	v45 =	vadd.s32 s20, v46  }
0x177: {  	v60 =	vor.u32 v3, v42;
	v54 =	vld.idx.msk [tilespmem:v43+s10+$0x0], $0xffff;
	[tilespmem:v51+s12+$0x0] =	vst.idx.msk $0xffff, v57;
	v51 =	vor.u32 v0, v45  }
0x178: {  	v57 =	vld.idx.msk [tilespmem:v58+s10+$0x0], $0xffff;
	v58 =	vor.u32 v32, v60;
	[tilespmem:v61+s12+$0x0] =	vst.idx.msk $0xffff, v53;
	v61 =	vor.u32 v8, v35  }
0x179: {  	v62 =	vmov s20;
	[tilespmem:v48+s12+$0x0] =	vst.idx.msk $0xffff, v49;
	v47 =	vld.idx.msk [tilespmem:v63+s10+$0x0], $0xffff;
	v48 =	vor.u32 v33, v61;
	v63 =	vor.u32 v12, v39  }
0x17a: {  	v52 =	vor.u32 v30, v44;
	v43 =	vshll.u32 v62, $0x7;
	v50 =	vld.idx.msk [tilespmem:v50+s10+$0x0], $0xffff;
	v49 =	vor.u32 v33, v63  }
0x17b: {  	v59 =	vor.u32 v16, v43;
	v61 =	vor.u32 v25, v37  }
0x17c: {  	v62 =	vor.u32 v21, v41;
	v53 =	vor.u32 v33, v59;
	[tilespmem:v55+s12+$0x0] =	vst.idx.msk $0xffff, v54;
	v51 =	vld.idx.msk [tilespmem:v51+s10+$0x0], $0xffff  }
0x17d: {  	v60 =	vor.u32 v2, v38;
	v59 =	vor.u32 v7, v35;
	[tilespmem:v58+s12+$0x0] =	vst.idx.msk $0xffff, v57  }
0x17e: {  	v54 =	vor.u32 v32, v60;
	v63 =	vor.u32 v2, v42;
	v56 =	vld.idx.msk [tilespmem:v56+s10+$0x0], $0xffff;
	[tilespmem:v48+s12+$0x0] =	vst.idx.msk $0xffff, v47  }
0x17f: {  	v58 =	vor.u32 v31, v36;
	v47 =	vor.u32 v32, v63;
	[tilespmem:v49+s12+$0x0] =	vst.idx.msk $0xffff, v50;
	v49 =	vld.idx.msk [tilespmem:v52+s10+$0x0], $0xffff  }
0x180: {  	v60 =	vor.u32 v11, v39;
	v48 =	vor.u32 v17, v45;
	v52 =	vld.idx.msk [tilespmem:v61+s10+$0x0], $0xffff;
	v50 =	vor.u32 v33, v59  }
0x181: {  	v44 =	vor.u32 v31, v44;
	[tilespmem:v53+s12+$0x0] =	vst.idx.msk $0xffff, v51;
	v61 =	vld.idx.msk [tilespmem:v62+s10+$0x0], $0xffff;
	v51 =	vor.u32 v33, v60  }
0x182: {  	v63 =	vor.u32 v26, v37  }
0x183: {  	v57 =	vor.u32 v23, v41;
	[tilespmem:v54+s12+$0x0] =	vst.idx.msk $0xffff, v56  }
0x184: {  	v40 =	vor.u32 v31, v40;
	v62 =	vor.u32 v15, v43;
	v36 =	vld.idx.msk [tilespmem:v58+s10+$0x0], $0xffff;
	[tilespmem:v47+s12+$0x0] =	vst.idx.msk $0xffff, v49  }
0x185: {  	v59 =	vor.u32 v18, v45;
	v55 =	vor.u32 v33, v62;
	v48 =	vld.idx.msk [tilespmem:v48+s10+$0x0], $0xffff;
	[tilespmem:v50+s12+$0x0] =	vst.idx.msk $0xffff, v52  }
0x186: {  	v60 =	vor.u32 v1, v42;
	v42 =	vld.idx.msk [tilespmem:v44+s10+$0x0], $0xffff;
	[tilespmem:v51+s12+$0x0] =	vst.idx.msk $0xffff, v61;
	v61 =	vor.u32 v6, v35  }
0x187: {  	v56 =	vor.u32 v1, v34;
	v62 =	vor.u32 v10, v39;
	v50 =	vld.idx.msk [tilespmem:v63+s10+$0x0], $0xffff;
	v44 =	vor.u32 v33, v61  }
0x188: {  	v58 =	vor.u32 v1, v38;
	v63 =	vor.u32 v27, v37;
	v51 =	vor.u32 v33, v62;
	v47 =	vld.idx.msk [tilespmem:v57+s10+$0x0], $0xffff  }
0x189: {  	v34 =	vor.u32 v32, v56;
	v40 =	vld.idx.msk [tilespmem:v40+s10+$0x0], $0xffff;
	v38 =	vor.u32 v32, v58  }
0x18a: {  	v56 =	vor.u32 v14, v43;
	v58 =	vor.u32 v24, v41;
	[tilespmem:v55+s12+$0x0] =	vst.idx.msk $0xffff, v48  }
0x18b: {  	v32 =	vor.u32 v32, v60;
	v57 =	vld.idx.msk [tilespmem:v59+s10+$0x0], $0xffff;
	v59 =	vor.u32 v33, v56  }
0x18c: {  	v60 =	vor.u32 v19, v45;
	v61 =	vor.u32 v5, v35;
	[tilespmem:v44+s12+$0x0] =	vst.idx.msk $0xffff, v50  }
0x18d: {  	[tilespmem:v51+s12+$0x0] =	vst.idx.msk $0xffff, v47;
	v47 =	vor.u32 v33, v61;
	v44 =	vld.idx.msk [tilespmem:v63+s10+$0x0], $0xffff  }
0x18e: {  	v62 =	vor.u32 v9, v39;
	[tilespmem:v38+s12+$0x0] =	vst.idx.msk $0xffff, v40;
	v38 =	vor.u32 v28, v37  }
0x18f: {  	[tilespmem:v34+s12+$0x0] =	vst.idx.msk $0xffff, v36;
	v48 =	vor.u32 v33, v62;
	v40 =	vld.idx.msk [tilespmem:v58+s10+$0x0], $0xffff  }
0x190: {  	v49 =	vor.u32 v22, v41;
	v63 =	vor.u32 v13, v43;
	[tilespmem:v59+s12+$0x0] =	vst.idx.msk $0xffff, v57  }
0x191: {  	[tilespmem:v32+s12+$0x0] =	vst.idx.msk $0xffff, v42;
	v34 =	vor.u32 v33, v63;
	v32 =	vld.idx.msk [tilespmem:v60+s10+$0x0], $0xffff  }
.LBB2_7:
0x192: {  	s20 =	sadd.s32 $0x10, s20;
	v36 =	vor.u32 v20, v45;
	[tilespmem:v47+s12+$0x0] =	vst.idx.msk $0xffff, v44  }
0x193: {  	v44 =	vor.u32 v4, v35;
	v42 =	vadd.s32 s20, v46;
	p1 =	slt.u32 s20, $0x30;
	v38 =	vld.idx.msk [tilespmem:v38+s10+$0x0], $0xffff  }
0x194: {  	v47 =	vor.u32 v0, v42;
	[tilespmem:v48+s12+$0x0] =	vst.idx.msk $0xffff, v40;
	v40 =	vor.u32 v33, v44  }
0x195: {  	v48 =	vor.u32 v8, v39;
	v44 =	vld.idx.msk [tilespmem:v49+s10+$0x0], $0xffff;
	v49 =	vor.u32 v29, v37  }
0x196: {  	[tilespmem:v34+s12+$0x0] =	vst.idx.msk $0xffff, v32;
	v32 =	vor.u32 v33, v48  }
0x197: {  	v50 =	vor.u32 v25, v41;
	v34 =	vmov s20;
	v48 =	vor.u32 v12, v43;
	v36 =	vld.idx.msk [tilespmem:v36+s10+$0x0], $0xffff  }
0x198: {  	v34 =	vshll.u32 v34, $0x7;
	v48 =	vor.u32 v33, v48  }
0x199: {  	v52 =	vor.u32 v21, v45;
	v51 =	vor.u32 v16, v34;
	v47 =	vld.idx.msk [tilespmem:v47+s10+$0x0], $0xffff;
	[tilespmem:v40+s12+$0x0] =	vst.idx.msk $0xffff, v38  }
0x19a: {  	v38 =	vor.u32 v33, v51;
	v40 =	vld.idx.msk [tilespmem:v49+s10+$0x0], $0xffff;
	v49 =	vor.u32 v3, v35  }
0x19b: {  	v51 =	vor.u32 v17, v42;
	[tilespmem:v32+s12+$0x0] =	vst.idx.msk $0xffff, v44;
	v32 =	vor.u32 v33, v49  }
0x19c: {  	v49 =	vor.u32 v7, v39;
	v44 =	vld.idx.msk [tilespmem:v50+s10+$0x0], $0xffff;
	v50 =	vor.u32 v30, v37  }
0x19d: {  	[tilespmem:v48+s12+$0x0] =	vst.idx.msk $0xffff, v36;
	v36 =	vor.u32 v33, v49  }
0x19e: {  	v49 =	vor.u32 v11, v43;
	v48 =	vld.idx.msk [tilespmem:v52+s10+$0x0], $0xffff;
	v52 =	vor.u32 v26, v41  }
0x19f: {  	[tilespmem:v38+s12+$0x0] =	vst.idx.msk $0xffff, v47;
	v38 =	vor.u32 v33, v49  }
0x1a0: {  	v49 =	vor.u32 v15, v34;
	v47 =	vld.idx.msk [tilespmem:v51+s10+$0x0], $0xffff;
	v51 =	vor.u32 v23, v45;
	[tilespmem:v32+s12+$0x0] =	vst.idx.msk $0xffff, v40  }
0x1a1: {  	v32 =	vor.u32 v33, v49;
	v49 =	vor.u32 v2, v35;
	v40 =	vld.idx.msk [tilespmem:v50+s10+$0x0], $0xffff  }
0x1a2: {  	v50 =	vor.u32 v18, v42;
	[tilespmem:v36+s12+$0x0] =	vst.idx.msk $0xffff, v44;
	v36 =	vor.u32 v33, v49  }
0x1a3: {  	v49 =	vor.u32 v6, v39;
	v44 =	vld.idx.msk [tilespmem:v52+s10+$0x0], $0xffff;
	v52 =	vor.u32 v31, v37;
	v37 =	vmovc v41;
	v41 =	vmov v45  }
0x1a4: {  	v45 =	vmov v42;
	[tilespmem:v38+s12+$0x0] =	vst.idx.msk $0xffff, v48;
	v38 =	vor.u32 v33, v49  }
0x1a5: {  	v48 =	vor.u32 v10, v43;
	v49 =	vor.u32 v27, v37;
	v42 =	vld.idx.msk [tilespmem:v51+s10+$0x0], $0xffff  }
0x1a6: {  	[tilespmem:v32+s12+$0x0] =	vst.idx.msk $0xffff, v47;
	v32 =	vor.u32 v33, v48  }
0x1a7: {  	v47 =	vor.u32 v14, v34;
	v48 =	vld.idx.msk [tilespmem:v50+s10+$0x0], $0xffff;
	v50 =	vor.u32 v24, v41;
	[tilespmem:v36+s12+$0x0] =	vst.idx.msk $0xffff, v40  }
0x1a8: {  	v36 =	vor.u32 v33, v47;
	v40 =	vor.u32 v1, v35;
	v35 =	vmovc v39;
	v39 =	vmov v43;
	v51 =	vld.idx.msk [tilespmem:v52+s10+$0x0], $0xffff  }
0x1a9: {  	v43 =	vmov v34;
	v52 =	vor.u32 v19, v45;
	v53 =	vor.u32 v33, v40;
	[tilespmem:v38+s12+$0x0] =	vst.idx.msk $0xffff, v44  }
0x1aa: {  	v34 =	vor.u32 v5, v35;
	v44 =	vld.idx.msk [tilespmem:v49+s10+$0x0], $0xffff  }
.Ltmp2:
0x1ab: {  	v47 =	vor.u32 v33, v34;
	[tilespmem:v32+s12+$0x0] =	vst.idx.msk $0xffff, v42;
	(pc) =	sbr.rel @p1 .LBB2_7-.Ltmp2, $4  }
0x1ac: {  	v38 =	vor.u32 v28, v37;
	v32 =	vor.u32 v9, v39;
	v40 =	vld.idx.msk [tilespmem:v50+s10+$0x0], $0xffff  }
0x1ad: {  	[tilespmem:v36+s12+$0x0] =	vst.idx.msk $0xffff, v48;
	v48 =	vor.u32 v33, v32  }
0x1ae: {  	v34 =	vor.u32 v13, v43;
	v49 =	vor.u32 v22, v41;
	v32 =	vld.idx.msk [tilespmem:v52+s10+$0x0], $0xffff;
	[tilespmem:v53+s12+$0x0] =	vst.idx.msk $0xffff, v51  }
0x1af: {  	v34 =	vor.u32 v33, v34  }
0x1b0: {  	s19 =	sor.u32 $0x30, s19  }
0x1b1: {  	v36 =	vor.u32 v20, v45;
	v42 =	vld [tilespmem:s19+$0x0];
	_ =	sdelay $0x3  }
0x1b2: {  	v61 =	vor.u32 v12, v43;
	[tilespmem:v34+s12+$0x0] =	vst.idx.msk $0xffff, v32  }
0x1b3: {  	s20 =	simm.s32 $0x0;
	v32 =	vor.u32 v33, v61;
	v34 =	vld.idx.msk [tilespmem:v36+s10+$0x0], $0xffff;
	v42 =	vshll.u32 v42, $0x6  }
0x1b4: {  	v46 =	vor.u32 v21, v45;
	v36 =	vadd.s32 s20, v42  }
0x1b5: {  	v50 =	vor.u32 v0, v36;
	_ =	sdelay $0x1  }
0x1b6: {  	v51 =	vmov s20  }
0x1b7: {  	v62 =	vor.u32 v11, v43;
	[tilespmem:v32+s12+$0x0] =	vst.idx.msk $0xffff, v34;
	v34 =	vshll.u32 v51, $0x7  }
0x1b8: {  	v52 =	vor.u32 v33, v62;
	v32 =	vor.u32 s19, v0;
	v46 =	vld.idx.msk [tilespmem:v46+s10+$0x0], $0xffff;
	v53 =	vor.u32 v16, v34  }
0x1b9: {  	v63 =	vor.u32 v23, v45;
	v53 =	vor.u32 v32, v53;
	v50 =	vld.idx.msk [tilespmem:v50+s10+$0x0], $0xffff  }
0x1ba: {  	v54 =	vor.u32 v17, v36;
	_ =	sdelay $0x2  }
0x1bb: {  	v56 =	vor.u32 v10, v43;
	[tilespmem:v52+s12+$0x0] =	vst.idx.msk $0xffff, v46  }
0x1bc: {  	v58 =	vor.u32 v15, v34;
	v46 =	vor.u32 v33, v56;
	v51 =	vld.idx.msk [tilespmem:v63+s10+$0x0], $0xffff;
	[tilespmem:v53+s12+$0x0] =	vst.idx.msk $0xffff, v50  }
0x1bd: {  	v57 =	vor.u32 v24, v45;
	v50 =	vor.u32 v32, v58;
	v53 =	vld.idx.msk [tilespmem:v54+s10+$0x0], $0xffff  }
0x1be: {  	v59 =	vor.u32 v18, v36;
	_ =	sdelay $0x2  }
0x1bf: {  	v60 =	vor.u32 v9, v43;
	[tilespmem:v46+s12+$0x0] =	vst.idx.msk $0xffff, v51  }
0x1c0: {  	v62 =	vor.u32 v14, v34;
	v46 =	vor.u32 v33, v60;
	v51 =	vld.idx.msk [tilespmem:v57+s10+$0x0], $0xffff;
	[tilespmem:v50+s12+$0x0] =	vst.idx.msk $0xffff, v53  }
0x1c1: {  	v61 =	vor.u32 v22, v45;
	v50 =	vor.u32 v32, v62;
	v53 =	vld.idx.msk [tilespmem:v59+s10+$0x0], $0xffff  }
0x1c2: {  	[tilespmem:v47+s12+$0x0] =	vst.idx.msk $0xffff, v44;
	v56 =	vor.u32 v4, v35;
	v63 =	vor.u32 v19, v36  }
0x1c3: {  	[tilespmem:v48+s12+$0x0] =	vst.idx.msk $0xffff, v40;
	v47 =	vor.u32 v33, v56;
	v60 =	vld.idx.msk [tilespmem:v38+s10+$0x0], $0xffff;
	v57 =	vor.u32 v8, v39  }
0x1c4: {  	v48 =	vld.idx.msk [tilespmem:v49+s10+$0x0], $0xffff;
	v55 =	vor.u32 v20, v36;
	v40 =	vor.u32 v33, v57  }
0x1c5: {  	v58 =	vor.u32 v8, v43;
	v59 =	vor.u32 v25, v41;
	[tilespmem:v46+s12+$0x0] =	vst.idx.msk $0xffff, v51  }
0x1c6: {  	s31 =	simm.s32 $0x10;
	v62 =	vor.u32 v13, v34;
	v46 =	vor.u32 v33, v58;
	v51 =	vld.idx.msk [tilespmem:v61+s10+$0x0], $0xffff;
	[tilespmem:v50+s12+$0x0] =	vst.idx.msk $0xffff, v53  }
0x1c7: {  	v38 =	vadd.s32 s31, v42;
	v61 =	vor.u32 v25, v45;
	v44 =	vld.idx.msk [tilespmem:v63+s10+$0x0], $0xffff;
	v63 =	vor.u32 v32, v62  }
0x1c8: {  	v57 =	vor.u32 v21, v36;
	[tilespmem:v47+s12+$0x0] =	vst.idx.msk $0xffff, v60;
	v60 =	vmov s31;
	v58 =	vor.u32 v7, v39  }
0x1c9: {  	[tilespmem:v40+s12+$0x0] =	vst.idx.msk $0xffff, v48;
	v48 =	vor.u32 v0, v38;
	v56 =	vor.u32 v33, v58;
	v40 =	vshll.u32 v60, $0x7  }
0x1ca: {  	v60 =	vor.u32 v6, v39;
	v58 =	vor.u32 v27, v41;
	v53 =	vor.u32 v29, v37;
	v49 =	vld.idx.msk [tilespmem:v59+s10+$0x0], $0xffff  }
0x1cb: {  	v59 =	vor.u32 v7, v43;
	[tilespmem:v46+s12+$0x0] =	vst.idx.msk $0xffff, v51;
	v46 =	vor.u32 v26, v41  }
0x1cc: {  	v62 =	vor.u32 v12, v34;
	v51 =	vor.u32 v33, v59;
	v47 =	vld.idx.msk [tilespmem:v61+s10+$0x0], $0xffff;
	[tilespmem:v63+s12+$0x0] =	vst.idx.msk $0xffff, v44  }
0x1cd: {  	v50 =	vor.u32 v26, v45;
	v44 =	vor.u32 v32, v62;
	v63 =	vor.u32 v16, v40;
	v54 =	vld.idx.msk [tilespmem:v55+s10+$0x0], $0xffff  }
0x1ce: {  	v48 =	vld.idx.msk [tilespmem:v48+s10+$0x0], $0xffff;
	v59 =	vor.u32 v15, v40;
	v61 =	vor.u32 v3, v35;
	v55 =	vor.u32 v32, v63  }
0x1cf: {  	v53 =	vld.idx.msk [tilespmem:v53+s10+$0x0], $0xffff;
	[tilespmem:v56+s12+$0x0] =	vst.idx.msk $0xffff, v49;
	v52 =	vor.u32 v33, v61;
	v61 =	vor.u32 v17, v38  }
0x1d0: {  	v49 =	vor.u32 v33, v60;
	v60 =	vor.u32 v5, v39;
	v56 =	vor.u32 v30, v41;
	v46 =	vld.idx.msk [tilespmem:v46+s10+$0x0], $0xffff  }
0x1d1: {  	v62 =	vor.u32 v6, v43;
	v63 =	vor.u32 v11, v34;
	[tilespmem:v51+s12+$0x0] =	vst.idx.msk $0xffff, v47  }
0x1d2: {  	v51 =	vor.u32 v30, v37;
	v47 =	vor.u32 v33, v62;
	v50 =	vld.idx.msk [tilespmem:v50+s10+$0x0], $0xffff;
	[tilespmem:v44+s12+$0x0] =	vst.idx.msk $0xffff, v54  }
0x1d3: {  	v44 =	vor.u32 v27, v45;
	[tilespmem:v55+s12+$0x0] =	vst.idx.msk $0xffff, v48;
	v48 =	vor.u32 v32, v63;
	v57 =	vld.idx.msk [tilespmem:v57+s10+$0x0], $0xffff  }
0x1d4: {  	[tilespmem:v52+s12+$0x0] =	vst.idx.msk $0xffff, v53;
	v53 =	vor.u32 v23, v36;
	v54 =	vor.u32 v32, v59;
	v52 =	vld.idx.msk [tilespmem:v61+s10+$0x0], $0xffff  }
0x1d5: {  	v62 =	vor.u32 v5, v43;
	[tilespmem:v49+s12+$0x0] =	vst.idx.msk $0xffff, v46;
	v49 =	vor.u32 v18, v38  }
0x1d6: {  	v55 =	vor.u32 v2, v35;
	v63 =	vor.u32 v28, v41;
	v46 =	vor.u32 v33, v60;
	v61 =	vld.idx.msk [tilespmem:v58+s10+$0x0], $0xffff  }
0x1d7: {  	v59 =	vor.u32 v10, v34;
	v60 =	vor.u32 v14, v40;
	[tilespmem:v47+s12+$0x0] =	vst.idx.msk $0xffff, v50  }
0x1d8: {  	v58 =	vor.u32 v28, v45;
	v50 =	vor.u32 v33, v62;
	v44 =	vld.idx.msk [tilespmem:v44+s10+$0x0], $0xffff;
	[tilespmem:v48+s12+$0x0] =	vst.idx.msk $0xffff, v57  }
0x1d9: {  	v62 =	vor.u32 v19, v38;
	[tilespmem:v54+s12+$0x0] =	vst.idx.msk $0xffff, v52;
	v48 =	vor.u32 v32, v59;
	v53 =	vld.idx.msk [tilespmem:v53+s10+$0x0], $0xffff  }
0x1da: {  	v54 =	vor.u32 v33, v55;
	v55 =	vor.u32 v24, v36;
	v52 =	vor.u32 v32, v60;
	v49 =	vld.idx.msk [tilespmem:v49+s10+$0x0], $0xffff  }
0x1db: {  	v51 =	vld.idx.msk [tilespmem:v51+s10+$0x0], $0xffff;
	v60 =	vor.u32 v9, v34;
	[tilespmem:v46+s12+$0x0] =	vst.idx.msk $0xffff, v61;
	v61 =	vor.u32 v4, v39  }
0x1dc: {  	v59 =	vor.u32 v3, v39;
	v47 =	vld.idx.msk [tilespmem:v63+s10+$0x0], $0xffff;
	v46 =	vor.u32 v33, v61;
	v63 =	vor.u32 v4, v43  }
0x1dd: {  	v61 =	vor.u32 v13, v40;
	[tilespmem:v50+s12+$0x0] =	vst.idx.msk $0xffff, v44;
	v44 =	vor.u32 v29, v41  }
0x1de: {  	v50 =	vor.u32 v33, v63;
	v63 =	vor.u32 v22, v36;
	v57 =	vld.idx.msk [tilespmem:v58+s10+$0x0], $0xffff;
	[tilespmem:v48+s12+$0x0] =	vst.idx.msk $0xffff, v53  }
0x1df: {  	v58 =	vor.u32 v29, v45;
	[tilespmem:v52+s12+$0x0] =	vst.idx.msk $0xffff, v49;
	v48 =	vor.u32 v32, v60;
	v53 =	vld.idx.msk [tilespmem:v55+s10+$0x0], $0xffff  }
0x1e0: {  	v41 =	vor.u32 v31, v41;
	[tilespmem:v54+s12+$0x0] =	vst.idx.msk $0xffff, v51;
	v49 =	vor.u32 v32, v61;
	v62 =	vld.idx.msk [tilespmem:v62+s10+$0x0], $0xffff  }
0x1e1: {  	s19 =	simm.s32 $0x20;
	v60 =	vor.u32 v3, v43;
	[tilespmem:v46+s12+$0x0] =	vst.idx.msk $0xffff, v47;
	v47 =	vor.u32 v20, v38  }
0x1e2: {  	v61 =	vor.u32 v8, v34;
	v55 =	vor.u32 v33, v59;
	v54 =	vld.idx.msk [tilespmem:v44+s10+$0x0], $0xffff;
	v44 =	vadd.s32 s19, v42  }
0x1e3: {  	v52 =	vor.u32 v30, v45;
	[tilespmem:v50+s12+$0x0] =	vst.idx.msk $0xffff, v57;
	v50 =	vor.u32 v0, v44  }
0x1e4: {  	v57 =	vld.idx.msk [tilespmem:v58+s10+$0x0], $0xffff;
	v58 =	vor.u32 v33, v60;
	v60 =	vor.u32 v2, v39;
	[tilespmem:v48+s12+$0x0] =	vst.idx.msk $0xffff, v53  }
0x1e5: {  	[tilespmem:v49+s12+$0x0] =	vst.idx.msk $0xffff, v62;
	v49 =	vor.u32 v32, v61;
	v62 =	vmov s19;
	v48 =	vld.idx.msk [tilespmem:v63+s10+$0x0], $0xffff;
	v63 =	vor.u32 v12, v40  }
0x1e6: {  	v61 =	vor.u32 v25, v36;
	v47 =	vld.idx.msk [tilespmem:v47+s10+$0x0], $0xffff;
	v46 =	vshll.u32 v62, $0x7;
	v51 =	vor.u32 v32, v63  }
0x1e7: {  	v62 =	vor.u32 v21, v38;
	[tilespmem:v55+s12+$0x0] =	vst.idx.msk $0xffff, v54;
	v59 =	vor.u32 v16, v46  }
0x1e8: {  	v54 =	vor.u32 v33, v60;
	v63 =	vor.u32 v2, v43;
	v50 =	vld.idx.msk [tilespmem:v50+s10+$0x0], $0xffff;
	v53 =	vor.u32 v32, v59  }
0x1e9: {  	v60 =	vor.u32 v11, v40;
	v56 =	vld.idx.msk [tilespmem:v56+s10+$0x0], $0xffff;
	v59 =	vor.u32 v7, v34;
	[tilespmem:v58+s12+$0x0] =	vst.idx.msk $0xffff, v57  }
0x1ea: {  	v58 =	vor.u32 v31, v37;
	[tilespmem:v49+s12+$0x0] =	vst.idx.msk $0xffff, v48;
	v49 =	vor.u32 v17, v44  }
0x1eb: {  	v57 =	vor.u32 v23, v38;
	v48 =	vor.u32 v33, v63;
	[tilespmem:v51+s12+$0x0] =	vst.idx.msk $0xffff, v47;
	v47 =	vld.idx.msk [tilespmem:v52+s10+$0x0], $0xffff  }
0x1ec: {  	v63 =	vor.u32 v26, v36;
	v52 =	vld.idx.msk [tilespmem:v61+s10+$0x0], $0xffff;
	v51 =	vor.u32 v32, v59;
	v61 =	vor.u32 v31, v45  }
0x1ed: {  	v59 =	vor.u32 v18, v44;
	[tilespmem:v53+s12+$0x0] =	vst.idx.msk $0xffff, v50;
	v53 =	vld.idx.msk [tilespmem:v62+s10+$0x0], $0xffff;
	v50 =	vor.u32 v32, v60  }
0x1ee: {  	v62 =	vor.u32 v15, v46;
	[tilespmem:v54+s12+$0x0] =	vst.idx.msk $0xffff, v56;
	v56 =	vor.u32 v1, v35  }
0x1ef: {  	v60 =	vor.u32 v1, v43;
	v55 =	vor.u32 v32, v62;
	v35 =	vor.u32 v33, v56;
	v49 =	vld.idx.msk [tilespmem:v49+s10+$0x0], $0xffff  }
0x1f0: {  	v37 =	vld.idx.msk [tilespmem:v58+s10+$0x0], $0xffff;
	v58 =	vor.u32 v1, v39;
	v62 =	vor.u32 v6, v34;
	[tilespmem:v48+s12+$0x0] =	vst.idx.msk $0xffff, v47  }
0x1f1: {  	v39 =	vor.u32 v33, v58;
	v33 =	vor.u32 v33, v60;
	[tilespmem:v51+s12+$0x0] =	vst.idx.msk $0xffff, v52;
	v61 =	vld.idx.msk [tilespmem:v61+s10+$0x0], $0xffff  }
0x1f2: {  	v45 =	vor.u32 v32, v62;
	[tilespmem:v50+s12+$0x0] =	vst.idx.msk $0xffff, v53;
	v63 =	vld.idx.msk [tilespmem:v63+s10+$0x0], $0xffff  }
0x1f3: {  	v56 =	vor.u32 v10, v40;
	v47 =	vld.idx.msk [tilespmem:v57+s10+$0x0], $0xffff;
	v57 =	vor.u32 v27, v36  }
0x1f4: {  	v41 =	vld.idx.msk [tilespmem:v41+s10+$0x0], $0xffff;
	v51 =	vor.u32 v32, v56;
	[tilespmem:v55+s12+$0x0] =	vst.idx.msk $0xffff, v49  }
0x1f5: {  	v58 =	vor.u32 v14, v46;
	v48 =	vld.idx.msk [tilespmem:v59+s10+$0x0], $0xffff;
	v59 =	vor.u32 v24, v38  }
0x1f6: {  	v52 =	vor.u32 v32, v58;
	[tilespmem:v33+s12+$0x0] =	vst.idx.msk $0xffff, v61  }
0x1f7: {  	v60 =	vor.u32 v19, v44;
	[tilespmem:v45+s12+$0x0] =	vst.idx.msk $0xffff, v63;
	v61 =	vor.u32 v5, v34  }
0x1f8: {  	[tilespmem:v35+s12+$0x0] =	vst.idx.msk $0xffff, v37;
	v33 =	vld.idx.msk [tilespmem:v57+s10+$0x0], $0xffff;
	v35 =	vor.u32 v32, v61  }
0x1f9: {  	v62 =	vor.u32 v9, v40;
	v37 =	vor.u32 v28, v36;
	[tilespmem:v51+s12+$0x0] =	vst.idx.msk $0xffff, v47  }
0x1fa: {  	[tilespmem:v39+s12+$0x0] =	vst.idx.msk $0xffff, v41;
	v41 =	vor.u32 v32, v62;
	v39 =	vld.idx.msk [tilespmem:v59+s10+$0x0], $0xffff  }
0x1fb: {  	v43 =	vor.u32 v22, v38;
	v63 =	vor.u32 v13, v46;
	[tilespmem:v52+s12+$0x0] =	vst.idx.msk $0xffff, v48  }
0x1fc: {  	v47 =	vor.u32 v32, v63;
	v45 =	vld.idx.msk [tilespmem:v60+s10+$0x0], $0xffff  }
.LBB2_9:
0x1fd: {  	s19 =	sadd.s32 $0x10, s19;
	v48 =	vor.u32 v20, v44;
	[tilespmem:v35+s12+$0x0] =	vst.idx.msk $0xffff, v33  }
0x1fe: {  	v33 =	vadd.s32 s19, v42;
	p1 =	slt.u32 s19, $0x30;
	v35 =	vld.idx.msk [tilespmem:v37+s10+$0x0], $0xffff;
	v37 =	vor.u32 v4, v34  }
0x1ff: {  	v49 =	vor.u32 v0, v33;
	[tilespmem:v41+s12+$0x0] =	vst.idx.msk $0xffff, v39;
	v37 =	vor.u32 v32, v37  }
0x200: {  	v41 =	vor.u32 v8, v40;
	v39 =	vld.idx.msk [tilespmem:v43+s10+$0x0], $0xffff;
	v43 =	vor.u32 v29, v36  }
0x201: {  	v41 =	vor.u32 v32, v41;
	[tilespmem:v47+s12+$0x0] =	vst.idx.msk $0xffff, v45  }
0x202: {  	v50 =	vor.u32 v25, v38;
	v45 =	vmov s19;
	v47 =	vld.idx.msk [tilespmem:v48+s10+$0x0], $0xffff;
	v48 =	vor.u32 v12, v46  }
0x203: {  	v45 =	vshll.u32 v45, $0x7;
	v48 =	vor.u32 v32, v48  }
0x204: {  	v52 =	vor.u32 v21, v44;
	v51 =	vor.u32 v16, v45;
	v49 =	vld.idx.msk [tilespmem:v49+s10+$0x0], $0xffff;
	[tilespmem:v37+s12+$0x0] =	vst.idx.msk $0xffff, v35  }
0x205: {  	v35 =	vor.u32 v32, v51;
	v37 =	vld.idx.msk [tilespmem:v43+s10+$0x0], $0xffff;
	v43 =	vor.u32 v3, v34  }
0x206: {  	v51 =	vor.u32 v17, v33;
	[tilespmem:v41+s12+$0x0] =	vst.idx.msk $0xffff, v39;
	v39 =	vor.u32 v32, v43  }
0x207: {  	v43 =	vor.u32 v7, v40;
	v41 =	vld.idx.msk [tilespmem:v50+s10+$0x0], $0xffff;
	v50 =	vor.u32 v30, v36  }
0x208: {  	v43 =	vor.u32 v32, v43;
	[tilespmem:v48+s12+$0x0] =	vst.idx.msk $0xffff, v47  }
0x209: {  	v48 =	vor.u32 v11, v46;
	v47 =	vld.idx.msk [tilespmem:v52+s10+$0x0], $0xffff;
	v52 =	vor.u32 v26, v38  }
0x20a: {  	[tilespmem:v35+s12+$0x0] =	vst.idx.msk $0xffff, v49;
	v35 =	vor.u32 v32, v48  }
0x20b: {  	v49 =	vor.u32 v15, v45;
	v48 =	vld.idx.msk [tilespmem:v51+s10+$0x0], $0xffff;
	v51 =	vor.u32 v23, v44;
	[tilespmem:v39+s12+$0x0] =	vst.idx.msk $0xffff, v37  }
0x20c: {  	v37 =	vor.u32 v32, v49;
	v49 =	vor.u32 v2, v34;
	v39 =	vld.idx.msk [tilespmem:v50+s10+$0x0], $0xffff  }
0x20d: {  	v50 =	vor.u32 v18, v33;
	[tilespmem:v43+s12+$0x0] =	vst.idx.msk $0xffff, v41;
	v41 =	vor.u32 v32, v49  }
0x20e: {  	v49 =	vor.u32 v6, v40;
	v43 =	vld.idx.msk [tilespmem:v52+s10+$0x0], $0xffff;
	v52 =	vor.u32 v31, v36;
	v36 =	vmovc v38;
	v38 =	vmov v44  }
0x20f: {  	v44 =	vmov v33;
	[tilespmem:v35+s12+$0x0] =	vst.idx.msk $0xffff, v47;
	v35 =	vor.u32 v32, v49  }
0x210: {  	v33 =	vor.u32 v10, v46;
	v49 =	vor.u32 v27, v36;
	v47 =	vld.idx.msk [tilespmem:v51+s10+$0x0], $0xffff  }
0x211: {  	[tilespmem:v37+s12+$0x0] =	vst.idx.msk $0xffff, v48;
	v37 =	vor.u32 v32, v33  }
0x212: {  	v33 =	vor.u32 v14, v45;
	v48 =	vld.idx.msk [tilespmem:v50+s10+$0x0], $0xffff;
	v50 =	vor.u32 v24, v38;
	[tilespmem:v41+s12+$0x0] =	vst.idx.msk $0xffff, v39  }
0x213: {  	v41 =	vor.u32 v32, v33;
	v33 =	vor.u32 v1, v34;
	v34 =	vmovc v40;
	v40 =	vmov v46;
	v51 =	vld.idx.msk [tilespmem:v52+s10+$0x0], $0xffff  }
0x214: {  	v46 =	vmov v45;
	v52 =	vor.u32 v19, v44;
	v53 =	vor.u32 v32, v33;
	[tilespmem:v35+s12+$0x0] =	vst.idx.msk $0xffff, v43  }
0x215: {  	v35 =	vor.u32 v5, v34;
	v33 =	vld.idx.msk [tilespmem:v49+s10+$0x0], $0xffff  }
.Ltmp3:
0x216: {  	v35 =	vor.u32 v32, v35;
	[tilespmem:v37+s12+$0x0] =	vst.idx.msk $0xffff, v47;
	(pc) =	sbr.rel @p1 .LBB2_9-.Ltmp3, $4  }
0x217: {  	v43 =	vor.u32 v9, v40;
	v37 =	vor.u32 v28, v36;
	v39 =	vld.idx.msk [tilespmem:v50+s10+$0x0], $0xffff  }
0x218: {  	[tilespmem:v41+s12+$0x0] =	vst.idx.msk $0xffff, v48;
	v41 =	vor.u32 v32, v43  }
0x219: {  	v47 =	vor.u32 v13, v46;
	v43 =	vor.u32 v22, v38;
	v45 =	vld.idx.msk [tilespmem:v52+s10+$0x0], $0xffff;
	[tilespmem:v53+s12+$0x0] =	vst.idx.msk $0xffff, v51  }
0x21a: {  	v47 =	vor.u32 v32, v47  }
0x21b: {  	v42 =	vor.u32 v20, v44;
	_ =	sdelay $0x3  }
0x21c: {  	v54 =	vor.u32 v12, v46;
	[tilespmem:v47+s12+$0x0] =	vst.idx.msk $0xffff, v45  }
0x21d: {  	v45 =	vor.u32 v32, v54;
	v42 =	vld.idx.msk [tilespmem:v42+s10+$0x0], $0xffff  }
0x21e: {  	v55 =	vor.u32 v21, v44;
	_ =	sdelay $0x3  }
0x21f: {  	v56 =	vor.u32 v11, v46;
	[tilespmem:v45+s12+$0x0] =	vst.idx.msk $0xffff, v42  }
0x220: {  	v42 =	vor.u32 v32, v56;
	v45 =	vld.idx.msk [tilespmem:v55+s10+$0x0], $0xffff  }
0x221: {  	v57 =	vor.u32 v23, v44;
	_ =	sdelay $0x3  }
0x222: {  	v58 =	vor.u32 v10, v46;
	[tilespmem:v42+s12+$0x0] =	vst.idx.msk $0xffff, v45  }
0x223: {  	v42 =	vor.u32 v32, v58;
	v45 =	vld.idx.msk [tilespmem:v57+s10+$0x0], $0xffff  }
0x224: {  	v59 =	vor.u32 v24, v44;
	_ =	sdelay $0x3  }
0x225: {  	v60 =	vor.u32 v9, v46;
	[tilespmem:v42+s12+$0x0] =	vst.idx.msk $0xffff, v45  }
0x226: {  	v42 =	vor.u32 v32, v60;
	v45 =	vld.idx.msk [tilespmem:v59+s10+$0x0], $0xffff  }
0x227: {  	v61 =	vor.u32 v22, v44;
	_ =	sdelay $0x2  }
0x228: {  	v62 =	vor.u32 v8, v40;
	[tilespmem:v41+s12+$0x0] =	vst.idx.msk $0xffff, v39  }
0x229: {  	v63 =	vor.u32 v8, v46;
	v39 =	vor.u32 v32, v62;
	v41 =	vld.idx.msk [tilespmem:v43+s10+$0x0], $0xffff;
	[tilespmem:v42+s12+$0x0] =	vst.idx.msk $0xffff, v45  }
0x22a: {  	v48 =	vor.u32 v25, v38;
	v42 =	vor.u32 v32, v63;
	v45 =	vld.idx.msk [tilespmem:v61+s10+$0x0], $0xffff  }
0x22b: {  	v49 =	vor.u32 v25, v44;
	_ =	sdelay $0x2  }
0x22c: {  	v50 =	vor.u32 v7, v40;
	[tilespmem:v39+s12+$0x0] =	vst.idx.msk $0xffff, v41  }
0x22d: {  	v51 =	vor.u32 v7, v46;
	v39 =	vor.u32 v32, v50;
	v41 =	vld.idx.msk [tilespmem:v48+s10+$0x0], $0xffff;
	[tilespmem:v42+s12+$0x0] =	vst.idx.msk $0xffff, v45  }
0x22e: {  	v52 =	vor.u32 v26, v38;
	v42 =	vor.u32 v32, v51;
	v45 =	vld.idx.msk [tilespmem:v49+s10+$0x0], $0xffff  }
0x22f: {  	v53 =	vor.u32 v26, v44;
	_ =	sdelay $0x2  }
0x230: {  	v54 =	vor.u32 v6, v40;
	[tilespmem:v39+s12+$0x0] =	vst.idx.msk $0xffff, v41  }
0x231: {  	v55 =	vor.u32 v6, v46;
	v39 =	vor.u32 v32, v54;
	v41 =	vld.idx.msk [tilespmem:v52+s10+$0x0], $0xffff;
	[tilespmem:v42+s12+$0x0] =	vst.idx.msk $0xffff, v45  }
0x232: {  	v56 =	vor.u32 v27, v38;
	v42 =	vor.u32 v32, v55;
	v45 =	vld.idx.msk [tilespmem:v53+s10+$0x0], $0xffff  }
0x233: {  	v57 =	vor.u32 v27, v44;
	_ =	sdelay $0x2  }
0x234: {  	v58 =	vor.u32 v5, v40;
	[tilespmem:v39+s12+$0x0] =	vst.idx.msk $0xffff, v41  }
0x235: {  	v39 =	vor.u32 v32, v58;
	v41 =	vld.idx.msk [tilespmem:v56+s10+$0x0], $0xffff;
	v59 =	vor.u32 v5, v46;
	[tilespmem:v42+s12+$0x0] =	vst.idx.msk $0xffff, v45  }
0x236: {  	v60 =	vor.u32 v28, v38;
	v42 =	vor.u32 v32, v59;
	v45 =	vld.idx.msk [tilespmem:v57+s10+$0x0], $0xffff  }
0x237: {  	v61 =	vor.u32 v28, v44;
	_ =	sdelay $0x1  }
0x238: {  	[tilespmem:v35+s12+$0x0] =	vst.idx.msk $0xffff, v33;
	v48 =	vor.u32 v4, v34;
	v52 =	vor.u32 v4, v40  }
0x239: {  	v35 =	vld.idx.msk [tilespmem:v37+s10+$0x0], $0xffff;
	v62 =	vor.u32 v32, v48;
	[tilespmem:v39+s12+$0x0] =	vst.idx.msk $0xffff, v41;
	v39 =	vor.u32 v32, v52  }
0x23a: {  	v41 =	vld.idx.msk [tilespmem:v60+s10+$0x0], $0xffff;
	v63 =	vor.u32 v29, v36;
	v53 =	vor.u32 v4, v46;
	[tilespmem:v42+s12+$0x0] =	vst.idx.msk $0xffff, v45  }
0x23b: {  	v54 =	vor.u32 v29, v38;
	v42 =	vor.u32 v32, v53;
	v45 =	vld.idx.msk [tilespmem:v61+s10+$0x0], $0xffff  }
0x23c: {  	v55 =	vor.u32 v29, v44;
	_ =	sdelay $0x1  }
0x23d: {  	[tilespmem:v62+s12+$0x0] =	vst.idx.msk $0xffff, v35;
	v58 =	vor.u32 v30, v36;
	v56 =	vor.u32 v3, v34  }
0x23e: {  	[tilespmem:v39+s12+$0x0] =	vst.idx.msk $0xffff, v41;
	v35 =	vld.idx.msk [tilespmem:v63+s10+$0x0], $0xffff;
	v59 =	vor.u32 v3, v40;
	v57 =	vor.u32 v32, v56  }
0x23f: {  	v60 =	vor.u32 v3, v46;
	v41 =	vld.idx.msk [tilespmem:v54+s10+$0x0], $0xffff;
	v39 =	vor.u32 v32, v59;
	[tilespmem:v42+s12+$0x0] =	vst.idx.msk $0xffff, v45  }
0x240: {  	v61 =	vor.u32 v30, v38;
	v42 =	vor.u32 v32, v60;
	v45 =	vld.idx.msk [tilespmem:v55+s10+$0x0], $0xffff  }
0x241: {  	v62 =	vor.u32 v30, v44;
	_ =	sdelay $0x1  }
0x242: {  	v52 =	vor.u32 v31, v36;
	v63 =	vor.u32 v2, v34;
	[tilespmem:v57+s12+$0x0] =	vst.idx.msk $0xffff, v35  }
0x243: {  	v51 =	vor.u32 v32, v63;
	[tilespmem:v39+s12+$0x0] =	vst.idx.msk $0xffff, v41;
	v53 =	vor.u32 v2, v40;
	v35 =	vld.idx.msk [tilespmem:v58+s10+$0x0], $0xffff  }
0x244: {  	v54 =	vor.u32 v2, v46;
	v37 =	vor.u32 v32, v53;
	v39 =	vld.idx.msk [tilespmem:v61+s10+$0x0], $0xffff;
	[tilespmem:v42+s12+$0x0] =	vst.idx.msk $0xffff, v45  }
0x245: {  	v41 =	vor.u32 v32, v54;
	v55 =	vor.u32 v31, v38;
	v42 =	vld.idx.msk [tilespmem:v62+s10+$0x0], $0xffff  }
0x246: {  	v56 =	vor.u32 v31, v44;
	_ =	sdelay $0x1  }
0x247: {  	v57 =	vor.u32 v1, v34;
	[tilespmem:v51+s12+$0x0] =	vst.idx.msk $0xffff, v35  }
0x248: {  	v59 =	vor.u32 v1, v40;
	v33 =	vor.u32 v32, v57;
	v58 =	vld.idx.msk [tilespmem:v52+s10+$0x0], $0xffff;
	[tilespmem:v37+s12+$0x0] =	vst.idx.msk $0xffff, v39  }
0x249: {  	v35 =	vor.u32 v32, v59;
	v61 =	vor.u32 v1, v46;
	v60 =	vld.idx.msk [tilespmem:v55+s10+$0x0], $0xffff;
	[tilespmem:v41+s12+$0x0] =	vst.idx.msk $0xffff, v42  }
0x24a: {  	v63 =	vor.u32 v32, v61;
	v62 =	vld.idx.msk [tilespmem:v56+s10+$0x0], $0xffff  }
.Ltmp4:
0x24b: {  	_ = 	snop;
	(pc) =	sbr.rel @p0 .LBB2_2-.Ltmp4, $4  }
0x24c: {  	_ = 	snop  }
0x24d: {  	[tilespmem:v33+s12+$0x0] =	vst.idx.msk $0xffff, v58  }
0x24e: {  	[tilespmem:v35+s12+$0x0] =	vst.idx.msk $0xffff, v60  }
0x24f: {  	s19 =	simm.s32 $0x40;
	p1 =	por $0x0, $0x0;
	[tilespmem:v63+s12+$0x0] =	vst.idx.msk $0xffff, v62  }
0x250: {  	[hbm4b:s6+s13] =	stream.strided.scatter [tilespmem:s12], [sflag:$0x1], $0x2000, s14, s13, $0x38;
	[tilespmem:$0x19E00] =	vst v63  }
0x251: {  	s19 =	simm.s32 $0x0;
	p1 =	por $0x1, $0x1  }
.LBB2_12:
0x252: {  	v32 =	vld [tilespmem:s19+$0x80];
	_ =	sdelay $0x4  }
0x253: {  	s20 =	simm.s32 $0x0;
	v32 =	vshll.u32 v32, $0x6  }
0x254: {  	v37 =	vadd.s32 s20, v32  }
0x255: {  	v34 =	vor.u32 v0, v37;
	_ =	sdelay $0x1  }
0x256: {  	v33 =	vmov s20  }
0x257: {  	v35 =	vshll.u32 v33, $0x7  }
0x258: {  	v33 =	vor.u32 s19, v0;
	v36 =	vor.u32 v16, v35  }
0x259: {  	v36 =	vor.u32 v33, v36;
	v34 =	vld.idx.msk [tilespmem:v34+s10+$0x0], $0xffff  }
0x25a: {  	v38 =	vor.u32 v17, v37;
	_ =	sdelay $0x3  }
0x25b: {  	v54 =	vor.u32 v15, v35;
	[tilespmem:v36+s15+$0x0] =	vst.idx.msk $0xffff, v34  }
0x25c: {  	v34 =	vor.u32 v33, v54;
	v36 =	vld.idx.msk [tilespmem:v38+s10+$0x0], $0xffff  }
0x25d: {  	v55 =	vor.u32 v18, v37;
	_ =	sdelay $0x3  }
0x25e: {  	v56 =	vor.u32 v14, v35;
	[tilespmem:v34+s15+$0x0] =	vst.idx.msk $0xffff, v36  }
0x25f: {  	v34 =	vor.u32 v33, v56;
	v36 =	vld.idx.msk [tilespmem:v55+s10+$0x0], $0xffff  }
0x260: {  	v57 =	vor.u32 v19, v37;
	_ =	sdelay $0x3  }
0x261: {  	v58 =	vor.u32 v13, v35;
	[tilespmem:v34+s15+$0x0] =	vst.idx.msk $0xffff, v36  }
0x262: {  	v34 =	vor.u32 v33, v58;
	v36 =	vld.idx.msk [tilespmem:v57+s10+$0x0], $0xffff  }
0x263: {  	s31 =	simm.s32 $0x10;
	v59 =	vor.u32 v20, v37  }
0x264: {  	v41 =	vadd.s32 s31, v32  }
0x265: {  	v40 =	vor.u32 v0, v41;
	_ =	sdelay $0x1  }
0x266: {  	v39 =	vmov s31;
	v60 =	vor.u32 v12, v35;
	[tilespmem:v34+s15+$0x0] =	vst.idx.msk $0xffff, v36  }
0x267: {  	v39 =	vshll.u32 v39, $0x7;
	v34 =	vor.u32 v33, v60;
	v36 =	vld.idx.msk [tilespmem:v59+s10+$0x0], $0xffff  }
0x268: {  	v61 =	vor.u32 v16, v39;
	v42 =	vor.u32 v21, v37  }
0x269: {  	v40 =	vld.idx.msk [tilespmem:v40+s10+$0x0], $0xffff;
	v38 =	vor.u32 v33, v61  }
0x26a: {  	v43 =	vor.u32 v17, v41;
	_ =	sdelay $0x1  }
0x26b: {  	v62 =	vor.u32 v11, v35;
	[tilespmem:v34+s15+$0x0] =	vst.idx.msk $0xffff, v36  }
0x26c: {  	v34 =	vor.u32 v33, v62;
	v36 =	vld.idx.msk [tilespmem:v42+s10+$0x0], $0xffff  }
0x26d: {  	v63 =	vor.u32 v15, v39;
	v45 =	vor.u32 v23, v37;
	[tilespmem:v38+s15+$0x0] =	vst.idx.msk $0xffff, v40  }
0x26e: {  	v38 =	vor.u32 v33, v63;
	v40 =	vld.idx.msk [tilespmem:v43+s10+$0x0], $0xffff  }
0x26f: {  	v46 =	vor.u32 v18, v41;
	_ =	sdelay $0x1  }
0x270: {  	v47 =	vor.u32 v10, v35;
	[tilespmem:v34+s15+$0x0] =	vst.idx.msk $0xffff, v36  }
0x271: {  	v34 =	vor.u32 v33, v47;
	v36 =	vld.idx.msk [tilespmem:v45+s10+$0x0], $0xffff  }
0x272: {  	v48 =	vor.u32 v14, v39;
	v49 =	vor.u32 v24, v37;
	[tilespmem:v38+s15+$0x0] =	vst.idx.msk $0xffff, v40  }
0x273: {  	v38 =	vor.u32 v33, v48;
	v40 =	vld.idx.msk [tilespmem:v46+s10+$0x0], $0xffff  }
0x274: {  	v50 =	vor.u32 v19, v41;
	_ =	sdelay $0x1  }
0x275: {  	v51 =	vor.u32 v9, v35;
	[tilespmem:v34+s15+$0x0] =	vst.idx.msk $0xffff, v36  }
0x276: {  	v34 =	vor.u32 v33, v51;
	v36 =	vld.idx.msk [tilespmem:v49+s10+$0x0], $0xffff  }
0x277: {  	v52 =	vor.u32 v13, v39;
	v53 =	vor.u32 v22, v37;
	[tilespmem:v38+s15+$0x0] =	vst.idx.msk $0xffff, v40  }
0x278: {  	v38 =	vor.u32 v33, v52;
	v40 =	vld.idx.msk [tilespmem:v50+s10+$0x0], $0xffff  }
0x279: {  	s20 =	simm.s32 $0x20;
	v54 =	vor.u32 v20, v41  }
0x27a: {  	v45 =	vadd.s32 s20, v32  }
0x27b: {  	v55 =	vor.u32 v8, v35;
	v44 =	vor.u32 v0, v45;
	[tilespmem:v34+s15+$0x0] =	vst.idx.msk $0xffff, v36  }
0x27c: {  	v34 =	vor.u32 v33, v55;
	v36 =	vld.idx.msk [tilespmem:v53+s10+$0x0], $0xffff  }
0x27d: {  	v56 =	vmov s20;
	v57 =	vor.u32 v12, v39;
	v46 =	vor.u32 v25, v37;
	[tilespmem:v38+s15+$0x0] =	vst.idx.msk $0xffff, v40  }
0x27e: {  	v43 =	vshll.u32 v56, $0x7;
	v59 =	vor.u32 v33, v57;
	v58 =	vld.idx.msk [tilespmem:v54+s10+$0x0], $0xffff  }
0x27f: {  	v60 =	vor.u32 v16, v43;
	v47 =	vor.u32 v21, v41  }
0x280: {  	v40 =	vor.u32 v33, v60;
	v44 =	vld.idx.msk [tilespmem:v44+s10+$0x0], $0xffff  }
0x281: {  	v61 =	vor.u32 v7, v35;
	v48 =	vor.u32 v17, v45;
	[tilespmem:v34+s15+$0x0] =	vst.idx.msk $0xffff, v36  }
0x282: {  	v34 =	vor.u32 v33, v61;
	v36 =	vld.idx.msk [tilespmem:v46+s10+$0x0], $0xffff  }
0x283: {  	v63 =	vor.u32 v26, v37;
	v62 =	vor.u32 v11, v39;
	[tilespmem:v59+s15+$0x0] =	vst.idx.msk $0xffff, v58  }
0x284: {  	v38 =	vor.u32 v33, v62;
	v42 =	vld.idx.msk [tilespmem:v47+s10+$0x0], $0xffff  }
0x285: {  	v52 =	vor.u32 v23, v41;
	v51 =	vor.u32 v15, v43;
	[tilespmem:v40+s15+$0x0] =	vst.idx.msk $0xffff, v44  }
0x286: {  	v40 =	vor.u32 v33, v51;
	v44 =	vld.idx.msk [tilespmem:v48+s10+$0x0], $0xffff  }
0x287: {  	v54 =	vor.u32 v6, v35;
	v53 =	vor.u32 v18, v45;
	[tilespmem:v34+s15+$0x0] =	vst.idx.msk $0xffff, v36  }
0x288: {  	v34 =	vor.u32 v33, v54;
	v36 =	vld.idx.msk [tilespmem:v63+s10+$0x0], $0xffff  }
0x289: {  	v56 =	vor.u32 v27, v37;
	[tilespmem:v38+s15+$0x0] =	vst.idx.msk $0xffff, v42;
	v55 =	vor.u32 v10, v39  }
0x28a: {  	v57 =	vld.idx.msk [tilespmem:v52+s10+$0x0], $0xffff;
	v38 =	vor.u32 v33, v55  }
0x28b: {  	v60 =	vor.u32 v24, v41;
	v58 =	vor.u32 v14, v43;
	[tilespmem:v40+s15+$0x0] =	vst.idx.msk $0xffff, v44  }
0x28c: {  	v49 =	vor.u32 v33, v58;
	v59 =	vld.idx.msk [tilespmem:v53+s10+$0x0], $0xffff  }
0x28d: {  	v50 =	vor.u32 v19, v45;
	v61 =	vor.u32 v5, v35;
	[tilespmem:v34+s15+$0x0] =	vst.idx.msk $0xffff, v36  }
0x28e: {  	v44 =	vor.u32 v33, v61;
	v42 =	vld.idx.msk [tilespmem:v56+s10+$0x0], $0xffff  }
0x28f: {  	v62 =	vor.u32 v9, v39;
	[tilespmem:v38+s15+$0x0] =	vst.idx.msk $0xffff, v57;
	v38 =	vor.u32 v28, v37  }
0x290: {  	v47 =	vor.u32 v33, v62;
	v40 =	vld.idx.msk [tilespmem:v60+s10+$0x0], $0xffff  }
0x291: {  	v48 =	vor.u32 v22, v41;
	[tilespmem:v49+s15+$0x0] =	vst.idx.msk $0xffff, v59;
	v63 =	vor.u32 v13, v43  }
0x292: {  	p0 =	por p1, p1;
	v34 =	vld.idx.msk [tilespmem:v50+s10+$0x0], $0xffff;
	v36 =	vor.u32 v33, v63  }
.LBB2_13:
0x293: {  	s20 =	sadd.s32 $0x10, s20;
	v46 =	vor.u32 v20, v45;
	[tilespmem:v44+s15+$0x0] =	vst.idx.msk $0xffff, v42  }
0x294: {  	v44 =	vor.u32 v4, v35;
	v42 =	vadd.s32 s20, v32;
	p1 =	slt.u32 s20, $0x30;
	v38 =	vld.idx.msk [tilespmem:v38+s10+$0x0], $0xffff  }
0x295: {  	v49 =	vor.u32 v0, v42;
	[tilespmem:v47+s15+$0x0] =	vst.idx.msk $0xffff, v40;
	v40 =	vor.u32 v33, v44  }
0x296: {  	v47 =	vor.u32 v8, v39;
	v44 =	vld.idx.msk [tilespmem:v48+s10+$0x0], $0xffff;
	v48 =	vor.u32 v29, v37  }
0x297: {  	[tilespmem:v36+s15+$0x0] =	vst.idx.msk $0xffff, v34;
	v34 =	vor.u32 v33, v47  }
0x298: {  	v50 =	vor.u32 v25, v41;
	v36 =	vmov s20;
	v47 =	vor.u32 v12, v43;
	v46 =	vld.idx.msk [tilespmem:v46+s10+$0x0], $0xffff  }
0x299: {  	v36 =	vshll.u32 v36, $0x7;
	v47 =	vor.u32 v33, v47  }
0x29a: {  	v52 =	vor.u32 v21, v45;
	v51 =	vor.u32 v16, v36;
	v49 =	vld.idx.msk [tilespmem:v49+s10+$0x0], $0xffff;
	[tilespmem:v40+s15+$0x0] =	vst.idx.msk $0xffff, v38  }
0x29b: {  	v38 =	vor.u32 v33, v51;
	v40 =	vld.idx.msk [tilespmem:v48+s10+$0x0], $0xffff;
	v48 =	vor.u32 v3, v35  }
0x29c: {  	v51 =	vor.u32 v17, v42;
	[tilespmem:v34+s15+$0x0] =	vst.idx.msk $0xffff, v44;
	v34 =	vor.u32 v33, v48  }
0x29d: {  	v48 =	vor.u32 v7, v39;
	v44 =	vld.idx.msk [tilespmem:v50+s10+$0x0], $0xffff;
	v50 =	vor.u32 v30, v37  }
0x29e: {  	[tilespmem:v47+s15+$0x0] =	vst.idx.msk $0xffff, v46;
	v46 =	vor.u32 v33, v48  }
0x29f: {  	v48 =	vor.u32 v11, v43;
	v47 =	vld.idx.msk [tilespmem:v52+s10+$0x0], $0xffff;
	v52 =	vor.u32 v26, v41  }
0x2a0: {  	[tilespmem:v38+s15+$0x0] =	vst.idx.msk $0xffff, v49;
	v38 =	vor.u32 v33, v48  }
0x2a1: {  	v49 =	vor.u32 v15, v36;
	v48 =	vld.idx.msk [tilespmem:v51+s10+$0x0], $0xffff;
	v51 =	vor.u32 v23, v45;
	[tilespmem:v34+s15+$0x0] =	vst.idx.msk $0xffff, v40  }
0x2a2: {  	v34 =	vor.u32 v33, v49;
	v49 =	vor.u32 v2, v35;
	v40 =	vld.idx.msk [tilespmem:v50+s10+$0x0], $0xffff  }
0x2a3: {  	v50 =	vor.u32 v18, v42;
	[tilespmem:v46+s15+$0x0] =	vst.idx.msk $0xffff, v44;
	v44 =	vor.u32 v33, v49  }
0x2a4: {  	v49 =	vor.u32 v6, v39;
	v46 =	vld.idx.msk [tilespmem:v52+s10+$0x0], $0xffff;
	v52 =	vor.u32 v31, v37;
	v37 =	vmovc v41;
	v41 =	vmov v45  }
0x2a5: {  	v45 =	vmov v42;
	[tilespmem:v38+s15+$0x0] =	vst.idx.msk $0xffff, v47;
	v38 =	vor.u32 v33, v49  }
0x2a6: {  	v42 =	vor.u32 v10, v43;
	v49 =	vor.u32 v27, v37;
	v47 =	vld.idx.msk [tilespmem:v51+s10+$0x0], $0xffff  }
0x2a7: {  	[tilespmem:v34+s15+$0x0] =	vst.idx.msk $0xffff, v48;
	v34 =	vor.u32 v33, v42  }
0x2a8: {  	v42 =	vor.u32 v14, v36;
	v48 =	vld.idx.msk [tilespmem:v50+s10+$0x0], $0xffff;
	v50 =	vor.u32 v24, v41;
	[tilespmem:v44+s15+$0x0] =	vst.idx.msk $0xffff, v40  }
0x2a9: {  	v51 =	vor.u32 v33, v42;
	v40 =	vor.u32 v1, v35;
	v35 =	vmovc v39;
	v39 =	vmov v43;
	v52 =	vld.idx.msk [tilespmem:v52+s10+$0x0], $0xffff  }
0x2aa: {  	v53 =	vor.u32 v19, v45;
	v43 =	vmov v36;
	[tilespmem:v38+s15+$0x0] =	vst.idx.msk $0xffff, v46;
	v46 =	vor.u32 v33, v40  }
0x2ab: {  	v36 =	vor.u32 v5, v35;
	v42 =	vld.idx.msk [tilespmem:v49+s10+$0x0], $0xffff  }
.Ltmp5:
0x2ac: {  	v44 =	vor.u32 v33, v36;
	[tilespmem:v34+s15+$0x0] =	vst.idx.msk $0xffff, v47;
	(pc) =	sbr.rel @p1 .LBB2_13-.Ltmp5, $4  }
0x2ad: {  	v38 =	vor.u32 v28, v37;
	v34 =	vor.u32 v9, v39;
	v40 =	vld.idx.msk [tilespmem:v50+s10+$0x0], $0xffff  }
0x2ae: {  	v47 =	vor.u32 v33, v34;
	[tilespmem:v51+s15+$0x0] =	vst.idx.msk $0xffff, v48  }
0x2af: {  	v36 =	vor.u32 v13, v43;
	v48 =	vor.u32 v22, v41;
	v34 =	vld.idx.msk [tilespmem:v53+s10+$0x0], $0xffff;
	[tilespmem:v46+s15+$0x0] =	vst.idx.msk $0xffff, v52  }
0x2b0: {  	v36 =	vor.u32 v33, v36  }
0x2b1: {  	v32 =	vor.u32 v20, v45;
	v46 =	vld [tilespmem:s19+$0x90];
	_ =	sdelay $0x3  }
0x2b2: {  	v55 =	vor.u32 v12, v43;
	[tilespmem:v36+s15+$0x0] =	vst.idx.msk $0xffff, v34  }
0x2b3: {  	s20 =	simm.s32 $0x0;
	v34 =	vor.u32 v33, v55;
	v32 =	vld.idx.msk [tilespmem:v32+s10+$0x0], $0xffff;
	v46 =	vshll.u32 v46, $0x6  }
0x2b4: {  	v49 =	vor.u32 v21, v45;
	v36 =	vadd.s32 s20, v46  }
0x2b5: {  	v50 =	vor.u32 v0, v36;
	_ =	sdelay $0x1  }
0x2b6: {  	v57 =	vmov s20  }
0x2b7: {  	v56 =	vor.u32 v11, v43;
	s30 =	sor.u32 $0x10, s19;
	[tilespmem:v34+s15+$0x0] =	vst.idx.msk $0xffff, v32;
	v34 =	vshll.u32 v57, $0x7  }
0x2b8: {  	v51 =	vor.u32 v33, v56;
	v32 =	vor.u32 s30, v0;
	v49 =	vld.idx.msk [tilespmem:v49+s10+$0x0], $0xffff;
	v53 =	vor.u32 v16, v34  }
0x2b9: {  	v52 =	vor.u32 v23, v45;
	v50 =	vld.idx.msk [tilespmem:v50+s10+$0x0], $0xffff;
	v53 =	vor.u32 v32, v53  }
0x2ba: {  	v54 =	vor.u32 v17, v36;
	_ =	sdelay $0x2  }
0x2bb: {  	v58 =	vor.u32 v10, v43;
	[tilespmem:v51+s15+$0x0] =	vst.idx.msk $0xffff, v49  }
0x2bc: {  	v60 =	vor.u32 v15, v34;
	v49 =	vor.u32 v33, v58;
	v51 =	vld.idx.msk [tilespmem:v52+s10+$0x0], $0xffff;
	[tilespmem:v53+s15+$0x0] =	vst.idx.msk $0xffff, v50  }
0x2bd: {  	v59 =	vor.u32 v24, v45;
	v50 =	vor.u32 v32, v60;
	v53 =	vld.idx.msk [tilespmem:v54+s10+$0x0], $0xffff  }
0x2be: {  	v61 =	vor.u32 v18, v36;
	_ =	sdelay $0x2  }
0x2bf: {  	v62 =	vor.u32 v9, v43;
	[tilespmem:v49+s15+$0x0] =	vst.idx.msk $0xffff, v51  }
0x2c0: {  	v56 =	vor.u32 v14, v34;
	v49 =	vor.u32 v33, v62;
	v51 =	vld.idx.msk [tilespmem:v59+s10+$0x0], $0xffff;
	[tilespmem:v50+s15+$0x0] =	vst.idx.msk $0xffff, v53  }
0x2c1: {  	v63 =	vor.u32 v22, v45;
	[tilespmem:v44+s15+$0x0] =	vst.idx.msk $0xffff, v42;
	v50 =	vor.u32 v32, v56;
	v53 =	vld.idx.msk [tilespmem:v61+s10+$0x0], $0xffff  }
0x2c2: {  	s31 =	simm.s32 $0x10;
	[tilespmem:v47+s15+$0x0] =	vst.idx.msk $0xffff, v40;
	v42 =	vor.u32 v19, v36;
	v57 =	vor.u32 v4, v35  }
0x2c3: {  	v38 =	vld.idx.msk [tilespmem:v38+s10+$0x0], $0xffff;
	v40 =	vadd.s32 s31, v46;
	v44 =	vor.u32 v33, v57;
	v58 =	vor.u32 v8, v39  }
0x2c4: {  	v47 =	vld.idx.msk [tilespmem:v48+s10+$0x0], $0xffff;
	v48 =	vor.u32 v0, v40;
	v59 =	vor.u32 v33, v58  }
0x2c5: {  	v60 =	vor.u32 v8, v43;
	v61 =	vor.u32 v25, v41;
	[tilespmem:v49+s15+$0x0] =	vst.idx.msk $0xffff, v51  }
0x2c6: {  	v62 =	vor.u32 v33, v60;
	v56 =	vor.u32 v13, v34;
	v51 =	vld.idx.msk [tilespmem:v63+s10+$0x0], $0xffff;
	[tilespmem:v50+s15+$0x0] =	vst.idx.msk $0xffff, v53  }
0x2c7: {  	v57 =	vor.u32 v32, v56;
	v63 =	vor.u32 v25, v45;
	v42 =	vld.idx.msk [tilespmem:v42+s10+$0x0], $0xffff  }
0x2c8: {  	v55 =	vor.u32 v20, v36;
	[tilespmem:v44+s15+$0x0] =	vst.idx.msk $0xffff, v38;
	v60 =	vmov s31  }
0x2c9: {  	v44 =	vor.u32 v26, v41;
	v58 =	vor.u32 v7, v39;
	v38 =	vshll.u32 v60, $0x7;
	[tilespmem:v59+s15+$0x0] =	vst.idx.msk $0xffff, v47  }
0x2ca: {  	v56 =	vor.u32 v16, v38;
	v47 =	vor.u32 v33, v58;
	v53 =	vor.u32 v29, v37;
	v49 =	vld.idx.msk [tilespmem:v61+s10+$0x0], $0xffff  }
0x2cb: {  	v48 =	vld.idx.msk [tilespmem:v48+s10+$0x0], $0xffff;
	v56 =	vor.u32 v32, v56;
	v59 =	vor.u32 v7, v43;
	[tilespmem:v62+s15+$0x0] =	vst.idx.msk $0xffff, v51  }
0x2cc: {  	v51 =	vor.u32 v33, v59;
	v62 =	vor.u32 v12, v34;
	v52 =	vld.idx.msk [tilespmem:v63+s10+$0x0], $0xffff;
	[tilespmem:v57+s15+$0x0] =	vst.idx.msk $0xffff, v42  }
0x2cd: {  	v63 =	vor.u32 v26, v45;
	v42 =	vor.u32 v32, v62;
	v55 =	vld.idx.msk [tilespmem:v55+s10+$0x0], $0xffff  }
0x2ce: {  	v60 =	vor.u32 v6, v39;
	v61 =	vor.u32 v3, v35;
	v57 =	vor.u32 v21, v36  }
0x2cf: {  	v54 =	vor.u32 v33, v61;
	v61 =	vor.u32 v17, v40;
	v53 =	vld.idx.msk [tilespmem:v53+s10+$0x0], $0xffff;
	[tilespmem:v47+s15+$0x0] =	vst.idx.msk $0xffff, v49  }
0x2d0: {  	v58 =	vor.u32 v27, v41;
	[tilespmem:v56+s15+$0x0] =	vst.idx.msk $0xffff, v48;
	v47 =	vor.u32 v33, v60;
	v44 =	vld.idx.msk [tilespmem:v44+s10+$0x0], $0xffff  }
0x2d1: {  	v59 =	vor.u32 v15, v38;
	v62 =	vor.u32 v6, v43;
	[tilespmem:v51+s15+$0x0] =	vst.idx.msk $0xffff, v52  }
0x2d2: {  	v51 =	vor.u32 v33, v62;
	v50 =	vld.idx.msk [tilespmem:v63+s10+$0x0], $0xffff;
	[tilespmem:v42+s15+$0x0] =	vst.idx.msk $0xffff, v55;
	v63 =	vor.u32 v11, v34  }
0x2d3: {  	v60 =	vor.u32 v5, v39;
	v42 =	vor.u32 v27, v45;
	v57 =	vld.idx.msk [tilespmem:v57+s10+$0x0], $0xffff;
	v48 =	vor.u32 v32, v63  }
0x2d4: {  	v49 =	vld.idx.msk [tilespmem:v61+s10+$0x0], $0xffff;
	[tilespmem:v54+s15+$0x0] =	vst.idx.msk $0xffff, v53;
	v53 =	vor.u32 v23, v36;
	v54 =	vor.u32 v32, v59  }
0x2d5: {  	v61 =	vor.u32 v2, v35;
	[tilespmem:v47+s15+$0x0] =	vst.idx.msk $0xffff, v44;
	v47 =	vor.u32 v18, v40  }
0x2d6: {  	v59 =	vor.u32 v10, v34;
	v52 =	vor.u32 v30, v37;
	v44 =	vor.u32 v33, v60;
	v56 =	vld.idx.msk [tilespmem:v58+s10+$0x0], $0xffff  }
0x2d7: {  	v62 =	vor.u32 v5, v43;
	v63 =	vor.u32 v28, v41;
	[tilespmem:v51+s15+$0x0] =	vst.idx.msk $0xffff, v50  }
0x2d8: {  	v60 =	vor.u32 v14, v38;
	v51 =	vor.u32 v33, v62;
	v42 =	vld.idx.msk [tilespmem:v42+s10+$0x0], $0xffff;
	[tilespmem:v48+s15+$0x0] =	vst.idx.msk $0xffff, v57  }
0x2d9: {  	v58 =	vor.u32 v28, v45;
	[tilespmem:v54+s15+$0x0] =	vst.idx.msk $0xffff, v49;
	v48 =	vor.u32 v32, v59;
	v53 =	vld.idx.msk [tilespmem:v53+s10+$0x0], $0xffff  }
0x2da: {  	v54 =	vor.u32 v33, v61;
	v61 =	vor.u32 v24, v36;
	v49 =	vor.u32 v32, v60;
	v47 =	vld.idx.msk [tilespmem:v47+s10+$0x0], $0xffff  }
0x2db: {  	[tilespmem:v44+s15+$0x0] =	vst.idx.msk $0xffff, v56;
	v62 =	vor.u32 v4, v39;
	v56 =	vor.u32 v19, v40  }
0x2dc: {  	v60 =	vor.u32 v9, v34;
	v50 =	vld.idx.msk [tilespmem:v63+s10+$0x0], $0xffff;
	v44 =	vor.u32 v33, v62  }
0x2dd: {  	v52 =	vld.idx.msk [tilespmem:v52+s10+$0x0], $0xffff;
	v63 =	vor.u32 v4, v43;
	v62 =	vor.u32 v13, v38;
	[tilespmem:v51+s15+$0x0] =	vst.idx.msk $0xffff, v42  }
0x2de: {  	v42 =	vor.u32 v29, v41;
	v51 =	vor.u32 v33, v63;
	v57 =	vld.idx.msk [tilespmem:v58+s10+$0x0], $0xffff;
	[tilespmem:v48+s15+$0x0] =	vst.idx.msk $0xffff, v53  }
0x2df: {  	[tilespmem:v49+s15+$0x0] =	vst.idx.msk $0xffff, v47;
	v58 =	vor.u32 v29, v45;
	v53 =	vld.idx.msk [tilespmem:v61+s10+$0x0], $0xffff;
	v61 =	vor.u32 v32, v60  }
0x2e0: {  	v49 =	vld.idx.msk [tilespmem:v56+s10+$0x0], $0xffff;
	v63 =	vor.u32 v22, v36;
	v48 =	vor.u32 v32, v62  }
0x2e1: {  	s20 =	simm.s32 $0x20;
	v59 =	vor.u32 v3, v39;
	[tilespmem:v44+s15+$0x0] =	vst.idx.msk $0xffff, v50;
	v50 =	vor.u32 v20, v40  }
0x2e2: {  	v55 =	vor.u32 v33, v59;
	[tilespmem:v54+s15+$0x0] =	vst.idx.msk $0xffff, v52;
	v56 =	vor.u32 v30, v41;
	v44 =	vadd.s32 s20, v46  }
0x2e3: {  	v60 =	vor.u32 v3, v43;
	v54 =	vld.idx.msk [tilespmem:v42+s10+$0x0], $0xffff;
	[tilespmem:v51+s15+$0x0] =	vst.idx.msk $0xffff, v57;
	v51 =	vor.u32 v0, v44  }
0x2e4: {  	v57 =	vld.idx.msk [tilespmem:v58+s10+$0x0], $0xffff;
	v58 =	vor.u32 v33, v60;
	[tilespmem:v61+s15+$0x0] =	vst.idx.msk $0xffff, v53;
	v61 =	vor.u32 v8, v34  }
0x2e5: {  	v62 =	vmov s20;
	[tilespmem:v48+s15+$0x0] =	vst.idx.msk $0xffff, v49;
	v47 =	vld.idx.msk [tilespmem:v63+s10+$0x0], $0xffff;
	v48 =	vor.u32 v32, v61;
	v63 =	vor.u32 v12, v38  }
0x2e6: {  	v52 =	vor.u32 v30, v45;
	v42 =	vshll.u32 v62, $0x7;
	v50 =	vld.idx.msk [tilespmem:v50+s10+$0x0], $0xffff;
	v49 =	vor.u32 v32, v63  }
0x2e7: {  	v41 =	vor.u32 v31, v41;
	v59 =	vor.u32 v16, v42;
	v61 =	vor.u32 v25, v36  }
0x2e8: {  	v62 =	vor.u32 v21, v40;
	v53 =	vor.u32 v32, v59;
	[tilespmem:v55+s15+$0x0] =	vst.idx.msk $0xffff, v54;
	v51 =	vld.idx.msk [tilespmem:v51+s10+$0x0], $0xffff  }
0x2e9: {  	v60 =	vor.u32 v2, v39;
	v63 =	vor.u32 v2, v43;
	[tilespmem:v58+s15+$0x0] =	vst.idx.msk $0xffff, v57  }
0x2ea: {  	v54 =	vor.u32 v33, v60;
	v56 =	vld.idx.msk [tilespmem:v56+s10+$0x0], $0xffff;
	v58 =	vor.u32 v31, v37;
	[tilespmem:v48+s15+$0x0] =	vst.idx.msk $0xffff, v47  }
0x2eb: {  	v59 =	vor.u32 v7, v34;
	v47 =	vor.u32 v33, v63;
	[tilespmem:v49+s15+$0x0] =	vst.idx.msk $0xffff, v50;
	v49 =	vld.idx.msk [tilespmem:v52+s10+$0x0], $0xffff  }
0x2ec: {  	v60 =	vor.u32 v11, v38;
	v48 =	vor.u32 v17, v44;
	v52 =	vld.idx.msk [tilespmem:v61+s10+$0x0], $0xffff;
	v50 =	vor.u32 v32, v59  }
0x2ed: {  	v45 =	vor.u32 v31, v45;
	v61 =	vld.idx.msk [tilespmem:v62+s10+$0x0], $0xffff;
	[tilespmem:v53+s15+$0x0] =	vst.idx.msk $0xffff, v51;
	v51 =	vor.u32 v32, v60  }
0x2ee: {  	v63 =	vor.u32 v26, v36  }
0x2ef: {  	v57 =	vor.u32 v23, v40;
	v62 =	vor.u32 v15, v42;
	[tilespmem:v54+s15+$0x0] =	vst.idx.msk $0xffff, v56;
	v37 =	vld.idx.msk [tilespmem:v58+s10+$0x0], $0xffff  }
0x2f0: {  	v59 =	vor.u32 v18, v44;
	v55 =	vor.u32 v32, v62;
	v41 =	vld.idx.msk [tilespmem:v41+s10+$0x0], $0xffff;
	[tilespmem:v47+s15+$0x0] =	vst.idx.msk $0xffff, v49  }
0x2f1: {  	v60 =	vor.u32 v1, v43;
	v58 =	vor.u32 v1, v39;
	v48 =	vld.idx.msk [tilespmem:v48+s10+$0x0], $0xffff;
	[tilespmem:v50+s15+$0x0] =	vst.idx.msk $0xffff, v52  }
0x2f2: {  	v39 =	vor.u32 v33, v58;
	v43 =	vld.idx.msk [tilespmem:v45+s10+$0x0], $0xffff;
	[tilespmem:v51+s15+$0x0] =	vst.idx.msk $0xffff, v61;
	v61 =	vor.u32 v6, v34  }
0x2f3: {  	v56 =	vor.u32 v1, v35;
	v62 =	vor.u32 v10, v38;
	v50 =	vld.idx.msk [tilespmem:v63+s10+$0x0], $0xffff;
	v45 =	vor.u32 v32, v61  }
0x2f4: {  	v35 =	vor.u32 v33, v56;
	v33 =	vor.u32 v33, v60;
	v63 =	vor.u32 v27, v36  }
0x2f5: {  	v51 =	vor.u32 v32, v62;
	v47 =	vld.idx.msk [tilespmem:v57+s10+$0x0], $0xffff  }
0x2f6: {  	v56 =	vor.u32 v14, v42;
	v58 =	vor.u32 v24, v40;
	[tilespmem:v55+s15+$0x0] =	vst.idx.msk $0xffff, v48  }
0x2f7: {  	[tilespmem:v39+s15+$0x0] =	vst.idx.msk $0xffff, v41;
	v57 =	vld.idx.msk [tilespmem:v59+s10+$0x0], $0xffff;
	v59 =	vor.u32 v32, v56  }
0x2f8: {  	v60 =	vor.u32 v19, v44;
	v61 =	vor.u32 v5, v34;
	[tilespmem:v45+s15+$0x0] =	vst.idx.msk $0xffff, v50  }
0x2f9: {  	[tilespmem:v33+s15+$0x0] =	vst.idx.msk $0xffff, v43;
	v45 =	vor.u32 v32, v61;
	v43 =	vld.idx.msk [tilespmem:v63+s10+$0x0], $0xffff  }
0x2fa: {  	v62 =	vor.u32 v9, v38;
	v39 =	vor.u32 v28, v36;
	[tilespmem:v51+s15+$0x0] =	vst.idx.msk $0xffff, v47  }
0x2fb: {  	v47 =	vor.u32 v32, v62;
	v41 =	vld.idx.msk [tilespmem:v58+s10+$0x0], $0xffff  }
0x2fc: {  	v48 =	vor.u32 v22, v40;
	v63 =	vor.u32 v13, v42;
	[tilespmem:v59+s15+$0x0] =	vst.idx.msk $0xffff, v57  }
0x2fd: {  	[tilespmem:v35+s15+$0x0] =	vst.idx.msk $0xffff, v37;
	v35 =	vor.u32 v32, v63;
	v33 =	vld.idx.msk [tilespmem:v60+s10+$0x0], $0xffff  }
.LBB2_15:
0x2fe: {  	s20 =	sadd.s32 $0x10, s20;
	v37 =	vor.u32 v20, v44;
	[tilespmem:v45+s15+$0x0] =	vst.idx.msk $0xffff, v43  }
0x2ff: {  	v45 =	vor.u32 v4, v34;
	v43 =	vadd.s32 s20, v46;
	p1 =	slt.u32 s20, $0x30;
	v39 =	vld.idx.msk [tilespmem:v39+s10+$0x0], $0xffff  }
0x300: {  	v49 =	vor.u32 v0, v43;
	[tilespmem:v47+s15+$0x0] =	vst.idx.msk $0xffff, v41;
	v41 =	vor.u32 v32, v45  }
0x301: {  	v47 =	vor.u32 v8, v38;
	v45 =	vld.idx.msk [tilespmem:v48+s10+$0x0], $0xffff;
	v48 =	vor.u32 v29, v36  }
0x302: {  	[tilespmem:v35+s15+$0x0] =	vst.idx.msk $0xffff, v33;
	v33 =	vor.u32 v32, v47  }
0x303: {  	v50 =	vor.u32 v25, v40;
	v35 =	vmov s20;
	v47 =	vor.u32 v12, v42;
	v37 =	vld.idx.msk [tilespmem:v37+s10+$0x0], $0xffff  }
0x304: {  	v35 =	vshll.u32 v35, $0x7;
	v47 =	vor.u32 v32, v47  }
0x305: {  	v52 =	vor.u32 v21, v44;
	v51 =	vor.u32 v16, v35;
	v49 =	vld.idx.msk [tilespmem:v49+s10+$0x0], $0xffff;
	[tilespmem:v41+s15+$0x0] =	vst.idx.msk $0xffff, v39  }
0x306: {  	v39 =	vor.u32 v32, v51;
	v41 =	vld.idx.msk [tilespmem:v48+s10+$0x0], $0xffff;
	v48 =	vor.u32 v3, v34  }
0x307: {  	v51 =	vor.u32 v17, v43;
	[tilespmem:v33+s15+$0x0] =	vst.idx.msk $0xffff, v45;
	v33 =	vor.u32 v32, v48  }
0x308: {  	v48 =	vor.u32 v7, v38;
	v45 =	vld.idx.msk [tilespmem:v50+s10+$0x0], $0xffff;
	v50 =	vor.u32 v30, v36  }
0x309: {  	[tilespmem:v47+s15+$0x0] =	vst.idx.msk $0xffff, v37;
	v37 =	vor.u32 v32, v48  }
0x30a: {  	v48 =	vor.u32 v11, v42;
	v47 =	vld.idx.msk [tilespmem:v52+s10+$0x0], $0xffff;
	v52 =	vor.u32 v26, v40  }
0x30b: {  	[tilespmem:v39+s15+$0x0] =	vst.idx.msk $0xffff, v49;
	v39 =	vor.u32 v32, v48  }
0x30c: {  	v49 =	vor.u32 v15, v35;
	v48 =	vld.idx.msk [tilespmem:v51+s10+$0x0], $0xffff;
	v51 =	vor.u32 v23, v44;
	[tilespmem:v33+s15+$0x0] =	vst.idx.msk $0xffff, v41  }
0x30d: {  	v33 =	vor.u32 v32, v49;
	v49 =	vor.u32 v2, v34;
	v41 =	vld.idx.msk [tilespmem:v50+s10+$0x0], $0xffff  }
0x30e: {  	v50 =	vor.u32 v18, v43;
	[tilespmem:v37+s15+$0x0] =	vst.idx.msk $0xffff, v45;
	v37 =	vor.u32 v32, v49  }
0x30f: {  	v49 =	vor.u32 v6, v38;
	v45 =	vld.idx.msk [tilespmem:v52+s10+$0x0], $0xffff;
	v52 =	vor.u32 v31, v36;
	v36 =	vmovc v40;
	v40 =	vmov v44  }
0x310: {  	v44 =	vmov v43;
	[tilespmem:v39+s15+$0x0] =	vst.idx.msk $0xffff, v47;
	v39 =	vor.u32 v32, v49  }
0x311: {  	v43 =	vor.u32 v10, v42;
	v49 =	vor.u32 v27, v36;
	v47 =	vld.idx.msk [tilespmem:v51+s10+$0x0], $0xffff  }
0x312: {  	[tilespmem:v33+s15+$0x0] =	vst.idx.msk $0xffff, v48;
	v33 =	vor.u32 v32, v43  }
0x313: {  	v43 =	vor.u32 v14, v35;
	v48 =	vld.idx.msk [tilespmem:v50+s10+$0x0], $0xffff;
	v50 =	vor.u32 v24, v40;
	[tilespmem:v37+s15+$0x0] =	vst.idx.msk $0xffff, v41  }
0x314: {  	v37 =	vor.u32 v32, v43;
	v41 =	vor.u32 v1, v34;
	v34 =	vmovc v38;
	v38 =	vmov v42;
	v51 =	vld.idx.msk [tilespmem:v52+s10+$0x0], $0xffff  }
0x315: {  	v42 =	vmov v35;
	v52 =	vor.u32 v19, v44;
	v53 =	vor.u32 v32, v41;
	[tilespmem:v39+s15+$0x0] =	vst.idx.msk $0xffff, v45  }
0x316: {  	v35 =	vor.u32 v5, v34;
	v43 =	vld.idx.msk [tilespmem:v49+s10+$0x0], $0xffff  }
.Ltmp6:
0x317: {  	v45 =	vor.u32 v32, v35;
	[tilespmem:v33+s15+$0x0] =	vst.idx.msk $0xffff, v47;
	(pc) =	sbr.rel @p1 .LBB2_15-.Ltmp6, $4  }
0x318: {  	v39 =	vor.u32 v28, v36;
	v33 =	vor.u32 v9, v38;
	v41 =	vld.idx.msk [tilespmem:v50+s10+$0x0], $0xffff  }
0x319: {  	v47 =	vor.u32 v32, v33;
	[tilespmem:v37+s15+$0x0] =	vst.idx.msk $0xffff, v48  }
0x31a: {  	v35 =	vor.u32 v13, v42;
	v48 =	vor.u32 v22, v40;
	v33 =	vld.idx.msk [tilespmem:v52+s10+$0x0], $0xffff;
	[tilespmem:v53+s15+$0x0] =	vst.idx.msk $0xffff, v51  }
0x31b: {  	v35 =	vor.u32 v32, v35  }
0x31c: {  	v37 =	vor.u32 v20, v44;
	v46 =	vld [tilespmem:s19+$0xA0];
	_ =	sdelay $0x3  }
0x31d: {  	v55 =	vor.u32 v12, v42;
	[tilespmem:v35+s15+$0x0] =	vst.idx.msk $0xffff, v33  }
0x31e: {  	s20 =	simm.s32 $0x0;
	v33 =	vor.u32 v32, v55;
	v35 =	vld.idx.msk [tilespmem:v37+s10+$0x0], $0xffff;
	v46 =	vshll.u32 v46, $0x6  }
0x31f: {  	v49 =	vor.u32 v21, v44;
	v37 =	vadd.s32 s20, v46  }
0x320: {  	v50 =	vor.u32 v0, v37;
	_ =	sdelay $0x1  }
0x321: {  	v57 =	vmov s20  }
0x322: {  	v56 =	vor.u32 v11, v42;
	s30 =	sor.u32 $0x20, s19;
	[tilespmem:v33+s15+$0x0] =	vst.idx.msk $0xffff, v35;
	v35 =	vshll.u32 v57, $0x7  }
0x323: {  	v51 =	vor.u32 v32, v56;
	v33 =	vor.u32 s30, v0;
	v49 =	vld.idx.msk [tilespmem:v49+s10+$0x0], $0xffff;
	v53 =	vor.u32 v16, v35  }
0x324: {  	v52 =	vor.u32 v23, v44;
	v50 =	vld.idx.msk [tilespmem:v50+s10+$0x0], $0xffff;
	v53 =	vor.u32 v33, v53  }
0x325: {  	v54 =	vor.u32 v17, v37;
	_ =	sdelay $0x2  }
0x326: {  	v58 =	vor.u32 v10, v42;
	[tilespmem:v51+s15+$0x0] =	vst.idx.msk $0xffff, v49  }
0x327: {  	v60 =	vor.u32 v15, v35;
	v49 =	vor.u32 v32, v58;
	v51 =	vld.idx.msk [tilespmem:v52+s10+$0x0], $0xffff;
	[tilespmem:v53+s15+$0x0] =	vst.idx.msk $0xffff, v50  }
0x328: {  	v59 =	vor.u32 v24, v44;
	v50 =	vor.u32 v33, v60;
	v53 =	vld.idx.msk [tilespmem:v54+s10+$0x0], $0xffff  }
0x329: {  	v61 =	vor.u32 v18, v37;
	_ =	sdelay $0x2  }
0x32a: {  	v62 =	vor.u32 v9, v42;
	[tilespmem:v49+s15+$0x0] =	vst.idx.msk $0xffff, v51  }
0x32b: {  	v56 =	vor.u32 v14, v35;
	v49 =	vor.u32 v32, v62;
	v51 =	vld.idx.msk [tilespmem:v59+s10+$0x0], $0xffff;
	[tilespmem:v50+s15+$0x0] =	vst.idx.msk $0xffff, v53  }
0x32c: {  	v63 =	vor.u32 v22, v44;
	[tilespmem:v45+s15+$0x0] =	vst.idx.msk $0xffff, v43;
	v50 =	vor.u32 v33, v56;
	v53 =	vld.idx.msk [tilespmem:v61+s10+$0x0], $0xffff  }
0x32d: {  	s31 =	simm.s32 $0x10;
	[tilespmem:v47+s15+$0x0] =	vst.idx.msk $0xffff, v41;
	v43 =	vor.u32 v19, v37;
	v57 =	vor.u32 v4, v34  }
0x32e: {  	v39 =	vld.idx.msk [tilespmem:v39+s10+$0x0], $0xffff;
	v41 =	vadd.s32 s31, v46;
	v45 =	vor.u32 v32, v57;
	v58 =	vor.u32 v8, v38  }
0x32f: {  	v47 =	vld.idx.msk [tilespmem:v48+s10+$0x0], $0xffff;
	v48 =	vor.u32 v0, v41;
	v59 =	vor.u32 v32, v58  }
0x330: {  	v60 =	vor.u32 v8, v42;
	v61 =	vor.u32 v25, v40;
	[tilespmem:v49+s15+$0x0] =	vst.idx.msk $0xffff, v51  }
0x331: {  	v62 =	vor.u32 v32, v60;
	v56 =	vor.u32 v13, v35;
	v51 =	vld.idx.msk [tilespmem:v63+s10+$0x0], $0xffff;
	[tilespmem:v50+s15+$0x0] =	vst.idx.msk $0xffff, v53  }
0x332: {  	v57 =	vor.u32 v33, v56;
	v63 =	vor.u32 v25, v44;
	v43 =	vld.idx.msk [tilespmem:v43+s10+$0x0], $0xffff  }
0x333: {  	v55 =	vor.u32 v20, v37;
	[tilespmem:v45+s15+$0x0] =	vst.idx.msk $0xffff, v39;
	v60 =	vmov s31  }
0x334: {  	v45 =	vor.u32 v26, v40;
	v58 =	vor.u32 v7, v38;
	v39 =	vshll.u32 v60, $0x7;
	[tilespmem:v59+s15+$0x0] =	vst.idx.msk $0xffff, v47  }
0x335: {  	v56 =	vor.u32 v16, v39;
	v47 =	vor.u32 v32, v58;
	v53 =	vor.u32 v29, v36;
	v49 =	vld.idx.msk [tilespmem:v61+s10+$0x0], $0xffff  }
0x336: {  	v48 =	vld.idx.msk [tilespmem:v48+s10+$0x0], $0xffff;
	v56 =	vor.u32 v33, v56;
	v59 =	vor.u32 v7, v42;
	[tilespmem:v62+s15+$0x0] =	vst.idx.msk $0xffff, v51  }
0x337: {  	v51 =	vor.u32 v32, v59;
	v62 =	vor.u32 v12, v35;
	v52 =	vld.idx.msk [tilespmem:v63+s10+$0x0], $0xffff;
	[tilespmem:v57+s15+$0x0] =	vst.idx.msk $0xffff, v43  }
0x338: {  	v63 =	vor.u32 v26, v44;
	v43 =	vor.u32 v33, v62;
	v55 =	vld.idx.msk [tilespmem:v55+s10+$0x0], $0xffff  }
0x339: {  	v60 =	vor.u32 v6, v38;
	v61 =	vor.u32 v3, v34;
	v57 =	vor.u32 v21, v37  }
0x33a: {  	v54 =	vor.u32 v32, v61;
	v61 =	vor.u32 v17, v41;
	v53 =	vld.idx.msk [tilespmem:v53+s10+$0x0], $0xffff;
	[tilespmem:v47+s15+$0x0] =	vst.idx.msk $0xffff, v49  }
0x33b: {  	v58 =	vor.u32 v27, v40;
	[tilespmem:v56+s15+$0x0] =	vst.idx.msk $0xffff, v48;
	v47 =	vor.u32 v32, v60;
	v45 =	vld.idx.msk [tilespmem:v45+s10+$0x0], $0xffff  }
0x33c: {  	v59 =	vor.u32 v15, v39;
	v62 =	vor.u32 v6, v42;
	[tilespmem:v51+s15+$0x0] =	vst.idx.msk $0xffff, v52  }
0x33d: {  	v51 =	vor.u32 v32, v62;
	v50 =	vld.idx.msk [tilespmem:v63+s10+$0x0], $0xffff;
	[tilespmem:v43+s15+$0x0] =	vst.idx.msk $0xffff, v55;
	v63 =	vor.u32 v11, v35  }
0x33e: {  	v60 =	vor.u32 v5, v38;
	v43 =	vor.u32 v27, v44;
	v57 =	vld.idx.msk [tilespmem:v57+s10+$0x0], $0xffff;
	v48 =	vor.u32 v33, v63  }
0x33f: {  	v49 =	vld.idx.msk [tilespmem:v61+s10+$0x0], $0xffff;
	[tilespmem:v54+s15+$0x0] =	vst.idx.msk $0xffff, v53;
	v53 =	vor.u32 v23, v37;
	v54 =	vor.u32 v33, v59  }
0x340: {  	v61 =	vor.u32 v2, v34;
	[tilespmem:v47+s15+$0x0] =	vst.idx.msk $0xffff, v45;
	v47 =	vor.u32 v18, v41  }
0x341: {  	v59 =	vor.u32 v10, v35;
	v52 =	vor.u32 v30, v36;
	v45 =	vor.u32 v32, v60;
	v56 =	vld.idx.msk [tilespmem:v58+s10+$0x0], $0xffff  }
0x342: {  	v62 =	vor.u32 v5, v42;
	v63 =	vor.u32 v28, v40;
	[tilespmem:v51+s15+$0x0] =	vst.idx.msk $0xffff, v50  }
0x343: {  	v60 =	vor.u32 v14, v39;
	v51 =	vor.u32 v32, v62;
	v43 =	vld.idx.msk [tilespmem:v43+s10+$0x0], $0xffff;
	[tilespmem:v48+s15+$0x0] =	vst.idx.msk $0xffff, v57  }
0x344: {  	v58 =	vor.u32 v28, v44;
	[tilespmem:v54+s15+$0x0] =	vst.idx.msk $0xffff, v49;
	v48 =	vor.u32 v33, v59;
	v53 =	vld.idx.msk [tilespmem:v53+s10+$0x0], $0xffff  }
0x345: {  	v54 =	vor.u32 v32, v61;
	v61 =	vor.u32 v24, v37;
	v49 =	vor.u32 v33, v60;
	v47 =	vld.idx.msk [tilespmem:v47+s10+$0x0], $0xffff  }
0x346: {  	[tilespmem:v45+s15+$0x0] =	vst.idx.msk $0xffff, v56;
	v62 =	vor.u32 v4, v38;
	v56 =	vor.u32 v19, v41  }
0x347: {  	v60 =	vor.u32 v9, v35;
	v50 =	vld.idx.msk [tilespmem:v63+s10+$0x0], $0xffff;
	v45 =	vor.u32 v32, v62  }
0x348: {  	v52 =	vld.idx.msk [tilespmem:v52+s10+$0x0], $0xffff;
	v63 =	vor.u32 v4, v42;
	v62 =	vor.u32 v13, v39;
	[tilespmem:v51+s15+$0x0] =	vst.idx.msk $0xffff, v43  }
0x349: {  	v43 =	vor.u32 v29, v40;
	v51 =	vor.u32 v32, v63;
	v57 =	vld.idx.msk [tilespmem:v58+s10+$0x0], $0xffff;
	[tilespmem:v48+s15+$0x0] =	vst.idx.msk $0xffff, v53  }
0x34a: {  	[tilespmem:v49+s15+$0x0] =	vst.idx.msk $0xffff, v47;
	v58 =	vor.u32 v29, v44;
	v53 =	vld.idx.msk [tilespmem:v61+s10+$0x0], $0xffff;
	v61 =	vor.u32 v33, v60  }
0x34b: {  	v49 =	vld.idx.msk [tilespmem:v56+s10+$0x0], $0xffff;
	v63 =	vor.u32 v22, v37;
	v48 =	vor.u32 v33, v62  }
0x34c: {  	s20 =	simm.s32 $0x20;
	v59 =	vor.u32 v3, v38;
	[tilespmem:v45+s15+$0x0] =	vst.idx.msk $0xffff, v50;
	v50 =	vor.u32 v20, v41  }
0x34d: {  	v55 =	vor.u32 v32, v59;
	[tilespmem:v54+s15+$0x0] =	vst.idx.msk $0xffff, v52;
	v56 =	vor.u32 v30, v40;
	v45 =	vadd.s32 s20, v46  }
0x34e: {  	v60 =	vor.u32 v3, v42;
	v54 =	vld.idx.msk [tilespmem:v43+s10+$0x0], $0xffff;
	[tilespmem:v51+s15+$0x0] =	vst.idx.msk $0xffff, v57;
	v51 =	vor.u32 v0, v45  }
0x34f: {  	v57 =	vld.idx.msk [tilespmem:v58+s10+$0x0], $0xffff;
	v58 =	vor.u32 v32, v60;
	[tilespmem:v61+s15+$0x0] =	vst.idx.msk $0xffff, v53;
	v61 =	vor.u32 v8, v35  }
0x350: {  	v62 =	vmov s20;
	[tilespmem:v48+s15+$0x0] =	vst.idx.msk $0xffff, v49;
	v47 =	vld.idx.msk [tilespmem:v63+s10+$0x0], $0xffff;
	v48 =	vor.u32 v33, v61;
	v63 =	vor.u32 v12, v39  }
0x351: {  	v52 =	vor.u32 v30, v44;
	v43 =	vshll.u32 v62, $0x7;
	v50 =	vld.idx.msk [tilespmem:v50+s10+$0x0], $0xffff;
	v49 =	vor.u32 v33, v63  }
0x352: {  	v59 =	vor.u32 v16, v43;
	v61 =	vor.u32 v25, v37  }
0x353: {  	v62 =	vor.u32 v21, v41;
	v53 =	vor.u32 v33, v59;
	[tilespmem:v55+s15+$0x0] =	vst.idx.msk $0xffff, v54;
	v51 =	vld.idx.msk [tilespmem:v51+s10+$0x0], $0xffff  }
0x354: {  	v60 =	vor.u32 v2, v38;
	v59 =	vor.u32 v7, v35;
	[tilespmem:v58+s15+$0x0] =	vst.idx.msk $0xffff, v57  }
0x355: {  	v63 =	vor.u32 v2, v42;
	v54 =	vor.u32 v32, v60;
	v56 =	vld.idx.msk [tilespmem:v56+s10+$0x0], $0xffff;
	[tilespmem:v48+s15+$0x0] =	vst.idx.msk $0xffff, v47  }
0x356: {  	v58 =	vor.u32 v31, v36;
	v47 =	vor.u32 v32, v63;
	[tilespmem:v49+s15+$0x0] =	vst.idx.msk $0xffff, v50;
	v49 =	vld.idx.msk [tilespmem:v52+s10+$0x0], $0xffff  }
0x357: {  	v60 =	vor.u32 v11, v39;
	v48 =	vor.u32 v17, v45;
	v52 =	vld.idx.msk [tilespmem:v61+s10+$0x0], $0xffff;
	v50 =	vor.u32 v33, v59  }
0x358: {  	v44 =	vor.u32 v31, v44;
	v61 =	vld.idx.msk [tilespmem:v62+s10+$0x0], $0xffff;
	[tilespmem:v53+s15+$0x0] =	vst.idx.msk $0xffff, v51;
	v51 =	vor.u32 v33, v60  }
0x359: {  	v63 =	vor.u32 v26, v37  }
0x35a: {  	v57 =	vor.u32 v23, v41;
	[tilespmem:v54+s15+$0x0] =	vst.idx.msk $0xffff, v56  }
0x35b: {  	v40 =	vor.u32 v31, v40;
	v62 =	vor.u32 v15, v43;
	v36 =	vld.idx.msk [tilespmem:v58+s10+$0x0], $0xffff;
	[tilespmem:v47+s15+$0x0] =	vst.idx.msk $0xffff, v49  }
0x35c: {  	v59 =	vor.u32 v18, v45;
	v55 =	vor.u32 v33, v62;
	v48 =	vld.idx.msk [tilespmem:v48+s10+$0x0], $0xffff;
	[tilespmem:v50+s15+$0x0] =	vst.idx.msk $0xffff, v52  }
0x35d: {  	v60 =	vor.u32 v1, v42;
	v42 =	vld.idx.msk [tilespmem:v44+s10+$0x0], $0xffff;
	[tilespmem:v51+s15+$0x0] =	vst.idx.msk $0xffff, v61;
	v61 =	vor.u32 v6, v35  }
0x35e: {  	v56 =	vor.u32 v1, v34;
	v62 =	vor.u32 v10, v39;
	v50 =	vld.idx.msk [tilespmem:v63+s10+$0x0], $0xffff;
	v44 =	vor.u32 v33, v61  }
0x35f: {  	v58 =	vor.u32 v1, v38;
	v63 =	vor.u32 v27, v37;
	v51 =	vor.u32 v33, v62;
	v47 =	vld.idx.msk [tilespmem:v57+s10+$0x0], $0xffff  }
0x360: {  	v34 =	vor.u32 v32, v56;
	v40 =	vld.idx.msk [tilespmem:v40+s10+$0x0], $0xffff;
	v38 =	vor.u32 v32, v58  }
0x361: {  	v56 =	vor.u32 v14, v43;
	v58 =	vor.u32 v24, v41;
	[tilespmem:v55+s15+$0x0] =	vst.idx.msk $0xffff, v48  }
0x362: {  	v32 =	vor.u32 v32, v60;
	v57 =	vld.idx.msk [tilespmem:v59+s10+$0x0], $0xffff;
	v59 =	vor.u32 v33, v56  }
0x363: {  	v60 =	vor.u32 v19, v45;
	v61 =	vor.u32 v5, v35;
	[tilespmem:v44+s15+$0x0] =	vst.idx.msk $0xffff, v50  }
0x364: {  	[tilespmem:v51+s15+$0x0] =	vst.idx.msk $0xffff, v47;
	v47 =	vor.u32 v33, v61;
	v44 =	vld.idx.msk [tilespmem:v63+s10+$0x0], $0xffff  }
0x365: {  	v62 =	vor.u32 v9, v39;
	[tilespmem:v38+s15+$0x0] =	vst.idx.msk $0xffff, v40;
	v38 =	vor.u32 v28, v37  }
0x366: {  	[tilespmem:v34+s15+$0x0] =	vst.idx.msk $0xffff, v36;
	v48 =	vor.u32 v33, v62;
	v40 =	vld.idx.msk [tilespmem:v58+s10+$0x0], $0xffff  }
0x367: {  	v49 =	vor.u32 v22, v41;
	v63 =	vor.u32 v13, v43;
	[tilespmem:v59+s15+$0x0] =	vst.idx.msk $0xffff, v57  }
0x368: {  	[tilespmem:v32+s15+$0x0] =	vst.idx.msk $0xffff, v42;
	v34 =	vor.u32 v33, v63;
	v32 =	vld.idx.msk [tilespmem:v60+s10+$0x0], $0xffff  }
.LBB2_17:
0x369: {  	s20 =	sadd.s32 $0x10, s20;
	v36 =	vor.u32 v20, v45;
	[tilespmem:v47+s15+$0x0] =	vst.idx.msk $0xffff, v44  }
0x36a: {  	v44 =	vor.u32 v4, v35;
	v42 =	vadd.s32 s20, v46;
	p1 =	slt.u32 s20, $0x30;
	v38 =	vld.idx.msk [tilespmem:v38+s10+$0x0], $0xffff  }
0x36b: {  	v47 =	vor.u32 v0, v42;
	[tilespmem:v48+s15+$0x0] =	vst.idx.msk $0xffff, v40;
	v40 =	vor.u32 v33, v44  }
0x36c: {  	v48 =	vor.u32 v8, v39;
	v44 =	vld.idx.msk [tilespmem:v49+s10+$0x0], $0xffff;
	v49 =	vor.u32 v29, v37  }
0x36d: {  	[tilespmem:v34+s15+$0x0] =	vst.idx.msk $0xffff, v32;
	v32 =	vor.u32 v33, v48  }
0x36e: {  	v50 =	vor.u32 v25, v41;
	v34 =	vmov s20;
	v48 =	vor.u32 v12, v43;
	v36 =	vld.idx.msk [tilespmem:v36+s10+$0x0], $0xffff  }
0x36f: {  	v34 =	vshll.u32 v34, $0x7;
	v48 =	vor.u32 v33, v48  }
0x370: {  	v52 =	vor.u32 v21, v45;
	v51 =	vor.u32 v16, v34;
	v47 =	vld.idx.msk [tilespmem:v47+s10+$0x0], $0xffff;
	[tilespmem:v40+s15+$0x0] =	vst.idx.msk $0xffff, v38  }
0x371: {  	v38 =	vor.u32 v33, v51;
	v40 =	vld.idx.msk [tilespmem:v49+s10+$0x0], $0xffff;
	v49 =	vor.u32 v3, v35  }
0x372: {  	v51 =	vor.u32 v17, v42;
	[tilespmem:v32+s15+$0x0] =	vst.idx.msk $0xffff, v44;
	v32 =	vor.u32 v33, v49  }
0x373: {  	v49 =	vor.u32 v7, v39;
	v44 =	vld.idx.msk [tilespmem:v50+s10+$0x0], $0xffff;
	v50 =	vor.u32 v30, v37  }
0x374: {  	[tilespmem:v48+s15+$0x0] =	vst.idx.msk $0xffff, v36;
	v36 =	vor.u32 v33, v49  }
0x375: {  	v49 =	vor.u32 v11, v43;
	v48 =	vld.idx.msk [tilespmem:v52+s10+$0x0], $0xffff;
	v52 =	vor.u32 v26, v41  }
0x376: {  	[tilespmem:v38+s15+$0x0] =	vst.idx.msk $0xffff, v47;
	v38 =	vor.u32 v33, v49  }
0x377: {  	v49 =	vor.u32 v15, v34;
	v47 =	vld.idx.msk [tilespmem:v51+s10+$0x0], $0xffff;
	v51 =	vor.u32 v23, v45;
	[tilespmem:v32+s15+$0x0] =	vst.idx.msk $0xffff, v40  }
0x378: {  	v32 =	vor.u32 v33, v49;
	v49 =	vor.u32 v2, v35;
	v40 =	vld.idx.msk [tilespmem:v50+s10+$0x0], $0xffff  }
0x379: {  	v50 =	vor.u32 v18, v42;
	[tilespmem:v36+s15+$0x0] =	vst.idx.msk $0xffff, v44;
	v36 =	vor.u32 v33, v49  }
0x37a: {  	v49 =	vor.u32 v6, v39;
	v44 =	vld.idx.msk [tilespmem:v52+s10+$0x0], $0xffff;
	v52 =	vor.u32 v31, v37;
	v37 =	vmovc v41;
	v41 =	vmov v45  }
0x37b: {  	v45 =	vmov v42;
	[tilespmem:v38+s15+$0x0] =	vst.idx.msk $0xffff, v48;
	v38 =	vor.u32 v33, v49  }
0x37c: {  	v48 =	vor.u32 v10, v43;
	v49 =	vor.u32 v27, v37;
	v42 =	vld.idx.msk [tilespmem:v51+s10+$0x0], $0xffff  }
0x37d: {  	[tilespmem:v32+s15+$0x0] =	vst.idx.msk $0xffff, v47;
	v32 =	vor.u32 v33, v48  }
0x37e: {  	v47 =	vor.u32 v14, v34;
	v48 =	vld.idx.msk [tilespmem:v50+s10+$0x0], $0xffff;
	v50 =	vor.u32 v24, v41;
	[tilespmem:v36+s15+$0x0] =	vst.idx.msk $0xffff, v40  }
0x37f: {  	v36 =	vor.u32 v33, v47;
	v40 =	vor.u32 v1, v35;
	v35 =	vmovc v39;
	v39 =	vmov v43;
	v51 =	vld.idx.msk [tilespmem:v52+s10+$0x0], $0xffff  }
0x380: {  	v43 =	vmov v34;
	v52 =	vor.u32 v19, v45;
	v53 =	vor.u32 v33, v40;
	[tilespmem:v38+s15+$0x0] =	vst.idx.msk $0xffff, v44  }
0x381: {  	v34 =	vor.u32 v5, v35;
	v44 =	vld.idx.msk [tilespmem:v49+s10+$0x0], $0xffff  }
.Ltmp7:
0x382: {  	v47 =	vor.u32 v33, v34;
	[tilespmem:v32+s15+$0x0] =	vst.idx.msk $0xffff, v42;
	(pc) =	sbr.rel @p1 .LBB2_17-.Ltmp7, $4  }
0x383: {  	v38 =	vor.u32 v28, v37;
	v32 =	vor.u32 v9, v39;
	v40 =	vld.idx.msk [tilespmem:v50+s10+$0x0], $0xffff  }
0x384: {  	[tilespmem:v36+s15+$0x0] =	vst.idx.msk $0xffff, v48;
	v48 =	vor.u32 v33, v32  }
0x385: {  	v34 =	vor.u32 v13, v43;
	v49 =	vor.u32 v22, v41;
	v32 =	vld.idx.msk [tilespmem:v52+s10+$0x0], $0xffff;
	[tilespmem:v53+s15+$0x0] =	vst.idx.msk $0xffff, v51  }
0x386: {  	v34 =	vor.u32 v33, v34  }
0x387: {  	v36 =	vor.u32 v20, v45;
	v42 =	vld [tilespmem:s19+$0xB0];
	_ =	sdelay $0x3  }
0x388: {  	v53 =	vor.u32 v12, v43;
	[tilespmem:v34+s15+$0x0] =	vst.idx.msk $0xffff, v32  }
0x389: {  	s20 =	simm.s32 $0x0;
	v32 =	vor.u32 v33, v53;
	v34 =	vld.idx.msk [tilespmem:v36+s10+$0x0], $0xffff;
	v42 =	vshll.u32 v42, $0x6  }
0x38a: {  	v46 =	vor.u32 v21, v45;
	v36 =	vadd.s32 s20, v42  }
0x38b: {  	v50 =	vor.u32 v0, v36;
	_ =	sdelay $0x1  }
0x38c: {  	v55 =	vmov s20  }
0x38d: {  	v54 =	vor.u32 v11, v43;
	s30 =	sor.u32 $0x30, s19;
	[tilespmem:v32+s15+$0x0] =	vst.idx.msk $0xffff, v34;
	v34 =	vshll.u32 v55, $0x7  }
0x38e: {  	v51 =	vor.u32 v33, v54;
	v32 =	vor.u32 s30, v0;
	v46 =	vld.idx.msk [tilespmem:v46+s10+$0x0], $0xffff;
	v53 =	vor.u32 v16, v34  }
0x38f: {  	v52 =	vor.u32 v23, v45;
	v50 =	vld.idx.msk [tilespmem:v50+s10+$0x0], $0xffff;
	v53 =	vor.u32 v32, v53  }
0x390: {  	v54 =	vor.u32 v17, v36;
	_ =	sdelay $0x2  }
0x391: {  	v56 =	vor.u32 v10, v43;
	[tilespmem:v51+s15+$0x0] =	vst.idx.msk $0xffff, v46  }
0x392: {  	v58 =	vor.u32 v15, v34;
	v46 =	vor.u32 v33, v56;
	v51 =	vld.idx.msk [tilespmem:v52+s10+$0x0], $0xffff;
	[tilespmem:v53+s15+$0x0] =	vst.idx.msk $0xffff, v50  }
0x393: {  	v57 =	vor.u32 v24, v45;
	v50 =	vor.u32 v32, v58;
	v53 =	vld.idx.msk [tilespmem:v54+s10+$0x0], $0xffff  }
0x394: {  	v59 =	vor.u32 v18, v36;
	_ =	sdelay $0x2  }
0x395: {  	v60 =	vor.u32 v9, v43;
	[tilespmem:v46+s15+$0x0] =	vst.idx.msk $0xffff, v51  }
0x396: {  	v62 =	vor.u32 v14, v34;
	v46 =	vor.u32 v33, v60;
	v51 =	vld.idx.msk [tilespmem:v57+s10+$0x0], $0xffff;
	[tilespmem:v50+s15+$0x0] =	vst.idx.msk $0xffff, v53  }
0x397: {  	v61 =	vor.u32 v22, v45;
	v50 =	vor.u32 v32, v62;
	v53 =	vld.idx.msk [tilespmem:v59+s10+$0x0], $0xffff  }
0x398: {  	[tilespmem:v47+s15+$0x0] =	vst.idx.msk $0xffff, v44;
	v63 =	vor.u32 v19, v36;
	v56 =	vor.u32 v4, v35  }
0x399: {  	[tilespmem:v48+s15+$0x0] =	vst.idx.msk $0xffff, v40;
	v47 =	vor.u32 v33, v56;
	v60 =	vld.idx.msk [tilespmem:v38+s10+$0x0], $0xffff;
	v57 =	vor.u32 v8, v39  }
0x39a: {  	v48 =	vld.idx.msk [tilespmem:v49+s10+$0x0], $0xffff;
	v40 =	vor.u32 v33, v57  }
0x39b: {  	v58 =	vor.u32 v8, v43;
	v62 =	vor.u32 v13, v34;
	[tilespmem:v46+s15+$0x0] =	vst.idx.msk $0xffff, v51  }
0x39c: {  	v59 =	vor.u32 v25, v41;
	v46 =	vor.u32 v33, v58;
	v51 =	vld.idx.msk [tilespmem:v61+s10+$0x0], $0xffff;
	[tilespmem:v50+s15+$0x0] =	vst.idx.msk $0xffff, v53  }
0x39d: {  	s31 =	simm.s32 $0x10;
	v61 =	vor.u32 v25, v45;
	v44 =	vld.idx.msk [tilespmem:v63+s10+$0x0], $0xffff;
	v63 =	vor.u32 v32, v62  }
0x39e: {  	v55 =	vor.u32 v20, v36;
	v38 =	vadd.s32 s31, v42;
	[tilespmem:v47+s15+$0x0] =	vst.idx.msk $0xffff, v60  }
0x39f: {  	v60 =	vmov s31;
	v58 =	vor.u32 v7, v39;
	[tilespmem:v40+s15+$0x0] =	vst.idx.msk $0xffff, v48;
	v48 =	vor.u32 v0, v38  }
0x3a0: {  	v53 =	vor.u32 v29, v37;
	v56 =	vor.u32 v33, v58;
	v40 =	vshll.u32 v60, $0x7  }
0x3a1: {  	v49 =	vld.idx.msk [tilespmem:v59+s10+$0x0], $0xffff;
	v59 =	vor.u32 v7, v43;
	v62 =	vor.u32 v12, v34;
	[tilespmem:v46+s15+$0x0] =	vst.idx.msk $0xffff, v51  }
0x3a2: {  	v46 =	vor.u32 v26, v41;
	v51 =	vor.u32 v33, v59;
	v47 =	vld.idx.msk [tilespmem:v61+s10+$0x0], $0xffff;
	[tilespmem:v63+s15+$0x0] =	vst.idx.msk $0xffff, v44  }
0x3a3: {  	v50 =	vor.u32 v26, v45;
	v44 =	vor.u32 v32, v62;
	v63 =	vor.u32 v16, v40;
	v54 =	vld.idx.msk [tilespmem:v55+s10+$0x0], $0xffff  }
0x3a4: {  	v57 =	vor.u32 v21, v36;
	v48 =	vld.idx.msk [tilespmem:v48+s10+$0x0], $0xffff;
	v61 =	vor.u32 v3, v35;
	v55 =	vor.u32 v32, v63  }
0x3a5: {  	v60 =	vor.u32 v6, v39;
	v53 =	vld.idx.msk [tilespmem:v53+s10+$0x0], $0xffff;
	v52 =	vor.u32 v33, v61;
	v61 =	vor.u32 v17, v38  }
0x3a6: {  	v58 =	vor.u32 v27, v41;
	v59 =	vor.u32 v15, v40;
	[tilespmem:v56+s15+$0x0] =	vst.idx.msk $0xffff, v49  }
0x3a7: {  	v49 =	vor.u32 v33, v60;
	v62 =	vor.u32 v6, v43;
	v46 =	vld.idx.msk [tilespmem:v46+s10+$0x0], $0xffff;
	[tilespmem:v51+s15+$0x0] =	vst.idx.msk $0xffff, v47  }
0x3a8: {  	v63 =	vor.u32 v11, v34;
	v47 =	vor.u32 v33, v62;
	v50 =	vld.idx.msk [tilespmem:v50+s10+$0x0], $0xffff;
	[tilespmem:v44+s15+$0x0] =	vst.idx.msk $0xffff, v54  }
0x3a9: {  	v44 =	vor.u32 v27, v45;
	[tilespmem:v55+s15+$0x0] =	vst.idx.msk $0xffff, v48;
	v48 =	vor.u32 v32, v63;
	v57 =	vld.idx.msk [tilespmem:v57+s10+$0x0], $0xffff  }
0x3aa: {  	v51 =	vor.u32 v30, v37;
	[tilespmem:v52+s15+$0x0] =	vst.idx.msk $0xffff, v53;
	v54 =	vor.u32 v32, v59;
	v52 =	vld.idx.msk [tilespmem:v61+s10+$0x0], $0xffff  }
0x3ab: {  	v60 =	vor.u32 v5, v39;
	v56 =	vor.u32 v30, v41;
	v53 =	vor.u32 v23, v36  }
0x3ac: {  	v62 =	vor.u32 v5, v43;
	[tilespmem:v49+s15+$0x0] =	vst.idx.msk $0xffff, v46;
	v49 =	vor.u32 v18, v38  }
0x3ad: {  	v55 =	vor.u32 v2, v35;
	v46 =	vor.u32 v33, v60;
	v61 =	vld.idx.msk [tilespmem:v58+s10+$0x0], $0xffff;
	[tilespmem:v47+s15+$0x0] =	vst.idx.msk $0xffff, v50  }
0x3ae: {  	v63 =	vor.u32 v28, v41;
	v50 =	vor.u32 v33, v62;
	v44 =	vld.idx.msk [tilespmem:v44+s10+$0x0], $0xffff;
	[tilespmem:v48+s15+$0x0] =	vst.idx.msk $0xffff, v57  }
0x3af: {  	v59 =	vor.u32 v10, v34;
	v51 =	vld.idx.msk [tilespmem:v51+s10+$0x0], $0xffff;
	[tilespmem:v54+s15+$0x0] =	vst.idx.msk $0xffff, v52;
	v54 =	vor.u32 v33, v55  }
0x3b0: {  	v60 =	vor.u32 v14, v40;
	v58 =	vor.u32 v28, v45;
	v48 =	vor.u32 v32, v59;
	v53 =	vld.idx.msk [tilespmem:v53+s10+$0x0], $0xffff  }
0x3b1: {  	v62 =	vor.u32 v19, v38;
	v55 =	vor.u32 v24, v36;
	v52 =	vor.u32 v32, v60;
	v49 =	vld.idx.msk [tilespmem:v49+s10+$0x0], $0xffff  }
0x3b2: {  	v60 =	vor.u32 v9, v34;
	[tilespmem:v46+s15+$0x0] =	vst.idx.msk $0xffff, v61;
	v61 =	vor.u32 v4, v39  }
0x3b3: {  	v59 =	vor.u32 v3, v39;
	v47 =	vld.idx.msk [tilespmem:v63+s10+$0x0], $0xffff;
	v46 =	vor.u32 v33, v61;
	[tilespmem:v50+s15+$0x0] =	vst.idx.msk $0xffff, v44  }
0x3b4: {  	v63 =	vor.u32 v4, v43;
	v44 =	vor.u32 v29, v41;
	[tilespmem:v54+s15+$0x0] =	vst.idx.msk $0xffff, v51  }
0x3b5: {  	v61 =	vor.u32 v13, v40;
	v50 =	vor.u32 v33, v63;
	v57 =	vld.idx.msk [tilespmem:v58+s10+$0x0], $0xffff;
	[tilespmem:v48+s15+$0x0] =	vst.idx.msk $0xffff, v53  }
0x3b6: {  	v58 =	vor.u32 v29, v45;
	v48 =	vor.u32 v32, v60;
	v53 =	vld.idx.msk [tilespmem:v55+s10+$0x0], $0xffff;
	[tilespmem:v52+s15+$0x0] =	vst.idx.msk $0xffff, v49  }
0x3b7: {  	v63 =	vor.u32 v22, v36;
	v41 =	vor.u32 v31, v41;
	v49 =	vor.u32 v32, v61;
	v62 =	vld.idx.msk [tilespmem:v62+s10+$0x0], $0xffff  }
0x3b8: {  	s19 =	simm.s32 $0x20;
	v60 =	vor.u32 v3, v43;
	[tilespmem:v46+s15+$0x0] =	vst.idx.msk $0xffff, v47;
	v47 =	vor.u32 v20, v38  }
0x3b9: {  	v55 =	vor.u32 v33, v59;
	v61 =	vor.u32 v8, v34;
	v54 =	vld.idx.msk [tilespmem:v44+s10+$0x0], $0xffff;
	v44 =	vadd.s32 s19, v42  }
0x3ba: {  	v52 =	vor.u32 v30, v45;
	[tilespmem:v50+s15+$0x0] =	vst.idx.msk $0xffff, v57;
	v50 =	vor.u32 v0, v44  }
0x3bb: {  	v57 =	vld.idx.msk [tilespmem:v58+s10+$0x0], $0xffff;
	v58 =	vor.u32 v33, v60;
	[tilespmem:v48+s15+$0x0] =	vst.idx.msk $0xffff, v53;
	v60 =	vor.u32 v2, v39  }
0x3bc: {  	v48 =	vld.idx.msk [tilespmem:v63+s10+$0x0], $0xffff;
	[tilespmem:v49+s15+$0x0] =	vst.idx.msk $0xffff, v62;
	v49 =	vor.u32 v32, v61;
	v62 =	vmov s19;
	v63 =	vor.u32 v12, v40  }
0x3bd: {  	v61 =	vor.u32 v25, v36;
	v47 =	vld.idx.msk [tilespmem:v47+s10+$0x0], $0xffff;
	v46 =	vshll.u32 v62, $0x7;
	v51 =	vor.u32 v32, v63  }
0x3be: {  	v62 =	vor.u32 v21, v38;
	v63 =	vor.u32 v2, v43;
	v59 =	vor.u32 v16, v46  }
0x3bf: {  	[tilespmem:v55+s15+$0x0] =	vst.idx.msk $0xffff, v54;
	v54 =	vor.u32 v33, v60;
	v50 =	vld.idx.msk [tilespmem:v50+s10+$0x0], $0xffff;
	v53 =	vor.u32 v32, v59  }
0x3c0: {  	v60 =	vor.u32 v11, v40;
	v56 =	vld.idx.msk [tilespmem:v56+s10+$0x0], $0xffff;
	v59 =	vor.u32 v7, v34;
	[tilespmem:v58+s15+$0x0] =	vst.idx.msk $0xffff, v57  }
0x3c1: {  	v58 =	vor.u32 v31, v37;
	[tilespmem:v49+s15+$0x0] =	vst.idx.msk $0xffff, v48;
	v49 =	vor.u32 v17, v44  }
0x3c2: {  	v57 =	vor.u32 v23, v38;
	v48 =	vor.u32 v33, v63;
	[tilespmem:v51+s15+$0x0] =	vst.idx.msk $0xffff, v47;
	v47 =	vld.idx.msk [tilespmem:v52+s10+$0x0], $0xffff  }
0x3c3: {  	v63 =	vor.u32 v26, v36;
	v52 =	vld.idx.msk [tilespmem:v61+s10+$0x0], $0xffff;
	v51 =	vor.u32 v32, v59;
	v61 =	vor.u32 v31, v45  }
0x3c4: {  	v59 =	vor.u32 v18, v44;
	[tilespmem:v53+s15+$0x0] =	vst.idx.msk $0xffff, v50;
	v53 =	vld.idx.msk [tilespmem:v62+s10+$0x0], $0xffff;
	v50 =	vor.u32 v32, v60  }
0x3c5: {  	v62 =	vor.u32 v15, v46;
	[tilespmem:v54+s15+$0x0] =	vst.idx.msk $0xffff, v56;
	v56 =	vor.u32 v1, v35  }
0x3c6: {  	v60 =	vor.u32 v1, v43;
	v55 =	vor.u32 v32, v62;
	v35 =	vor.u32 v33, v56;
	v49 =	vld.idx.msk [tilespmem:v49+s10+$0x0], $0xffff  }
0x3c7: {  	v37 =	vld.idx.msk [tilespmem:v58+s10+$0x0], $0xffff;
	v58 =	vor.u32 v1, v39;
	v62 =	vor.u32 v6, v34;
	[tilespmem:v48+s15+$0x0] =	vst.idx.msk $0xffff, v47  }
0x3c8: {  	v39 =	vor.u32 v33, v58;
	v33 =	vor.u32 v33, v60;
	[tilespmem:v51+s15+$0x0] =	vst.idx.msk $0xffff, v52;
	v61 =	vld.idx.msk [tilespmem:v61+s10+$0x0], $0xffff  }
0x3c9: {  	v45 =	vor.u32 v32, v62;
	v63 =	vld.idx.msk [tilespmem:v63+s10+$0x0], $0xffff;
	[tilespmem:v50+s15+$0x0] =	vst.idx.msk $0xffff, v53  }
0x3ca: {  	v56 =	vor.u32 v10, v40;
	v47 =	vld.idx.msk [tilespmem:v57+s10+$0x0], $0xffff;
	v57 =	vor.u32 v27, v36  }
0x3cb: {  	v41 =	vld.idx.msk [tilespmem:v41+s10+$0x0], $0xffff;
	v51 =	vor.u32 v32, v56;
	[tilespmem:v55+s15+$0x0] =	vst.idx.msk $0xffff, v49  }
0x3cc: {  	v58 =	vor.u32 v14, v46;
	v48 =	vld.idx.msk [tilespmem:v59+s10+$0x0], $0xffff;
	v59 =	vor.u32 v24, v38  }
0x3cd: {  	v52 =	vor.u32 v32, v58;
	[tilespmem:v33+s15+$0x0] =	vst.idx.msk $0xffff, v61  }
0x3ce: {  	v60 =	vor.u32 v19, v44;
	[tilespmem:v45+s15+$0x0] =	vst.idx.msk $0xffff, v63;
	v61 =	vor.u32 v5, v34  }
0x3cf: {  	[tilespmem:v35+s15+$0x0] =	vst.idx.msk $0xffff, v37;
	v35 =	vor.u32 v32, v61;
	v33 =	vld.idx.msk [tilespmem:v57+s10+$0x0], $0xffff  }
0x3d0: {  	v62 =	vor.u32 v9, v40;
	v37 =	vor.u32 v28, v36;
	[tilespmem:v51+s15+$0x0] =	vst.idx.msk $0xffff, v47  }
0x3d1: {  	[tilespmem:v39+s15+$0x0] =	vst.idx.msk $0xffff, v41;
	v41 =	vor.u32 v32, v62;
	v39 =	vld.idx.msk [tilespmem:v59+s10+$0x0], $0xffff  }
0x3d2: {  	v43 =	vor.u32 v22, v38;
	v63 =	vor.u32 v13, v46;
	[tilespmem:v52+s15+$0x0] =	vst.idx.msk $0xffff, v48  }
0x3d3: {  	v47 =	vor.u32 v32, v63;
	v45 =	vld.idx.msk [tilespmem:v60+s10+$0x0], $0xffff  }
.LBB2_19:
0x3d4: {  	s19 =	sadd.s32 $0x10, s19;
	v48 =	vor.u32 v20, v44;
	[tilespmem:v35+s15+$0x0] =	vst.idx.msk $0xffff, v33  }
0x3d5: {  	v33 =	vadd.s32 s19, v42;
	p1 =	slt.u32 s19, $0x30;
	v35 =	vld.idx.msk [tilespmem:v37+s10+$0x0], $0xffff;
	v37 =	vor.u32 v4, v34  }
0x3d6: {  	v49 =	vor.u32 v0, v33;
	[tilespmem:v41+s15+$0x0] =	vst.idx.msk $0xffff, v39;
	v37 =	vor.u32 v32, v37  }
0x3d7: {  	v41 =	vor.u32 v8, v40;
	v39 =	vld.idx.msk [tilespmem:v43+s10+$0x0], $0xffff;
	v43 =	vor.u32 v29, v36  }
0x3d8: {  	v41 =	vor.u32 v32, v41;
	[tilespmem:v47+s15+$0x0] =	vst.idx.msk $0xffff, v45  }
0x3d9: {  	v50 =	vor.u32 v25, v38;
	v45 =	vmov s19;
	v47 =	vld.idx.msk [tilespmem:v48+s10+$0x0], $0xffff;
	v48 =	vor.u32 v12, v46  }
0x3da: {  	v45 =	vshll.u32 v45, $0x7;
	v48 =	vor.u32 v32, v48  }
0x3db: {  	v52 =	vor.u32 v21, v44;
	v51 =	vor.u32 v16, v45;
	v49 =	vld.idx.msk [tilespmem:v49+s10+$0x0], $0xffff;
	[tilespmem:v37+s15+$0x0] =	vst.idx.msk $0xffff, v35  }
0x3dc: {  	v35 =	vor.u32 v32, v51;
	v37 =	vld.idx.msk [tilespmem:v43+s10+$0x0], $0xffff;
	v43 =	vor.u32 v3, v34  }
0x3dd: {  	v51 =	vor.u32 v17, v33;
	[tilespmem:v41+s15+$0x0] =	vst.idx.msk $0xffff, v39;
	v39 =	vor.u32 v32, v43  }
0x3de: {  	v43 =	vor.u32 v7, v40;
	v41 =	vld.idx.msk [tilespmem:v50+s10+$0x0], $0xffff;
	v50 =	vor.u32 v30, v36  }
0x3df: {  	v43 =	vor.u32 v32, v43;
	[tilespmem:v48+s15+$0x0] =	vst.idx.msk $0xffff, v47  }
0x3e0: {  	v48 =	vor.u32 v11, v46;
	v47 =	vld.idx.msk [tilespmem:v52+s10+$0x0], $0xffff;
	v52 =	vor.u32 v26, v38  }
0x3e1: {  	[tilespmem:v35+s15+$0x0] =	vst.idx.msk $0xffff, v49;
	v35 =	vor.u32 v32, v48  }
0x3e2: {  	v49 =	vor.u32 v15, v45;
	v48 =	vld.idx.msk [tilespmem:v51+s10+$0x0], $0xffff;
	v51 =	vor.u32 v23, v44;
	[tilespmem:v39+s15+$0x0] =	vst.idx.msk $0xffff, v37  }
0x3e3: {  	v37 =	vor.u32 v32, v49;
	v49 =	vor.u32 v2, v34;
	v39 =	vld.idx.msk [tilespmem:v50+s10+$0x0], $0xffff  }
0x3e4: {  	v50 =	vor.u32 v18, v33;
	[tilespmem:v43+s15+$0x0] =	vst.idx.msk $0xffff, v41;
	v41 =	vor.u32 v32, v49  }
0x3e5: {  	v49 =	vor.u32 v6, v40;
	v43 =	vld.idx.msk [tilespmem:v52+s10+$0x0], $0xffff;
	v52 =	vor.u32 v31, v36;
	v36 =	vmovc v38;
	v38 =	vmov v44  }
0x3e6: {  	v44 =	vmov v33;
	[tilespmem:v35+s15+$0x0] =	vst.idx.msk $0xffff, v47;
	v35 =	vor.u32 v32, v49  }
0x3e7: {  	v33 =	vor.u32 v10, v46;
	v49 =	vor.u32 v27, v36;
	v47 =	vld.idx.msk [tilespmem:v51+s10+$0x0], $0xffff  }
0x3e8: {  	[tilespmem:v37+s15+$0x0] =	vst.idx.msk $0xffff, v48;
	v37 =	vor.u32 v32, v33  }
0x3e9: {  	v33 =	vor.u32 v14, v45;
	v48 =	vld.idx.msk [tilespmem:v50+s10+$0x0], $0xffff;
	v50 =	vor.u32 v24, v38;
	[tilespmem:v41+s15+$0x0] =	vst.idx.msk $0xffff, v39  }
0x3ea: {  	v41 =	vor.u32 v32, v33;
	v33 =	vor.u32 v1, v34;
	v34 =	vmovc v40;
	v40 =	vmov v46;
	v51 =	vld.idx.msk [tilespmem:v52+s10+$0x0], $0xffff  }
0x3eb: {  	v46 =	vmov v45;
	v52 =	vor.u32 v19, v44;
	v53 =	vor.u32 v32, v33;
	[tilespmem:v35+s15+$0x0] =	vst.idx.msk $0xffff, v43  }
0x3ec: {  	v35 =	vor.u32 v5, v34;
	v33 =	vld.idx.msk [tilespmem:v49+s10+$0x0], $0xffff  }
.Ltmp8:
0x3ed: {  	v35 =	vor.u32 v32, v35;
	[tilespmem:v37+s15+$0x0] =	vst.idx.msk $0xffff, v47;
	(pc) =	sbr.rel @p1 .LBB2_19-.Ltmp8, $4  }
0x3ee: {  	v43 =	vor.u32 v9, v40;
	v37 =	vor.u32 v28, v36;
	v39 =	vld.idx.msk [tilespmem:v50+s10+$0x0], $0xffff  }
0x3ef: {  	[tilespmem:v41+s15+$0x0] =	vst.idx.msk $0xffff, v48;
	v41 =	vor.u32 v32, v43  }
0x3f0: {  	v47 =	vor.u32 v13, v46;
	v43 =	vor.u32 v22, v38;
	v45 =	vld.idx.msk [tilespmem:v52+s10+$0x0], $0xffff;
	[tilespmem:v53+s15+$0x0] =	vst.idx.msk $0xffff, v51  }
0x3f1: {  	v47 =	vor.u32 v32, v47  }
0x3f2: {  	v42 =	vor.u32 v20, v44;
	_ =	sdelay $0x3  }
0x3f3: {  	v54 =	vor.u32 v12, v46;
	[tilespmem:v47+s15+$0x0] =	vst.idx.msk $0xffff, v45  }
0x3f4: {  	v45 =	vor.u32 v32, v54;
	v42 =	vld.idx.msk [tilespmem:v42+s10+$0x0], $0xffff  }
0x3f5: {  	v55 =	vor.u32 v21, v44;
	_ =	sdelay $0x3  }
0x3f6: {  	v56 =	vor.u32 v11, v46;
	[tilespmem:v45+s15+$0x0] =	vst.idx.msk $0xffff, v42  }
0x3f7: {  	v42 =	vor.u32 v32, v56;
	v45 =	vld.idx.msk [tilespmem:v55+s10+$0x0], $0xffff  }
0x3f8: {  	v57 =	vor.u32 v23, v44;
	_ =	sdelay $0x3  }
0x3f9: {  	v58 =	vor.u32 v10, v46;
	[tilespmem:v42+s15+$0x0] =	vst.idx.msk $0xffff, v45  }
0x3fa: {  	v42 =	vor.u32 v32, v58;
	v45 =	vld.idx.msk [tilespmem:v57+s10+$0x0], $0xffff  }
0x3fb: {  	v59 =	vor.u32 v24, v44;
	_ =	sdelay $0x3  }
0x3fc: {  	v60 =	vor.u32 v9, v46;
	[tilespmem:v42+s15+$0x0] =	vst.idx.msk $0xffff, v45  }
0x3fd: {  	v42 =	vor.u32 v32, v60;
	v45 =	vld.idx.msk [tilespmem:v59+s10+$0x0], $0xffff  }
0x3fe: {  	v61 =	vor.u32 v22, v44;
	_ =	sdelay $0x2  }
0x3ff: {  	v62 =	vor.u32 v8, v40;
	[tilespmem:v41+s15+$0x0] =	vst.idx.msk $0xffff, v39  }
0x400: {  	v63 =	vor.u32 v8, v46;
	v39 =	vor.u32 v32, v62;
	v41 =	vld.idx.msk [tilespmem:v43+s10+$0x0], $0xffff;
	[tilespmem:v42+s15+$0x0] =	vst.idx.msk $0xffff, v45  }
0x401: {  	v48 =	vor.u32 v25, v38;
	v42 =	vor.u32 v32, v63;
	v45 =	vld.idx.msk [tilespmem:v61+s10+$0x0], $0xffff  }
0x402: {  	v49 =	vor.u32 v25, v44;
	_ =	sdelay $0x2  }
0x403: {  	v50 =	vor.u32 v7, v40;
	[tilespmem:v39+s15+$0x0] =	vst.idx.msk $0xffff, v41  }
0x404: {  	v51 =	vor.u32 v7, v46;
	v39 =	vor.u32 v32, v50;
	v41 =	vld.idx.msk [tilespmem:v48+s10+$0x0], $0xffff;
	[tilespmem:v42+s15+$0x0] =	vst.idx.msk $0xffff, v45  }
0x405: {  	v52 =	vor.u32 v26, v38;
	v42 =	vor.u32 v32, v51;
	v45 =	vld.idx.msk [tilespmem:v49+s10+$0x0], $0xffff  }
0x406: {  	v53 =	vor.u32 v26, v44;
	_ =	sdelay $0x2  }
0x407: {  	v54 =	vor.u32 v6, v40;
	[tilespmem:v39+s15+$0x0] =	vst.idx.msk $0xffff, v41  }
0x408: {  	v55 =	vor.u32 v6, v46;
	v39 =	vor.u32 v32, v54;
	v41 =	vld.idx.msk [tilespmem:v52+s10+$0x0], $0xffff;
	[tilespmem:v42+s15+$0x0] =	vst.idx.msk $0xffff, v45  }
0x409: {  	v56 =	vor.u32 v27, v38;
	v42 =	vor.u32 v32, v55;
	v45 =	vld.idx.msk [tilespmem:v53+s10+$0x0], $0xffff  }
0x40a: {  	v57 =	vor.u32 v27, v44;
	_ =	sdelay $0x2  }
0x40b: {  	v58 =	vor.u32 v5, v40;
	[tilespmem:v39+s15+$0x0] =	vst.idx.msk $0xffff, v41  }
0x40c: {  	v39 =	vor.u32 v32, v58;
	v41 =	vld.idx.msk [tilespmem:v56+s10+$0x0], $0xffff;
	v59 =	vor.u32 v5, v46;
	[tilespmem:v42+s15+$0x0] =	vst.idx.msk $0xffff, v45  }
0x40d: {  	v60 =	vor.u32 v28, v38;
	v42 =	vor.u32 v32, v59;
	v45 =	vld.idx.msk [tilespmem:v57+s10+$0x0], $0xffff  }
0x40e: {  	v61 =	vor.u32 v28, v44;
	_ =	sdelay $0x1  }
0x40f: {  	[tilespmem:v35+s15+$0x0] =	vst.idx.msk $0xffff, v33;
	v48 =	vor.u32 v4, v34;
	v52 =	vor.u32 v4, v40  }
0x410: {  	v35 =	vld.idx.msk [tilespmem:v37+s10+$0x0], $0xffff;
	v62 =	vor.u32 v32, v48;
	[tilespmem:v39+s15+$0x0] =	vst.idx.msk $0xffff, v41;
	v39 =	vor.u32 v32, v52  }
0x411: {  	v41 =	vld.idx.msk [tilespmem:v60+s10+$0x0], $0xffff;
	v63 =	vor.u32 v29, v36;
	v53 =	vor.u32 v4, v46;
	[tilespmem:v42+s15+$0x0] =	vst.idx.msk $0xffff, v45  }
0x412: {  	v54 =	vor.u32 v29, v38;
	v42 =	vor.u32 v32, v53;
	v45 =	vld.idx.msk [tilespmem:v61+s10+$0x0], $0xffff  }
0x413: {  	v55 =	vor.u32 v29, v44;
	_ =	sdelay $0x1  }
0x414: {  	[tilespmem:v62+s15+$0x0] =	vst.idx.msk $0xffff, v35;
	v58 =	vor.u32 v30, v36;
	v56 =	vor.u32 v3, v34  }
0x415: {  	[tilespmem:v39+s15+$0x0] =	vst.idx.msk $0xffff, v41;
	v35 =	vld.idx.msk [tilespmem:v63+s10+$0x0], $0xffff;
	v59 =	vor.u32 v3, v40;
	v57 =	vor.u32 v32, v56  }
0x416: {  	v60 =	vor.u32 v3, v46;
	v41 =	vld.idx.msk [tilespmem:v54+s10+$0x0], $0xffff;
	v39 =	vor.u32 v32, v59;
	[tilespmem:v42+s15+$0x0] =	vst.idx.msk $0xffff, v45  }
0x417: {  	v61 =	vor.u32 v30, v38;
	v42 =	vor.u32 v32, v60;
	v45 =	vld.idx.msk [tilespmem:v55+s10+$0x0], $0xffff  }
0x418: {  	v62 =	vor.u32 v30, v44;
	_ =	sdelay $0x1  }
0x419: {  	v52 =	vor.u32 v31, v36;
	v63 =	vor.u32 v2, v34;
	[tilespmem:v57+s15+$0x0] =	vst.idx.msk $0xffff, v35  }
0x41a: {  	v51 =	vor.u32 v32, v63;
	[tilespmem:v39+s15+$0x0] =	vst.idx.msk $0xffff, v41;
	v53 =	vor.u32 v2, v40;
	v35 =	vld.idx.msk [tilespmem:v58+s10+$0x0], $0xffff  }
0x41b: {  	v54 =	vor.u32 v2, v46;
	v37 =	vor.u32 v32, v53;
	v39 =	vld.idx.msk [tilespmem:v61+s10+$0x0], $0xffff;
	[tilespmem:v42+s15+$0x0] =	vst.idx.msk $0xffff, v45  }
0x41c: {  	v41 =	vor.u32 v32, v54;
	v55 =	vor.u32 v31, v38;
	v42 =	vld.idx.msk [tilespmem:v62+s10+$0x0], $0xffff  }
0x41d: {  	v56 =	vor.u32 v31, v44;
	_ =	sdelay $0x1  }
0x41e: {  	v57 =	vor.u32 v1, v34;
	[tilespmem:v51+s15+$0x0] =	vst.idx.msk $0xffff, v35  }
0x41f: {  	v59 =	vor.u32 v1, v40;
	v33 =	vor.u32 v32, v57;
	v58 =	vld.idx.msk [tilespmem:v52+s10+$0x0], $0xffff;
	[tilespmem:v37+s15+$0x0] =	vst.idx.msk $0xffff, v39  }
0x420: {  	v35 =	vor.u32 v32, v59;
	v61 =	vor.u32 v1, v46;
	v60 =	vld.idx.msk [tilespmem:v55+s10+$0x0], $0xffff;
	[tilespmem:v41+s15+$0x0] =	vst.idx.msk $0xffff, v42  }
0x421: {  	v63 =	vor.u32 v32, v61;
	v62 =	vld.idx.msk [tilespmem:v56+s10+$0x0], $0xffff  }
.Ltmp9:
0x422: {  	_ = 	snop;
	(pc) =	sbr.rel @p0 .LBB2_12-.Ltmp9, $4  }
0x423: {  	_ = 	snop  }
0x424: {  	[tilespmem:v33+s15+$0x0] =	vst.idx.msk $0xffff, v58  }
0x425: {  	[tilespmem:v35+s15+$0x0] =	vst.idx.msk $0xffff, v60  }
0x426: {  	s19 =	simm.s32 $0x40;
	p1 =	por $0x0, $0x0;
	[tilespmem:v63+s15+$0x0] =	vst.idx.msk $0xffff, v62  }
0x427: {  	[hbm4b:s8+s13] =	stream.strided.scatter [tilespmem:s15], [sflag:$0x2], $0x2000, s14, s13, $0x38;
	[tilespmem:$0x19E00] =	vst v63  }
0x428: {  	s19 =	simm.s32 $0x0  }
.LBB2_22:
0x429: {  	s20 =	sshll.u32 s19, $0x1  }
0x42a: {  	s21 =	sadd.s32 $0x2, s20  }
0x42b: {  	_ =	swait.ge [sflag:s16], $0x2000;
	s22 =	sshll.u32 s21, $0x7  }
0x42c: {  	[sflag:s16] =	ssyncset.done $0x0;
	s22 =	sand.u32 $0x3FFFFF00, s22  }
0x42d: {  	p1 =	por $0x1, $0x1;
	[sflag:s16] =	ssyncadd.s32 $0xFFFFE000;
	v32 =	vmov s22;
	s22 =	simm.s32 $0x0  }
.LBB2_23:
0x42e: {  	_ =	sdelay $0x3  }
0x42f: {  	v33 =	vld.idx.msk [tilespmem:v32+s22+$0x0 ss:$0x1], $0xffff;
	_ =	sdelay $0x4  }
0x430: {  	s23 =	simm.s32 $0x0;
	v33 =	vshll.u32 v33, $0x6  }
0x431: {  	v38 =	vadd.s32 s23, v33  }
0x432: {  	v35 =	vor.u32 v0, v38;
	_ =	sdelay $0x1  }
0x433: {  	v34 =	vmov s23  }
0x434: {  	v36 =	vshll.u32 v34, $0x7  }
0x435: {  	v34 =	vor.u32 s22, v0;
	v37 =	vor.u32 v16, v36  }
0x436: {  	v37 =	vor.u32 v34, v37;
	v35 =	vld.idx.msk [tilespmem:v35+s10+$0x0], $0xffff  }
0x437: {  	v39 =	vor.u32 v17, v38;
	_ =	sdelay $0x3  }
0x438: {  	v52 =	vor.u32 v15, v36;
	[tilespmem:v37+s12+$0x0] =	vst.idx.msk $0xffff, v35  }
0x439: {  	v35 =	vor.u32 v34, v52;
	v37 =	vld.idx.msk [tilespmem:v39+s10+$0x0], $0xffff  }
0x43a: {  	v53 =	vor.u32 v18, v38;
	_ =	sdelay $0x3  }
0x43b: {  	v54 =	vor.u32 v14, v36;
	[tilespmem:v35+s12+$0x0] =	vst.idx.msk $0xffff, v37  }
0x43c: {  	v35 =	vor.u32 v34, v54;
	v37 =	vld.idx.msk [tilespmem:v53+s10+$0x0], $0xffff  }
0x43d: {  	v55 =	vor.u32 v19, v38;
	_ =	sdelay $0x3  }
0x43e: {  	v56 =	vor.u32 v13, v36;
	[tilespmem:v35+s12+$0x0] =	vst.idx.msk $0xffff, v37  }
0x43f: {  	v35 =	vor.u32 v34, v56;
	v37 =	vld.idx.msk [tilespmem:v55+s10+$0x0], $0xffff  }
0x440: {  	s31 =	simm.s32 $0x10;
	v57 =	vor.u32 v20, v38  }
0x441: {  	v42 =	vadd.s32 s31, v33  }
0x442: {  	v41 =	vor.u32 v0, v42;
	_ =	sdelay $0x1  }
0x443: {  	v40 =	vmov s31;
	v58 =	vor.u32 v12, v36;
	[tilespmem:v35+s12+$0x0] =	vst.idx.msk $0xffff, v37  }
0x444: {  	v40 =	vshll.u32 v40, $0x7;
	v35 =	vor.u32 v34, v58;
	v37 =	vld.idx.msk [tilespmem:v57+s10+$0x0], $0xffff  }
0x445: {  	v59 =	vor.u32 v16, v40;
	v43 =	vor.u32 v21, v38  }
0x446: {  	v41 =	vld.idx.msk [tilespmem:v41+s10+$0x0], $0xffff;
	v39 =	vor.u32 v34, v59  }
0x447: {  	v44 =	vor.u32 v17, v42;
	_ =	sdelay $0x1  }
0x448: {  	v60 =	vor.u32 v11, v36;
	[tilespmem:v35+s12+$0x0] =	vst.idx.msk $0xffff, v37  }
0x449: {  	v35 =	vor.u32 v34, v60;
	v37 =	vld.idx.msk [tilespmem:v43+s10+$0x0], $0xffff  }
0x44a: {  	v61 =	vor.u32 v15, v40;
	v62 =	vor.u32 v23, v38;
	[tilespmem:v39+s12+$0x0] =	vst.idx.msk $0xffff, v41  }
0x44b: {  	v39 =	vor.u32 v34, v61;
	v41 =	vld.idx.msk [tilespmem:v44+s10+$0x0], $0xffff  }
0x44c: {  	v63 =	vor.u32 v18, v42;
	_ =	sdelay $0x1  }
0x44d: {  	v46 =	vor.u32 v10, v36;
	[tilespmem:v35+s12+$0x0] =	vst.idx.msk $0xffff, v37  }
0x44e: {  	v35 =	vor.u32 v34, v46;
	v37 =	vld.idx.msk [tilespmem:v62+s10+$0x0], $0xffff  }
0x44f: {  	v47 =	vor.u32 v14, v40;
	v48 =	vor.u32 v24, v38;
	[tilespmem:v39+s12+$0x0] =	vst.idx.msk $0xffff, v41  }
0x450: {  	v39 =	vor.u32 v34, v47;
	v41 =	vld.idx.msk [tilespmem:v63+s10+$0x0], $0xffff  }
0x451: {  	v49 =	vor.u32 v19, v42;
	_ =	sdelay $0x1  }
0x452: {  	v50 =	vor.u32 v9, v36;
	[tilespmem:v35+s12+$0x0] =	vst.idx.msk $0xffff, v37  }
0x453: {  	v35 =	vor.u32 v34, v50;
	v37 =	vld.idx.msk [tilespmem:v48+s10+$0x0], $0xffff  }
0x454: {  	v51 =	vor.u32 v13, v40;
	v52 =	vor.u32 v22, v38;
	[tilespmem:v39+s12+$0x0] =	vst.idx.msk $0xffff, v41  }
0x455: {  	v39 =	vor.u32 v34, v51;
	v41 =	vld.idx.msk [tilespmem:v49+s10+$0x0], $0xffff  }
0x456: {  	s23 =	simm.s32 $0x20;
	v53 =	vor.u32 v20, v42  }
0x457: {  	v46 =	vadd.s32 s23, v33  }
0x458: {  	v54 =	vor.u32 v8, v36;
	v45 =	vor.u32 v0, v46;
	[tilespmem:v35+s12+$0x0] =	vst.idx.msk $0xffff, v37  }
0x459: {  	v35 =	vor.u32 v34, v54;
	v37 =	vld.idx.msk [tilespmem:v52+s10+$0x0], $0xffff  }
0x45a: {  	v56 =	vor.u32 v12, v40;
	v47 =	vor.u32 v25, v38;
	v55 =	vmov s23;
	[tilespmem:v39+s12+$0x0] =	vst.idx.msk $0xffff, v41  }
0x45b: {  	v44 =	vshll.u32 v55, $0x7;
	v58 =	vor.u32 v34, v56;
	v57 =	vld.idx.msk [tilespmem:v53+s10+$0x0], $0xffff  }
0x45c: {  	v59 =	vor.u32 v16, v44;
	v48 =	vor.u32 v21, v42  }
0x45d: {  	v41 =	vor.u32 v34, v59;
	v45 =	vld.idx.msk [tilespmem:v45+s10+$0x0], $0xffff  }
0x45e: {  	v60 =	vor.u32 v7, v36;
	v49 =	vor.u32 v17, v46;
	[tilespmem:v35+s12+$0x0] =	vst.idx.msk $0xffff, v37  }
0x45f: {  	v35 =	vor.u32 v34, v60;
	v37 =	vld.idx.msk [tilespmem:v47+s10+$0x0], $0xffff  }
0x460: {  	v61 =	vor.u32 v11, v40;
	[tilespmem:v58+s12+$0x0] =	vst.idx.msk $0xffff, v57;
	v62 =	vor.u32 v26, v38  }
0x461: {  	v39 =	vor.u32 v34, v61;
	v43 =	vld.idx.msk [tilespmem:v48+s10+$0x0], $0xffff  }
0x462: {  	v63 =	vor.u32 v15, v44;
	[tilespmem:v41+s12+$0x0] =	vst.idx.msk $0xffff, v45;
	v52 =	vor.u32 v23, v42  }
0x463: {  	v41 =	vor.u32 v34, v63;
	v45 =	vld.idx.msk [tilespmem:v49+s10+$0x0], $0xffff  }
0x464: {  	v53 =	vor.u32 v18, v46;
	v54 =	vor.u32 v6, v36;
	[tilespmem:v35+s12+$0x0] =	vst.idx.msk $0xffff, v37  }
0x465: {  	v35 =	vor.u32 v34, v54;
	v37 =	vld.idx.msk [tilespmem:v62+s10+$0x0], $0xffff  }
0x466: {  	v55 =	vor.u32 v10, v40;
	v56 =	vor.u32 v27, v38;
	[tilespmem:v39+s12+$0x0] =	vst.idx.msk $0xffff, v43  }
0x467: {  	v39 =	vor.u32 v34, v55;
	v57 =	vld.idx.msk [tilespmem:v52+s10+$0x0], $0xffff  }
0x468: {  	v58 =	vor.u32 v14, v44;
	[tilespmem:v41+s12+$0x0] =	vst.idx.msk $0xffff, v45;
	v60 =	vor.u32 v24, v42  }
0x469: {  	v50 =	vor.u32 v34, v58;
	v59 =	vld.idx.msk [tilespmem:v53+s10+$0x0], $0xffff  }
0x46a: {  	v61 =	vor.u32 v5, v36;
	v51 =	vor.u32 v19, v46;
	[tilespmem:v35+s12+$0x0] =	vst.idx.msk $0xffff, v37  }
0x46b: {  	v45 =	vor.u32 v34, v61;
	v43 =	vld.idx.msk [tilespmem:v56+s10+$0x0], $0xffff  }
0x46c: {  	[tilespmem:v39+s12+$0x0] =	vst.idx.msk $0xffff, v57;
	v39 =	vor.u32 v28, v38;
	v62 =	vor.u32 v9, v40  }
0x46d: {  	v41 =	vld.idx.msk [tilespmem:v60+s10+$0x0], $0xffff;
	v48 =	vor.u32 v34, v62  }
0x46e: {  	v63 =	vor.u32 v13, v44;
	v49 =	vor.u32 v22, v42;
	[tilespmem:v50+s12+$0x0] =	vst.idx.msk $0xffff, v59  }
0x46f: {  	p0 =	por p1, p1;
	v35 =	vld.idx.msk [tilespmem:v51+s10+$0x0], $0xffff;
	v37 =	vor.u32 v34, v63  }
.LBB2_24:
0x470: {  	s23 =	sadd.s32 $0x10, s23;
	v47 =	vor.u32 v20, v46;
	[tilespmem:v45+s12+$0x0] =	vst.idx.msk $0xffff, v43  }
0x471: {  	v45 =	vor.u32 v4, v36;
	v43 =	vadd.s32 s23, v33;
	p1 =	slt.u32 s23, $0x30;
	v39 =	vld.idx.msk [tilespmem:v39+s10+$0x0], $0xffff  }
0x472: {  	v50 =	vor.u32 v0, v43;
	[tilespmem:v48+s12+$0x0] =	vst.idx.msk $0xffff, v41;
	v41 =	vor.u32 v34, v45  }
0x473: {  	v48 =	vor.u32 v8, v40;
	v45 =	vld.idx.msk [tilespmem:v49+s10+$0x0], $0xffff;
	v49 =	vor.u32 v29, v38  }
0x474: {  	[tilespmem:v37+s12+$0x0] =	vst.idx.msk $0xffff, v35;
	v35 =	vor.u32 v34, v48  }
0x475: {  	v51 =	vor.u32 v25, v42;
	v37 =	vmov s23;
	v48 =	vor.u32 v12, v44;
	v47 =	vld.idx.msk [tilespmem:v47+s10+$0x0], $0xffff  }
0x476: {  	v37 =	vshll.u32 v37, $0x7;
	v48 =	vor.u32 v34, v48  }
0x477: {  	v53 =	vor.u32 v21, v46;
	v52 =	vor.u32 v16, v37;
	v50 =	vld.idx.msk [tilespmem:v50+s10+$0x0], $0xffff;
	[tilespmem:v41+s12+$0x0] =	vst.idx.msk $0xffff, v39  }
0x478: {  	v39 =	vor.u32 v34, v52;
	v41 =	vld.idx.msk [tilespmem:v49+s10+$0x0], $0xffff;
	v49 =	vor.u32 v3, v36  }
0x479: {  	v52 =	vor.u32 v17, v43;
	[tilespmem:v35+s12+$0x0] =	vst.idx.msk $0xffff, v45;
	v35 =	vor.u32 v34, v49  }
0x47a: {  	v49 =	vor.u32 v7, v40;
	v45 =	vld.idx.msk [tilespmem:v51+s10+$0x0], $0xffff;
	v51 =	vor.u32 v30, v38  }
0x47b: {  	[tilespmem:v48+s12+$0x0] =	vst.idx.msk $0xffff, v47;
	v47 =	vor.u32 v34, v49  }
0x47c: {  	v49 =	vor.u32 v11, v44;
	v48 =	vld.idx.msk [tilespmem:v53+s10+$0x0], $0xffff;
	v53 =	vor.u32 v26, v42  }
0x47d: {  	[tilespmem:v39+s12+$0x0] =	vst.idx.msk $0xffff, v50;
	v39 =	vor.u32 v34, v49  }
0x47e: {  	v50 =	vor.u32 v15, v37;
	v49 =	vld.idx.msk [tilespmem:v52+s10+$0x0], $0xffff;
	v52 =	vor.u32 v23, v46;
	[tilespmem:v35+s12+$0x0] =	vst.idx.msk $0xffff, v41  }
0x47f: {  	v35 =	vor.u32 v34, v50;
	v50 =	vor.u32 v2, v36;
	v41 =	vld.idx.msk [tilespmem:v51+s10+$0x0], $0xffff  }
0x480: {  	v51 =	vor.u32 v18, v43;
	[tilespmem:v47+s12+$0x0] =	vst.idx.msk $0xffff, v45;
	v45 =	vor.u32 v34, v50  }
0x481: {  	v50 =	vor.u32 v6, v40;
	v47 =	vld.idx.msk [tilespmem:v53+s10+$0x0], $0xffff;
	v53 =	vor.u32 v31, v38;
	v38 =	vmovc v42;
	v42 =	vmov v46  }
0x482: {  	v46 =	vmov v43;
	[tilespmem:v39+s12+$0x0] =	vst.idx.msk $0xffff, v48;
	v39 =	vor.u32 v34, v50  }
0x483: {  	v43 =	vor.u32 v10, v44;
	v50 =	vor.u32 v27, v38;
	v48 =	vld.idx.msk [tilespmem:v52+s10+$0x0], $0xffff  }
0x484: {  	[tilespmem:v35+s12+$0x0] =	vst.idx.msk $0xffff, v49;
	v35 =	vor.u32 v34, v43  }
0x485: {  	v43 =	vor.u32 v14, v37;
	v49 =	vld.idx.msk [tilespmem:v51+s10+$0x0], $0xffff;
	v51 =	vor.u32 v24, v42;
	[tilespmem:v45+s12+$0x0] =	vst.idx.msk $0xffff, v41  }
0x486: {  	v52 =	vor.u32 v34, v43;
	v41 =	vor.u32 v1, v36;
	v36 =	vmovc v40;
	v40 =	vmov v44;
	v53 =	vld.idx.msk [tilespmem:v53+s10+$0x0], $0xffff  }
0x487: {  	v54 =	vor.u32 v19, v46;
	v44 =	vmov v37;
	[tilespmem:v39+s12+$0x0] =	vst.idx.msk $0xffff, v47;
	v47 =	vor.u32 v34, v41  }
0x488: {  	v37 =	vor.u32 v5, v36;
	v43 =	vld.idx.msk [tilespmem:v50+s10+$0x0], $0xffff  }
.Ltmp10:
0x489: {  	v45 =	vor.u32 v34, v37;
	[tilespmem:v35+s12+$0x0] =	vst.idx.msk $0xffff, v48;
	(pc) =	sbr.rel @p1 .LBB2_24-.Ltmp10, $4  }
0x48a: {  	v39 =	vor.u32 v28, v38;
	v35 =	vor.u32 v9, v40;
	v41 =	vld.idx.msk [tilespmem:v51+s10+$0x0], $0xffff  }
0x48b: {  	v48 =	vor.u32 v34, v35;
	[tilespmem:v52+s12+$0x0] =	vst.idx.msk $0xffff, v49  }
0x48c: {  	v37 =	vor.u32 v13, v44;
	v49 =	vor.u32 v22, v42;
	v35 =	vld.idx.msk [tilespmem:v54+s10+$0x0], $0xffff;
	[tilespmem:v47+s12+$0x0] =	vst.idx.msk $0xffff, v53  }
0x48d: {  	v37 =	vor.u32 v34, v37  }
0x48e: {  	_ =	sdelay $0x2  }
0x48f: {  	v33 =	vor.u32 v20, v46;
	s23 =	sor.u32 $0x10, s22  }
0x490: {  	v47 =	vld.idx.msk [tilespmem:v32+s23+$0x0 ss:$0x1], $0xffff;
	_ =	sdelay $0x2  }
0x491: {  	v61 =	vor.u32 v12, v44;
	[tilespmem:v37+s12+$0x0] =	vst.idx.msk $0xffff, v35  }
0x492: {  	v35 =	vor.u32 v34, v61;
	v33 =	vld.idx.msk [tilespmem:v33+s10+$0x0], $0xffff  }
0x493: {  	v50 =	vor.u32 v21, v46;
	s24 =	simm.s32 $0x0;
	v47 =	vshll.u32 v47, $0x6  }
0x494: {  	v37 =	vadd.s32 s24, v47  }
0x495: {  	v51 =	vor.u32 v0, v37;
	_ =	sdelay $0x1  }
0x496: {  	v62 =	vor.u32 v11, v44;
	v52 =	vmov s24;
	[tilespmem:v35+s12+$0x0] =	vst.idx.msk $0xffff, v33  }
0x497: {  	v53 =	vor.u32 v34, v62;
	v35 =	vshll.u32 v52, $0x7;
	v50 =	vld.idx.msk [tilespmem:v50+s10+$0x0], $0xffff  }
0x498: {  	v63 =	vor.u32 v23, v46;
	v33 =	vor.u32 s23, v0;
	v54 =	vor.u32 v16, v35  }
0x499: {  	v54 =	vor.u32 v33, v54;
	v51 =	vld.idx.msk [tilespmem:v51+s10+$0x0], $0xffff  }
0x49a: {  	v55 =	vor.u32 v17, v37;
	_ =	sdelay $0x1  }
0x49b: {  	v56 =	vor.u32 v10, v44;
	[tilespmem:v53+s12+$0x0] =	vst.idx.msk $0xffff, v50  }
0x49c: {  	v50 =	vor.u32 v34, v56;
	v52 =	vld.idx.msk [tilespmem:v63+s10+$0x0], $0xffff  }
0x49d: {  	v57 =	vor.u32 v24, v46;
	v58 =	vor.u32 v15, v35;
	[tilespmem:v54+s12+$0x0] =	vst.idx.msk $0xffff, v51  }
0x49e: {  	v51 =	vor.u32 v33, v58;
	v54 =	vld.idx.msk [tilespmem:v55+s10+$0x0], $0xffff  }
0x49f: {  	v59 =	vor.u32 v18, v37;
	_ =	sdelay $0x1  }
0x4a0: {  	v60 =	vor.u32 v9, v44;
	[tilespmem:v50+s12+$0x0] =	vst.idx.msk $0xffff, v52  }
0x4a1: {  	v50 =	vor.u32 v34, v60;
	v52 =	vld.idx.msk [tilespmem:v57+s10+$0x0], $0xffff  }
0x4a2: {  	v61 =	vor.u32 v22, v46;
	v62 =	vor.u32 v14, v35;
	[tilespmem:v51+s12+$0x0] =	vst.idx.msk $0xffff, v54  }
0x4a3: {  	v51 =	vor.u32 v33, v62;
	v54 =	vld.idx.msk [tilespmem:v59+s10+$0x0], $0xffff  }
0x4a4: {  	[tilespmem:v48+s12+$0x0] =	vst.idx.msk $0xffff, v41;
	v63 =	vor.u32 v19, v37;
	v58 =	vor.u32 v8, v40  }
0x4a5: {  	[tilespmem:v45+s12+$0x0] =	vst.idx.msk $0xffff, v43;
	v48 =	vld.idx.msk [tilespmem:v49+s10+$0x0], $0xffff;
	v49 =	vor.u32 v34, v58;
	v57 =	vor.u32 v4, v36  }
0x4a6: {  	v39 =	vld.idx.msk [tilespmem:v39+s10+$0x0], $0xffff;
	v45 =	vor.u32 v34, v57;
	v59 =	vor.u32 v8, v44;
	[tilespmem:v50+s12+$0x0] =	vst.idx.msk $0xffff, v52  }
0x4a7: {  	v60 =	vor.u32 v34, v59;
	v50 =	vor.u32 v25, v42;
	v52 =	vld.idx.msk [tilespmem:v61+s10+$0x0], $0xffff  }
0x4a8: {  	v62 =	vor.u32 v13, v35;
	v61 =	vor.u32 v25, v46;
	[tilespmem:v51+s12+$0x0] =	vst.idx.msk $0xffff, v54  }
0x4a9: {  	s31 =	simm.s32 $0x10;
	v43 =	vld.idx.msk [tilespmem:v63+s10+$0x0], $0xffff;
	v63 =	vor.u32 v33, v62  }
0x4aa: {  	v41 =	vadd.s32 s31, v47;
	v56 =	vor.u32 v20, v37;
	[tilespmem:v49+s12+$0x0] =	vst.idx.msk $0xffff, v48;
	v59 =	vor.u32 v7, v40  }
0x4ab: {  	v49 =	vor.u32 v0, v41;
	v48 =	vor.u32 v34, v59;
	[tilespmem:v45+s12+$0x0] =	vst.idx.msk $0xffff, v39  }
0x4ac: {  	v45 =	vor.u32 v26, v42;
	v54 =	vor.u32 v29, v38;
	v50 =	vld.idx.msk [tilespmem:v50+s10+$0x0], $0xffff;
	[tilespmem:v60+s12+$0x0] =	vst.idx.msk $0xffff, v52  }
0x4ad: {  	v62 =	vor.u32 v3, v36;
	v60 =	vor.u32 v7, v44;
	v53 =	vld.idx.msk [tilespmem:v61+s10+$0x0], $0xffff;
	v61 =	vmov s31  }
0x4ae: {  	v52 =	vor.u32 v34, v60;
	[tilespmem:v63+s12+$0x0] =	vst.idx.msk $0xffff, v43;
	v63 =	vor.u32 v12, v35;
	v39 =	vshll.u32 v61, $0x7  }
0x4af: {  	v60 =	vor.u32 v26, v46;
	v56 =	vld.idx.msk [tilespmem:v56+s10+$0x0], $0xffff;
	v43 =	vor.u32 v33, v63;
	v57 =	vor.u32 v16, v39  }
0x4b0: {  	v58 =	vor.u32 v21, v37;
	v49 =	vld.idx.msk [tilespmem:v49+s10+$0x0], $0xffff;
	v55 =	vor.u32 v34, v62;
	v57 =	vor.u32 v33, v57  }
0x4b1: {  	v62 =	vor.u32 v17, v41;
	v54 =	vld.idx.msk [tilespmem:v54+s10+$0x0], $0xffff;
	v61 =	vor.u32 v6, v40;
	[tilespmem:v48+s12+$0x0] =	vst.idx.msk $0xffff, v50  }
0x4b2: {  	v59 =	vor.u32 v27, v42;
	v63 =	vor.u32 v6, v44;
	v48 =	vor.u32 v34, v61;
	v45 =	vld.idx.msk [tilespmem:v45+s10+$0x0], $0xffff  }
0x4b3: {  	v61 =	vor.u32 v15, v39;
	[tilespmem:v52+s12+$0x0] =	vst.idx.msk $0xffff, v53;
	v53 =	vor.u32 v30, v38  }
0x4b4: {  	v52 =	vor.u32 v34, v63;
	v51 =	vld.idx.msk [tilespmem:v60+s10+$0x0], $0xffff;
	v60 =	vor.u32 v11, v35;
	[tilespmem:v43+s12+$0x0] =	vst.idx.msk $0xffff, v56  }
0x4b5: {  	v43 =	vor.u32 v27, v46;
	v58 =	vld.idx.msk [tilespmem:v58+s10+$0x0], $0xffff;
	[tilespmem:v57+s12+$0x0] =	vst.idx.msk $0xffff, v49;
	v49 =	vor.u32 v33, v60  }
0x4b6: {  	[tilespmem:v55+s12+$0x0] =	vst.idx.msk $0xffff, v54;
	v54 =	vor.u32 v23, v37;
	v55 =	vor.u32 v33, v61;
	v50 =	vld.idx.msk [tilespmem:v62+s10+$0x0], $0xffff  }
0x4b7: {  	[tilespmem:v48+s12+$0x0] =	vst.idx.msk $0xffff, v45;
	v62 =	vor.u32 v5, v40;
	v48 =	vor.u32 v18, v41  }
0x4b8: {  	v61 =	vor.u32 v10, v35;
	v56 =	vor.u32 v2, v36;
	v63 =	vld.idx.msk [tilespmem:v59+s10+$0x0], $0xffff;
	v45 =	vor.u32 v34, v62  }
0x4b9: {  	v60 =	vor.u32 v5, v44;
	[tilespmem:v52+s12+$0x0] =	vst.idx.msk $0xffff, v51;
	v51 =	vor.u32 v28, v42  }
0x4ba: {  	v59 =	vor.u32 v28, v46;
	v52 =	vor.u32 v34, v60;
	v43 =	vld.idx.msk [tilespmem:v43+s10+$0x0], $0xffff;
	[tilespmem:v49+s12+$0x0] =	vst.idx.msk $0xffff, v58  }
0x4bb: {  	v62 =	vor.u32 v14, v39;
	v49 =	vor.u32 v33, v61;
	v54 =	vld.idx.msk [tilespmem:v54+s10+$0x0], $0xffff;
	[tilespmem:v55+s12+$0x0] =	vst.idx.msk $0xffff, v50  }
0x4bc: {  	v55 =	vor.u32 v34, v56;
	v56 =	vor.u32 v24, v37;
	v50 =	vor.u32 v33, v62;
	v48 =	vld.idx.msk [tilespmem:v48+s10+$0x0], $0xffff  }
0x4bd: {  	v60 =	vor.u32 v19, v41;
	[tilespmem:v45+s12+$0x0] =	vst.idx.msk $0xffff, v63;
	v63 =	vor.u32 v4, v40  }
0x4be: {  	v38 =	vor.u32 v31, v38;
	v61 =	vor.u32 v4, v44;
	v51 =	vld.idx.msk [tilespmem:v51+s10+$0x0], $0xffff;
	v45 =	vor.u32 v34, v63  }
0x4bf: {  	v53 =	vld.idx.msk [tilespmem:v53+s10+$0x0], $0xffff;
	v62 =	vor.u32 v29, v42;
	v63 =	vor.u32 v9, v35;
	[tilespmem:v52+s12+$0x0] =	vst.idx.msk $0xffff, v43  }
0x4c0: {  	v52 =	vor.u32 v34, v61;
	v58 =	vld.idx.msk [tilespmem:v59+s10+$0x0], $0xffff;
	v59 =	vor.u32 v29, v46;
	[tilespmem:v49+s12+$0x0] =	vst.idx.msk $0xffff, v54  }
0x4c1: {  	v54 =	vld.idx.msk [tilespmem:v56+s10+$0x0], $0xffff;
	[tilespmem:v50+s12+$0x0] =	vst.idx.msk $0xffff, v48;
	v48 =	vor.u32 v33, v63;
	v56 =	vor.u32 v13, v39  }
0x4c2: {  	v57 =	vor.u32 v30, v42;
	v50 =	vld.idx.msk [tilespmem:v60+s10+$0x0], $0xffff;
	v60 =	vor.u32 v22, v37;
	v49 =	vor.u32 v33, v56  }
0x4c3: {  	s23 =	simm.s32 $0x20;
	v61 =	vor.u32 v3, v40;
	[tilespmem:v45+s12+$0x0] =	vst.idx.msk $0xffff, v51;
	v51 =	vor.u32 v20, v41  }
0x4c4: {  	[tilespmem:v55+s12+$0x0] =	vst.idx.msk $0xffff, v53;
	v45 =	vadd.s32 s23, v47;
	v55 =	vld.idx.msk [tilespmem:v62+s10+$0x0], $0xffff;
	v62 =	vor.u32 v34, v61  }
0x4c5: {  	v63 =	vor.u32 v3, v44;
	[tilespmem:v52+s12+$0x0] =	vst.idx.msk $0xffff, v58;
	v52 =	vor.u32 v0, v45  }
0x4c6: {  	v58 =	vld.idx.msk [tilespmem:v59+s10+$0x0], $0xffff;
	v59 =	vor.u32 v34, v63;
	[tilespmem:v48+s12+$0x0] =	vst.idx.msk $0xffff, v54;
	v54 =	vor.u32 v8, v35  }
0x4c7: {  	v61 =	vor.u32 v12, v39;
	v48 =	vld.idx.msk [tilespmem:v60+s10+$0x0], $0xffff;
	[tilespmem:v49+s12+$0x0] =	vst.idx.msk $0xffff, v50;
	v49 =	vor.u32 v33, v54  }
0x4c8: {  	v53 =	vor.u32 v30, v46;
	v60 =	vmov s23;
	v50 =	vor.u32 v33, v61;
	v51 =	vld.idx.msk [tilespmem:v51+s10+$0x0], $0xffff  }
0x4c9: {  	v63 =	vor.u32 v2, v40;
	v43 =	vshll.u32 v60, $0x7;
	[tilespmem:v62+s12+$0x0] =	vst.idx.msk $0xffff, v55;
	v60 =	vor.u32 v25, v37  }
0x4ca: {  	v42 =	vor.u32 v31, v42;
	v55 =	vor.u32 v34, v63;
	v62 =	vor.u32 v16, v43;
	v57 =	vld.idx.msk [tilespmem:v57+s10+$0x0], $0xffff  }
0x4cb: {  	v61 =	vor.u32 v21, v41;
	v52 =	vld.idx.msk [tilespmem:v52+s10+$0x0], $0xffff;
	v54 =	vor.u32 v33, v62;
	[tilespmem:v59+s12+$0x0] =	vst.idx.msk $0xffff, v58  }
0x4cc: {  	v63 =	vor.u32 v17, v45;
	v62 =	vor.u32 v2, v44;
	[tilespmem:v49+s12+$0x0] =	vst.idx.msk $0xffff, v48  }
0x4cd: {  	v59 =	vor.u32 v7, v35;
	v48 =	vor.u32 v34, v62;
	[tilespmem:v50+s12+$0x0] =	vst.idx.msk $0xffff, v51;
	v50 =	vld.idx.msk [tilespmem:v53+s10+$0x0], $0xffff  }
0x4ce: {  	v46 =	vor.u32 v31, v46;
	v58 =	vor.u32 v1, v40;
	v53 =	vld.idx.msk [tilespmem:v60+s10+$0x0], $0xffff;
	v51 =	vor.u32 v33, v59  }
0x4cf: {  	v62 =	vor.u32 v26, v37;
	v60 =	vor.u32 v11, v39;
	[tilespmem:v55+s12+$0x0] =	vst.idx.msk $0xffff, v57  }
0x4d0: {  	v40 =	vor.u32 v34, v58;
	[tilespmem:v54+s12+$0x0] =	vst.idx.msk $0xffff, v52;
	v54 =	vld.idx.msk [tilespmem:v61+s10+$0x0], $0xffff;
	v52 =	vor.u32 v33, v60  }
0x4d1: {  	v59 =	vor.u32 v18, v45;
	v57 =	vor.u32 v23, v41;
	v61 =	vor.u32 v15, v43;
	v42 =	vld.idx.msk [tilespmem:v42+s10+$0x0], $0xffff  }
0x4d2: {  	v60 =	vor.u32 v1, v44;
	v49 =	vld.idx.msk [tilespmem:v63+s10+$0x0], $0xffff;
	v56 =	vor.u32 v33, v61;
	[tilespmem:v48+s12+$0x0] =	vst.idx.msk $0xffff, v50  }
0x4d3: {  	v63 =	vor.u32 v1, v36;
	v61 =	vor.u32 v6, v35;
	[tilespmem:v51+s12+$0x0] =	vst.idx.msk $0xffff, v53;
	v44 =	vld.idx.msk [tilespmem:v46+s10+$0x0], $0xffff  }
0x4d4: {  	v36 =	vor.u32 v34, v63;
	v34 =	vor.u32 v34, v60;
	v51 =	vld.idx.msk [tilespmem:v62+s10+$0x0], $0xffff;
	v46 =	vor.u32 v33, v61  }
0x4d5: {  	v63 =	vor.u32 v27, v37;
	v62 =	vor.u32 v10, v39;
	[tilespmem:v52+s12+$0x0] =	vst.idx.msk $0xffff, v54  }
0x4d6: {  	v52 =	vor.u32 v33, v62;
	v48 =	vld.idx.msk [tilespmem:v57+s10+$0x0], $0xffff  }
0x4d7: {  	v58 =	vor.u32 v24, v41;
	[tilespmem:v56+s12+$0x0] =	vst.idx.msk $0xffff, v49;
	v56 =	vor.u32 v14, v43  }
0x4d8: {  	[tilespmem:v40+s12+$0x0] =	vst.idx.msk $0xffff, v42;
	v57 =	vld.idx.msk [tilespmem:v59+s10+$0x0], $0xffff;
	v59 =	vor.u32 v33, v56  }
0x4d9: {  	v38 =	vld.idx.msk [tilespmem:v38+s10+$0x0], $0xffff;
	v60 =	vor.u32 v19, v45;
	v61 =	vor.u32 v5, v35;
	[tilespmem:v46+s12+$0x0] =	vst.idx.msk $0xffff, v51  }
0x4da: {  	[tilespmem:v34+s12+$0x0] =	vst.idx.msk $0xffff, v44;
	v46 =	vor.u32 v33, v61;
	v44 =	vld.idx.msk [tilespmem:v63+s10+$0x0], $0xffff  }
0x4db: {  	v62 =	vor.u32 v9, v39;
	v40 =	vor.u32 v28, v37;
	[tilespmem:v52+s12+$0x0] =	vst.idx.msk $0xffff, v48  }
0x4dc: {  	v48 =	vor.u32 v33, v62;
	v42 =	vld.idx.msk [tilespmem:v58+s10+$0x0], $0xffff  }
0x4dd: {  	v49 =	vor.u32 v22, v41;
	v63 =	vor.u32 v13, v43;
	[tilespmem:v59+s12+$0x0] =	vst.idx.msk $0xffff, v57  }
0x4de: {  	[tilespmem:v36+s12+$0x0] =	vst.idx.msk $0xffff, v38;
	v36 =	vor.u32 v33, v63;
	v34 =	vld.idx.msk [tilespmem:v60+s10+$0x0], $0xffff  }
.LBB2_26:
0x4df: {  	s23 =	sadd.s32 $0x10, s23;
	v38 =	vor.u32 v20, v45;
	[tilespmem:v46+s12+$0x0] =	vst.idx.msk $0xffff, v44  }
0x4e0: {  	v46 =	vor.u32 v4, v35;
	v44 =	vadd.s32 s23, v47;
	p1 =	slt.u32 s23, $0x30;
	v40 =	vld.idx.msk [tilespmem:v40+s10+$0x0], $0xffff  }
0x4e1: {  	v50 =	vor.u32 v0, v44;
	[tilespmem:v48+s12+$0x0] =	vst.idx.msk $0xffff, v42;
	v42 =	vor.u32 v33, v46  }
0x4e2: {  	v48 =	vor.u32 v8, v39;
	v46 =	vld.idx.msk [tilespmem:v49+s10+$0x0], $0xffff;
	v49 =	vor.u32 v29, v37  }
0x4e3: {  	[tilespmem:v36+s12+$0x0] =	vst.idx.msk $0xffff, v34;
	v34 =	vor.u32 v33, v48  }
0x4e4: {  	v51 =	vor.u32 v25, v41;
	v36 =	vmov s23;
	v48 =	vor.u32 v12, v43;
	v38 =	vld.idx.msk [tilespmem:v38+s10+$0x0], $0xffff  }
0x4e5: {  	v36 =	vshll.u32 v36, $0x7;
	v48 =	vor.u32 v33, v48  }
0x4e6: {  	v53 =	vor.u32 v21, v45;
	v52 =	vor.u32 v16, v36;
	v50 =	vld.idx.msk [tilespmem:v50+s10+$0x0], $0xffff;
	[tilespmem:v42+s12+$0x0] =	vst.idx.msk $0xffff, v40  }
0x4e7: {  	v40 =	vor.u32 v33, v52;
	v42 =	vld.idx.msk [tilespmem:v49+s10+$0x0], $0xffff;
	v49 =	vor.u32 v3, v35  }
0x4e8: {  	v52 =	vor.u32 v17, v44;
	[tilespmem:v34+s12+$0x0] =	vst.idx.msk $0xffff, v46;
	v34 =	vor.u32 v33, v49  }
0x4e9: {  	v49 =	vor.u32 v7, v39;
	v46 =	vld.idx.msk [tilespmem:v51+s10+$0x0], $0xffff;
	v51 =	vor.u32 v30, v37  }
0x4ea: {  	[tilespmem:v48+s12+$0x0] =	vst.idx.msk $0xffff, v38;
	v38 =	vor.u32 v33, v49  }
0x4eb: {  	v49 =	vor.u32 v11, v43;
	v48 =	vld.idx.msk [tilespmem:v53+s10+$0x0], $0xffff;
	v53 =	vor.u32 v26, v41  }
0x4ec: {  	[tilespmem:v40+s12+$0x0] =	vst.idx.msk $0xffff, v50;
	v40 =	vor.u32 v33, v49  }
0x4ed: {  	v50 =	vor.u32 v15, v36;
	v49 =	vld.idx.msk [tilespmem:v52+s10+$0x0], $0xffff;
	v52 =	vor.u32 v23, v45;
	[tilespmem:v34+s12+$0x0] =	vst.idx.msk $0xffff, v42  }
0x4ee: {  	v34 =	vor.u32 v33, v50;
	v50 =	vor.u32 v2, v35;
	v42 =	vld.idx.msk [tilespmem:v51+s10+$0x0], $0xffff  }
0x4ef: {  	v51 =	vor.u32 v18, v44;
	[tilespmem:v38+s12+$0x0] =	vst.idx.msk $0xffff, v46;
	v38 =	vor.u32 v33, v50  }
0x4f0: {  	v50 =	vor.u32 v6, v39;
	v46 =	vld.idx.msk [tilespmem:v53+s10+$0x0], $0xffff;
	v53 =	vor.u32 v31, v37;
	v37 =	vmovc v41;
	v41 =	vmov v45  }
0x4f1: {  	v45 =	vmov v44;
	[tilespmem:v40+s12+$0x0] =	vst.idx.msk $0xffff, v48;
	v40 =	vor.u32 v33, v50  }
0x4f2: {  	v44 =	vor.u32 v10, v43;
	v50 =	vor.u32 v27, v37;
	v48 =	vld.idx.msk [tilespmem:v52+s10+$0x0], $0xffff  }
0x4f3: {  	[tilespmem:v34+s12+$0x0] =	vst.idx.msk $0xffff, v49;
	v34 =	vor.u32 v33, v44  }
0x4f4: {  	v44 =	vor.u32 v14, v36;
	v49 =	vld.idx.msk [tilespmem:v51+s10+$0x0], $0xffff;
	v51 =	vor.u32 v24, v41;
	[tilespmem:v38+s12+$0x0] =	vst.idx.msk $0xffff, v42  }
0x4f5: {  	v38 =	vor.u32 v33, v44;
	v42 =	vor.u32 v1, v35;
	v35 =	vmovc v39;
	v39 =	vmov v43;
	v52 =	vld.idx.msk [tilespmem:v53+s10+$0x0], $0xffff  }
0x4f6: {  	v43 =	vmov v36;
	v53 =	vor.u32 v19, v45;
	v54 =	vor.u32 v33, v42;
	[tilespmem:v40+s12+$0x0] =	vst.idx.msk $0xffff, v46  }
0x4f7: {  	v36 =	vor.u32 v5, v35;
	v44 =	vld.idx.msk [tilespmem:v50+s10+$0x0], $0xffff  }
.Ltmp11:
0x4f8: {  	v46 =	vor.u32 v33, v36;
	[tilespmem:v34+s12+$0x0] =	vst.idx.msk $0xffff, v48;
	(pc) =	sbr.rel @p1 .LBB2_26-.Ltmp11, $4  }
0x4f9: {  	v40 =	vor.u32 v28, v37;
	v34 =	vor.u32 v9, v39;
	v42 =	vld.idx.msk [tilespmem:v51+s10+$0x0], $0xffff  }
0x4fa: {  	v48 =	vor.u32 v33, v34;
	[tilespmem:v38+s12+$0x0] =	vst.idx.msk $0xffff, v49  }
0x4fb: {  	v36 =	vor.u32 v13, v43;
	v49 =	vor.u32 v22, v41;
	v34 =	vld.idx.msk [tilespmem:v53+s10+$0x0], $0xffff;
	[tilespmem:v54+s12+$0x0] =	vst.idx.msk $0xffff, v52  }
0x4fc: {  	v36 =	vor.u32 v33, v36  }
0x4fd: {  	_ =	sdelay $0x2  }
0x4fe: {  	v38 =	vor.u32 v20, v45;
	s23 =	sor.u32 $0x20, s22  }
0x4ff: {  	v47 =	vld.idx.msk [tilespmem:v32+s23+$0x0 ss:$0x1], $0xffff;
	_ =	sdelay $0x2  }
0x500: {  	v61 =	vor.u32 v12, v43;
	[tilespmem:v36+s12+$0x0] =	vst.idx.msk $0xffff, v34  }
0x501: {  	v34 =	vor.u32 v33, v61;
	v36 =	vld.idx.msk [tilespmem:v38+s10+$0x0], $0xffff  }
0x502: {  	v50 =	vor.u32 v21, v45;
	s24 =	simm.s32 $0x0;
	v47 =	vshll.u32 v47, $0x6  }
0x503: {  	v38 =	vadd.s32 s24, v47  }
0x504: {  	v51 =	vor.u32 v0, v38;
	_ =	sdelay $0x1  }
0x505: {  	v62 =	vor.u32 v11, v43;
	v52 =	vmov s24;
	[tilespmem:v34+s12+$0x0] =	vst.idx.msk $0xffff, v36  }
0x506: {  	v53 =	vor.u32 v33, v62;
	v36 =	vshll.u32 v52, $0x7;
	v50 =	vld.idx.msk [tilespmem:v50+s10+$0x0], $0xffff  }
0x507: {  	v63 =	vor.u32 v23, v45;
	v34 =	vor.u32 s23, v0;
	v54 =	vor.u32 v16, v36  }
0x508: {  	v54 =	vor.u32 v34, v54;
	v51 =	vld.idx.msk [tilespmem:v51+s10+$0x0], $0xffff  }
0x509: {  	v55 =	vor.u32 v17, v38;
	_ =	sdelay $0x1  }
0x50a: {  	v56 =	vor.u32 v10, v43;
	[tilespmem:v53+s12+$0x0] =	vst.idx.msk $0xffff, v50  }
0x50b: {  	v50 =	vor.u32 v33, v56;
	v52 =	vld.idx.msk [tilespmem:v63+s10+$0x0], $0xffff  }
0x50c: {  	v57 =	vor.u32 v24, v45;
	v58 =	vor.u32 v15, v36;
	[tilespmem:v54+s12+$0x0] =	vst.idx.msk $0xffff, v51  }
0x50d: {  	v51 =	vor.u32 v34, v58;
	v54 =	vld.idx.msk [tilespmem:v55+s10+$0x0], $0xffff  }
0x50e: {  	v59 =	vor.u32 v18, v38;
	_ =	sdelay $0x1  }
0x50f: {  	v60 =	vor.u32 v9, v43;
	[tilespmem:v50+s12+$0x0] =	vst.idx.msk $0xffff, v52  }
0x510: {  	v50 =	vor.u32 v33, v60;
	v52 =	vld.idx.msk [tilespmem:v57+s10+$0x0], $0xffff  }
0x511: {  	v61 =	vor.u32 v22, v45;
	v62 =	vor.u32 v14, v36;
	[tilespmem:v51+s12+$0x0] =	vst.idx.msk $0xffff, v54  }
0x512: {  	v51 =	vor.u32 v34, v62;
	v54 =	vld.idx.msk [tilespmem:v59+s10+$0x0], $0xffff  }
0x513: {  	[tilespmem:v48+s12+$0x0] =	vst.idx.msk $0xffff, v42;
	v63 =	vor.u32 v19, v38;
	v58 =	vor.u32 v8, v39  }
0x514: {  	[tilespmem:v46+s12+$0x0] =	vst.idx.msk $0xffff, v44;
	v48 =	vld.idx.msk [tilespmem:v49+s10+$0x0], $0xffff;
	v49 =	vor.u32 v33, v58;
	v57 =	vor.u32 v4, v35  }
0x515: {  	v40 =	vld.idx.msk [tilespmem:v40+s10+$0x0], $0xffff;
	v46 =	vor.u32 v33, v57;
	v59 =	vor.u32 v8, v43;
	[tilespmem:v50+s12+$0x0] =	vst.idx.msk $0xffff, v52  }
0x516: {  	v60 =	vor.u32 v33, v59;
	v50 =	vor.u32 v25, v41;
	v52 =	vld.idx.msk [tilespmem:v61+s10+$0x0], $0xffff  }
0x517: {  	v62 =	vor.u32 v13, v36;
	v61 =	vor.u32 v25, v45;
	[tilespmem:v51+s12+$0x0] =	vst.idx.msk $0xffff, v54  }
0x518: {  	s31 =	simm.s32 $0x10;
	v44 =	vld.idx.msk [tilespmem:v63+s10+$0x0], $0xffff;
	v63 =	vor.u32 v34, v62  }
0x519: {  	v42 =	vadd.s32 s31, v47;
	v56 =	vor.u32 v20, v38;
	[tilespmem:v49+s12+$0x0] =	vst.idx.msk $0xffff, v48;
	v59 =	vor.u32 v7, v39  }
0x51a: {  	v49 =	vor.u32 v0, v42;
	v48 =	vor.u32 v33, v59;
	[tilespmem:v46+s12+$0x0] =	vst.idx.msk $0xffff, v40  }
0x51b: {  	v46 =	vor.u32 v26, v41;
	v54 =	vor.u32 v29, v37;
	v50 =	vld.idx.msk [tilespmem:v50+s10+$0x0], $0xffff;
	[tilespmem:v60+s12+$0x0] =	vst.idx.msk $0xffff, v52  }
0x51c: {  	v62 =	vor.u32 v3, v35;
	v60 =	vor.u32 v7, v43;
	v53 =	vld.idx.msk [tilespmem:v61+s10+$0x0], $0xffff;
	v61 =	vmov s31  }
0x51d: {  	v52 =	vor.u32 v33, v60;
	[tilespmem:v63+s12+$0x0] =	vst.idx.msk $0xffff, v44;
	v63 =	vor.u32 v12, v36;
	v40 =	vshll.u32 v61, $0x7  }
0x51e: {  	v60 =	vor.u32 v26, v45;
	v56 =	vld.idx.msk [tilespmem:v56+s10+$0x0], $0xffff;
	v44 =	vor.u32 v34, v63;
	v57 =	vor.u32 v16, v40  }
0x51f: {  	v58 =	vor.u32 v21, v38;
	v49 =	vld.idx.msk [tilespmem:v49+s10+$0x0], $0xffff;
	v55 =	vor.u32 v33, v62;
	v57 =	vor.u32 v34, v57  }
0x520: {  	v62 =	vor.u32 v17, v42;
	v54 =	vld.idx.msk [tilespmem:v54+s10+$0x0], $0xffff;
	v61 =	vor.u32 v6, v39;
	[tilespmem:v48+s12+$0x0] =	vst.idx.msk $0xffff, v50  }
0x521: {  	v59 =	vor.u32 v27, v41;
	v63 =	vor.u32 v6, v43;
	v48 =	vor.u32 v33, v61;
	v46 =	vld.idx.msk [tilespmem:v46+s10+$0x0], $0xffff  }
0x522: {  	v61 =	vor.u32 v15, v40;
	[tilespmem:v52+s12+$0x0] =	vst.idx.msk $0xffff, v53;
	v53 =	vor.u32 v30, v37  }
0x523: {  	v52 =	vor.u32 v33, v63;
	v51 =	vld.idx.msk [tilespmem:v60+s10+$0x0], $0xffff;
	v60 =	vor.u32 v11, v36;
	[tilespmem:v44+s12+$0x0] =	vst.idx.msk $0xffff, v56  }
0x524: {  	v44 =	vor.u32 v27, v45;
	v58 =	vld.idx.msk [tilespmem:v58+s10+$0x0], $0xffff;
	[tilespmem:v57+s12+$0x0] =	vst.idx.msk $0xffff, v49;
	v49 =	vor.u32 v34, v60  }
0x525: {  	[tilespmem:v55+s12+$0x0] =	vst.idx.msk $0xffff, v54;
	v54 =	vor.u32 v23, v38;
	v55 =	vor.u32 v34, v61;
	v50 =	vld.idx.msk [tilespmem:v62+s10+$0x0], $0xffff  }
0x526: {  	[tilespmem:v48+s12+$0x0] =	vst.idx.msk $0xffff, v46;
	v62 =	vor.u32 v5, v39;
	v48 =	vor.u32 v18, v42  }
0x527: {  	v61 =	vor.u32 v10, v36;
	v56 =	vor.u32 v2, v35;
	v63 =	vld.idx.msk [tilespmem:v59+s10+$0x0], $0xffff;
	v46 =	vor.u32 v33, v62  }
0x528: {  	v60 =	vor.u32 v5, v43;
	[tilespmem:v52+s12+$0x0] =	vst.idx.msk $0xffff, v51;
	v51 =	vor.u32 v28, v41  }
0x529: {  	v59 =	vor.u32 v28, v45;
	v52 =	vor.u32 v33, v60;
	v44 =	vld.idx.msk [tilespmem:v44+s10+$0x0], $0xffff;
	[tilespmem:v49+s12+$0x0] =	vst.idx.msk $0xffff, v58  }
0x52a: {  	v62 =	vor.u32 v14, v40;
	v49 =	vor.u32 v34, v61;
	v54 =	vld.idx.msk [tilespmem:v54+s10+$0x0], $0xffff;
	[tilespmem:v55+s12+$0x0] =	vst.idx.msk $0xffff, v50  }
0x52b: {  	v55 =	vor.u32 v33, v56;
	v56 =	vor.u32 v24, v38;
	v50 =	vor.u32 v34, v62;
	v48 =	vld.idx.msk [tilespmem:v48+s10+$0x0], $0xffff  }
0x52c: {  	v60 =	vor.u32 v19, v42;
	[tilespmem:v46+s12+$0x0] =	vst.idx.msk $0xffff, v63;
	v63 =	vor.u32 v4, v39  }
0x52d: {  	v61 =	vor.u32 v4, v43;
	v51 =	vld.idx.msk [tilespmem:v51+s10+$0x0], $0xffff;
	v46 =	vor.u32 v33, v63  }
0x52e: {  	v53 =	vld.idx.msk [tilespmem:v53+s10+$0x0], $0xffff;
	v62 =	vor.u32 v29, v41;
	v63 =	vor.u32 v9, v36;
	[tilespmem:v52+s12+$0x0] =	vst.idx.msk $0xffff, v44  }
0x52f: {  	v52 =	vor.u32 v33, v61;
	v58 =	vld.idx.msk [tilespmem:v59+s10+$0x0], $0xffff;
	v59 =	vor.u32 v29, v45;
	[tilespmem:v49+s12+$0x0] =	vst.idx.msk $0xffff, v54  }
0x530: {  	v54 =	vld.idx.msk [tilespmem:v56+s10+$0x0], $0xffff;
	[tilespmem:v50+s12+$0x0] =	vst.idx.msk $0xffff, v48;
	v48 =	vor.u32 v34, v63;
	v56 =	vor.u32 v13, v40  }
0x531: {  	v57 =	vor.u32 v30, v41;
	v50 =	vld.idx.msk [tilespmem:v60+s10+$0x0], $0xffff;
	v60 =	vor.u32 v22, v38;
	v49 =	vor.u32 v34, v56  }
0x532: {  	s23 =	simm.s32 $0x20;
	v61 =	vor.u32 v3, v39;
	[tilespmem:v46+s12+$0x0] =	vst.idx.msk $0xffff, v51;
	v51 =	vor.u32 v20, v42  }
0x533: {  	[tilespmem:v55+s12+$0x0] =	vst.idx.msk $0xffff, v53;
	v46 =	vadd.s32 s23, v47;
	v55 =	vld.idx.msk [tilespmem:v62+s10+$0x0], $0xffff;
	v62 =	vor.u32 v33, v61  }
0x534: {  	v63 =	vor.u32 v3, v43;
	[tilespmem:v52+s12+$0x0] =	vst.idx.msk $0xffff, v58;
	v52 =	vor.u32 v0, v46  }
0x535: {  	v58 =	vld.idx.msk [tilespmem:v59+s10+$0x0], $0xffff;
	v59 =	vor.u32 v33, v63;
	[tilespmem:v48+s12+$0x0] =	vst.idx.msk $0xffff, v54;
	v54 =	vor.u32 v8, v36  }
0x536: {  	v61 =	vor.u32 v12, v40;
	v48 =	vld.idx.msk [tilespmem:v60+s10+$0x0], $0xffff;
	[tilespmem:v49+s12+$0x0] =	vst.idx.msk $0xffff, v50;
	v49 =	vor.u32 v34, v54;
	v60 =	vmov s23  }
0x537: {  	v53 =	vor.u32 v30, v45;
	v50 =	vor.u32 v34, v61;
	v51 =	vld.idx.msk [tilespmem:v51+s10+$0x0], $0xffff;
	v44 =	vshll.u32 v60, $0x7  }
0x538: {  	[tilespmem:v62+s12+$0x0] =	vst.idx.msk $0xffff, v55;
	v60 =	vor.u32 v25, v38;
	v62 =	vor.u32 v16, v44  }
0x539: {  	v63 =	vor.u32 v2, v39;
	v61 =	vor.u32 v21, v42;
	v52 =	vld.idx.msk [tilespmem:v52+s10+$0x0], $0xffff;
	v54 =	vor.u32 v34, v62  }
0x53a: {  	v37 =	vor.u32 v31, v37;
	v55 =	vor.u32 v33, v63;
	v57 =	vld.idx.msk [tilespmem:v57+s10+$0x0], $0xffff;
	[tilespmem:v59+s12+$0x0] =	vst.idx.msk $0xffff, v58  }
0x53b: {  	v63 =	vor.u32 v17, v46;
	v62 =	vor.u32 v2, v43;
	[tilespmem:v49+s12+$0x0] =	vst.idx.msk $0xffff, v48  }
0x53c: {  	v59 =	vor.u32 v7, v36;
	v48 =	vor.u32 v33, v62;
	[tilespmem:v50+s12+$0x0] =	vst.idx.msk $0xffff, v51;
	v50 =	vld.idx.msk [tilespmem:v53+s10+$0x0], $0xffff  }
0x53d: {  	v45 =	vor.u32 v31, v45;
	v53 =	vld.idx.msk [tilespmem:v60+s10+$0x0], $0xffff;
	v51 =	vor.u32 v34, v59;
	v60 =	vor.u32 v11, v40  }
0x53e: {  	v62 =	vor.u32 v26, v38;
	[tilespmem:v54+s12+$0x0] =	vst.idx.msk $0xffff, v52;
	v54 =	vld.idx.msk [tilespmem:v61+s10+$0x0], $0xffff;
	v52 =	vor.u32 v34, v60  }
0x53f: {  	v41 =	vor.u32 v31, v41;
	[tilespmem:v55+s12+$0x0] =	vst.idx.msk $0xffff, v57;
	v57 =	vor.u32 v23, v42  }
0x540: {  	v58 =	vor.u32 v1, v39;
	v59 =	vor.u32 v18, v46;
	v61 =	vor.u32 v15, v44  }
0x541: {  	v60 =	vor.u32 v1, v43;
	v49 =	vld.idx.msk [tilespmem:v63+s10+$0x0], $0xffff;
	v56 =	vor.u32 v34, v61;
	[tilespmem:v48+s12+$0x0] =	vst.idx.msk $0xffff, v50  }
0x542: {  	v63 =	vor.u32 v1, v35;
	v61 =	vor.u32 v6, v36;
	[tilespmem:v51+s12+$0x0] =	vst.idx.msk $0xffff, v53;
	v43 =	vld.idx.msk [tilespmem:v45+s10+$0x0], $0xffff  }
0x543: {  	v51 =	vld.idx.msk [tilespmem:v62+s10+$0x0], $0xffff;
	v45 =	vor.u32 v34, v61;
	v62 =	vor.u32 v10, v40;
	[tilespmem:v52+s12+$0x0] =	vst.idx.msk $0xffff, v54  }
0x544: {  	v35 =	vor.u32 v33, v63;
	v63 =	vor.u32 v27, v38;
	v52 =	vor.u32 v34, v62;
	v48 =	vld.idx.msk [tilespmem:v57+s10+$0x0], $0xffff  }
0x545: {  	v39 =	vor.u32 v33, v58;
	v41 =	vld.idx.msk [tilespmem:v41+s10+$0x0], $0xffff  }
0x546: {  	v37 =	vld.idx.msk [tilespmem:v37+s10+$0x0], $0xffff;
	v58 =	vor.u32 v24, v42;
	[tilespmem:v56+s12+$0x0] =	vst.idx.msk $0xffff, v49;
	v56 =	vor.u32 v14, v44  }
0x547: {  	v33 =	vor.u32 v33, v60;
	v57 =	vld.idx.msk [tilespmem:v59+s10+$0x0], $0xffff;
	v59 =	vor.u32 v34, v56  }
0x548: {  	v60 =	vor.u32 v19, v46;
	v61 =	vor.u32 v5, v36;
	[tilespmem:v45+s12+$0x0] =	vst.idx.msk $0xffff, v51  }
0x549: {  	v45 =	vld.idx.msk [tilespmem:v63+s10+$0x0], $0xffff;
	[tilespmem:v52+s12+$0x0] =	vst.idx.msk $0xffff, v48;
	v48 =	vor.u32 v34, v61  }
0x54a: {  	[tilespmem:v39+s12+$0x0] =	vst.idx.msk $0xffff, v41;
	v62 =	vor.u32 v9, v40;
	v39 =	vor.u32 v28, v38  }
0x54b: {  	v49 =	vor.u32 v34, v62;
	[tilespmem:v35+s12+$0x0] =	vst.idx.msk $0xffff, v37;
	v41 =	vld.idx.msk [tilespmem:v58+s10+$0x0], $0xffff  }
0x54c: {  	v50 =	vor.u32 v22, v42;
	v63 =	vor.u32 v13, v44;
	[tilespmem:v59+s12+$0x0] =	vst.idx.msk $0xffff, v57  }
0x54d: {  	[tilespmem:v33+s12+$0x0] =	vst.idx.msk $0xffff, v43;
	v35 =	vor.u32 v34, v63;
	v33 =	vld.idx.msk [tilespmem:v60+s10+$0x0], $0xffff  }
.LBB2_28:
0x54e: {  	s23 =	sadd.s32 $0x10, s23;
	v37 =	vor.u32 v20, v46;
	[tilespmem:v48+s12+$0x0] =	vst.idx.msk $0xffff, v45  }
0x54f: {  	v45 =	vor.u32 v4, v36;
	v43 =	vadd.s32 s23, v47;
	p1 =	slt.u32 s23, $0x30;
	v39 =	vld.idx.msk [tilespmem:v39+s10+$0x0], $0xffff  }
0x550: {  	v48 =	vor.u32 v0, v43;
	[tilespmem:v49+s12+$0x0] =	vst.idx.msk $0xffff, v41;
	v41 =	vor.u32 v34, v45  }
0x551: {  	v49 =	vor.u32 v8, v40;
	v45 =	vld.idx.msk [tilespmem:v50+s10+$0x0], $0xffff;
	v50 =	vor.u32 v29, v38  }
0x552: {  	[tilespmem:v35+s12+$0x0] =	vst.idx.msk $0xffff, v33;
	v33 =	vor.u32 v34, v49  }
0x553: {  	v51 =	vor.u32 v25, v42;
	v35 =	vmov s23;
	v49 =	vor.u32 v12, v44;
	v37 =	vld.idx.msk [tilespmem:v37+s10+$0x0], $0xffff  }
0x554: {  	v35 =	vshll.u32 v35, $0x7;
	v49 =	vor.u32 v34, v49  }
0x555: {  	v53 =	vor.u32 v21, v46;
	v52 =	vor.u32 v16, v35;
	v48 =	vld.idx.msk [tilespmem:v48+s10+$0x0], $0xffff;
	[tilespmem:v41+s12+$0x0] =	vst.idx.msk $0xffff, v39  }
0x556: {  	v39 =	vor.u32 v34, v52;
	v41 =	vld.idx.msk [tilespmem:v50+s10+$0x0], $0xffff;
	v50 =	vor.u32 v3, v36  }
0x557: {  	v52 =	vor.u32 v17, v43;
	[tilespmem:v33+s12+$0x0] =	vst.idx.msk $0xffff, v45;
	v33 =	vor.u32 v34, v50  }
0x558: {  	v50 =	vor.u32 v7, v40;
	v45 =	vld.idx.msk [tilespmem:v51+s10+$0x0], $0xffff;
	v51 =	vor.u32 v30, v38  }
0x559: {  	[tilespmem:v49+s12+$0x0] =	vst.idx.msk $0xffff, v37;
	v37 =	vor.u32 v34, v50  }
0x55a: {  	v50 =	vor.u32 v11, v44;
	v49 =	vld.idx.msk [tilespmem:v53+s10+$0x0], $0xffff;
	v53 =	vor.u32 v26, v42  }
0x55b: {  	[tilespmem:v39+s12+$0x0] =	vst.idx.msk $0xffff, v48;
	v39 =	vor.u32 v34, v50  }
0x55c: {  	v50 =	vor.u32 v15, v35;
	v48 =	vld.idx.msk [tilespmem:v52+s10+$0x0], $0xffff;
	v52 =	vor.u32 v23, v46;
	[tilespmem:v33+s12+$0x0] =	vst.idx.msk $0xffff, v41  }
0x55d: {  	v33 =	vor.u32 v34, v50;
	v50 =	vor.u32 v2, v36;
	v41 =	vld.idx.msk [tilespmem:v51+s10+$0x0], $0xffff  }
0x55e: {  	v51 =	vor.u32 v18, v43;
	[tilespmem:v37+s12+$0x0] =	vst.idx.msk $0xffff, v45;
	v37 =	vor.u32 v34, v50  }
0x55f: {  	v50 =	vor.u32 v6, v40;
	v45 =	vld.idx.msk [tilespmem:v53+s10+$0x0], $0xffff;
	v53 =	vor.u32 v31, v38;
	v38 =	vmovc v42;
	v42 =	vmov v46  }
0x560: {  	v46 =	vmov v43;
	[tilespmem:v39+s12+$0x0] =	vst.idx.msk $0xffff, v49;
	v39 =	vor.u32 v34, v50  }
0x561: {  	v49 =	vor.u32 v10, v44;
	v50 =	vor.u32 v27, v38;
	v43 =	vld.idx.msk [tilespmem:v52+s10+$0x0], $0xffff  }
0x562: {  	[tilespmem:v33+s12+$0x0] =	vst.idx.msk $0xffff, v48;
	v33 =	vor.u32 v34, v49  }
0x563: {  	v48 =	vor.u32 v14, v35;
	v49 =	vld.idx.msk [tilespmem:v51+s10+$0x0], $0xffff;
	v51 =	vor.u32 v24, v42;
	[tilespmem:v37+s12+$0x0] =	vst.idx.msk $0xffff, v41  }
0x564: {  	v37 =	vor.u32 v34, v48;
	v41 =	vor.u32 v1, v36;
	v36 =	vmovc v40;
	v40 =	vmov v44;
	v52 =	vld.idx.msk [tilespmem:v53+s10+$0x0], $0xffff  }
0x565: {  	v44 =	vmov v35;
	v53 =	vor.u32 v19, v46;
	v54 =	vor.u32 v34, v41;
	[tilespmem:v39+s12+$0x0] =	vst.idx.msk $0xffff, v45  }
0x566: {  	v35 =	vor.u32 v5, v36;
	v45 =	vld.idx.msk [tilespmem:v50+s10+$0x0], $0xffff  }
.Ltmp12:
0x567: {  	v48 =	vor.u32 v34, v35;
	[tilespmem:v33+s12+$0x0] =	vst.idx.msk $0xffff, v43;
	(pc) =	sbr.rel @p1 .LBB2_28-.Ltmp12, $4  }
0x568: {  	v39 =	vor.u32 v28, v38;
	v33 =	vor.u32 v9, v40;
	v41 =	vld.idx.msk [tilespmem:v51+s10+$0x0], $0xffff  }
0x569: {  	[tilespmem:v37+s12+$0x0] =	vst.idx.msk $0xffff, v49;
	v49 =	vor.u32 v34, v33  }
0x56a: {  	v35 =	vor.u32 v13, v44;
	v50 =	vor.u32 v22, v42;
	v33 =	vld.idx.msk [tilespmem:v53+s10+$0x0], $0xffff;
	[tilespmem:v54+s12+$0x0] =	vst.idx.msk $0xffff, v52  }
0x56b: {  	v35 =	vor.u32 v34, v35  }
0x56c: {  	_ =	sdelay $0x2  }
0x56d: {  	v37 =	vor.u32 v20, v46;
	s22 =	sor.u32 $0x30, s22  }
0x56e: {  	v43 =	vld.idx.msk [tilespmem:v32+s22+$0x0 ss:$0x1], $0xffff;
	_ =	sdelay $0x2  }
0x56f: {  	v61 =	vor.u32 v12, v44;
	[tilespmem:v35+s12+$0x0] =	vst.idx.msk $0xffff, v33  }
0x570: {  	v33 =	vor.u32 v34, v61;
	v35 =	vld.idx.msk [tilespmem:v37+s10+$0x0], $0xffff  }
0x571: {  	v47 =	vor.u32 v21, v46;
	s23 =	simm.s32 $0x0;
	v43 =	vshll.u32 v43, $0x6  }
0x572: {  	v37 =	vadd.s32 s23, v43  }
0x573: {  	v51 =	vor.u32 v0, v37;
	_ =	sdelay $0x1  }
0x574: {  	v62 =	vor.u32 v11, v44;
	v52 =	vmov s23;
	[tilespmem:v33+s12+$0x0] =	vst.idx.msk $0xffff, v35  }
0x575: {  	v53 =	vor.u32 v34, v62;
	v35 =	vshll.u32 v52, $0x7;
	v47 =	vld.idx.msk [tilespmem:v47+s10+$0x0], $0xffff  }
0x576: {  	v63 =	vor.u32 v23, v46;
	v33 =	vor.u32 s22, v0;
	v54 =	vor.u32 v16, v35  }
0x577: {  	v54 =	vor.u32 v33, v54;
	v51 =	vld.idx.msk [tilespmem:v51+s10+$0x0], $0xffff  }
0x578: {  	v55 =	vor.u32 v17, v37;
	_ =	sdelay $0x1  }
0x579: {  	v57 =	vor.u32 v10, v44;
	[tilespmem:v53+s12+$0x0] =	vst.idx.msk $0xffff, v47  }
0x57a: {  	v47 =	vor.u32 v34, v57;
	v52 =	vld.idx.msk [tilespmem:v63+s10+$0x0], $0xffff  }
0x57b: {  	v58 =	vor.u32 v24, v46;
	v59 =	vor.u32 v15, v35;
	[tilespmem:v54+s12+$0x0] =	vst.idx.msk $0xffff, v51  }
0x57c: {  	v51 =	vor.u32 v33, v59;
	v54 =	vld.idx.msk [tilespmem:v55+s10+$0x0], $0xffff  }
0x57d: {  	v60 =	vor.u32 v18, v37;
	_ =	sdelay $0x1  }
0x57e: {  	v61 =	vor.u32 v9, v44;
	[tilespmem:v47+s12+$0x0] =	vst.idx.msk $0xffff, v52  }
0x57f: {  	v47 =	vor.u32 v34, v61;
	v52 =	vld.idx.msk [tilespmem:v58+s10+$0x0], $0xffff  }
0x580: {  	v62 =	vor.u32 v22, v46;
	v63 =	vor.u32 v14, v35;
	[tilespmem:v51+s12+$0x0] =	vst.idx.msk $0xffff, v54  }
0x581: {  	v51 =	vor.u32 v33, v63;
	v54 =	vld.idx.msk [tilespmem:v60+s10+$0x0], $0xffff  }
0x582: {  	[tilespmem:v49+s12+$0x0] =	vst.idx.msk $0xffff, v41;
	v57 =	vor.u32 v19, v37;
	v59 =	vor.u32 v8, v40  }
0x583: {  	v49 =	vld.idx.msk [tilespmem:v50+s10+$0x0], $0xffff;
	v41 =	vor.u32 v34, v59  }
0x584: {  	v61 =	vor.u32 v25, v42;
	v60 =	vor.u32 v8, v44;
	[tilespmem:v47+s12+$0x0] =	vst.idx.msk $0xffff, v52  }
0x585: {  	[tilespmem:v48+s12+$0x0] =	vst.idx.msk $0xffff, v45;
	v58 =	vor.u32 v4, v36;
	v47 =	vor.u32 v34, v60;
	v52 =	vld.idx.msk [tilespmem:v62+s10+$0x0], $0xffff  }
0x586: {  	v59 =	vor.u32 v13, v35;
	v48 =	vor.u32 v34, v58;
	v62 =	vld.idx.msk [tilespmem:v39+s10+$0x0], $0xffff;
	[tilespmem:v51+s12+$0x0] =	vst.idx.msk $0xffff, v54  }
0x587: {  	s31 =	simm.s32 $0x10;
	v63 =	vor.u32 v25, v46;
	v51 =	vor.u32 v33, v59;
	v45 =	vld.idx.msk [tilespmem:v57+s10+$0x0], $0xffff  }
0x588: {  	v56 =	vor.u32 v20, v37;
	[tilespmem:v41+s12+$0x0] =	vst.idx.msk $0xffff, v49;
	v58 =	vor.u32 v21, v37;
	v39 =	vadd.s32 s31, v43  }
0x589: {  	v50 =	vld.idx.msk [tilespmem:v61+s10+$0x0], $0xffff;
	v61 =	vor.u32 v7, v44;
	v60 =	vor.u32 v7, v40;
	v49 =	vor.u32 v0, v39  }
0x58a: {  	v54 =	vor.u32 v29, v38;
	v57 =	vor.u32 v34, v60;
	[tilespmem:v47+s12+$0x0] =	vst.idx.msk $0xffff, v52  }
0x58b: {  	v59 =	vor.u32 v12, v35;
	[tilespmem:v48+s12+$0x0] =	vst.idx.msk $0xffff, v62;
	v47 =	vor.u32 v26, v42;
	v62 =	vmov s31  }
0x58c: {  	v52 =	vor.u32 v34, v61;
	v48 =	vld.idx.msk [tilespmem:v63+s10+$0x0], $0xffff;
	v41 =	vshll.u32 v62, $0x7;
	[tilespmem:v51+s12+$0x0] =	vst.idx.msk $0xffff, v45  }
0x58d: {  	v51 =	vor.u32 v26, v46;
	v45 =	vor.u32 v33, v59;
	v60 =	vor.u32 v16, v41;
	v55 =	vld.idx.msk [tilespmem:v56+s10+$0x0], $0xffff  }
0x58e: {  	v61 =	vor.u32 v6, v40;
	v63 =	vor.u32 v3, v36;
	v49 =	vld.idx.msk [tilespmem:v49+s10+$0x0], $0xffff;
	v56 =	vor.u32 v33, v60  }
0x58f: {  	v54 =	vld.idx.msk [tilespmem:v54+s10+$0x0], $0xffff;
	v62 =	vor.u32 v17, v39;
	v53 =	vor.u32 v34, v63;
	[tilespmem:v57+s12+$0x0] =	vst.idx.msk $0xffff, v50  }
0x590: {  	v50 =	vor.u32 v34, v61;
	v63 =	vor.u32 v6, v44;
	v59 =	vor.u32 v27, v42;
	v47 =	vld.idx.msk [tilespmem:v47+s10+$0x0], $0xffff  }
0x591: {  	v61 =	vor.u32 v15, v41;
	v60 =	vor.u32 v11, v35;
	[tilespmem:v52+s12+$0x0] =	vst.idx.msk $0xffff, v48  }
0x592: {  	v52 =	vor.u32 v30, v38;
	v48 =	vor.u32 v34, v63;
	v51 =	vld.idx.msk [tilespmem:v51+s10+$0x0], $0xffff;
	[tilespmem:v45+s12+$0x0] =	vst.idx.msk $0xffff, v55  }
0x593: {  	v45 =	vor.u32 v27, v46;
	[tilespmem:v56+s12+$0x0] =	vst.idx.msk $0xffff, v49;
	v49 =	vor.u32 v33, v60;
	v58 =	vld.idx.msk [tilespmem:v58+s10+$0x0], $0xffff  }
0x594: {  	[tilespmem:v53+s12+$0x0] =	vst.idx.msk $0xffff, v54;
	v54 =	vor.u32 v23, v37;
	v55 =	vor.u32 v33, v61;
	v53 =	vld.idx.msk [tilespmem:v62+s10+$0x0], $0xffff  }
0x595: {  	v62 =	vor.u32 v5, v40;
	[tilespmem:v50+s12+$0x0] =	vst.idx.msk $0xffff, v47;
	v50 =	vor.u32 v18, v39  }
0x596: {  	v56 =	vor.u32 v2, v36;
	v60 =	vor.u32 v5, v44;
	v47 =	vor.u32 v34, v62;
	v63 =	vld.idx.msk [tilespmem:v59+s10+$0x0], $0xffff  }
0x597: {  	v61 =	vor.u32 v10, v35;
	[tilespmem:v48+s12+$0x0] =	vst.idx.msk $0xffff, v51;
	v48 =	vor.u32 v28, v42  }
0x598: {  	v62 =	vor.u32 v14, v41;
	v51 =	vor.u32 v34, v60;
	v45 =	vld.idx.msk [tilespmem:v45+s10+$0x0], $0xffff;
	[tilespmem:v49+s12+$0x0] =	vst.idx.msk $0xffff, v58  }
0x599: {  	v59 =	vor.u32 v28, v46;
	[tilespmem:v55+s12+$0x0] =	vst.idx.msk $0xffff, v53;
	v49 =	vor.u32 v33, v61;
	v54 =	vld.idx.msk [tilespmem:v54+s10+$0x0], $0xffff  }
0x59a: {  	v55 =	vor.u32 v34, v56;
	v56 =	vor.u32 v24, v37;
	v53 =	vor.u32 v33, v62;
	v50 =	vld.idx.msk [tilespmem:v50+s10+$0x0], $0xffff  }
0x59b: {  	v52 =	vld.idx.msk [tilespmem:v52+s10+$0x0], $0xffff;
	v60 =	vor.u32 v19, v39;
	[tilespmem:v47+s12+$0x0] =	vst.idx.msk $0xffff, v63;
	v63 =	vor.u32 v4, v40  }
0x59c: {  	v57 =	vor.u32 v30, v42;
	v61 =	vor.u32 v4, v44;
	v48 =	vld.idx.msk [tilespmem:v48+s10+$0x0], $0xffff;
	v47 =	vor.u32 v34, v63  }
0x59d: {  	v62 =	vor.u32 v29, v42;
	v63 =	vor.u32 v9, v35;
	[tilespmem:v51+s12+$0x0] =	vst.idx.msk $0xffff, v45  }
0x59e: {  	v51 =	vor.u32 v34, v61;
	v58 =	vld.idx.msk [tilespmem:v59+s10+$0x0], $0xffff;
	v59 =	vor.u32 v29, v46;
	[tilespmem:v49+s12+$0x0] =	vst.idx.msk $0xffff, v54  }
0x59f: {  	[tilespmem:v53+s12+$0x0] =	vst.idx.msk $0xffff, v50;
	v49 =	vor.u32 v33, v63;
	v54 =	vld.idx.msk [tilespmem:v56+s10+$0x0], $0xffff;
	v56 =	vor.u32 v13, v41  }
0x5a0: {  	[tilespmem:v55+s12+$0x0] =	vst.idx.msk $0xffff, v52;
	v52 =	vld.idx.msk [tilespmem:v60+s10+$0x0], $0xffff;
	v60 =	vor.u32 v22, v37;
	v50 =	vor.u32 v33, v56  }
0x5a1: {  	s22 =	simm.s32 $0x20;
	v61 =	vor.u32 v3, v40;
	[tilespmem:v47+s12+$0x0] =	vst.idx.msk $0xffff, v48;
	v48 =	vor.u32 v20, v39  }
0x5a2: {  	v38 =	vor.u32 v31, v38;
	v45 =	vadd.s32 s22, v43;
	v55 =	vld.idx.msk [tilespmem:v62+s10+$0x0], $0xffff;
	v62 =	vor.u32 v34, v61  }
0x5a3: {  	v63 =	vor.u32 v3, v44;
	[tilespmem:v51+s12+$0x0] =	vst.idx.msk $0xffff, v58;
	v51 =	vor.u32 v0, v45  }
0x5a4: {  	v58 =	vld.idx.msk [tilespmem:v59+s10+$0x0], $0xffff;
	v59 =	vor.u32 v34, v63;
	[tilespmem:v49+s12+$0x0] =	vst.idx.msk $0xffff, v54;
	v54 =	vor.u32 v8, v35  }
0x5a5: {  	v61 =	vor.u32 v12, v41;
	v49 =	vld.idx.msk [tilespmem:v60+s10+$0x0], $0xffff;
	[tilespmem:v50+s12+$0x0] =	vst.idx.msk $0xffff, v52;
	v50 =	vor.u32 v33, v54;
	v60 =	vmov s22  }
0x5a6: {  	v53 =	vor.u32 v30, v46;
	v52 =	vor.u32 v33, v61;
	v48 =	vld.idx.msk [tilespmem:v48+s10+$0x0], $0xffff;
	v47 =	vshll.u32 v60, $0x7  }
0x5a7: {  	[tilespmem:v62+s12+$0x0] =	vst.idx.msk $0xffff, v55;
	v60 =	vor.u32 v25, v37;
	v62 =	vor.u32 v16, v47  }
0x5a8: {  	v63 =	vor.u32 v2, v40;
	v61 =	vor.u32 v21, v39;
	v51 =	vld.idx.msk [tilespmem:v51+s10+$0x0], $0xffff;
	v54 =	vor.u32 v33, v62  }
0x5a9: {  	v42 =	vor.u32 v31, v42;
	v55 =	vor.u32 v34, v63;
	v57 =	vld.idx.msk [tilespmem:v57+s10+$0x0], $0xffff;
	[tilespmem:v59+s12+$0x0] =	vst.idx.msk $0xffff, v58  }
0x5aa: {  	v63 =	vor.u32 v17, v45;
	v62 =	vor.u32 v2, v44;
	[tilespmem:v50+s12+$0x0] =	vst.idx.msk $0xffff, v49  }
0x5ab: {  	v59 =	vor.u32 v7, v35;
	v49 =	vor.u32 v34, v62;
	[tilespmem:v52+s12+$0x0] =	vst.idx.msk $0xffff, v48;
	v48 =	vld.idx.msk [tilespmem:v53+s10+$0x0], $0xffff  }
0x5ac: {  	v46 =	vor.u32 v31, v46;
	v53 =	vld.idx.msk [tilespmem:v60+s10+$0x0], $0xffff;
	v52 =	vor.u32 v33, v59;
	v60 =	vor.u32 v11, v41  }
0x5ad: {  	v62 =	vor.u32 v26, v37;
	[tilespmem:v54+s12+$0x0] =	vst.idx.msk $0xffff, v51;
	v54 =	vld.idx.msk [tilespmem:v61+s10+$0x0], $0xffff;
	v51 =	vor.u32 v33, v60  }
0x5ae: {  	[tilespmem:v55+s12+$0x0] =	vst.idx.msk $0xffff, v57;
	v57 =	vor.u32 v23, v39;
	v61 =	vor.u32 v15, v47  }
0x5af: {  	v58 =	vor.u32 v1, v40;
	v59 =	vor.u32 v18, v45;
	v50 =	vld.idx.msk [tilespmem:v63+s10+$0x0], $0xffff;
	v56 =	vor.u32 v33, v61  }
0x5b0: {  	v38 =	vld.idx.msk [tilespmem:v38+s10+$0x0], $0xffff;
	v60 =	vor.u32 v1, v44;
	v63 =	vor.u32 v1, v36;
	[tilespmem:v49+s12+$0x0] =	vst.idx.msk $0xffff, v48  }
0x5b1: {  	v61 =	vor.u32 v6, v35;
	v36 =	vor.u32 v34, v63;
	[tilespmem:v52+s12+$0x0] =	vst.idx.msk $0xffff, v53;
	v44 =	vld.idx.msk [tilespmem:v46+s10+$0x0], $0xffff  }
0x5b2: {  	v40 =	vor.u32 v34, v58;
	v62 =	vld.idx.msk [tilespmem:v62+s10+$0x0], $0xffff;
	v46 =	vor.u32 v33, v61;
	[tilespmem:v51+s12+$0x0] =	vst.idx.msk $0xffff, v54  }
0x5b3: {  	v34 =	vor.u32 v34, v60;
	v63 =	vor.u32 v10, v41;
	v48 =	vld.idx.msk [tilespmem:v57+s10+$0x0], $0xffff;
	v57 =	vor.u32 v27, v37  }
0x5b4: {  	v42 =	vld.idx.msk [tilespmem:v42+s10+$0x0], $0xffff;
	v52 =	vor.u32 v33, v63;
	[tilespmem:v56+s12+$0x0] =	vst.idx.msk $0xffff, v50  }
0x5b5: {  	v58 =	vor.u32 v14, v47;
	v49 =	vld.idx.msk [tilespmem:v59+s10+$0x0], $0xffff;
	v59 =	vor.u32 v24, v39  }
0x5b6: {  	v53 =	vor.u32 v33, v58;
	[tilespmem:v36+s12+$0x0] =	vst.idx.msk $0xffff, v38  }
0x5b7: {  	v60 =	vor.u32 v19, v45;
	v61 =	vor.u32 v5, v35;
	[tilespmem:v46+s12+$0x0] =	vst.idx.msk $0xffff, v62  }
0x5b8: {  	v36 =	vor.u32 v33, v61;
	[tilespmem:v34+s12+$0x0] =	vst.idx.msk $0xffff, v44;
	v34 =	vld.idx.msk [tilespmem:v57+s10+$0x0], $0xffff  }
0x5b9: {  	v38 =	vor.u32 v28, v37;
	v62 =	vor.u32 v9, v41;
	[tilespmem:v52+s12+$0x0] =	vst.idx.msk $0xffff, v48  }
0x5ba: {  	[tilespmem:v40+s12+$0x0] =	vst.idx.msk $0xffff, v42;
	v42 =	vor.u32 v33, v62;
	v40 =	vld.idx.msk [tilespmem:v59+s10+$0x0], $0xffff  }
0x5bb: {  	v63 =	vor.u32 v13, v47;
	v44 =	vor.u32 v22, v39;
	[tilespmem:v53+s12+$0x0] =	vst.idx.msk $0xffff, v49  }
0x5bc: {  	v48 =	vor.u32 v33, v63;
	v46 =	vld.idx.msk [tilespmem:v60+s10+$0x0], $0xffff  }
.LBB2_30:
0x5bd: {  	s22 =	sadd.s32 $0x10, s22;
	v49 =	vor.u32 v20, v45;
	[tilespmem:v36+s12+$0x0] =	vst.idx.msk $0xffff, v34  }
0x5be: {  	v34 =	vadd.s32 s22, v43;
	p1 =	slt.u32 s22, $0x30;
	v36 =	vld.idx.msk [tilespmem:v38+s10+$0x0], $0xffff;
	v38 =	vor.u32 v4, v35  }
0x5bf: {  	v50 =	vor.u32 v0, v34;
	[tilespmem:v42+s12+$0x0] =	vst.idx.msk $0xffff, v40;
	v38 =	vor.u32 v33, v38  }
0x5c0: {  	v42 =	vor.u32 v8, v41;
	v40 =	vld.idx.msk [tilespmem:v44+s10+$0x0], $0xffff;
	v44 =	vor.u32 v29, v37  }
0x5c1: {  	v42 =	vor.u32 v33, v42;
	[tilespmem:v48+s12+$0x0] =	vst.idx.msk $0xffff, v46  }
0x5c2: {  	v51 =	vor.u32 v25, v39;
	v46 =	vmov s22;
	v48 =	vld.idx.msk [tilespmem:v49+s10+$0x0], $0xffff;
	v49 =	vor.u32 v12, v47  }
0x5c3: {  	v46 =	vshll.u32 v46, $0x7;
	v49 =	vor.u32 v33, v49  }
0x5c4: {  	v53 =	vor.u32 v21, v45;
	v52 =	vor.u32 v16, v46;
	v50 =	vld.idx.msk [tilespmem:v50+s10+$0x0], $0xffff;
	[tilespmem:v38+s12+$0x0] =	vst.idx.msk $0xffff, v36  }
0x5c5: {  	v36 =	vor.u32 v33, v52;
	v38 =	vld.idx.msk [tilespmem:v44+s10+$0x0], $0xffff;
	v44 =	vor.u32 v3, v35  }
0x5c6: {  	v52 =	vor.u32 v17, v34;
	[tilespmem:v42+s12+$0x0] =	vst.idx.msk $0xffff, v40;
	v40 =	vor.u32 v33, v44  }
0x5c7: {  	v44 =	vor.u32 v7, v41;
	v42 =	vld.idx.msk [tilespmem:v51+s10+$0x0], $0xffff;
	v51 =	vor.u32 v30, v37  }
0x5c8: {  	v44 =	vor.u32 v33, v44;
	[tilespmem:v49+s12+$0x0] =	vst.idx.msk $0xffff, v48  }
0x5c9: {  	v49 =	vor.u32 v11, v47;
	v48 =	vld.idx.msk [tilespmem:v53+s10+$0x0], $0xffff;
	v53 =	vor.u32 v26, v39  }
0x5ca: {  	[tilespmem:v36+s12+$0x0] =	vst.idx.msk $0xffff, v50;
	v36 =	vor.u32 v33, v49  }
0x5cb: {  	v50 =	vor.u32 v15, v46;
	v49 =	vld.idx.msk [tilespmem:v52+s10+$0x0], $0xffff;
	v52 =	vor.u32 v23, v45;
	[tilespmem:v40+s12+$0x0] =	vst.idx.msk $0xffff, v38  }
0x5cc: {  	v38 =	vor.u32 v33, v50;
	v50 =	vor.u32 v2, v35;
	v40 =	vld.idx.msk [tilespmem:v51+s10+$0x0], $0xffff  }
0x5cd: {  	v51 =	vor.u32 v18, v34;
	[tilespmem:v44+s12+$0x0] =	vst.idx.msk $0xffff, v42;
	v42 =	vor.u32 v33, v50  }
0x5ce: {  	v50 =	vor.u32 v6, v41;
	v44 =	vld.idx.msk [tilespmem:v53+s10+$0x0], $0xffff;
	v53 =	vor.u32 v31, v37;
	v37 =	vmovc v39;
	v39 =	vmov v45  }
0x5cf: {  	v45 =	vmov v34;
	[tilespmem:v36+s12+$0x0] =	vst.idx.msk $0xffff, v48;
	v36 =	vor.u32 v33, v50  }
0x5d0: {  	v34 =	vor.u32 v10, v47;
	v50 =	vor.u32 v27, v37;
	v48 =	vld.idx.msk [tilespmem:v52+s10+$0x0], $0xffff  }
0x5d1: {  	[tilespmem:v38+s12+$0x0] =	vst.idx.msk $0xffff, v49;
	v38 =	vor.u32 v33, v34  }
0x5d2: {  	v34 =	vor.u32 v14, v46;
	v49 =	vld.idx.msk [tilespmem:v51+s10+$0x0], $0xffff;
	v51 =	vor.u32 v24, v39;
	[tilespmem:v42+s12+$0x0] =	vst.idx.msk $0xffff, v40  }
0x5d3: {  	v42 =	vor.u32 v33, v34;
	v34 =	vor.u32 v1, v35;
	v35 =	vmovc v41;
	v41 =	vmov v47;
	v52 =	vld.idx.msk [tilespmem:v53+s10+$0x0], $0xffff  }
0x5d4: {  	v47 =	vmov v46;
	v53 =	vor.u32 v19, v45;
	v54 =	vor.u32 v33, v34;
	[tilespmem:v36+s12+$0x0] =	vst.idx.msk $0xffff, v44  }
0x5d5: {  	v36 =	vor.u32 v5, v35;
	v34 =	vld.idx.msk [tilespmem:v50+s10+$0x0], $0xffff  }
.Ltmp13:
0x5d6: {  	v36 =	vor.u32 v33, v36;
	[tilespmem:v38+s12+$0x0] =	vst.idx.msk $0xffff, v48;
	(pc) =	sbr.rel @p1 .LBB2_30-.Ltmp13, $4  }
0x5d7: {  	v44 =	vor.u32 v9, v41;
	v38 =	vor.u32 v28, v37;
	v40 =	vld.idx.msk [tilespmem:v51+s10+$0x0], $0xffff  }
0x5d8: {  	[tilespmem:v42+s12+$0x0] =	vst.idx.msk $0xffff, v49;
	v42 =	vor.u32 v33, v44  }
0x5d9: {  	v48 =	vor.u32 v13, v47;
	v44 =	vor.u32 v22, v39;
	v46 =	vld.idx.msk [tilespmem:v53+s10+$0x0], $0xffff;
	[tilespmem:v54+s12+$0x0] =	vst.idx.msk $0xffff, v52  }
0x5da: {  	v48 =	vor.u32 v33, v48  }
0x5db: {  	v43 =	vor.u32 v20, v45;
	_ =	sdelay $0x3  }
0x5dc: {  	v52 =	vor.u32 v12, v47;
	[tilespmem:v48+s12+$0x0] =	vst.idx.msk $0xffff, v46  }
0x5dd: {  	v46 =	vor.u32 v33, v52;
	v43 =	vld.idx.msk [tilespmem:v43+s10+$0x0], $0xffff  }
0x5de: {  	v53 =	vor.u32 v21, v45;
	_ =	sdelay $0x3  }
0x5df: {  	v54 =	vor.u32 v11, v47;
	[tilespmem:v46+s12+$0x0] =	vst.idx.msk $0xffff, v43  }
0x5e0: {  	v43 =	vor.u32 v33, v54;
	v46 =	vld.idx.msk [tilespmem:v53+s10+$0x0], $0xffff  }
0x5e1: {  	v55 =	vor.u32 v23, v45;
	_ =	sdelay $0x3  }
0x5e2: {  	v56 =	vor.u32 v10, v47;
	[tilespmem:v43+s12+$0x0] =	vst.idx.msk $0xffff, v46  }
0x5e3: {  	v43 =	vor.u32 v33, v56;
	v46 =	vld.idx.msk [tilespmem:v55+s10+$0x0], $0xffff  }
0x5e4: {  	v57 =	vor.u32 v24, v45;
	_ =	sdelay $0x3  }
0x5e5: {  	v58 =	vor.u32 v9, v47;
	[tilespmem:v43+s12+$0x0] =	vst.idx.msk $0xffff, v46  }
0x5e6: {  	v43 =	vor.u32 v33, v58;
	v46 =	vld.idx.msk [tilespmem:v57+s10+$0x0], $0xffff  }
0x5e7: {  	v59 =	vor.u32 v22, v45;
	_ =	sdelay $0x2  }
0x5e8: {  	v60 =	vor.u32 v8, v41;
	[tilespmem:v42+s12+$0x0] =	vst.idx.msk $0xffff, v40  }
0x5e9: {  	v61 =	vor.u32 v8, v47;
	v40 =	vor.u32 v33, v60;
	v42 =	vld.idx.msk [tilespmem:v44+s10+$0x0], $0xffff;
	[tilespmem:v43+s12+$0x0] =	vst.idx.msk $0xffff, v46  }
0x5ea: {  	v62 =	vor.u32 v25, v39;
	v43 =	vor.u32 v33, v61;
	v46 =	vld.idx.msk [tilespmem:v59+s10+$0x0], $0xffff  }
0x5eb: {  	v63 =	vor.u32 v25, v45;
	_ =	sdelay $0x2  }
0x5ec: {  	v50 =	vor.u32 v7, v41;
	[tilespmem:v40+s12+$0x0] =	vst.idx.msk $0xffff, v42  }
0x5ed: {  	v51 =	vor.u32 v7, v47;
	v40 =	vor.u32 v33, v50;
	v42 =	vld.idx.msk [tilespmem:v62+s10+$0x0], $0xffff;
	[tilespmem:v43+s12+$0x0] =	vst.idx.msk $0xffff, v46  }
0x5ee: {  	v52 =	vor.u32 v26, v39;
	v43 =	vor.u32 v33, v51;
	v46 =	vld.idx.msk [tilespmem:v63+s10+$0x0], $0xffff  }
0x5ef: {  	v53 =	vor.u32 v26, v45;
	_ =	sdelay $0x2  }
0x5f0: {  	v54 =	vor.u32 v6, v41;
	[tilespmem:v40+s12+$0x0] =	vst.idx.msk $0xffff, v42  }
0x5f1: {  	v40 =	vor.u32 v33, v54;
	v42 =	vld.idx.msk [tilespmem:v52+s10+$0x0], $0xffff;
	v55 =	vor.u32 v6, v47;
	[tilespmem:v43+s12+$0x0] =	vst.idx.msk $0xffff, v46  }
0x5f2: {  	v56 =	vor.u32 v27, v39;
	v43 =	vor.u32 v33, v55;
	v46 =	vld.idx.msk [tilespmem:v53+s10+$0x0], $0xffff  }
0x5f3: {  	v57 =	vor.u32 v27, v45;
	_ =	sdelay $0x2  }
0x5f4: {  	[tilespmem:v40+s12+$0x0] =	vst.idx.msk $0xffff, v42;
	v58 =	vor.u32 v5, v41  }
0x5f5: {  	v42 =	vld.idx.msk [tilespmem:v56+s10+$0x0], $0xffff;
	v40 =	vor.u32 v33, v58;
	v59 =	vor.u32 v5, v47;
	[tilespmem:v43+s12+$0x0] =	vst.idx.msk $0xffff, v46  }
0x5f6: {  	v60 =	vor.u32 v28, v39;
	v43 =	vor.u32 v33, v59;
	v46 =	vld.idx.msk [tilespmem:v57+s10+$0x0], $0xffff  }
0x5f7: {  	v61 =	vor.u32 v28, v45;
	_ =	sdelay $0x1  }
0x5f8: {  	v49 =	vor.u32 v4, v35;
	[tilespmem:v36+s12+$0x0] =	vst.idx.msk $0xffff, v34;
	v52 =	vor.u32 v4, v41  }
0x5f9: {  	v36 =	vld.idx.msk [tilespmem:v38+s10+$0x0], $0xffff;
	v62 =	vor.u32 v33, v49;
	[tilespmem:v40+s12+$0x0] =	vst.idx.msk $0xffff, v42;
	v40 =	vor.u32 v33, v52  }
0x5fa: {  	v42 =	vld.idx.msk [tilespmem:v60+s10+$0x0], $0xffff;
	v63 =	vor.u32 v29, v37;
	v53 =	vor.u32 v4, v47;
	[tilespmem:v43+s12+$0x0] =	vst.idx.msk $0xffff, v46  }
0x5fb: {  	v54 =	vor.u32 v29, v39;
	v43 =	vor.u32 v33, v53;
	v46 =	vld.idx.msk [tilespmem:v61+s10+$0x0], $0xffff  }
0x5fc: {  	v55 =	vor.u32 v29, v45;
	_ =	sdelay $0x1  }
0x5fd: {  	[tilespmem:v62+s12+$0x0] =	vst.idx.msk $0xffff, v36;
	v56 =	vor.u32 v3, v35;
	v58 =	vor.u32 v30, v37  }
0x5fe: {  	[tilespmem:v40+s12+$0x0] =	vst.idx.msk $0xffff, v42;
	v36 =	vld.idx.msk [tilespmem:v63+s10+$0x0], $0xffff;
	v59 =	vor.u32 v3, v41;
	v57 =	vor.u32 v33, v56  }
0x5ff: {  	v60 =	vor.u32 v3, v47;
	v42 =	vld.idx.msk [tilespmem:v54+s10+$0x0], $0xffff;
	v40 =	vor.u32 v33, v59;
	[tilespmem:v43+s12+$0x0] =	vst.idx.msk $0xffff, v46  }
0x600: {  	v61 =	vor.u32 v30, v39;
	v43 =	vor.u32 v33, v60;
	v46 =	vld.idx.msk [tilespmem:v55+s10+$0x0], $0xffff  }
0x601: {  	v62 =	vor.u32 v30, v45;
	_ =	sdelay $0x1  }
0x602: {  	v52 =	vor.u32 v31, v37;
	v63 =	vor.u32 v2, v35;
	[tilespmem:v57+s12+$0x0] =	vst.idx.msk $0xffff, v36  }
0x603: {  	v51 =	vor.u32 v33, v63;
	[tilespmem:v40+s12+$0x0] =	vst.idx.msk $0xffff, v42;
	v53 =	vor.u32 v2, v41;
	v36 =	vld.idx.msk [tilespmem:v58+s10+$0x0], $0xffff  }
0x604: {  	v54 =	vor.u32 v2, v47;
	v38 =	vor.u32 v33, v53;
	v40 =	vld.idx.msk [tilespmem:v61+s10+$0x0], $0xffff;
	[tilespmem:v43+s12+$0x0] =	vst.idx.msk $0xffff, v46  }
0x605: {  	v42 =	vor.u32 v33, v54;
	v55 =	vor.u32 v31, v39;
	v43 =	vld.idx.msk [tilespmem:v62+s10+$0x0], $0xffff  }
0x606: {  	v56 =	vor.u32 v31, v45;
	_ =	sdelay $0x1  }
0x607: {  	v57 =	vor.u32 v1, v35;
	[tilespmem:v51+s12+$0x0] =	vst.idx.msk $0xffff, v36  }
0x608: {  	v59 =	vor.u32 v1, v41;
	v34 =	vor.u32 v33, v57;
	v58 =	vld.idx.msk [tilespmem:v52+s10+$0x0], $0xffff;
	[tilespmem:v38+s12+$0x0] =	vst.idx.msk $0xffff, v40  }
0x609: {  	v36 =	vor.u32 v33, v59;
	v61 =	vor.u32 v1, v47;
	v60 =	vld.idx.msk [tilespmem:v55+s10+$0x0], $0xffff;
	[tilespmem:v42+s12+$0x0] =	vst.idx.msk $0xffff, v43  }
0x60a: {  	v63 =	vor.u32 v33, v61;
	v62 =	vld.idx.msk [tilespmem:v56+s10+$0x0], $0xffff  }
.Ltmp14:
0x60b: {  	_ = 	snop;
	(pc) =	sbr.rel @p0 .LBB2_23-.Ltmp14, $4  }
0x60c: {  	_ = 	snop  }
0x60d: {  	[tilespmem:v34+s12+$0x0] =	vst.idx.msk $0xffff, v58  }
0x60e: {  	[tilespmem:v36+s12+$0x0] =	vst.idx.msk $0xffff, v60  }
0x60f: {  	s22 =	simm.s32 $0x40;
	p1 =	por $0x0, $0x0;
	[tilespmem:v63+s12+$0x0] =	vst.idx.msk $0xffff, v62  }
0x610: {  	s21 =	sshll.u32 s21, $0x12  }
0x611: {  	s21 =	sor.u32 s7, s21  }
0x612: {  	s21 =	sshrl.u32 s21, $0x3  }
0x613: {  	s20 =	sadd.s32 $0x3, s20;
	s21 =	sadd.s32 s2, s21  }
0x614: {  	[hbm4b:s21+s13] =	stream.strided.scatter [tilespmem:s12], [sflag:$0x1], $0x2000, s14, s13, $0x38;
	[tilespmem:$0x19E00] =	vst v63  }
0x615: {  	s31 =	sshll.u32 s20, $0x7;
	_ =	swait.ge [sflag:s17], $0x2000  }
0x616: {  	s22 =	sand.u32 $0x3FFFFF80, s31;
	[sflag:s17] =	ssyncset.done $0x0  }
0x617: {  	p1 =	por $0x1, $0x1;
	v32 =	vmov s22;
	s21 =	simm.s32 $0x0;
	[sflag:s17] =	ssyncadd.s32 $0xFFFFE000  }
.LBB2_33:
0x618: {  	_ =	sdelay $0x3  }
0x619: {  	v33 =	vld.idx.msk [tilespmem:v32+s21+$0x0 ss:$0x1], $0xffff;
	_ =	sdelay $0x4  }
0x61a: {  	s22 =	simm.s32 $0x0;
	v33 =	vshll.u32 v33, $0x6  }
0x61b: {  	v38 =	vadd.s32 s22, v33  }
0x61c: {  	v35 =	vor.u32 v0, v38;
	_ =	sdelay $0x1  }
0x61d: {  	v34 =	vmov s22  }
0x61e: {  	v36 =	vshll.u32 v34, $0x7  }
0x61f: {  	v34 =	vor.u32 s21, v0;
	v37 =	vor.u32 v16, v36  }
0x620: {  	v37 =	vor.u32 v34, v37;
	v35 =	vld.idx.msk [tilespmem:v35+s10+$0x0], $0xffff  }
0x621: {  	v39 =	vor.u32 v17, v38;
	_ =	sdelay $0x3  }
0x622: {  	v52 =	vor.u32 v15, v36;
	[tilespmem:v37+s15+$0x0] =	vst.idx.msk $0xffff, v35  }
0x623: {  	v35 =	vor.u32 v34, v52;
	v37 =	vld.idx.msk [tilespmem:v39+s10+$0x0], $0xffff  }
0x624: {  	v53 =	vor.u32 v18, v38;
	_ =	sdelay $0x3  }
0x625: {  	v54 =	vor.u32 v14, v36;
	[tilespmem:v35+s15+$0x0] =	vst.idx.msk $0xffff, v37  }
0x626: {  	v35 =	vor.u32 v34, v54;
	v37 =	vld.idx.msk [tilespmem:v53+s10+$0x0], $0xffff  }
0x627: {  	v55 =	vor.u32 v19, v38;
	_ =	sdelay $0x3  }
0x628: {  	v56 =	vor.u32 v13, v36;
	[tilespmem:v35+s15+$0x0] =	vst.idx.msk $0xffff, v37  }
0x629: {  	v35 =	vor.u32 v34, v56;
	v37 =	vld.idx.msk [tilespmem:v55+s10+$0x0], $0xffff  }
0x62a: {  	s31 =	simm.s32 $0x10;
	v57 =	vor.u32 v20, v38  }
0x62b: {  	v42 =	vadd.s32 s31, v33  }
0x62c: {  	v41 =	vor.u32 v0, v42;
	_ =	sdelay $0x1  }
0x62d: {  	v40 =	vmov s31;
	v58 =	vor.u32 v12, v36;
	[tilespmem:v35+s15+$0x0] =	vst.idx.msk $0xffff, v37  }
0x62e: {  	v40 =	vshll.u32 v40, $0x7;
	v35 =	vor.u32 v34, v58;
	v37 =	vld.idx.msk [tilespmem:v57+s10+$0x0], $0xffff  }
0x62f: {  	v59 =	vor.u32 v16, v40;
	v43 =	vor.u32 v21, v38  }
0x630: {  	v41 =	vld.idx.msk [tilespmem:v41+s10+$0x0], $0xffff;
	v39 =	vor.u32 v34, v59  }
0x631: {  	v44 =	vor.u32 v17, v42;
	_ =	sdelay $0x1  }
0x632: {  	v60 =	vor.u32 v11, v36;
	[tilespmem:v35+s15+$0x0] =	vst.idx.msk $0xffff, v37  }
0x633: {  	v35 =	vor.u32 v34, v60;
	v37 =	vld.idx.msk [tilespmem:v43+s10+$0x0], $0xffff  }
0x634: {  	v61 =	vor.u32 v15, v40;
	v62 =	vor.u32 v23, v38;
	[tilespmem:v39+s15+$0x0] =	vst.idx.msk $0xffff, v41  }
0x635: {  	v39 =	vor.u32 v34, v61;
	v41 =	vld.idx.msk [tilespmem:v44+s10+$0x0], $0xffff  }
0x636: {  	v63 =	vor.u32 v18, v42;
	_ =	sdelay $0x1  }
0x637: {  	v46 =	vor.u32 v10, v36;
	[tilespmem:v35+s15+$0x0] =	vst.idx.msk $0xffff, v37  }
0x638: {  	v35 =	vor.u32 v34, v46;
	v37 =	vld.idx.msk [tilespmem:v62+s10+$0x0], $0xffff  }
0x639: {  	v47 =	vor.u32 v14, v40;
	v48 =	vor.u32 v24, v38;
	[tilespmem:v39+s15+$0x0] =	vst.idx.msk $0xffff, v41  }
0x63a: {  	v39 =	vor.u32 v34, v47;
	v41 =	vld.idx.msk [tilespmem:v63+s10+$0x0], $0xffff  }
0x63b: {  	v49 =	vor.u32 v19, v42;
	_ =	sdelay $0x1  }
0x63c: {  	v50 =	vor.u32 v9, v36;
	[tilespmem:v35+s15+$0x0] =	vst.idx.msk $0xffff, v37  }
0x63d: {  	v35 =	vor.u32 v34, v50;
	v37 =	vld.idx.msk [tilespmem:v48+s10+$0x0], $0xffff  }
0x63e: {  	v51 =	vor.u32 v13, v40;
	v52 =	vor.u32 v22, v38;
	[tilespmem:v39+s15+$0x0] =	vst.idx.msk $0xffff, v41  }
0x63f: {  	v39 =	vor.u32 v34, v51;
	v41 =	vld.idx.msk [tilespmem:v49+s10+$0x0], $0xffff  }
0x640: {  	s22 =	simm.s32 $0x20;
	v53 =	vor.u32 v20, v42  }
0x641: {  	v46 =	vadd.s32 s22, v33  }
0x642: {  	v54 =	vor.u32 v8, v36;
	v45 =	vor.u32 v0, v46;
	[tilespmem:v35+s15+$0x0] =	vst.idx.msk $0xffff, v37  }
0x643: {  	v35 =	vor.u32 v34, v54;
	v37 =	vld.idx.msk [tilespmem:v52+s10+$0x0], $0xffff  }
0x644: {  	v56 =	vor.u32 v12, v40;
	v47 =	vor.u32 v25, v38;
	v55 =	vmov s22;
	[tilespmem:v39+s15+$0x0] =	vst.idx.msk $0xffff, v41  }
0x645: {  	v44 =	vshll.u32 v55, $0x7;
	v58 =	vor.u32 v34, v56;
	v57 =	vld.idx.msk [tilespmem:v53+s10+$0x0], $0xffff  }
0x646: {  	v59 =	vor.u32 v16, v44;
	v48 =	vor.u32 v21, v42  }
0x647: {  	v41 =	vor.u32 v34, v59;
	v45 =	vld.idx.msk [tilespmem:v45+s10+$0x0], $0xffff  }
0x648: {  	v60 =	vor.u32 v7, v36;
	v49 =	vor.u32 v17, v46;
	[tilespmem:v35+s15+$0x0] =	vst.idx.msk $0xffff, v37  }
0x649: {  	v35 =	vor.u32 v34, v60;
	v37 =	vld.idx.msk [tilespmem:v47+s10+$0x0], $0xffff  }
0x64a: {  	v61 =	vor.u32 v11, v40;
	[tilespmem:v58+s15+$0x0] =	vst.idx.msk $0xffff, v57;
	v62 =	vor.u32 v26, v38  }
0x64b: {  	v39 =	vor.u32 v34, v61;
	v43 =	vld.idx.msk [tilespmem:v48+s10+$0x0], $0xffff  }
0x64c: {  	v63 =	vor.u32 v15, v44;
	[tilespmem:v41+s15+$0x0] =	vst.idx.msk $0xffff, v45;
	v52 =	vor.u32 v23, v42  }
0x64d: {  	v41 =	vor.u32 v34, v63;
	v45 =	vld.idx.msk [tilespmem:v49+s10+$0x0], $0xffff  }
0x64e: {  	v53 =	vor.u32 v18, v46;
	v54 =	vor.u32 v6, v36;
	[tilespmem:v35+s15+$0x0] =	vst.idx.msk $0xffff, v37  }
0x64f: {  	v35 =	vor.u32 v34, v54;
	v37 =	vld.idx.msk [tilespmem:v62+s10+$0x0], $0xffff  }
0x650: {  	v55 =	vor.u32 v10, v40;
	v56 =	vor.u32 v27, v38;
	[tilespmem:v39+s15+$0x0] =	vst.idx.msk $0xffff, v43  }
0x651: {  	v39 =	vor.u32 v34, v55;
	v57 =	vld.idx.msk [tilespmem:v52+s10+$0x0], $0xffff  }
0x652: {  	v58 =	vor.u32 v14, v44;
	[tilespmem:v41+s15+$0x0] =	vst.idx.msk $0xffff, v45;
	v60 =	vor.u32 v24, v42  }
0x653: {  	v50 =	vor.u32 v34, v58;
	v59 =	vld.idx.msk [tilespmem:v53+s10+$0x0], $0xffff  }
0x654: {  	v61 =	vor.u32 v5, v36;
	v51 =	vor.u32 v19, v46;
	[tilespmem:v35+s15+$0x0] =	vst.idx.msk $0xffff, v37  }
0x655: {  	v45 =	vor.u32 v34, v61;
	v43 =	vld.idx.msk [tilespmem:v56+s10+$0x0], $0xffff  }
0x656: {  	[tilespmem:v39+s15+$0x0] =	vst.idx.msk $0xffff, v57;
	v39 =	vor.u32 v28, v38;
	v62 =	vor.u32 v9, v40  }
0x657: {  	v41 =	vld.idx.msk [tilespmem:v60+s10+$0x0], $0xffff;
	v48 =	vor.u32 v34, v62  }
0x658: {  	v63 =	vor.u32 v13, v44;
	v49 =	vor.u32 v22, v42;
	[tilespmem:v50+s15+$0x0] =	vst.idx.msk $0xffff, v59  }
0x659: {  	p0 =	por p1, p1;
	v35 =	vld.idx.msk [tilespmem:v51+s10+$0x0], $0xffff;
	v37 =	vor.u32 v34, v63  }
.LBB2_34:
0x65a: {  	s22 =	sadd.s32 $0x10, s22;
	v47 =	vor.u32 v20, v46;
	[tilespmem:v45+s15+$0x0] =	vst.idx.msk $0xffff, v43  }
0x65b: {  	v45 =	vor.u32 v4, v36;
	v43 =	vadd.s32 s22, v33;
	p1 =	slt.u32 s22, $0x30;
	v39 =	vld.idx.msk [tilespmem:v39+s10+$0x0], $0xffff  }
0x65c: {  	v50 =	vor.u32 v0, v43;
	[tilespmem:v48+s15+$0x0] =	vst.idx.msk $0xffff, v41;
	v41 =	vor.u32 v34, v45  }
0x65d: {  	v48 =	vor.u32 v8, v40;
	v45 =	vld.idx.msk [tilespmem:v49+s10+$0x0], $0xffff;
	v49 =	vor.u32 v29, v38  }
0x65e: {  	[tilespmem:v37+s15+$0x0] =	vst.idx.msk $0xffff, v35;
	v35 =	vor.u32 v34, v48  }
0x65f: {  	v51 =	vor.u32 v25, v42;
	v37 =	vmov s22;
	v48 =	vor.u32 v12, v44;
	v47 =	vld.idx.msk [tilespmem:v47+s10+$0x0], $0xffff  }
0x660: {  	v37 =	vshll.u32 v37, $0x7;
	v48 =	vor.u32 v34, v48  }
0x661: {  	v53 =	vor.u32 v21, v46;
	v52 =	vor.u32 v16, v37;
	v50 =	vld.idx.msk [tilespmem:v50+s10+$0x0], $0xffff;
	[tilespmem:v41+s15+$0x0] =	vst.idx.msk $0xffff, v39  }
0x662: {  	v39 =	vor.u32 v34, v52;
	v41 =	vld.idx.msk [tilespmem:v49+s10+$0x0], $0xffff;
	v49 =	vor.u32 v3, v36  }
0x663: {  	v52 =	vor.u32 v17, v43;
	[tilespmem:v35+s15+$0x0] =	vst.idx.msk $0xffff, v45;
	v35 =	vor.u32 v34, v49  }
0x664: {  	v49 =	vor.u32 v7, v40;
	v45 =	vld.idx.msk [tilespmem:v51+s10+$0x0], $0xffff;
	v51 =	vor.u32 v30, v38  }
0x665: {  	[tilespmem:v48+s15+$0x0] =	vst.idx.msk $0xffff, v47;
	v47 =	vor.u32 v34, v49  }
0x666: {  	v49 =	vor.u32 v11, v44;
	v48 =	vld.idx.msk [tilespmem:v53+s10+$0x0], $0xffff;
	v53 =	vor.u32 v26, v42  }
0x667: {  	[tilespmem:v39+s15+$0x0] =	vst.idx.msk $0xffff, v50;
	v39 =	vor.u32 v34, v49  }
0x668: {  	v50 =	vor.u32 v15, v37;
	v49 =	vld.idx.msk [tilespmem:v52+s10+$0x0], $0xffff;
	v52 =	vor.u32 v23, v46;
	[tilespmem:v35+s15+$0x0] =	vst.idx.msk $0xffff, v41  }
0x669: {  	v35 =	vor.u32 v34, v50;
	v50 =	vor.u32 v2, v36;
	v41 =	vld.idx.msk [tilespmem:v51+s10+$0x0], $0xffff  }
0x66a: {  	v51 =	vor.u32 v18, v43;
	[tilespmem:v47+s15+$0x0] =	vst.idx.msk $0xffff, v45;
	v45 =	vor.u32 v34, v50  }
0x66b: {  	v50 =	vor.u32 v6, v40;
	v47 =	vld.idx.msk [tilespmem:v53+s10+$0x0], $0xffff;
	v53 =	vor.u32 v31, v38;
	v38 =	vmovc v42;
	v42 =	vmov v46  }
0x66c: {  	v46 =	vmov v43;
	[tilespmem:v39+s15+$0x0] =	vst.idx.msk $0xffff, v48;
	v39 =	vor.u32 v34, v50  }
0x66d: {  	v43 =	vor.u32 v10, v44;
	v50 =	vor.u32 v27, v38;
	v48 =	vld.idx.msk [tilespmem:v52+s10+$0x0], $0xffff  }
0x66e: {  	[tilespmem:v35+s15+$0x0] =	vst.idx.msk $0xffff, v49;
	v35 =	vor.u32 v34, v43  }
0x66f: {  	v43 =	vor.u32 v14, v37;
	v49 =	vld.idx.msk [tilespmem:v51+s10+$0x0], $0xffff;
	v51 =	vor.u32 v24, v42;
	[tilespmem:v45+s15+$0x0] =	vst.idx.msk $0xffff, v41  }
0x670: {  	v52 =	vor.u32 v34, v43;
	v41 =	vor.u32 v1, v36;
	v36 =	vmovc v40;
	v40 =	vmov v44;
	v53 =	vld.idx.msk [tilespmem:v53+s10+$0x0], $0xffff  }
0x671: {  	v54 =	vor.u32 v19, v46;
	v44 =	vmov v37;
	[tilespmem:v39+s15+$0x0] =	vst.idx.msk $0xffff, v47;
	v47 =	vor.u32 v34, v41  }
0x672: {  	v37 =	vor.u32 v5, v36;
	v43 =	vld.idx.msk [tilespmem:v50+s10+$0x0], $0xffff  }
.Ltmp15:
0x673: {  	v45 =	vor.u32 v34, v37;
	[tilespmem:v35+s15+$0x0] =	vst.idx.msk $0xffff, v48;
	(pc) =	sbr.rel @p1 .LBB2_34-.Ltmp15, $4  }
0x674: {  	v39 =	vor.u32 v28, v38;
	v35 =	vor.u32 v9, v40;
	v41 =	vld.idx.msk [tilespmem:v51+s10+$0x0], $0xffff  }
0x675: {  	v48 =	vor.u32 v34, v35;
	[tilespmem:v52+s15+$0x0] =	vst.idx.msk $0xffff, v49  }
0x676: {  	v37 =	vor.u32 v13, v44;
	v49 =	vor.u32 v22, v42;
	v35 =	vld.idx.msk [tilespmem:v54+s10+$0x0], $0xffff;
	[tilespmem:v47+s15+$0x0] =	vst.idx.msk $0xffff, v53  }
0x677: {  	v37 =	vor.u32 v34, v37  }
0x678: {  	_ =	sdelay $0x2  }
0x679: {  	v33 =	vor.u32 v20, v46;
	s22 =	sor.u32 $0x10, s21  }
0x67a: {  	v47 =	vld.idx.msk [tilespmem:v32+s22+$0x0 ss:$0x1], $0xffff;
	_ =	sdelay $0x2  }
0x67b: {  	v61 =	vor.u32 v12, v44;
	[tilespmem:v37+s15+$0x0] =	vst.idx.msk $0xffff, v35  }
0x67c: {  	v35 =	vor.u32 v34, v61;
	v33 =	vld.idx.msk [tilespmem:v33+s10+$0x0], $0xffff  }
0x67d: {  	v50 =	vor.u32 v21, v46;
	s23 =	simm.s32 $0x0;
	v47 =	vshll.u32 v47, $0x6  }
0x67e: {  	v37 =	vadd.s32 s23, v47  }
0x67f: {  	v51 =	vor.u32 v0, v37;
	_ =	sdelay $0x1  }
0x680: {  	v62 =	vor.u32 v11, v44;
	v52 =	vmov s23;
	[tilespmem:v35+s15+$0x0] =	vst.idx.msk $0xffff, v33  }
0x681: {  	v53 =	vor.u32 v34, v62;
	v35 =	vshll.u32 v52, $0x7;
	v50 =	vld.idx.msk [tilespmem:v50+s10+$0x0], $0xffff  }
0x682: {  	v63 =	vor.u32 v23, v46;
	v33 =	vor.u32 s22, v0;
	v54 =	vor.u32 v16, v35  }
0x683: {  	v54 =	vor.u32 v33, v54;
	v51 =	vld.idx.msk [tilespmem:v51+s10+$0x0], $0xffff  }
0x684: {  	v55 =	vor.u32 v17, v37;
	_ =	sdelay $0x1  }
0x685: {  	v56 =	vor.u32 v10, v44;
	[tilespmem:v53+s15+$0x0] =	vst.idx.msk $0xffff, v50  }
0x686: {  	v50 =	vor.u32 v34, v56;
	v52 =	vld.idx.msk [tilespmem:v63+s10+$0x0], $0xffff  }
0x687: {  	v57 =	vor.u32 v24, v46;
	v58 =	vor.u32 v15, v35;
	[tilespmem:v54+s15+$0x0] =	vst.idx.msk $0xffff, v51  }
0x688: {  	v51 =	vor.u32 v33, v58;
	v54 =	vld.idx.msk [tilespmem:v55+s10+$0x0], $0xffff  }
0x689: {  	v59 =	vor.u32 v18, v37;
	_ =	sdelay $0x1  }
0x68a: {  	v60 =	vor.u32 v9, v44;
	[tilespmem:v50+s15+$0x0] =	vst.idx.msk $0xffff, v52  }
0x68b: {  	v50 =	vor.u32 v34, v60;
	v52 =	vld.idx.msk [tilespmem:v57+s10+$0x0], $0xffff  }
0x68c: {  	v61 =	vor.u32 v22, v46;
	v62 =	vor.u32 v14, v35;
	[tilespmem:v51+s15+$0x0] =	vst.idx.msk $0xffff, v54  }
0x68d: {  	v51 =	vor.u32 v33, v62;
	v54 =	vld.idx.msk [tilespmem:v59+s10+$0x0], $0xffff  }
0x68e: {  	[tilespmem:v48+s15+$0x0] =	vst.idx.msk $0xffff, v41;
	v63 =	vor.u32 v19, v37;
	v58 =	vor.u32 v8, v40  }
0x68f: {  	[tilespmem:v45+s15+$0x0] =	vst.idx.msk $0xffff, v43;
	v48 =	vld.idx.msk [tilespmem:v49+s10+$0x0], $0xffff;
	v49 =	vor.u32 v34, v58;
	v57 =	vor.u32 v4, v36  }
0x690: {  	v39 =	vld.idx.msk [tilespmem:v39+s10+$0x0], $0xffff;
	v45 =	vor.u32 v34, v57;
	v59 =	vor.u32 v8, v44;
	[tilespmem:v50+s15+$0x0] =	vst.idx.msk $0xffff, v52  }
0x691: {  	v60 =	vor.u32 v34, v59;
	v50 =	vor.u32 v25, v42;
	v52 =	vld.idx.msk [tilespmem:v61+s10+$0x0], $0xffff  }
0x692: {  	v62 =	vor.u32 v13, v35;
	v61 =	vor.u32 v25, v46;
	[tilespmem:v51+s15+$0x0] =	vst.idx.msk $0xffff, v54  }
0x693: {  	s31 =	simm.s32 $0x10;
	v43 =	vld.idx.msk [tilespmem:v63+s10+$0x0], $0xffff;
	v63 =	vor.u32 v33, v62  }
0x694: {  	v41 =	vadd.s32 s31, v47;
	v56 =	vor.u32 v20, v37;
	[tilespmem:v49+s15+$0x0] =	vst.idx.msk $0xffff, v48;
	v59 =	vor.u32 v7, v40  }
0x695: {  	v49 =	vor.u32 v0, v41;
	v48 =	vor.u32 v34, v59;
	[tilespmem:v45+s15+$0x0] =	vst.idx.msk $0xffff, v39  }
0x696: {  	v45 =	vor.u32 v26, v42;
	v54 =	vor.u32 v29, v38;
	v50 =	vld.idx.msk [tilespmem:v50+s10+$0x0], $0xffff;
	[tilespmem:v60+s15+$0x0] =	vst.idx.msk $0xffff, v52  }
0x697: {  	v62 =	vor.u32 v3, v36;
	v60 =	vor.u32 v7, v44;
	v53 =	vld.idx.msk [tilespmem:v61+s10+$0x0], $0xffff;
	v61 =	vmov s31  }
0x698: {  	v52 =	vor.u32 v34, v60;
	[tilespmem:v63+s15+$0x0] =	vst.idx.msk $0xffff, v43;
	v63 =	vor.u32 v12, v35;
	v39 =	vshll.u32 v61, $0x7  }
0x699: {  	v60 =	vor.u32 v26, v46;
	v56 =	vld.idx.msk [tilespmem:v56+s10+$0x0], $0xffff;
	v43 =	vor.u32 v33, v63;
	v57 =	vor.u32 v16, v39  }
0x69a: {  	v58 =	vor.u32 v21, v37;
	v49 =	vld.idx.msk [tilespmem:v49+s10+$0x0], $0xffff;
	v55 =	vor.u32 v34, v62;
	v57 =	vor.u32 v33, v57  }
0x69b: {  	v62 =	vor.u32 v17, v41;
	v54 =	vld.idx.msk [tilespmem:v54+s10+$0x0], $0xffff;
	v61 =	vor.u32 v6, v40;
	[tilespmem:v48+s15+$0x0] =	vst.idx.msk $0xffff, v50  }
0x69c: {  	v59 =	vor.u32 v27, v42;
	v63 =	vor.u32 v6, v44;
	v48 =	vor.u32 v34, v61;
	v45 =	vld.idx.msk [tilespmem:v45+s10+$0x0], $0xffff  }
0x69d: {  	v61 =	vor.u32 v15, v39;
	[tilespmem:v52+s15+$0x0] =	vst.idx.msk $0xffff, v53;
	v53 =	vor.u32 v30, v38  }
0x69e: {  	v52 =	vor.u32 v34, v63;
	v51 =	vld.idx.msk [tilespmem:v60+s10+$0x0], $0xffff;
	v60 =	vor.u32 v11, v35;
	[tilespmem:v43+s15+$0x0] =	vst.idx.msk $0xffff, v56  }
0x69f: {  	v43 =	vor.u32 v27, v46;
	v58 =	vld.idx.msk [tilespmem:v58+s10+$0x0], $0xffff;
	[tilespmem:v57+s15+$0x0] =	vst.idx.msk $0xffff, v49;
	v49 =	vor.u32 v33, v60  }
0x6a0: {  	[tilespmem:v55+s15+$0x0] =	vst.idx.msk $0xffff, v54;
	v54 =	vor.u32 v23, v37;
	v55 =	vor.u32 v33, v61;
	v50 =	vld.idx.msk [tilespmem:v62+s10+$0x0], $0xffff  }
0x6a1: {  	[tilespmem:v48+s15+$0x0] =	vst.idx.msk $0xffff, v45;
	v62 =	vor.u32 v5, v40;
	v48 =	vor.u32 v18, v41  }
0x6a2: {  	v61 =	vor.u32 v10, v35;
	v56 =	vor.u32 v2, v36;
	v63 =	vld.idx.msk [tilespmem:v59+s10+$0x0], $0xffff;
	v45 =	vor.u32 v34, v62  }
0x6a3: {  	v60 =	vor.u32 v5, v44;
	[tilespmem:v52+s15+$0x0] =	vst.idx.msk $0xffff, v51;
	v51 =	vor.u32 v28, v42  }
0x6a4: {  	v59 =	vor.u32 v28, v46;
	v52 =	vor.u32 v34, v60;
	v43 =	vld.idx.msk [tilespmem:v43+s10+$0x0], $0xffff;
	[tilespmem:v49+s15+$0x0] =	vst.idx.msk $0xffff, v58  }
0x6a5: {  	v62 =	vor.u32 v14, v39;
	v49 =	vor.u32 v33, v61;
	v54 =	vld.idx.msk [tilespmem:v54+s10+$0x0], $0xffff;
	[tilespmem:v55+s15+$0x0] =	vst.idx.msk $0xffff, v50  }
0x6a6: {  	v55 =	vor.u32 v34, v56;
	v56 =	vor.u32 v24, v37;
	v50 =	vor.u32 v33, v62;
	v48 =	vld.idx.msk [tilespmem:v48+s10+$0x0], $0xffff  }
0x6a7: {  	v60 =	vor.u32 v19, v41;
	[tilespmem:v45+s15+$0x0] =	vst.idx.msk $0xffff, v63;
	v63 =	vor.u32 v4, v40  }
0x6a8: {  	v38 =	vor.u32 v31, v38;
	v61 =	vor.u32 v4, v44;
	v51 =	vld.idx.msk [tilespmem:v51+s10+$0x0], $0xffff;
	v45 =	vor.u32 v34, v63  }
0x6a9: {  	v53 =	vld.idx.msk [tilespmem:v53+s10+$0x0], $0xffff;
	v62 =	vor.u32 v29, v42;
	v63 =	vor.u32 v9, v35;
	[tilespmem:v52+s15+$0x0] =	vst.idx.msk $0xffff, v43  }
0x6aa: {  	v52 =	vor.u32 v34, v61;
	v58 =	vld.idx.msk [tilespmem:v59+s10+$0x0], $0xffff;
	v59 =	vor.u32 v29, v46;
	[tilespmem:v49+s15+$0x0] =	vst.idx.msk $0xffff, v54  }
0x6ab: {  	v54 =	vld.idx.msk [tilespmem:v56+s10+$0x0], $0xffff;
	[tilespmem:v50+s15+$0x0] =	vst.idx.msk $0xffff, v48;
	v48 =	vor.u32 v33, v63;
	v56 =	vor.u32 v13, v39  }
0x6ac: {  	v57 =	vor.u32 v30, v42;
	v50 =	vld.idx.msk [tilespmem:v60+s10+$0x0], $0xffff;
	v60 =	vor.u32 v22, v37;
	v49 =	vor.u32 v33, v56  }
0x6ad: {  	s22 =	simm.s32 $0x20;
	v61 =	vor.u32 v3, v40;
	[tilespmem:v45+s15+$0x0] =	vst.idx.msk $0xffff, v51;
	v51 =	vor.u32 v20, v41  }
0x6ae: {  	[tilespmem:v55+s15+$0x0] =	vst.idx.msk $0xffff, v53;
	v45 =	vadd.s32 s22, v47;
	v55 =	vld.idx.msk [tilespmem:v62+s10+$0x0], $0xffff;
	v62 =	vor.u32 v34, v61  }
0x6af: {  	v63 =	vor.u32 v3, v44;
	[tilespmem:v52+s15+$0x0] =	vst.idx.msk $0xffff, v58;
	v52 =	vor.u32 v0, v45  }
0x6b0: {  	v58 =	vld.idx.msk [tilespmem:v59+s10+$0x0], $0xffff;
	v59 =	vor.u32 v34, v63;
	[tilespmem:v48+s15+$0x0] =	vst.idx.msk $0xffff, v54;
	v54 =	vor.u32 v8, v35  }
0x6b1: {  	v61 =	vor.u32 v12, v39;
	v48 =	vld.idx.msk [tilespmem:v60+s10+$0x0], $0xffff;
	[tilespmem:v49+s15+$0x0] =	vst.idx.msk $0xffff, v50;
	v49 =	vor.u32 v33, v54  }
0x6b2: {  	v53 =	vor.u32 v30, v46;
	v60 =	vmov s22;
	v50 =	vor.u32 v33, v61;
	v51 =	vld.idx.msk [tilespmem:v51+s10+$0x0], $0xffff  }
0x6b3: {  	v63 =	vor.u32 v2, v40;
	v43 =	vshll.u32 v60, $0x7;
	[tilespmem:v62+s15+$0x0] =	vst.idx.msk $0xffff, v55;
	v60 =	vor.u32 v25, v37  }
0x6b4: {  	v42 =	vor.u32 v31, v42;
	v55 =	vor.u32 v34, v63;
	v62 =	vor.u32 v16, v43;
	v57 =	vld.idx.msk [tilespmem:v57+s10+$0x0], $0xffff  }
0x6b5: {  	v61 =	vor.u32 v21, v41;
	v52 =	vld.idx.msk [tilespmem:v52+s10+$0x0], $0xffff;
	v54 =	vor.u32 v33, v62;
	[tilespmem:v59+s15+$0x0] =	vst.idx.msk $0xffff, v58  }
0x6b6: {  	v63 =	vor.u32 v17, v45;
	v62 =	vor.u32 v2, v44;
	[tilespmem:v49+s15+$0x0] =	vst.idx.msk $0xffff, v48  }
0x6b7: {  	v59 =	vor.u32 v7, v35;
	v48 =	vor.u32 v34, v62;
	[tilespmem:v50+s15+$0x0] =	vst.idx.msk $0xffff, v51;
	v50 =	vld.idx.msk [tilespmem:v53+s10+$0x0], $0xffff  }
0x6b8: {  	v46 =	vor.u32 v31, v46;
	v58 =	vor.u32 v1, v40;
	v53 =	vld.idx.msk [tilespmem:v60+s10+$0x0], $0xffff;
	v51 =	vor.u32 v33, v59  }
0x6b9: {  	v62 =	vor.u32 v26, v37;
	v60 =	vor.u32 v11, v39;
	[tilespmem:v55+s15+$0x0] =	vst.idx.msk $0xffff, v57  }
0x6ba: {  	v40 =	vor.u32 v34, v58;
	[tilespmem:v54+s15+$0x0] =	vst.idx.msk $0xffff, v52;
	v54 =	vld.idx.msk [tilespmem:v61+s10+$0x0], $0xffff;
	v52 =	vor.u32 v33, v60  }
0x6bb: {  	v59 =	vor.u32 v18, v45;
	v57 =	vor.u32 v23, v41;
	v61 =	vor.u32 v15, v43;
	v42 =	vld.idx.msk [tilespmem:v42+s10+$0x0], $0xffff  }
0x6bc: {  	v60 =	vor.u32 v1, v44;
	v49 =	vld.idx.msk [tilespmem:v63+s10+$0x0], $0xffff;
	v56 =	vor.u32 v33, v61;
	[tilespmem:v48+s15+$0x0] =	vst.idx.msk $0xffff, v50  }
0x6bd: {  	v63 =	vor.u32 v1, v36;
	v61 =	vor.u32 v6, v35;
	[tilespmem:v51+s15+$0x0] =	vst.idx.msk $0xffff, v53;
	v44 =	vld.idx.msk [tilespmem:v46+s10+$0x0], $0xffff  }
0x6be: {  	v36 =	vor.u32 v34, v63;
	v34 =	vor.u32 v34, v60;
	v51 =	vld.idx.msk [tilespmem:v62+s10+$0x0], $0xffff;
	v46 =	vor.u32 v33, v61  }
0x6bf: {  	v63 =	vor.u32 v27, v37;
	v62 =	vor.u32 v10, v39;
	[tilespmem:v52+s15+$0x0] =	vst.idx.msk $0xffff, v54  }
0x6c0: {  	v52 =	vor.u32 v33, v62;
	v48 =	vld.idx.msk [tilespmem:v57+s10+$0x0], $0xffff  }
0x6c1: {  	v58 =	vor.u32 v24, v41;
	[tilespmem:v56+s15+$0x0] =	vst.idx.msk $0xffff, v49;
	v56 =	vor.u32 v14, v43  }
0x6c2: {  	[tilespmem:v40+s15+$0x0] =	vst.idx.msk $0xffff, v42;
	v57 =	vld.idx.msk [tilespmem:v59+s10+$0x0], $0xffff;
	v59 =	vor.u32 v33, v56  }
0x6c3: {  	v38 =	vld.idx.msk [tilespmem:v38+s10+$0x0], $0xffff;
	v60 =	vor.u32 v19, v45;
	v61 =	vor.u32 v5, v35;
	[tilespmem:v46+s15+$0x0] =	vst.idx.msk $0xffff, v51  }
0x6c4: {  	[tilespmem:v34+s15+$0x0] =	vst.idx.msk $0xffff, v44;
	v46 =	vor.u32 v33, v61;
	v44 =	vld.idx.msk [tilespmem:v63+s10+$0x0], $0xffff  }
0x6c5: {  	v62 =	vor.u32 v9, v39;
	v40 =	vor.u32 v28, v37;
	[tilespmem:v52+s15+$0x0] =	vst.idx.msk $0xffff, v48  }
0x6c6: {  	v48 =	vor.u32 v33, v62;
	v42 =	vld.idx.msk [tilespmem:v58+s10+$0x0], $0xffff  }
0x6c7: {  	v49 =	vor.u32 v22, v41;
	v63 =	vor.u32 v13, v43;
	[tilespmem:v59+s15+$0x0] =	vst.idx.msk $0xffff, v57  }
0x6c8: {  	[tilespmem:v36+s15+$0x0] =	vst.idx.msk $0xffff, v38;
	v36 =	vor.u32 v33, v63;
	v34 =	vld.idx.msk [tilespmem:v60+s10+$0x0], $0xffff  }
.LBB2_36:
0x6c9: {  	s22 =	sadd.s32 $0x10, s22;
	v38 =	vor.u32 v20, v45;
	[tilespmem:v46+s15+$0x0] =	vst.idx.msk $0xffff, v44  }
0x6ca: {  	v46 =	vor.u32 v4, v35;
	v44 =	vadd.s32 s22, v47;
	p1 =	slt.u32 s22, $0x30;
	v40 =	vld.idx.msk [tilespmem:v40+s10+$0x0], $0xffff  }
0x6cb: {  	v50 =	vor.u32 v0, v44;
	[tilespmem:v48+s15+$0x0] =	vst.idx.msk $0xffff, v42;
	v42 =	vor.u32 v33, v46  }
0x6cc: {  	v48 =	vor.u32 v8, v39;
	v46 =	vld.idx.msk [tilespmem:v49+s10+$0x0], $0xffff;
	v49 =	vor.u32 v29, v37  }
0x6cd: {  	[tilespmem:v36+s15+$0x0] =	vst.idx.msk $0xffff, v34;
	v34 =	vor.u32 v33, v48  }
0x6ce: {  	v51 =	vor.u32 v25, v41;
	v36 =	vmov s22;
	v48 =	vor.u32 v12, v43;
	v38 =	vld.idx.msk [tilespmem:v38+s10+$0x0], $0xffff  }
0x6cf: {  	v36 =	vshll.u32 v36, $0x7;
	v48 =	vor.u32 v33, v48  }
0x6d0: {  	v53 =	vor.u32 v21, v45;
	v52 =	vor.u32 v16, v36;
	v50 =	vld.idx.msk [tilespmem:v50+s10+$0x0], $0xffff;
	[tilespmem:v42+s15+$0x0] =	vst.idx.msk $0xffff, v40  }
0x6d1: {  	v40 =	vor.u32 v33, v52;
	v42 =	vld.idx.msk [tilespmem:v49+s10+$0x0], $0xffff;
	v49 =	vor.u32 v3, v35  }
0x6d2: {  	v52 =	vor.u32 v17, v44;
	[tilespmem:v34+s15+$0x0] =	vst.idx.msk $0xffff, v46;
	v34 =	vor.u32 v33, v49  }
0x6d3: {  	v49 =	vor.u32 v7, v39;
	v46 =	vld.idx.msk [tilespmem:v51+s10+$0x0], $0xffff;
	v51 =	vor.u32 v30, v37  }
0x6d4: {  	[tilespmem:v48+s15+$0x0] =	vst.idx.msk $0xffff, v38;
	v38 =	vor.u32 v33, v49  }
0x6d5: {  	v49 =	vor.u32 v11, v43;
	v48 =	vld.idx.msk [tilespmem:v53+s10+$0x0], $0xffff;
	v53 =	vor.u32 v26, v41  }
0x6d6: {  	[tilespmem:v40+s15+$0x0] =	vst.idx.msk $0xffff, v50;
	v40 =	vor.u32 v33, v49  }
0x6d7: {  	v50 =	vor.u32 v15, v36;
	v49 =	vld.idx.msk [tilespmem:v52+s10+$0x0], $0xffff;
	v52 =	vor.u32 v23, v45;
	[tilespmem:v34+s15+$0x0] =	vst.idx.msk $0xffff, v42  }
0x6d8: {  	v34 =	vor.u32 v33, v50;
	v50 =	vor.u32 v2, v35;
	v42 =	vld.idx.msk [tilespmem:v51+s10+$0x0], $0xffff  }
0x6d9: {  	v51 =	vor.u32 v18, v44;
	[tilespmem:v38+s15+$0x0] =	vst.idx.msk $0xffff, v46;
	v38 =	vor.u32 v33, v50  }
0x6da: {  	v50 =	vor.u32 v6, v39;
	v46 =	vld.idx.msk [tilespmem:v53+s10+$0x0], $0xffff;
	v53 =	vor.u32 v31, v37;
	v37 =	vmovc v41;
	v41 =	vmov v45  }
0x6db: {  	v45 =	vmov v44;
	[tilespmem:v40+s15+$0x0] =	vst.idx.msk $0xffff, v48;
	v40 =	vor.u32 v33, v50  }
0x6dc: {  	v44 =	vor.u32 v10, v43;
	v50 =	vor.u32 v27, v37;
	v48 =	vld.idx.msk [tilespmem:v52+s10+$0x0], $0xffff  }
0x6dd: {  	[tilespmem:v34+s15+$0x0] =	vst.idx.msk $0xffff, v49;
	v34 =	vor.u32 v33, v44  }
0x6de: {  	v44 =	vor.u32 v14, v36;
	v49 =	vld.idx.msk [tilespmem:v51+s10+$0x0], $0xffff;
	v51 =	vor.u32 v24, v41;
	[tilespmem:v38+s15+$0x0] =	vst.idx.msk $0xffff, v42  }
0x6df: {  	v38 =	vor.u32 v33, v44;
	v42 =	vor.u32 v1, v35;
	v35 =	vmovc v39;
	v39 =	vmov v43;
	v52 =	vld.idx.msk [tilespmem:v53+s10+$0x0], $0xffff  }
0x6e0: {  	v43 =	vmov v36;
	v53 =	vor.u32 v19, v45;
	v54 =	vor.u32 v33, v42;
	[tilespmem:v40+s15+$0x0] =	vst.idx.msk $0xffff, v46  }
0x6e1: {  	v36 =	vor.u32 v5, v35;
	v44 =	vld.idx.msk [tilespmem:v50+s10+$0x0], $0xffff  }
.Ltmp16:
0x6e2: {  	v46 =	vor.u32 v33, v36;
	[tilespmem:v34+s15+$0x0] =	vst.idx.msk $0xffff, v48;
	(pc) =	sbr.rel @p1 .LBB2_36-.Ltmp16, $4  }
0x6e3: {  	v40 =	vor.u32 v28, v37;
	v34 =	vor.u32 v9, v39;
	v42 =	vld.idx.msk [tilespmem:v51+s10+$0x0], $0xffff  }
0x6e4: {  	v48 =	vor.u32 v33, v34;
	[tilespmem:v38+s15+$0x0] =	vst.idx.msk $0xffff, v49  }
0x6e5: {  	v36 =	vor.u32 v13, v43;
	v49 =	vor.u32 v22, v41;
	v34 =	vld.idx.msk [tilespmem:v53+s10+$0x0], $0xffff;
	[tilespmem:v54+s15+$0x0] =	vst.idx.msk $0xffff, v52  }
0x6e6: {  	v36 =	vor.u32 v33, v36  }
0x6e7: {  	_ =	sdelay $0x2  }
0x6e8: {  	v38 =	vor.u32 v20, v45;
	s22 =	sor.u32 $0x20, s21  }
0x6e9: {  	v47 =	vld.idx.msk [tilespmem:v32+s22+$0x0 ss:$0x1], $0xffff;
	_ =	sdelay $0x2  }
0x6ea: {  	v61 =	vor.u32 v12, v43;
	[tilespmem:v36+s15+$0x0] =	vst.idx.msk $0xffff, v34  }
0x6eb: {  	v34 =	vor.u32 v33, v61;
	v36 =	vld.idx.msk [tilespmem:v38+s10+$0x0], $0xffff  }
0x6ec: {  	v50 =	vor.u32 v21, v45;
	s23 =	simm.s32 $0x0;
	v47 =	vshll.u32 v47, $0x6  }
0x6ed: {  	v38 =	vadd.s32 s23, v47  }
0x6ee: {  	v51 =	vor.u32 v0, v38;
	_ =	sdelay $0x1  }
0x6ef: {  	v62 =	vor.u32 v11, v43;
	v52 =	vmov s23;
	[tilespmem:v34+s15+$0x0] =	vst.idx.msk $0xffff, v36  }
0x6f0: {  	v53 =	vor.u32 v33, v62;
	v36 =	vshll.u32 v52, $0x7;
	v50 =	vld.idx.msk [tilespmem:v50+s10+$0x0], $0xffff  }
0x6f1: {  	v63 =	vor.u32 v23, v45;
	v34 =	vor.u32 s22, v0;
	v54 =	vor.u32 v16, v36  }
0x6f2: {  	v54 =	vor.u32 v34, v54;
	v51 =	vld.idx.msk [tilespmem:v51+s10+$0x0], $0xffff  }
0x6f3: {  	v55 =	vor.u32 v17, v38;
	_ =	sdelay $0x1  }
0x6f4: {  	v56 =	vor.u32 v10, v43;
	[tilespmem:v53+s15+$0x0] =	vst.idx.msk $0xffff, v50  }
0x6f5: {  	v50 =	vor.u32 v33, v56;
	v52 =	vld.idx.msk [tilespmem:v63+s10+$0x0], $0xffff  }
0x6f6: {  	v57 =	vor.u32 v24, v45;
	v58 =	vor.u32 v15, v36;
	[tilespmem:v54+s15+$0x0] =	vst.idx.msk $0xffff, v51  }
0x6f7: {  	v51 =	vor.u32 v34, v58;
	v54 =	vld.idx.msk [tilespmem:v55+s10+$0x0], $0xffff  }
0x6f8: {  	v59 =	vor.u32 v18, v38;
	_ =	sdelay $0x1  }
0x6f9: {  	v60 =	vor.u32 v9, v43;
	[tilespmem:v50+s15+$0x0] =	vst.idx.msk $0xffff, v52  }
0x6fa: {  	v50 =	vor.u32 v33, v60;
	v52 =	vld.idx.msk [tilespmem:v57+s10+$0x0], $0xffff  }
0x6fb: {  	v61 =	vor.u32 v22, v45;
	v62 =	vor.u32 v14, v36;
	[tilespmem:v51+s15+$0x0] =	vst.idx.msk $0xffff, v54  }
0x6fc: {  	v51 =	vor.u32 v34, v62;
	v54 =	vld.idx.msk [tilespmem:v59+s10+$0x0], $0xffff  }
0x6fd: {  	[tilespmem:v48+s15+$0x0] =	vst.idx.msk $0xffff, v42;
	v63 =	vor.u32 v19, v38;
	v58 =	vor.u32 v8, v39  }
0x6fe: {  	[tilespmem:v46+s15+$0x0] =	vst.idx.msk $0xffff, v44;
	v48 =	vld.idx.msk [tilespmem:v49+s10+$0x0], $0xffff;
	v49 =	vor.u32 v33, v58;
	v57 =	vor.u32 v4, v35  }
0x6ff: {  	v40 =	vld.idx.msk [tilespmem:v40+s10+$0x0], $0xffff;
	v46 =	vor.u32 v33, v57;
	v59 =	vor.u32 v8, v43;
	[tilespmem:v50+s15+$0x0] =	vst.idx.msk $0xffff, v52  }
0x700: {  	v60 =	vor.u32 v33, v59;
	v50 =	vor.u32 v25, v41;
	v52 =	vld.idx.msk [tilespmem:v61+s10+$0x0], $0xffff  }
0x701: {  	v62 =	vor.u32 v13, v36;
	v61 =	vor.u32 v25, v45;
	[tilespmem:v51+s15+$0x0] =	vst.idx.msk $0xffff, v54  }
0x702: {  	s31 =	simm.s32 $0x10;
	v44 =	vld.idx.msk [tilespmem:v63+s10+$0x0], $0xffff;
	v63 =	vor.u32 v34, v62  }
0x703: {  	v42 =	vadd.s32 s31, v47;
	v56 =	vor.u32 v20, v38;
	[tilespmem:v49+s15+$0x0] =	vst.idx.msk $0xffff, v48;
	v59 =	vor.u32 v7, v39  }
0x704: {  	v49 =	vor.u32 v0, v42;
	v48 =	vor.u32 v33, v59;
	[tilespmem:v46+s15+$0x0] =	vst.idx.msk $0xffff, v40  }
0x705: {  	v46 =	vor.u32 v26, v41;
	v54 =	vor.u32 v29, v37;
	v50 =	vld.idx.msk [tilespmem:v50+s10+$0x0], $0xffff;
	[tilespmem:v60+s15+$0x0] =	vst.idx.msk $0xffff, v52  }
0x706: {  	v62 =	vor.u32 v3, v35;
	v60 =	vor.u32 v7, v43;
	v53 =	vld.idx.msk [tilespmem:v61+s10+$0x0], $0xffff;
	v61 =	vmov s31  }
0x707: {  	v52 =	vor.u32 v33, v60;
	[tilespmem:v63+s15+$0x0] =	vst.idx.msk $0xffff, v44;
	v63 =	vor.u32 v12, v36;
	v40 =	vshll.u32 v61, $0x7  }
0x708: {  	v60 =	vor.u32 v26, v45;
	v56 =	vld.idx.msk [tilespmem:v56+s10+$0x0], $0xffff;
	v44 =	vor.u32 v34, v63;
	v57 =	vor.u32 v16, v40  }
0x709: {  	v58 =	vor.u32 v21, v38;
	v49 =	vld.idx.msk [tilespmem:v49+s10+$0x0], $0xffff;
	v55 =	vor.u32 v33, v62;
	v57 =	vor.u32 v34, v57  }
0x70a: {  	v62 =	vor.u32 v17, v42;
	v54 =	vld.idx.msk [tilespmem:v54+s10+$0x0], $0xffff;
	v61 =	vor.u32 v6, v39;
	[tilespmem:v48+s15+$0x0] =	vst.idx.msk $0xffff, v50  }
0x70b: {  	v59 =	vor.u32 v27, v41;
	v63 =	vor.u32 v6, v43;
	v48 =	vor.u32 v33, v61;
	v46 =	vld.idx.msk [tilespmem:v46+s10+$0x0], $0xffff  }
0x70c: {  	v61 =	vor.u32 v15, v40;
	[tilespmem:v52+s15+$0x0] =	vst.idx.msk $0xffff, v53;
	v53 =	vor.u32 v30, v37  }
0x70d: {  	v52 =	vor.u32 v33, v63;
	v51 =	vld.idx.msk [tilespmem:v60+s10+$0x0], $0xffff;
	v60 =	vor.u32 v11, v36;
	[tilespmem:v44+s15+$0x0] =	vst.idx.msk $0xffff, v56  }
0x70e: {  	v44 =	vor.u32 v27, v45;
	v58 =	vld.idx.msk [tilespmem:v58+s10+$0x0], $0xffff;
	[tilespmem:v57+s15+$0x0] =	vst.idx.msk $0xffff, v49;
	v49 =	vor.u32 v34, v60  }
0x70f: {  	[tilespmem:v55+s15+$0x0] =	vst.idx.msk $0xffff, v54;
	v54 =	vor.u32 v23, v38;
	v55 =	vor.u32 v34, v61;
	v50 =	vld.idx.msk [tilespmem:v62+s10+$0x0], $0xffff  }
0x710: {  	[tilespmem:v48+s15+$0x0] =	vst.idx.msk $0xffff, v46;
	v62 =	vor.u32 v5, v39;
	v48 =	vor.u32 v18, v42  }
0x711: {  	v61 =	vor.u32 v10, v36;
	v56 =	vor.u32 v2, v35;
	v63 =	vld.idx.msk [tilespmem:v59+s10+$0x0], $0xffff;
	v46 =	vor.u32 v33, v62  }
0x712: {  	v60 =	vor.u32 v5, v43;
	[tilespmem:v52+s15+$0x0] =	vst.idx.msk $0xffff, v51;
	v51 =	vor.u32 v28, v41  }
0x713: {  	v59 =	vor.u32 v28, v45;
	v52 =	vor.u32 v33, v60;
	v44 =	vld.idx.msk [tilespmem:v44+s10+$0x0], $0xffff;
	[tilespmem:v49+s15+$0x0] =	vst.idx.msk $0xffff, v58  }
0x714: {  	v62 =	vor.u32 v14, v40;
	v49 =	vor.u32 v34, v61;
	v54 =	vld.idx.msk [tilespmem:v54+s10+$0x0], $0xffff;
	[tilespmem:v55+s15+$0x0] =	vst.idx.msk $0xffff, v50  }
0x715: {  	v55 =	vor.u32 v33, v56;
	v56 =	vor.u32 v24, v38;
	v50 =	vor.u32 v34, v62;
	v48 =	vld.idx.msk [tilespmem:v48+s10+$0x0], $0xffff  }
0x716: {  	v60 =	vor.u32 v19, v42;
	[tilespmem:v46+s15+$0x0] =	vst.idx.msk $0xffff, v63;
	v63 =	vor.u32 v4, v39  }
0x717: {  	v61 =	vor.u32 v4, v43;
	v51 =	vld.idx.msk [tilespmem:v51+s10+$0x0], $0xffff;
	v46 =	vor.u32 v33, v63  }
0x718: {  	v53 =	vld.idx.msk [tilespmem:v53+s10+$0x0], $0xffff;
	v62 =	vor.u32 v29, v41;
	v63 =	vor.u32 v9, v36;
	[tilespmem:v52+s15+$0x0] =	vst.idx.msk $0xffff, v44  }
0x719: {  	v52 =	vor.u32 v33, v61;
	v58 =	vld.idx.msk [tilespmem:v59+s10+$0x0], $0xffff;
	v59 =	vor.u32 v29, v45;
	[tilespmem:v49+s15+$0x0] =	vst.idx.msk $0xffff, v54  }
0x71a: {  	v54 =	vld.idx.msk [tilespmem:v56+s10+$0x0], $0xffff;
	[tilespmem:v50+s15+$0x0] =	vst.idx.msk $0xffff, v48;
	v48 =	vor.u32 v34, v63;
	v56 =	vor.u32 v13, v40  }
0x71b: {  	v57 =	vor.u32 v30, v41;
	v50 =	vld.idx.msk [tilespmem:v60+s10+$0x0], $0xffff;
	v60 =	vor.u32 v22, v38;
	v49 =	vor.u32 v34, v56  }
0x71c: {  	s22 =	simm.s32 $0x20;
	v61 =	vor.u32 v3, v39;
	[tilespmem:v46+s15+$0x0] =	vst.idx.msk $0xffff, v51;
	v51 =	vor.u32 v20, v42  }
0x71d: {  	[tilespmem:v55+s15+$0x0] =	vst.idx.msk $0xffff, v53;
	v46 =	vadd.s32 s22, v47;
	v55 =	vld.idx.msk [tilespmem:v62+s10+$0x0], $0xffff;
	v62 =	vor.u32 v33, v61  }
0x71e: {  	v63 =	vor.u32 v3, v43;
	[tilespmem:v52+s15+$0x0] =	vst.idx.msk $0xffff, v58;
	v52 =	vor.u32 v0, v46  }
0x71f: {  	v58 =	vld.idx.msk [tilespmem:v59+s10+$0x0], $0xffff;
	v59 =	vor.u32 v33, v63;
	[tilespmem:v48+s15+$0x0] =	vst.idx.msk $0xffff, v54;
	v54 =	vor.u32 v8, v36  }
0x720: {  	v61 =	vor.u32 v12, v40;
	v48 =	vld.idx.msk [tilespmem:v60+s10+$0x0], $0xffff;
	[tilespmem:v49+s15+$0x0] =	vst.idx.msk $0xffff, v50;
	v49 =	vor.u32 v34, v54;
	v60 =	vmov s22  }
0x721: {  	v53 =	vor.u32 v30, v45;
	v50 =	vor.u32 v34, v61;
	v51 =	vld.idx.msk [tilespmem:v51+s10+$0x0], $0xffff;
	v44 =	vshll.u32 v60, $0x7  }
0x722: {  	[tilespmem:v62+s15+$0x0] =	vst.idx.msk $0xffff, v55;
	v60 =	vor.u32 v25, v38;
	v62 =	vor.u32 v16, v44  }
0x723: {  	v63 =	vor.u32 v2, v39;
	v61 =	vor.u32 v21, v42;
	v52 =	vld.idx.msk [tilespmem:v52+s10+$0x0], $0xffff;
	v54 =	vor.u32 v34, v62  }
0x724: {  	v37 =	vor.u32 v31, v37;
	v55 =	vor.u32 v33, v63;
	v57 =	vld.idx.msk [tilespmem:v57+s10+$0x0], $0xffff;
	[tilespmem:v59+s15+$0x0] =	vst.idx.msk $0xffff, v58  }
0x725: {  	v63 =	vor.u32 v17, v46;
	v62 =	vor.u32 v2, v43;
	[tilespmem:v49+s15+$0x0] =	vst.idx.msk $0xffff, v48  }
0x726: {  	v59 =	vor.u32 v7, v36;
	v48 =	vor.u32 v33, v62;
	[tilespmem:v50+s15+$0x0] =	vst.idx.msk $0xffff, v51;
	v50 =	vld.idx.msk [tilespmem:v53+s10+$0x0], $0xffff  }
0x727: {  	v45 =	vor.u32 v31, v45;
	v53 =	vld.idx.msk [tilespmem:v60+s10+$0x0], $0xffff;
	v51 =	vor.u32 v34, v59;
	v60 =	vor.u32 v11, v40  }
0x728: {  	v62 =	vor.u32 v26, v38;
	[tilespmem:v54+s15+$0x0] =	vst.idx.msk $0xffff, v52;
	v54 =	vld.idx.msk [tilespmem:v61+s10+$0x0], $0xffff;
	v52 =	vor.u32 v34, v60  }
0x729: {  	v41 =	vor.u32 v31, v41;
	[tilespmem:v55+s15+$0x0] =	vst.idx.msk $0xffff, v57;
	v57 =	vor.u32 v23, v42  }
0x72a: {  	v58 =	vor.u32 v1, v39;
	v59 =	vor.u32 v18, v46;
	v61 =	vor.u32 v15, v44  }
0x72b: {  	v60 =	vor.u32 v1, v43;
	v49 =	vld.idx.msk [tilespmem:v63+s10+$0x0], $0xffff;
	v56 =	vor.u32 v34, v61;
	[tilespmem:v48+s15+$0x0] =	vst.idx.msk $0xffff, v50  }
0x72c: {  	v63 =	vor.u32 v1, v35;
	v61 =	vor.u32 v6, v36;
	[tilespmem:v51+s15+$0x0] =	vst.idx.msk $0xffff, v53;
	v43 =	vld.idx.msk [tilespmem:v45+s10+$0x0], $0xffff  }
0x72d: {  	v51 =	vld.idx.msk [tilespmem:v62+s10+$0x0], $0xffff;
	v45 =	vor.u32 v34, v61;
	v62 =	vor.u32 v10, v40;
	[tilespmem:v52+s15+$0x0] =	vst.idx.msk $0xffff, v54  }
0x72e: {  	v35 =	vor.u32 v33, v63;
	v63 =	vor.u32 v27, v38;
	v52 =	vor.u32 v34, v62;
	v48 =	vld.idx.msk [tilespmem:v57+s10+$0x0], $0xffff  }
0x72f: {  	v39 =	vor.u32 v33, v58;
	v41 =	vld.idx.msk [tilespmem:v41+s10+$0x0], $0xffff  }
0x730: {  	v37 =	vld.idx.msk [tilespmem:v37+s10+$0x0], $0xffff;
	v58 =	vor.u32 v24, v42;
	[tilespmem:v56+s15+$0x0] =	vst.idx.msk $0xffff, v49;
	v56 =	vor.u32 v14, v44  }
0x731: {  	v33 =	vor.u32 v33, v60;
	v57 =	vld.idx.msk [tilespmem:v59+s10+$0x0], $0xffff;
	v59 =	vor.u32 v34, v56  }
0x732: {  	v60 =	vor.u32 v19, v46;
	v61 =	vor.u32 v5, v36;
	[tilespmem:v45+s15+$0x0] =	vst.idx.msk $0xffff, v51  }
0x733: {  	v45 =	vld.idx.msk [tilespmem:v63+s10+$0x0], $0xffff;
	[tilespmem:v52+s15+$0x0] =	vst.idx.msk $0xffff, v48;
	v48 =	vor.u32 v34, v61  }
0x734: {  	[tilespmem:v39+s15+$0x0] =	vst.idx.msk $0xffff, v41;
	v62 =	vor.u32 v9, v40;
	v39 =	vor.u32 v28, v38  }
0x735: {  	v49 =	vor.u32 v34, v62;
	[tilespmem:v35+s15+$0x0] =	vst.idx.msk $0xffff, v37;
	v41 =	vld.idx.msk [tilespmem:v58+s10+$0x0], $0xffff  }
0x736: {  	v50 =	vor.u32 v22, v42;
	v63 =	vor.u32 v13, v44;
	[tilespmem:v59+s15+$0x0] =	vst.idx.msk $0xffff, v57  }
0x737: {  	[tilespmem:v33+s15+$0x0] =	vst.idx.msk $0xffff, v43;
	v35 =	vor.u32 v34, v63;
	v33 =	vld.idx.msk [tilespmem:v60+s10+$0x0], $0xffff  }
.LBB2_38:
0x738: {  	s22 =	sadd.s32 $0x10, s22;
	v37 =	vor.u32 v20, v46;
	[tilespmem:v48+s15+$0x0] =	vst.idx.msk $0xffff, v45  }
0x739: {  	v45 =	vor.u32 v4, v36;
	v43 =	vadd.s32 s22, v47;
	p1 =	slt.u32 s22, $0x30;
	v39 =	vld.idx.msk [tilespmem:v39+s10+$0x0], $0xffff  }
0x73a: {  	v48 =	vor.u32 v0, v43;
	[tilespmem:v49+s15+$0x0] =	vst.idx.msk $0xffff, v41;
	v41 =	vor.u32 v34, v45  }
0x73b: {  	v49 =	vor.u32 v8, v40;
	v45 =	vld.idx.msk [tilespmem:v50+s10+$0x0], $0xffff;
	v50 =	vor.u32 v29, v38  }
0x73c: {  	[tilespmem:v35+s15+$0x0] =	vst.idx.msk $0xffff, v33;
	v33 =	vor.u32 v34, v49  }
0x73d: {  	v51 =	vor.u32 v25, v42;
	v35 =	vmov s22;
	v49 =	vor.u32 v12, v44;
	v37 =	vld.idx.msk [tilespmem:v37+s10+$0x0], $0xffff  }
0x73e: {  	v35 =	vshll.u32 v35, $0x7;
	v49 =	vor.u32 v34, v49  }
0x73f: {  	v53 =	vor.u32 v21, v46;
	v52 =	vor.u32 v16, v35;
	v48 =	vld.idx.msk [tilespmem:v48+s10+$0x0], $0xffff;
	[tilespmem:v41+s15+$0x0] =	vst.idx.msk $0xffff, v39  }
0x740: {  	v39 =	vor.u32 v34, v52;
	v41 =	vld.idx.msk [tilespmem:v50+s10+$0x0], $0xffff;
	v50 =	vor.u32 v3, v36  }
0x741: {  	v52 =	vor.u32 v17, v43;
	[tilespmem:v33+s15+$0x0] =	vst.idx.msk $0xffff, v45;
	v33 =	vor.u32 v34, v50  }
0x742: {  	v50 =	vor.u32 v7, v40;
	v45 =	vld.idx.msk [tilespmem:v51+s10+$0x0], $0xffff;
	v51 =	vor.u32 v30, v38  }
0x743: {  	[tilespmem:v49+s15+$0x0] =	vst.idx.msk $0xffff, v37;
	v37 =	vor.u32 v34, v50  }
0x744: {  	v50 =	vor.u32 v11, v44;
	v49 =	vld.idx.msk [tilespmem:v53+s10+$0x0], $0xffff;
	v53 =	vor.u32 v26, v42  }
0x745: {  	[tilespmem:v39+s15+$0x0] =	vst.idx.msk $0xffff, v48;
	v39 =	vor.u32 v34, v50  }
0x746: {  	v50 =	vor.u32 v15, v35;
	v48 =	vld.idx.msk [tilespmem:v52+s10+$0x0], $0xffff;
	v52 =	vor.u32 v23, v46;
	[tilespmem:v33+s15+$0x0] =	vst.idx.msk $0xffff, v41  }
0x747: {  	v33 =	vor.u32 v34, v50;
	v50 =	vor.u32 v2, v36;
	v41 =	vld.idx.msk [tilespmem:v51+s10+$0x0], $0xffff  }
0x748: {  	v51 =	vor.u32 v18, v43;
	[tilespmem:v37+s15+$0x0] =	vst.idx.msk $0xffff, v45;
	v37 =	vor.u32 v34, v50  }
0x749: {  	v50 =	vor.u32 v6, v40;
	v45 =	vld.idx.msk [tilespmem:v53+s10+$0x0], $0xffff;
	v53 =	vor.u32 v31, v38;
	v38 =	vmovc v42;
	v42 =	vmov v46  }
0x74a: {  	v46 =	vmov v43;
	[tilespmem:v39+s15+$0x0] =	vst.idx.msk $0xffff, v49;
	v39 =	vor.u32 v34, v50  }
0x74b: {  	v49 =	vor.u32 v10, v44;
	v50 =	vor.u32 v27, v38;
	v43 =	vld.idx.msk [tilespmem:v52+s10+$0x0], $0xffff  }
0x74c: {  	[tilespmem:v33+s15+$0x0] =	vst.idx.msk $0xffff, v48;
	v33 =	vor.u32 v34, v49  }
0x74d: {  	v48 =	vor.u32 v14, v35;
	v49 =	vld.idx.msk [tilespmem:v51+s10+$0x0], $0xffff;
	v51 =	vor.u32 v24, v42;
	[tilespmem:v37+s15+$0x0] =	vst.idx.msk $0xffff, v41  }
0x74e: {  	v37 =	vor.u32 v34, v48;
	v41 =	vor.u32 v1, v36;
	v36 =	vmovc v40;
	v40 =	vmov v44;
	v52 =	vld.idx.msk [tilespmem:v53+s10+$0x0], $0xffff  }
0x74f: {  	v44 =	vmov v35;
	v53 =	vor.u32 v19, v46;
	v54 =	vor.u32 v34, v41;
	[tilespmem:v39+s15+$0x0] =	vst.idx.msk $0xffff, v45  }
0x750: {  	v35 =	vor.u32 v5, v36;
	v45 =	vld.idx.msk [tilespmem:v50+s10+$0x0], $0xffff  }
.Ltmp17:
0x751: {  	v48 =	vor.u32 v34, v35;
	[tilespmem:v33+s15+$0x0] =	vst.idx.msk $0xffff, v43;
	(pc) =	sbr.rel @p1 .LBB2_38-.Ltmp17, $4  }
0x752: {  	v39 =	vor.u32 v28, v38;
	v33 =	vor.u32 v9, v40;
	v41 =	vld.idx.msk [tilespmem:v51+s10+$0x0], $0xffff  }
0x753: {  	[tilespmem:v37+s15+$0x0] =	vst.idx.msk $0xffff, v49;
	v49 =	vor.u32 v34, v33  }
0x754: {  	v35 =	vor.u32 v13, v44;
	v50 =	vor.u32 v22, v42;
	v33 =	vld.idx.msk [tilespmem:v53+s10+$0x0], $0xffff;
	[tilespmem:v54+s15+$0x0] =	vst.idx.msk $0xffff, v52  }
0x755: {  	v35 =	vor.u32 v34, v35  }
0x756: {  	_ =	sdelay $0x2  }
0x757: {  	v37 =	vor.u32 v20, v46;
	s21 =	sor.u32 $0x30, s21  }
0x758: {  	v43 =	vld.idx.msk [tilespmem:v32+s21+$0x0 ss:$0x1], $0xffff;
	_ =	sdelay $0x2  }
0x759: {  	v61 =	vor.u32 v12, v44;
	[tilespmem:v35+s15+$0x0] =	vst.idx.msk $0xffff, v33  }
0x75a: {  	v33 =	vor.u32 v34, v61;
	v35 =	vld.idx.msk [tilespmem:v37+s10+$0x0], $0xffff  }
0x75b: {  	v47 =	vor.u32 v21, v46;
	s22 =	simm.s32 $0x0;
	v43 =	vshll.u32 v43, $0x6  }
0x75c: {  	v37 =	vadd.s32 s22, v43  }
0x75d: {  	v51 =	vor.u32 v0, v37;
	_ =	sdelay $0x1  }
0x75e: {  	v62 =	vor.u32 v11, v44;
	v52 =	vmov s22;
	[tilespmem:v33+s15+$0x0] =	vst.idx.msk $0xffff, v35  }
0x75f: {  	v53 =	vor.u32 v34, v62;
	v35 =	vshll.u32 v52, $0x7;
	v47 =	vld.idx.msk [tilespmem:v47+s10+$0x0], $0xffff  }
0x760: {  	v63 =	vor.u32 v23, v46;
	v33 =	vor.u32 s21, v0;
	v54 =	vor.u32 v16, v35  }
0x761: {  	v54 =	vor.u32 v33, v54;
	v51 =	vld.idx.msk [tilespmem:v51+s10+$0x0], $0xffff  }
0x762: {  	v55 =	vor.u32 v17, v37;
	_ =	sdelay $0x1  }
0x763: {  	v57 =	vor.u32 v10, v44;
	[tilespmem:v53+s15+$0x0] =	vst.idx.msk $0xffff, v47  }
0x764: {  	v47 =	vor.u32 v34, v57;
	v52 =	vld.idx.msk [tilespmem:v63+s10+$0x0], $0xffff  }
0x765: {  	v58 =	vor.u32 v24, v46;
	v59 =	vor.u32 v15, v35;
	[tilespmem:v54+s15+$0x0] =	vst.idx.msk $0xffff, v51  }
0x766: {  	v51 =	vor.u32 v33, v59;
	v54 =	vld.idx.msk [tilespmem:v55+s10+$0x0], $0xffff  }
0x767: {  	v60 =	vor.u32 v18, v37;
	_ =	sdelay $0x1  }
0x768: {  	v61 =	vor.u32 v9, v44;
	[tilespmem:v47+s15+$0x0] =	vst.idx.msk $0xffff, v52  }
0x769: {  	v47 =	vor.u32 v34, v61;
	v52 =	vld.idx.msk [tilespmem:v58+s10+$0x0], $0xffff  }
0x76a: {  	v62 =	vor.u32 v22, v46;
	v63 =	vor.u32 v14, v35;
	[tilespmem:v51+s15+$0x0] =	vst.idx.msk $0xffff, v54  }
0x76b: {  	v51 =	vor.u32 v33, v63;
	v54 =	vld.idx.msk [tilespmem:v60+s10+$0x0], $0xffff  }
0x76c: {  	[tilespmem:v49+s15+$0x0] =	vst.idx.msk $0xffff, v41;
	v57 =	vor.u32 v19, v37;
	v59 =	vor.u32 v8, v40  }
0x76d: {  	v49 =	vld.idx.msk [tilespmem:v50+s10+$0x0], $0xffff;
	v41 =	vor.u32 v34, v59  }
0x76e: {  	v61 =	vor.u32 v25, v42;
	v60 =	vor.u32 v8, v44;
	[tilespmem:v47+s15+$0x0] =	vst.idx.msk $0xffff, v52  }
0x76f: {  	[tilespmem:v48+s15+$0x0] =	vst.idx.msk $0xffff, v45;
	v58 =	vor.u32 v4, v36;
	v47 =	vor.u32 v34, v60;
	v52 =	vld.idx.msk [tilespmem:v62+s10+$0x0], $0xffff  }
0x770: {  	v59 =	vor.u32 v13, v35;
	v48 =	vor.u32 v34, v58;
	v62 =	vld.idx.msk [tilespmem:v39+s10+$0x0], $0xffff;
	[tilespmem:v51+s15+$0x0] =	vst.idx.msk $0xffff, v54  }
0x771: {  	s31 =	simm.s32 $0x10;
	v63 =	vor.u32 v25, v46;
	v51 =	vor.u32 v33, v59;
	v45 =	vld.idx.msk [tilespmem:v57+s10+$0x0], $0xffff  }
0x772: {  	v56 =	vor.u32 v20, v37;
	[tilespmem:v41+s15+$0x0] =	vst.idx.msk $0xffff, v49;
	v58 =	vor.u32 v21, v37;
	v39 =	vadd.s32 s31, v43  }
0x773: {  	v50 =	vld.idx.msk [tilespmem:v61+s10+$0x0], $0xffff;
	v61 =	vor.u32 v7, v44;
	v60 =	vor.u32 v7, v40;
	v49 =	vor.u32 v0, v39  }
0x774: {  	v54 =	vor.u32 v29, v38;
	v57 =	vor.u32 v34, v60;
	[tilespmem:v47+s15+$0x0] =	vst.idx.msk $0xffff, v52  }
0x775: {  	v59 =	vor.u32 v12, v35;
	[tilespmem:v48+s15+$0x0] =	vst.idx.msk $0xffff, v62;
	v47 =	vor.u32 v26, v42;
	v62 =	vmov s31  }
0x776: {  	v52 =	vor.u32 v34, v61;
	v48 =	vld.idx.msk [tilespmem:v63+s10+$0x0], $0xffff;
	v41 =	vshll.u32 v62, $0x7;
	[tilespmem:v51+s15+$0x0] =	vst.idx.msk $0xffff, v45  }
0x777: {  	v51 =	vor.u32 v26, v46;
	v45 =	vor.u32 v33, v59;
	v60 =	vor.u32 v16, v41;
	v55 =	vld.idx.msk [tilespmem:v56+s10+$0x0], $0xffff  }
0x778: {  	v61 =	vor.u32 v6, v40;
	v63 =	vor.u32 v3, v36;
	v49 =	vld.idx.msk [tilespmem:v49+s10+$0x0], $0xffff;
	v56 =	vor.u32 v33, v60  }
0x779: {  	v54 =	vld.idx.msk [tilespmem:v54+s10+$0x0], $0xffff;
	v62 =	vor.u32 v17, v39;
	v53 =	vor.u32 v34, v63;
	[tilespmem:v57+s15+$0x0] =	vst.idx.msk $0xffff, v50  }
0x77a: {  	v50 =	vor.u32 v34, v61;
	v63 =	vor.u32 v6, v44;
	v59 =	vor.u32 v27, v42;
	v47 =	vld.idx.msk [tilespmem:v47+s10+$0x0], $0xffff  }
0x77b: {  	v61 =	vor.u32 v15, v41;
	v60 =	vor.u32 v11, v35;
	[tilespmem:v52+s15+$0x0] =	vst.idx.msk $0xffff, v48  }
0x77c: {  	v52 =	vor.u32 v30, v38;
	v48 =	vor.u32 v34, v63;
	v51 =	vld.idx.msk [tilespmem:v51+s10+$0x0], $0xffff;
	[tilespmem:v45+s15+$0x0] =	vst.idx.msk $0xffff, v55  }
0x77d: {  	v45 =	vor.u32 v27, v46;
	[tilespmem:v56+s15+$0x0] =	vst.idx.msk $0xffff, v49;
	v49 =	vor.u32 v33, v60;
	v58 =	vld.idx.msk [tilespmem:v58+s10+$0x0], $0xffff  }
0x77e: {  	[tilespmem:v53+s15+$0x0] =	vst.idx.msk $0xffff, v54;
	v54 =	vor.u32 v23, v37;
	v55 =	vor.u32 v33, v61;
	v53 =	vld.idx.msk [tilespmem:v62+s10+$0x0], $0xffff  }
0x77f: {  	v62 =	vor.u32 v5, v40;
	[tilespmem:v50+s15+$0x0] =	vst.idx.msk $0xffff, v47;
	v50 =	vor.u32 v18, v39  }
0x780: {  	v56 =	vor.u32 v2, v36;
	v60 =	vor.u32 v5, v44;
	v47 =	vor.u32 v34, v62;
	v63 =	vld.idx.msk [tilespmem:v59+s10+$0x0], $0xffff  }
0x781: {  	v61 =	vor.u32 v10, v35;
	[tilespmem:v48+s15+$0x0] =	vst.idx.msk $0xffff, v51;
	v48 =	vor.u32 v28, v42  }
0x782: {  	v62 =	vor.u32 v14, v41;
	v51 =	vor.u32 v34, v60;
	v45 =	vld.idx.msk [tilespmem:v45+s10+$0x0], $0xffff;
	[tilespmem:v49+s15+$0x0] =	vst.idx.msk $0xffff, v58  }
0x783: {  	v59 =	vor.u32 v28, v46;
	[tilespmem:v55+s15+$0x0] =	vst.idx.msk $0xffff, v53;
	v49 =	vor.u32 v33, v61;
	v54 =	vld.idx.msk [tilespmem:v54+s10+$0x0], $0xffff  }
0x784: {  	v55 =	vor.u32 v34, v56;
	v56 =	vor.u32 v24, v37;
	v53 =	vor.u32 v33, v62;
	v50 =	vld.idx.msk [tilespmem:v50+s10+$0x0], $0xffff  }
0x785: {  	v52 =	vld.idx.msk [tilespmem:v52+s10+$0x0], $0xffff;
	v60 =	vor.u32 v19, v39;
	[tilespmem:v47+s15+$0x0] =	vst.idx.msk $0xffff, v63;
	v63 =	vor.u32 v4, v40  }
0x786: {  	v57 =	vor.u32 v30, v42;
	v61 =	vor.u32 v4, v44;
	v48 =	vld.idx.msk [tilespmem:v48+s10+$0x0], $0xffff;
	v47 =	vor.u32 v34, v63  }
0x787: {  	v62 =	vor.u32 v29, v42;
	v63 =	vor.u32 v9, v35;
	[tilespmem:v51+s15+$0x0] =	vst.idx.msk $0xffff, v45  }
0x788: {  	v51 =	vor.u32 v34, v61;
	v58 =	vld.idx.msk [tilespmem:v59+s10+$0x0], $0xffff;
	v59 =	vor.u32 v29, v46;
	[tilespmem:v49+s15+$0x0] =	vst.idx.msk $0xffff, v54  }
0x789: {  	[tilespmem:v53+s15+$0x0] =	vst.idx.msk $0xffff, v50;
	v49 =	vor.u32 v33, v63;
	v54 =	vld.idx.msk [tilespmem:v56+s10+$0x0], $0xffff;
	v56 =	vor.u32 v13, v41  }
0x78a: {  	[tilespmem:v55+s15+$0x0] =	vst.idx.msk $0xffff, v52;
	v52 =	vld.idx.msk [tilespmem:v60+s10+$0x0], $0xffff;
	v60 =	vor.u32 v22, v37;
	v50 =	vor.u32 v33, v56  }
0x78b: {  	s21 =	simm.s32 $0x20;
	v61 =	vor.u32 v3, v40;
	[tilespmem:v47+s15+$0x0] =	vst.idx.msk $0xffff, v48;
	v48 =	vor.u32 v20, v39  }
0x78c: {  	v38 =	vor.u32 v31, v38;
	v45 =	vadd.s32 s21, v43;
	v55 =	vld.idx.msk [tilespmem:v62+s10+$0x0], $0xffff;
	v62 =	vor.u32 v34, v61  }
0x78d: {  	v63 =	vor.u32 v3, v44;
	[tilespmem:v51+s15+$0x0] =	vst.idx.msk $0xffff, v58;
	v51 =	vor.u32 v0, v45  }
0x78e: {  	v58 =	vld.idx.msk [tilespmem:v59+s10+$0x0], $0xffff;
	v59 =	vor.u32 v34, v63;
	[tilespmem:v49+s15+$0x0] =	vst.idx.msk $0xffff, v54;
	v54 =	vor.u32 v8, v35  }
0x78f: {  	v61 =	vor.u32 v12, v41;
	v49 =	vld.idx.msk [tilespmem:v60+s10+$0x0], $0xffff;
	[tilespmem:v50+s15+$0x0] =	vst.idx.msk $0xffff, v52;
	v50 =	vor.u32 v33, v54;
	v60 =	vmov s21  }
0x790: {  	v53 =	vor.u32 v30, v46;
	v52 =	vor.u32 v33, v61;
	v48 =	vld.idx.msk [tilespmem:v48+s10+$0x0], $0xffff;
	v47 =	vshll.u32 v60, $0x7  }
0x791: {  	[tilespmem:v62+s15+$0x0] =	vst.idx.msk $0xffff, v55;
	v60 =	vor.u32 v25, v37;
	v62 =	vor.u32 v16, v47  }
0x792: {  	v63 =	vor.u32 v2, v40;
	v61 =	vor.u32 v21, v39;
	v51 =	vld.idx.msk [tilespmem:v51+s10+$0x0], $0xffff;
	v54 =	vor.u32 v33, v62  }
0x793: {  	v42 =	vor.u32 v31, v42;
	v55 =	vor.u32 v34, v63;
	v57 =	vld.idx.msk [tilespmem:v57+s10+$0x0], $0xffff;
	[tilespmem:v59+s15+$0x0] =	vst.idx.msk $0xffff, v58  }
0x794: {  	v63 =	vor.u32 v17, v45;
	v62 =	vor.u32 v2, v44;
	[tilespmem:v50+s15+$0x0] =	vst.idx.msk $0xffff, v49  }
0x795: {  	v59 =	vor.u32 v7, v35;
	v49 =	vor.u32 v34, v62;
	[tilespmem:v52+s15+$0x0] =	vst.idx.msk $0xffff, v48;
	v48 =	vld.idx.msk [tilespmem:v53+s10+$0x0], $0xffff  }
0x796: {  	v46 =	vor.u32 v31, v46;
	v53 =	vld.idx.msk [tilespmem:v60+s10+$0x0], $0xffff;
	v52 =	vor.u32 v33, v59;
	v60 =	vor.u32 v11, v41  }
0x797: {  	v62 =	vor.u32 v26, v37;
	[tilespmem:v54+s15+$0x0] =	vst.idx.msk $0xffff, v51;
	v54 =	vld.idx.msk [tilespmem:v61+s10+$0x0], $0xffff;
	v51 =	vor.u32 v33, v60  }
0x798: {  	[tilespmem:v55+s15+$0x0] =	vst.idx.msk $0xffff, v57;
	v57 =	vor.u32 v23, v39;
	v61 =	vor.u32 v15, v47  }
0x799: {  	v58 =	vor.u32 v1, v40;
	v59 =	vor.u32 v18, v45;
	v50 =	vld.idx.msk [tilespmem:v63+s10+$0x0], $0xffff;
	v56 =	vor.u32 v33, v61  }
0x79a: {  	v38 =	vld.idx.msk [tilespmem:v38+s10+$0x0], $0xffff;
	v60 =	vor.u32 v1, v44;
	v63 =	vor.u32 v1, v36;
	[tilespmem:v49+s15+$0x0] =	vst.idx.msk $0xffff, v48  }
0x79b: {  	v61 =	vor.u32 v6, v35;
	v36 =	vor.u32 v34, v63;
	[tilespmem:v52+s15+$0x0] =	vst.idx.msk $0xffff, v53;
	v44 =	vld.idx.msk [tilespmem:v46+s10+$0x0], $0xffff  }
0x79c: {  	v40 =	vor.u32 v34, v58;
	v62 =	vld.idx.msk [tilespmem:v62+s10+$0x0], $0xffff;
	v46 =	vor.u32 v33, v61;
	[tilespmem:v51+s15+$0x0] =	vst.idx.msk $0xffff, v54  }
0x79d: {  	v34 =	vor.u32 v34, v60;
	v63 =	vor.u32 v10, v41;
	v48 =	vld.idx.msk [tilespmem:v57+s10+$0x0], $0xffff;
	v57 =	vor.u32 v27, v37  }
0x79e: {  	v42 =	vld.idx.msk [tilespmem:v42+s10+$0x0], $0xffff;
	v52 =	vor.u32 v33, v63;
	[tilespmem:v56+s15+$0x0] =	vst.idx.msk $0xffff, v50  }
0x79f: {  	v58 =	vor.u32 v14, v47;
	v49 =	vld.idx.msk [tilespmem:v59+s10+$0x0], $0xffff;
	v59 =	vor.u32 v24, v39  }
0x7a0: {  	v53 =	vor.u32 v33, v58;
	[tilespmem:v36+s15+$0x0] =	vst.idx.msk $0xffff, v38  }
0x7a1: {  	v60 =	vor.u32 v19, v45;
	v61 =	vor.u32 v5, v35;
	[tilespmem:v46+s15+$0x0] =	vst.idx.msk $0xffff, v62  }
0x7a2: {  	v36 =	vor.u32 v33, v61;
	[tilespmem:v34+s15+$0x0] =	vst.idx.msk $0xffff, v44;
	v34 =	vld.idx.msk [tilespmem:v57+s10+$0x0], $0xffff  }
0x7a3: {  	v38 =	vor.u32 v28, v37;
	v62 =	vor.u32 v9, v41;
	[tilespmem:v52+s15+$0x0] =	vst.idx.msk $0xffff, v48  }
0x7a4: {  	[tilespmem:v40+s15+$0x0] =	vst.idx.msk $0xffff, v42;
	v42 =	vor.u32 v33, v62;
	v40 =	vld.idx.msk [tilespmem:v59+s10+$0x0], $0xffff  }
0x7a5: {  	v63 =	vor.u32 v13, v47;
	v44 =	vor.u32 v22, v39;
	[tilespmem:v53+s15+$0x0] =	vst.idx.msk $0xffff, v49  }
0x7a6: {  	v48 =	vor.u32 v33, v63;
	v46 =	vld.idx.msk [tilespmem:v60+s10+$0x0], $0xffff  }
.LBB2_40:
0x7a7: {  	s21 =	sadd.s32 $0x10, s21;
	v49 =	vor.u32 v20, v45;
	[tilespmem:v36+s15+$0x0] =	vst.idx.msk $0xffff, v34  }
0x7a8: {  	v34 =	vadd.s32 s21, v43;
	p1 =	slt.u32 s21, $0x30;
	v36 =	vld.idx.msk [tilespmem:v38+s10+$0x0], $0xffff;
	v38 =	vor.u32 v4, v35  }
0x7a9: {  	v50 =	vor.u32 v0, v34;
	[tilespmem:v42+s15+$0x0] =	vst.idx.msk $0xffff, v40;
	v38 =	vor.u32 v33, v38  }
0x7aa: {  	v42 =	vor.u32 v8, v41;
	v40 =	vld.idx.msk [tilespmem:v44+s10+$0x0], $0xffff;
	v44 =	vor.u32 v29, v37  }
0x7ab: {  	v42 =	vor.u32 v33, v42;
	[tilespmem:v48+s15+$0x0] =	vst.idx.msk $0xffff, v46  }
0x7ac: {  	v51 =	vor.u32 v25, v39;
	v46 =	vmov s21;
	v48 =	vld.idx.msk [tilespmem:v49+s10+$0x0], $0xffff;
	v49 =	vor.u32 v12, v47  }
0x7ad: {  	v46 =	vshll.u32 v46, $0x7;
	v49 =	vor.u32 v33, v49  }
0x7ae: {  	v53 =	vor.u32 v21, v45;
	v52 =	vor.u32 v16, v46;
	v50 =	vld.idx.msk [tilespmem:v50+s10+$0x0], $0xffff;
	[tilespmem:v38+s15+$0x0] =	vst.idx.msk $0xffff, v36  }
0x7af: {  	v36 =	vor.u32 v33, v52;
	v38 =	vld.idx.msk [tilespmem:v44+s10+$0x0], $0xffff;
	v44 =	vor.u32 v3, v35  }
0x7b0: {  	v52 =	vor.u32 v17, v34;
	[tilespmem:v42+s15+$0x0] =	vst.idx.msk $0xffff, v40;
	v40 =	vor.u32 v33, v44  }
0x7b1: {  	v44 =	vor.u32 v7, v41;
	v42 =	vld.idx.msk [tilespmem:v51+s10+$0x0], $0xffff;
	v51 =	vor.u32 v30, v37  }
0x7b2: {  	v44 =	vor.u32 v33, v44;
	[tilespmem:v49+s15+$0x0] =	vst.idx.msk $0xffff, v48  }
0x7b3: {  	v49 =	vor.u32 v11, v47;
	v48 =	vld.idx.msk [tilespmem:v53+s10+$0x0], $0xffff;
	v53 =	vor.u32 v26, v39  }
0x7b4: {  	[tilespmem:v36+s15+$0x0] =	vst.idx.msk $0xffff, v50;
	v36 =	vor.u32 v33, v49  }
0x7b5: {  	v50 =	vor.u32 v15, v46;
	v49 =	vld.idx.msk [tilespmem:v52+s10+$0x0], $0xffff;
	v52 =	vor.u32 v23, v45;
	[tilespmem:v40+s15+$0x0] =	vst.idx.msk $0xffff, v38  }
0x7b6: {  	v38 =	vor.u32 v33, v50;
	v50 =	vor.u32 v2, v35;
	v40 =	vld.idx.msk [tilespmem:v51+s10+$0x0], $0xffff  }
0x7b7: {  	v51 =	vor.u32 v18, v34;
	[tilespmem:v44+s15+$0x0] =	vst.idx.msk $0xffff, v42;
	v42 =	vor.u32 v33, v50  }
0x7b8: {  	v50 =	vor.u32 v6, v41;
	v44 =	vld.idx.msk [tilespmem:v53+s10+$0x0], $0xffff;
	v53 =	vor.u32 v31, v37;
	v37 =	vmovc v39;
	v39 =	vmov v45  }
0x7b9: {  	v45 =	vmov v34;
	[tilespmem:v36+s15+$0x0] =	vst.idx.msk $0xffff, v48;
	v36 =	vor.u32 v33, v50  }
0x7ba: {  	v34 =	vor.u32 v10, v47;
	v50 =	vor.u32 v27, v37;
	v48 =	vld.idx.msk [tilespmem:v52+s10+$0x0], $0xffff  }
0x7bb: {  	[tilespmem:v38+s15+$0x0] =	vst.idx.msk $0xffff, v49;
	v38 =	vor.u32 v33, v34  }
0x7bc: {  	v34 =	vor.u32 v14, v46;
	v49 =	vld.idx.msk [tilespmem:v51+s10+$0x0], $0xffff;
	v51 =	vor.u32 v24, v39;
	[tilespmem:v42+s15+$0x0] =	vst.idx.msk $0xffff, v40  }
0x7bd: {  	v42 =	vor.u32 v33, v34;
	v34 =	vor.u32 v1, v35;
	v35 =	vmovc v41;
	v41 =	vmov v47;
	v52 =	vld.idx.msk [tilespmem:v53+s10+$0x0], $0xffff  }
0x7be: {  	v47 =	vmov v46;
	v53 =	vor.u32 v19, v45;
	v54 =	vor.u32 v33, v34;
	[tilespmem:v36+s15+$0x0] =	vst.idx.msk $0xffff, v44  }
0x7bf: {  	v36 =	vor.u32 v5, v35;
	v34 =	vld.idx.msk [tilespmem:v50+s10+$0x0], $0xffff  }
.Ltmp18:
0x7c0: {  	v36 =	vor.u32 v33, v36;
	[tilespmem:v38+s15+$0x0] =	vst.idx.msk $0xffff, v48;
	(pc) =	sbr.rel @p1 .LBB2_40-.Ltmp18, $4  }
0x7c1: {  	v44 =	vor.u32 v9, v41;
	v38 =	vor.u32 v28, v37;
	v40 =	vld.idx.msk [tilespmem:v51+s10+$0x0], $0xffff  }
0x7c2: {  	[tilespmem:v42+s15+$0x0] =	vst.idx.msk $0xffff, v49;
	v42 =	vor.u32 v33, v44  }
0x7c3: {  	v48 =	vor.u32 v13, v47;
	v44 =	vor.u32 v22, v39;
	v46 =	vld.idx.msk [tilespmem:v53+s10+$0x0], $0xffff;
	[tilespmem:v54+s15+$0x0] =	vst.idx.msk $0xffff, v52  }
0x7c4: {  	v48 =	vor.u32 v33, v48  }
0x7c5: {  	v43 =	vor.u32 v20, v45;
	_ =	sdelay $0x3  }
0x7c6: {  	v52 =	vor.u32 v12, v47;
	[tilespmem:v48+s15+$0x0] =	vst.idx.msk $0xffff, v46  }
0x7c7: {  	v46 =	vor.u32 v33, v52;
	v43 =	vld.idx.msk [tilespmem:v43+s10+$0x0], $0xffff  }
0x7c8: {  	v53 =	vor.u32 v21, v45;
	_ =	sdelay $0x3  }
0x7c9: {  	v54 =	vor.u32 v11, v47;
	[tilespmem:v46+s15+$0x0] =	vst.idx.msk $0xffff, v43  }
0x7ca: {  	v43 =	vor.u32 v33, v54;
	v46 =	vld.idx.msk [tilespmem:v53+s10+$0x0], $0xffff  }
0x7cb: {  	v55 =	vor.u32 v23, v45;
	_ =	sdelay $0x3  }
0x7cc: {  	v56 =	vor.u32 v10, v47;
	[tilespmem:v43+s15+$0x0] =	vst.idx.msk $0xffff, v46  }
0x7cd: {  	v43 =	vor.u32 v33, v56;
	v46 =	vld.idx.msk [tilespmem:v55+s10+$0x0], $0xffff  }
0x7ce: {  	v57 =	vor.u32 v24, v45;
	_ =	sdelay $0x3  }
0x7cf: {  	v58 =	vor.u32 v9, v47;
	[tilespmem:v43+s15+$0x0] =	vst.idx.msk $0xffff, v46  }
0x7d0: {  	v43 =	vor.u32 v33, v58;
	v46 =	vld.idx.msk [tilespmem:v57+s10+$0x0], $0xffff  }
0x7d1: {  	v59 =	vor.u32 v22, v45;
	_ =	sdelay $0x2  }
0x7d2: {  	v60 =	vor.u32 v8, v41;
	[tilespmem:v42+s15+$0x0] =	vst.idx.msk $0xffff, v40  }
0x7d3: {  	v61 =	vor.u32 v8, v47;
	v40 =	vor.u32 v33, v60;
	v42 =	vld.idx.msk [tilespmem:v44+s10+$0x0], $0xffff;
	[tilespmem:v43+s15+$0x0] =	vst.idx.msk $0xffff, v46  }
0x7d4: {  	v62 =	vor.u32 v25, v39;
	v43 =	vor.u32 v33, v61;
	v46 =	vld.idx.msk [tilespmem:v59+s10+$0x0], $0xffff  }
0x7d5: {  	v63 =	vor.u32 v25, v45;
	_ =	sdelay $0x2  }
0x7d6: {  	v50 =	vor.u32 v7, v41;
	[tilespmem:v40+s15+$0x0] =	vst.idx.msk $0xffff, v42  }
0x7d7: {  	v51 =	vor.u32 v7, v47;
	v40 =	vor.u32 v33, v50;
	v42 =	vld.idx.msk [tilespmem:v62+s10+$0x0], $0xffff;
	[tilespmem:v43+s15+$0x0] =	vst.idx.msk $0xffff, v46  }
0x7d8: {  	v52 =	vor.u32 v26, v39;
	v43 =	vor.u32 v33, v51;
	v46 =	vld.idx.msk [tilespmem:v63+s10+$0x0], $0xffff  }
0x7d9: {  	v53 =	vor.u32 v26, v45;
	_ =	sdelay $0x2  }
0x7da: {  	v54 =	vor.u32 v6, v41;
	[tilespmem:v40+s15+$0x0] =	vst.idx.msk $0xffff, v42  }
0x7db: {  	v40 =	vor.u32 v33, v54;
	v42 =	vld.idx.msk [tilespmem:v52+s10+$0x0], $0xffff;
	v55 =	vor.u32 v6, v47;
	[tilespmem:v43+s15+$0x0] =	vst.idx.msk $0xffff, v46  }
0x7dc: {  	v56 =	vor.u32 v27, v39;
	v43 =	vor.u32 v33, v55;
	v46 =	vld.idx.msk [tilespmem:v53+s10+$0x0], $0xffff  }
0x7dd: {  	v57 =	vor.u32 v27, v45;
	_ =	sdelay $0x2  }
0x7de: {  	[tilespmem:v40+s15+$0x0] =	vst.idx.msk $0xffff, v42;
	v58 =	vor.u32 v5, v41  }
0x7df: {  	v42 =	vld.idx.msk [tilespmem:v56+s10+$0x0], $0xffff;
	v40 =	vor.u32 v33, v58;
	v59 =	vor.u32 v5, v47;
	[tilespmem:v43+s15+$0x0] =	vst.idx.msk $0xffff, v46  }
0x7e0: {  	v60 =	vor.u32 v28, v39;
	v43 =	vor.u32 v33, v59;
	v46 =	vld.idx.msk [tilespmem:v57+s10+$0x0], $0xffff  }
0x7e1: {  	v61 =	vor.u32 v28, v45;
	_ =	sdelay $0x1  }
0x7e2: {  	v49 =	vor.u32 v4, v35;
	[tilespmem:v36+s15+$0x0] =	vst.idx.msk $0xffff, v34;
	v52 =	vor.u32 v4, v41  }
0x7e3: {  	v36 =	vld.idx.msk [tilespmem:v38+s10+$0x0], $0xffff;
	v62 =	vor.u32 v33, v49;
	[tilespmem:v40+s15+$0x0] =	vst.idx.msk $0xffff, v42;
	v40 =	vor.u32 v33, v52  }
0x7e4: {  	v42 =	vld.idx.msk [tilespmem:v60+s10+$0x0], $0xffff;
	v63 =	vor.u32 v29, v37;
	v53 =	vor.u32 v4, v47;
	[tilespmem:v43+s15+$0x0] =	vst.idx.msk $0xffff, v46  }
0x7e5: {  	v54 =	vor.u32 v29, v39;
	v43 =	vor.u32 v33, v53;
	v46 =	vld.idx.msk [tilespmem:v61+s10+$0x0], $0xffff  }
0x7e6: {  	v55 =	vor.u32 v29, v45;
	_ =	sdelay $0x1  }
0x7e7: {  	[tilespmem:v62+s15+$0x0] =	vst.idx.msk $0xffff, v36;
	v56 =	vor.u32 v3, v35;
	v58 =	vor.u32 v30, v37  }
0x7e8: {  	[tilespmem:v40+s15+$0x0] =	vst.idx.msk $0xffff, v42;
	v36 =	vld.idx.msk [tilespmem:v63+s10+$0x0], $0xffff;
	v59 =	vor.u32 v3, v41;
	v57 =	vor.u32 v33, v56  }
0x7e9: {  	v60 =	vor.u32 v3, v47;
	v42 =	vld.idx.msk [tilespmem:v54+s10+$0x0], $0xffff;
	v40 =	vor.u32 v33, v59;
	[tilespmem:v43+s15+$0x0] =	vst.idx.msk $0xffff, v46  }
0x7ea: {  	v61 =	vor.u32 v30, v39;
	v43 =	vor.u32 v33, v60;
	v46 =	vld.idx.msk [tilespmem:v55+s10+$0x0], $0xffff  }
0x7eb: {  	v62 =	vor.u32 v30, v45;
	_ =	sdelay $0x1  }
0x7ec: {  	v52 =	vor.u32 v31, v37;
	v63 =	vor.u32 v2, v35;
	[tilespmem:v57+s15+$0x0] =	vst.idx.msk $0xffff, v36  }
0x7ed: {  	v51 =	vor.u32 v33, v63;
	[tilespmem:v40+s15+$0x0] =	vst.idx.msk $0xffff, v42;
	v53 =	vor.u32 v2, v41;
	v36 =	vld.idx.msk [tilespmem:v58+s10+$0x0], $0xffff  }
0x7ee: {  	v54 =	vor.u32 v2, v47;
	v38 =	vor.u32 v33, v53;
	v40 =	vld.idx.msk [tilespmem:v61+s10+$0x0], $0xffff;
	[tilespmem:v43+s15+$0x0] =	vst.idx.msk $0xffff, v46  }
0x7ef: {  	v42 =	vor.u32 v33, v54;
	v55 =	vor.u32 v31, v39;
	v43 =	vld.idx.msk [tilespmem:v62+s10+$0x0], $0xffff  }
0x7f0: {  	v56 =	vor.u32 v31, v45;
	_ =	sdelay $0x1  }
0x7f1: {  	v57 =	vor.u32 v1, v35;
	[tilespmem:v51+s15+$0x0] =	vst.idx.msk $0xffff, v36  }
0x7f2: {  	v59 =	vor.u32 v1, v41;
	v34 =	vor.u32 v33, v57;
	v58 =	vld.idx.msk [tilespmem:v52+s10+$0x0], $0xffff;
	[tilespmem:v38+s15+$0x0] =	vst.idx.msk $0xffff, v40  }
0x7f3: {  	v36 =	vor.u32 v33, v59;
	v61 =	vor.u32 v1, v47;
	v60 =	vld.idx.msk [tilespmem:v55+s10+$0x0], $0xffff;
	[tilespmem:v42+s15+$0x0] =	vst.idx.msk $0xffff, v43  }
0x7f4: {  	v63 =	vor.u32 v33, v61;
	v62 =	vld.idx.msk [tilespmem:v56+s10+$0x0], $0xffff  }
.Ltmp19:
0x7f5: {  	_ = 	snop;
	(pc) =	sbr.rel @p0 .LBB2_33-.Ltmp19, $4  }
0x7f6: {  	_ = 	snop  }
0x7f7: {  	[tilespmem:v34+s15+$0x0] =	vst.idx.msk $0xffff, v58  }
0x7f8: {  	[tilespmem:v36+s15+$0x0] =	vst.idx.msk $0xffff, v60  }
0x7f9: {  	s21 =	simm.s32 $0x40;
	p1 =	por $0x0, $0x0;
	[tilespmem:v63+s15+$0x0] =	vst.idx.msk $0xffff, v62  }
0x7fa: {  	s19 =	sadd.s32 $0x1, s19  }
0x7fb: {  	p0 =	sne.s32 s19, $0x63  }
.Ltmp20:
0x7fc: {  	s20 =	sshll.u32 s20, $0x12;
	(pc) =	sbr.rel @p0 .LBB2_22-.Ltmp20, $4  }
0x7fd: {  	s20 =	sor.u32 s7, s20  }
0x7fe: {  	s20 =	sshrl.u32 s20, $0x3  }
0x7ff: {  	s20 =	sadd.s32 s2, s20  }
0x800: {  	[hbm4b:s20+s13] =	stream.strided.scatter [tilespmem:s15], [sflag:$0x2], $0x2000, s14, s13, $0x38;
	[tilespmem:$0x19E00] =	vst v63  }
0x801: {  	s18 =	sadd.s32 $0x1, s18  }
0x802: {  	_ =	swait.ge [sflag:s16], $0x2000;
	p0 =	sne.s32 s18, s9  }
.Ltmp21:
0x803: {  	[sflag:s16] =	ssyncset.done $0x0;
	(pc) =	sbr.rel @p0 .LBB2_1-.Ltmp21, $4  }
0x804: {  	[sflag:s16] =	ssyncadd.s32 $0xFFFFE000  }
0x805: {  	_ =	swait.ge [sflag:s17], $0x2000  }
0x806: {  	[sflag:s17] =	ssyncset.done $0x0  }
0x807: {  	[sflag:s17] =	ssyncadd.s32 $0xFFFFE000  }
0x808: {  	_ =	sfence.sel $0x180000  }
0x809: {  	[bflag:$0x0] =	sbarrier.arrive $0xFFFF  }
0x80a: {  	p0 =	sne.s32 s0, $0x0;
	_ =	strace $0x90000047  }
0x80b: {  	s0 =	sadd.s32 @!p0 $0x100000, s1;
	[bflag:$0x2] =	sbarrier.arrive $0xFFFF  }
0x80c: {  	[sflag:s0] =	ssyncadd.tile.s32 @!p0 $0x1;
	_ =	shalt  }
.Lfunc_end2:
_tile_overlayer_lowered:
.L_overlay_start_2:
0x80d: {  	(tag) =	ssettag $0x2  }
0x80e: {  	s0 =	rddreg [dreg:$0x0];
	s2 =	stileid.u32  }
0x80f: {  	s1 =	rddreg [dreg:$0x1];
	p0 =	sne.s32 s2, $0x0  }
0x810: {  	s3 =	rddreg [dreg:$0x2];
	[bflag:$0x3] =	sbarrier.arrive $0xFFFF;
	s2 =	simm.s32 @!p0 $0x1C03  }
0x811: {  	[timem:s3], [sflag:s2] =	dma.local @!p0 [hbm:s0], s1  }
0x812: {  	s0 =	simm.s32 @!p0 $0x3  }
0x813: {  	_ =	swait.ge @!p0 [sflag:s0], s1  }
0x814: {  	s1 =	ssub.s32 @!p0 $0x0, s1;
	[sflag:s0] =	ssyncset.done @!p0 $0x0  }
0x815: {  	[sflag:s0] =	ssyncadd.s32 @!p0 s1  }
0x816: {  	[bflag:$0x3] =	sbarrier.arrive $0xFFFF  }
0x817: {  	_ =	shalt  }

</sc_bundles>
